<compile_context>
chip_gen: v7x
topology: tpu7x:2x2x1
jax: 0.10.2.dev20260603
libtpu: 0.0.44.dev20260713+nightly
codegen_flags: <defaults>
</compile_context>

<pallas_src>
import functools

import jax
import jax.numpy as jnp
from jax import lax
from jax.experimental import pallas as pl
from jax.experimental.pallas import tpu as pltpu
from jax.experimental.pallas import tpu_sc as plsc


def _build_kernel(B, L, V, D):
    info = plsc.get_sparse_core_info()
    NC, NS, NL = info.num_cores, info.num_subcores, info.num_lanes
    NW = NC * NS
    assert B % NW == 0
    SPW = B // NW
    C = 32
    assert SPW % C == 0
    NCH = SPW // C
    CL = C * L
    assert D % NL == 0
    DG = D // NL
    PS = 80
    assert CL % (2 * PS) == 0
    pieces = [(o, PS) for o in range(0, CL, PS)]
    HALF = len(pieces) // 2
    HCL = CL // 2
    HC = C // 2

    mesh = plsc.VectorSubcoreMesh(core_axis_name="c", subcore_axis_name="s")

    @functools.partial(
        pl.kernel,
        mesh=mesh,
        compiler_params=pltpu.CompilerParams(use_tc_tiling_on_sc=False),
        out_type=(
            jax.ShapeDtypeStruct((B * L, D), jnp.float32),
            jax.ShapeDtypeStruct((B, D), jnp.float32),
        ),
        scratch_types=[
            pltpu.VMEM((CL,), jnp.int32),
            pltpu.VMEM((CL, D), jnp.float32),
            pltpu.VMEM((SPW,), jnp.int32),
            pltpu.VMEM((C, D), jnp.float32),
            pltpu.SemaphoreType.DMA,
            pltpu.SemaphoreType.DMA,
        ],
    )
    def sc_kernel(text_ref, len_ref, table_ref, embs_ref, semb_ref,
                  idx_v, rows_v, lens_v, semb_v, sem, semw):
        wid = lax.axis_index("s") * NC + lax.axis_index("c")
        wbase = wid * SPW
        pltpu.sync_copy(len_ref.at[pl.ds(wbase, SPW)], lens_v)

        def chunk_body(ci, carry):
            s0 = wbase + ci * C

            def compute_half(h):
                for j in range(h * HC, (h + 1) * HC):
                    lenj = lens16[j]
                    lenf = lenj.astype(jnp.float32)
                    rb = j * L

                    def ibody(i, accs):
                        r = rb + i
                        return tuple(
                            accs[g] + rows_v[r, pl.ds(g * NL, NL)]
                            for g in range(DG)
                        )

                    z = jnp.zeros((NL,), jnp.float32)
                    accs = lax.fori_loop(0, lenj, ibody, (z,) * DG)
                    for g in range(DG):
                        semb_v[j, pl.ds(g * NL, NL)] = accs[g] / lenf
            pltpu.sync_copy(text_ref.at[pl.ds(s0 * L, CL)], idx_v)
            cps = [
                pltpu.async_copy(
                    table_ref.at[idx_v.at[pl.ds(o, n)]],
                    rows_v.at[pl.ds(o, n)],
                    sem,
                )
                for (o, n) in pieces
            ]
            lens16 = lens_v[pl.ds(ci * C, C)]
            wcps = []
            for h in range(2):
                for cp in cps[h * HALF:(h + 1) * HALF]:
                    cp.wait()
                wcps.append(pltpu.async_copy(
                    rows_v.at[pl.ds(h * HCL, HCL)],
                    embs_ref.at[pl.ds(s0 * L + h * HCL, HCL)],
                    semw,
                ))
                compute_half(h)
            for wcp in wcps:
                wcp.wait()
            pltpu.sync_copy(semb_v, semb_ref.at[pl.ds(s0, C)])
            return carry

        lax.fori_loop(0, NCH, chunk_body, 0)

    return sc_kernel


def kernel(text, text_len, table):
    B, L = text.shape
    V, D = table.shape
    sc = _build_kernel(B, L, V, D)
    embs_flat, semb = sc(text.reshape(B * L), text_len, table)
    return embs_flat.reshape(B, L, D), semb

# --- scband reference (transcript-rebuilt; emitter-appended) ---
"""Pipeline reference for scband-embedding-agg-19490561590344 (READ-ONLY COPY).

The authoritative reference and input builder live on the scoring server;
editing this copy changes nothing except your own understanding.
"""

import jax, jax.numpy as jnp
import numpy as np

B = 16384
L = 50
V = 1000000
D = 64


def setup_inputs(seed: int = 0) -> dict:
    key = jax.random.key(seed)
    k1, k2, k3 = jax.random.split(key, 3)
    text = jax.random.randint(k1, (B, L), 0, V, dtype=jnp.int32)
    # lengths in [1, L] to avoid division by zero in the mean aggregation
    text_len = jax.random.randint(k2, (B,), 1, L + 1, dtype=jnp.int32)
    table = jax.random.normal(k3, (V, D), dtype=jnp.float32) * 0.02
    return {"text": text, "text_len": text_len, "table": table}


def reference(text, text_len, table):
    # EmbeddingLayer: embs = Embedding(vocab, dim)(text)
    embs = jnp.take(table, text, axis=0)  # [B, L, D]
    # mean_with_lens: mask out padding positions, sum over time, divide by length
    idxs = jnp.arange(embs.shape[1])  # [L]
    mask = (idxs[None, :] < text_len[:, None]).astype(embs.dtype)  # [B, L]
    feature_sum = (embs * mask[:, :, None]).sum(axis=1)  # [B, D]
    seq_emb = feature_sum / text_len[:, None].astype(embs.dtype)  # [B, D]
    # forward returns {'token_emb': embs, 'seq_emb': out}
    return (embs, seq_emb)

if __name__ == "__main__":
    import jax
    _d = setup_inputs()
    print(jax.jit(kernel)(*tuple(_d.values())))

</pallas_src>

<mosaic_0001>
#map = affine_map<(d0, d1) -> (0)>
#map1 = affine_map<(d0, d1) -> (0, 0)>
module attributes {stable_mosaic.version = 14 : i64} {
  func.func @sc_kernel(%arg0: i32, %arg1: i32, %arg2: memref<819200xi32, #tpu.memory_space<hbm>>, %arg3: memref<16384xi32, #tpu.memory_space<hbm>>, %arg4: memref<1000000x64xf32, #tpu.memory_space<hbm>>, %arg5: memref<819200x64xf32, #tpu.memory_space<hbm>>, %arg6: memref<16384x64xf32, #tpu.memory_space<hbm>>, %arg7: memref<1600xi32, #tpu.memory_space<vmem>>, %arg8: memref<1600x64xf32, #tpu.memory_space<vmem>>, %arg9: memref<512xi32, #tpu.memory_space<vmem>>, %arg10: memref<32x64xf32, #tpu.memory_space<vmem>>, %arg11: memref<!tpu.dma_semaphore, #tpu.memory_space<semaphore_mem>>, %arg12: memref<!tpu.dma_semaphore, #tpu.memory_space<semaphore_mem>>) attributes {dimension_semantics = [#tpu.dimension_semantics<core_parallel>, #tpu.dimension_semantics<subcore_parallel>], iteration_bounds = array<i64: 2, 16>, scalar_prefetch = 0 : i64, scratch_operands = 6 : i64, tpu.core_type = #tpu.core_type<sc_vector_subcore>, window_params = [{transform_indices = #map}, {transform_indices = #map}, {transform_indices = #map1}, {transform_indices = #map1}, {transform_indices = #map1}]} {
    %mul3A = arith.constant 2 : i32
    %mul3A_0 = arith.muli %arg1, %mul3A : i32
    %add3A = arith.addi %mul3A_0, %arg0 : i32
    %mul3A_1 = arith.constant 512 : i32
    %mul3A_2 = arith.muli %add3A, %mul3A_1 : i32
    "tpu.region"() ({
      %run_scoped3A = tpu.sem_alloc : memref<!tpu.dma_semaphore, #tpu.memory_space<semaphore_mem>>
      %dma_start3A = tpu.memref_slice %arg3[%mul3A_2] : memref<16384xi32, #tpu.memory_space<hbm>> -> memref<512xi32, #tpu.memory_space<hbm>>
      %dma_start3A_8 = tpu.memref_slice %arg3[%mul3A_2] : memref<16384xi32, #tpu.memory_space<hbm>> -> memref<512xi32, #tpu.memory_space<hbm>>
      tpu.enqueue_dma source(%dma_start3A_8 : memref<512xi32, #tpu.memory_space<hbm>>) target(%arg9 : memref<512xi32, #tpu.memory_space<vmem>>) target_semaphore(%run_scoped3A : memref<!tpu.dma_semaphore, #tpu.memory_space<semaphore_mem>>)
      %dma_wait3A = tpu.memref_slice %arg3[%mul3A_2] : memref<16384xi32, #tpu.memory_space<hbm>> -> memref<512xi32, #tpu.memory_space<hbm>>
      %dma_wait3A_9 = tpu.memref_slice %arg3[%mul3A_2] : memref<16384xi32, #tpu.memory_space<hbm>> -> memref<512xi32, #tpu.memory_space<hbm>>
      tpu.wait_dma2 semaphore(%run_scoped3A : memref<!tpu.dma_semaphore, #tpu.memory_space<semaphore_mem>>) src(%dma_wait3A_9 : memref<512xi32, #tpu.memory_space<hbm>>) dst(%arg9 : memref<512xi32, #tpu.memory_space<vmem>>)
      tpu.yield
    }) : () -> ()
    %scan3A = arith.constant 0 : i32
    %scan3A_3 = arith.constant 0 : i32
    %scan3A_4 = arith.constant 16 : i32
    %scan3A_5 = arith.addi %scan3A_3, %scan3A_4 : i32
    %scan3A_6 = arith.constant 1 : i32
    scf.for %scan3A_8 = %scan3A_3 to %scan3A_5 step %scan3A_6  : i32 {
      %mul3A_9 = arith.constant 32 : i32
      %mul3A_10 = arith.muli %scan3A_8, %mul3A_9 : i32
      %add3A_11 = arith.addi %mul3A_2, %mul3A_10 : i32
      %mul3A_12 = arith.constant 50 : i32
      %mul3A_13 = arith.muli %add3A_11, %mul3A_12 : i32
      "tpu.region"() ({
        %run_scoped3A = tpu.sem_alloc : memref<!tpu.dma_semaphore, #tpu.memory_space<semaphore_mem>>
        %dma_start3A_1913 = tpu.memref_slice %arg2[%mul3A_13] : memref<819200xi32, #tpu.memory_space<hbm>> -> memref<1600xi32, #tpu.memory_space<hbm>>
        %dma_start3A_1914 = tpu.memref_slice %arg2[%mul3A_13] : memref<819200xi32, #tpu.memory_space<hbm>> -> memref<1600xi32, #tpu.memory_space<hbm>>
        tpu.enqueue_dma source(%dma_start3A_1914 : memref<1600xi32, #tpu.memory_space<hbm>>) target(%arg7 : memref<1600xi32, #tpu.memory_space<vmem>>) target_semaphore(%run_scoped3A : memref<!tpu.dma_semaphore, #tpu.memory_space<semaphore_mem>>)
        %dma_wait3A_1915 = tpu.memref_slice %arg2[%mul3A_13] : memref<819200xi32, #tpu.memory_space<hbm>> -> memref<1600xi32, #tpu.memory_space<hbm>>
        %dma_wait3A_1916 = tpu.memref_slice %arg2[%mul3A_13] : memref<819200xi32, #tpu.memory_space<hbm>> -> memref<1600xi32, #tpu.memory_space<hbm>>
        tpu.wait_dma2 semaphore(%run_scoped3A : memref<!tpu.dma_semaphore, #tpu.memory_space<semaphore_mem>>) src(%dma_wait3A_1916 : memref<1600xi32, #tpu.memory_space<hbm>>) dst(%arg7 : memref<1600xi32, #tpu.memory_space<vmem>>)
        tpu.yield
      }) : () -> ()
      %dma_start3A = arith.constant 0 : i32
      %dma_start3A_14 = arith.constant 0 : i32
      %dma_start3A_15 = tpu.memref_slice %arg8[%dma_start3A, %dma_start3A_14] : memref<1600x64xf32, #tpu.memory_space<vmem>> -> memref<80x64xf32, #tpu.memory_space<vmem>>
      %dma_start3A_16 = arith.constant 0 : i32
      %dma_start3A_17 = tpu.memref_slice %arg7[%dma_start3A_16] : memref<1600xi32, #tpu.memory_space<vmem>> -> memref<80xi32, #tpu.memory_space<vmem>>
      %dma_start3A_18 = arith.constant 0 : i32
      %dma_start3A_19 = arith.constant 0 : i32
      %dma_start3A_20 = tpu.memref_slice %arg4[%dma_start3A_18, %dma_start3A_19] : memref<1000000x64xf32, #tpu.memory_space<hbm>> -> memref<1000000x64xf32, #tpu.memory_space<hbm>>
      tpu.enqueue_indirect_dma source(%dma_start3A_20 : memref<1000000x64xf32, #tpu.memory_space<hbm>>) target(%dma_start3A_15 : memref<80x64xf32, #tpu.memory_space<vmem>>) offsets(%dma_start3A_17 : memref<80xi32, #tpu.memory_space<vmem>>) semaphore(%arg11 : memref<!tpu.dma_semaphore, #tpu.memory_space<semaphore_mem>>)
      %dma_start3A_21 = arith.constant 80 : i32
      %dma_start3A_22 = arith.constant 0 : i32
      %dma_start3A_23 = tpu.memref_slice %arg8[%dma_start3A_21, %dma_start3A_22] : memref<1600x64xf32, #tpu.memory_space<vmem>> -> memref<80x64xf32, #tpu.memory_space<vmem>>
      %dma_start3A_24 = arith.constant 80 : i32
      %dma_start3A_25 = tpu.memref_slice %arg7[%dma_start3A_24] : memref<1600xi32, #tpu.memory_space<vmem>> -> memref<80xi32, #tpu.memory_space<vmem>>
      %dma_start3A_26 = arith.constant 0 : i32
      %dma_start3A_27 = arith.constant 0 : i32
      %dma_start3A_28 = tpu.memref_slice %arg4[%dma_start3A_26, %dma_start3A_27] : memref<1000000x64xf32, #tpu.memory_space<hbm>> -> memref<1000000x64xf32, #tpu.memory_space<hbm>>
      tpu.enqueue_indirect_dma source(%dma_start3A_28 : memref<1000000x64xf32, #tpu.memory_space<hbm>>) target(%dma_start3A_23 : memref<80x64xf32, #tpu.memory_space<vmem>>) offsets(%dma_start3A_25 : memref<80xi32, #tpu.memory_space<vmem>>) semaphore(%arg11 : memref<!tpu.dma_semaphore, #tpu.memory_space<semaphore_mem>>)
      %dma_start3A_29 = arith.constant 160 : i32
      %dma_start3A_30 = arith.constant 0 : i32
      %dma_start3A_31 = tpu.memref_slice %arg8[%dma_start3A_29, %dma_start3A_30] : memref<1600x64xf32, #tpu.memory_space<vmem>> -> memref<80x64xf32, #tpu.memory_space<vmem>>
      %dma_start3A_32 = arith.constant 160 : i32
      %dma_start3A_33 = tpu.memref_slice %arg7[%dma_start3A_32] : memref<1600xi32, #tpu.memory_space<vmem>> -> memref<80xi32, #tpu.memory_space<vmem>>
      %dma_start3A_34 = arith.constant 0 : i32
      %dma_start3A_35 = arith.constant 0 : i32
      %dma_start3A_36 = tpu.memref_slice %arg4[%dma_start3A_34, %dma_start3A_35] : memref<1000000x64xf32, #tpu.memory_space<hbm>> -> memref<1000000x64xf32, #tpu.memory_space<hbm>>
      tpu.enqueue_indirect_dma source(%dma_start3A_36 : memref<1000000x64xf32, #tpu.memory_space<hbm>>) target(%dma_start3A_31 : memref<80x64xf32, #tpu.memory_space<vmem>>) offsets(%dma_start3A_33 : memref<80xi32, #tpu.memory_space<vmem>>) semaphore(%arg11 : memref<!tpu.dma_semaphore, #tpu.memory_space<semaphore_mem>>)
      %dma_start3A_37 = arith.constant 240 : i32
      %dma_start3A_38 = arith.constant 0 : i32
      %dma_start3A_39 = tpu.memref_slice %arg8[%dma_start3A_37, %dma_start3A_38] : memref<1600x64xf32, #tpu.memory_space<vmem>> -> memref<80x64xf32, #tpu.memory_space<vmem>>
      %dma_start3A_40 = arith.constant 240 : i32
      %dma_start3A_41 = tpu.memref_slice %arg7[%dma_start3A_40] : memref<1600xi32, #tpu.memory_space<vmem>> -> memref<80xi32, #tpu.memory_space<vmem>>
      %dma_start3A_42 = arith.constant 0 : i32
      %dma_start3A_43 = arith.constant 0 : i32
      %dma_start3A_44 = tpu.memref_slice %arg4[%dma_start3A_42, %dma_start3A_43] : memref<1000000x64xf32, #tpu.memory_space<hbm>> -> memref<1000000x64xf32, #tpu.memory_space<hbm>>
      tpu.enqueue_indirect_dma source(%dma_start3A_44 : memref<1000000x64xf32, #tpu.memory_space<hbm>>) target(%dma_start3A_39 : memref<80x64xf32, #tpu.memory_space<vmem>>) offsets(%dma_start3A_41 : memref<80xi32, #tpu.memory_space<vmem>>) semaphore(%arg11 : memref<!tpu.dma_semaphore, #tpu.memory_space<semaphore_mem>>)
      %dma_start3A_45 = arith.constant 320 : i32
      %dma_start3A_46 = arith.constant 0 : i32
      %dma_start3A_47 = tpu.memref_slice %arg8[%dma_start3A_45, %dma_start3A_46] : memref<1600x64xf32, #tpu.memory_space<vmem>> -> memref<80x64xf32, #tpu.memory_space<vmem>>
      %dma_start3A_48 = arith.constant 320 : i32
      %dma_start3A_49 = tpu.memref_slice %arg7[%dma_start3A_48] : memref<1600xi32, #tpu.memory_space<vmem>> -> memref<80xi32, #tpu.memory_space<vmem>>
      %dma_start3A_50 = arith.constant 0 : i32
      %dma_start3A_51 = arith.constant 0 : i32
      %dma_start3A_52 = tpu.memref_slice %arg4[%dma_start3A_50, %dma_start3A_51] : memref<1000000x64xf32, #tpu.memory_space<hbm>> -> memref<1000000x64xf32, #tpu.memory_space<hbm>>
      tpu.enqueue_indirect_dma source(%dma_start3A_52 : memref<1000000x64xf32, #tpu.memory_space<hbm>>) target(%dma_start3A_47 : memref<80x64xf32, #tpu.memory_space<vmem>>) offsets(%dma_start3A_49 : memref<80xi32, #tpu.memory_space<vmem>>) semaphore(%arg11 : memref<!tpu.dma_semaphore, #tpu.memory_space<semaphore_mem>>)
      %dma_start3A_53 = arith.constant 400 : i32
      %dma_start3A_54 = arith.constant 0 : i32
      %dma_start3A_55 = tpu.memref_slice %arg8[%dma_start3A_53, %dma_start3A_54] : memref<1600x64xf32, #tpu.memory_space<vmem>> -> memref<80x64xf32, #tpu.memory_space<vmem>>
      %dma_start3A_56 = arith.constant 400 : i32
      %dma_start3A_57 = tpu.memref_slice %arg7[%dma_start3A_56] : memref<1600xi32, #tpu.memory_space<vmem>> -> memref<80xi32, #tpu.memory_space<vmem>>
      %dma_start3A_58 = arith.constant 0 : i32
      %dma_start3A_59 = arith.constant 0 : i32
      %dma_start3A_60 = tpu.memref_slice %arg4[%dma_start3A_58, %dma_start3A_59] : memref<1000000x64xf32, #tpu.memory_space<hbm>> -> memref<1000000x64xf32, #tpu.memory_space<hbm>>
      tpu.enqueue_indirect_dma source(%dma_start3A_60 : memref<1000000x64xf32, #tpu.memory_space<hbm>>) target(%dma_start3A_55 : memref<80x64xf32, #tpu.memory_space<vmem>>) offsets(%dma_start3A_57 : memref<80xi32, #tpu.memory_space<vmem>>) semaphore(%arg11 : memref<!tpu.dma_semaphore, #tpu.memory_space<semaphore_mem>>)
      %dma_start3A_61 = arith.constant 480 : i32
      %dma_start3A_62 = arith.constant 0 : i32
      %dma_start3A_63 = tpu.memref_slice %arg8[%dma_start3A_61, %dma_start3A_62] : memref<1600x64xf32, #tpu.memory_space<vmem>> -> memref<80x64xf32, #tpu.memory_space<vmem>>
      %dma_start3A_64 = arith.constant 480 : i32
      %dma_start3A_65 = tpu.memref_slice %arg7[%dma_start3A_64] : memref<1600xi32, #tpu.memory_space<vmem>> -> memref<80xi32, #tpu.memory_space<vmem>>
      %dma_start3A_66 = arith.constant 0 : i32
      %dma_start3A_67 = arith.constant 0 : i32
      %dma_start3A_68 = tpu.memref_slice %arg4[%dma_start3A_66, %dma_start3A_67] : memref<1000000x64xf32, #tpu.memory_space<hbm>> -> memref<1000000x64xf32, #tpu.memory_space<hbm>>
      tpu.enqueue_indirect_dma source(%dma_start3A_68 : memref<1000000x64xf32, #tpu.memory_space<hbm>>) target(%dma_start3A_63 : memref<80x64xf32, #tpu.memory_space<vmem>>) offsets(%dma_start3A_65 : memref<80xi32, #tpu.memory_space<vmem>>) semaphore(%arg11 : memref<!tpu.dma_semaphore, #tpu.memory_space<semaphore_mem>>)
      %dma_start3A_69 = arith.constant 560 : i32
      %dma_start3A_70 = arith.constant 0 : i32
      %dma_start3A_71 = tpu.memref_slice %arg8[%dma_start3A_69, %dma_start3A_70] : memref<1600x64xf32, #tpu.memory_space<vmem>> -> memref<80x64xf32, #tpu.memory_space<vmem>>
      %dma_start3A_72 = arith.constant 560 : i32
      %dma_start3A_73 = tpu.memref_slice %arg7[%dma_start3A_72] : memref<1600xi32, #tpu.memory_space<vmem>> -> memref<80xi32, #tpu.memory_space<vmem>>
      %dma_start3A_74 = arith.constant 0 : i32
      %dma_start3A_75 = arith.constant 0 : i32
      %dma_start3A_76 = tpu.memref_slice %arg4[%dma_start3A_74, %dma_start3A_75] : memref<1000000x64xf32, #tpu.memory_space<hbm>> -> memref<1000000x64xf32, #tpu.memory_space<hbm>>
      tpu.enqueue_indirect_dma source(%dma_start3A_76 : memref<1000000x64xf32, #tpu.memory_space<hbm>>) target(%dma_start3A_71 : memref<80x64xf32, #tpu.memory_space<vmem>>) offsets(%dma_start3A_73 : memref<80xi32, #tpu.memory_space<vmem>>) semaphore(%arg11 : memref<!tpu.dma_semaphore, #tpu.memory_space<semaphore_mem>>)
      %dma_start3A_77 = arith.constant 640 : i32
      %dma_start3A_78 = arith.constant 0 : i32
      %dma_start3A_79 = tpu.memref_slice %arg8[%dma_start3A_77, %dma_start3A_78] : memref<1600x64xf32, #tpu.memory_space<vmem>> -> memref<80x64xf32, #tpu.memory_space<vmem>>
      %dma_start3A_80 = arith.constant 640 : i32
      %dma_start3A_81 = tpu.memref_slice %arg7[%dma_start3A_80] : memref<1600xi32, #tpu.memory_space<vmem>> -> memref<80xi32, #tpu.memory_space<vmem>>
      %dma_start3A_82 = arith.constant 0 : i32
      %dma_start3A_83 = arith.constant 0 : i32
      %dma_start3A_84 = tpu.memref_slice %arg4[%dma_start3A_82, %dma_start3A_83] : memref<1000000x64xf32, #tpu.memory_space<hbm>> -> memref<1000000x64xf32, #tpu.memory_space<hbm>>
      tpu.enqueue_indirect_dma source(%dma_start3A_84 : memref<1000000x64xf32, #tpu.memory_space<hbm>>) target(%dma_start3A_79 : memref<80x64xf32, #tpu.memory_space<vmem>>) offsets(%dma_start3A_81 : memref<80xi32, #tpu.memory_space<vmem>>) semaphore(%arg11 : memref<!tpu.dma_semaphore, #tpu.memory_space<semaphore_mem>>)
      %dma_start3A_85 = arith.constant 720 : i32
      %dma_start3A_86 = arith.constant 0 : i32
      %dma_start3A_87 = tpu.memref_slice %arg8[%dma_start3A_85, %dma_start3A_86] : memref<1600x64xf32, #tpu.memory_space<vmem>> -> memref<80x64xf32, #tpu.memory_space<vmem>>
      %dma_start3A_88 = arith.constant 720 : i32
      %dma_start3A_89 = tpu.memref_slice %arg7[%dma_start3A_88] : memref<1600xi32, #tpu.memory_space<vmem>> -> memref<80xi32, #tpu.memory_space<vmem>>
      %dma_start3A_90 = arith.constant 0 : i32
      %dma_start3A_91 = arith.constant 0 : i32
      %dma_start3A_92 = tpu.memref_slice %arg4[%dma_start3A_90, %dma_start3A_91] : memref<1000000x64xf32, #tpu.memory_space<hbm>> -> memref<1000000x64xf32, #tpu.memory_space<hbm>>
      tpu.enqueue_indirect_dma source(%dma_start3A_92 : memref<1000000x64xf32, #tpu.memory_space<hbm>>) target(%dma_start3A_87 : memref<80x64xf32, #tpu.memory_space<vmem>>) offsets(%dma_start3A_89 : memref<80xi32, #tpu.memory_space<vmem>>) semaphore(%arg11 : memref<!tpu.dma_semaphore, #tpu.memory_space<semaphore_mem>>)
      %dma_start3A_93 = arith.constant 800 : i32
      %dma_start3A_94 = arith.constant 0 : i32
      %dma_start3A_95 = tpu.memref_slice %arg8[%dma_start3A_93, %dma_start3A_94] : memref<1600x64xf32, #tpu.memory_space<vmem>> -> memref<80x64xf32, #tpu.memory_space<vmem>>
      %dma_start3A_96 = arith.constant 800 : i32
      %dma_start3A_97 = tpu.memref_slice %arg7[%dma_start3A_96] : memref<1600xi32, #tpu.memory_space<vmem>> -> memref<80xi32, #tpu.memory_space<vmem>>
      %dma_start3A_98 = arith.constant 0 : i32
      %dma_start3A_99 = arith.constant 0 : i32
      %dma_start3A_100 = tpu.memref_slice %arg4[%dma_start3A_98, %dma_start3A_99] : memref<1000000x64xf32, #tpu.memory_space<hbm>> -> memref<1000000x64xf32, #tpu.memory_space<hbm>>
      tpu.enqueue_indirect_dma source(%dma_start3A_100 : memref<1000000x64xf32, #tpu.memory_space<hbm>>) target(%dma_start3A_95 : memref<80x64xf32, #tpu.memory_space<vmem>>) offsets(%dma_start3A_97 : memref<80xi32, #tpu.memory_space<vmem>>) semaphore(%arg11 : memref<!tpu.dma_semaphore, #tpu.memory_space<semaphore_mem>>)
      %dma_start3A_101 = arith.constant 880 : i32
      %dma_start3A_102 = arith.constant 0 : i32
      %dma_start3A_103 = tpu.memref_slice %arg8[%dma_start3A_101, %dma_start3A_102] : memref<1600x64xf32, #tpu.memory_space<vmem>> -> memref<80x64xf32, #tpu.memory_space<vmem>>
      %dma_start3A_104 = arith.constant 880 : i32
      %dma_start3A_105 = tpu.memref_slice %arg7[%dma_start3A_104] : memref<1600xi32, #tpu.memory_space<vmem>> -> memref<80xi32, #tpu.memory_space<vmem>>
      %dma_start3A_106 = arith.constant 0 : i32
      %dma_start3A_107 = arith.constant 0 : i32
      %dma_start3A_108 = tpu.memref_slice %arg4[%dma_start3A_106, %dma_start3A_107] : memref<1000000x64xf32, #tpu.memory_space<hbm>> -> memref<1000000x64xf32, #tpu.memory_space<hbm>>
      tpu.enqueue_indirect_dma source(%dma_start3A_108 : memref<1000000x64xf32, #tpu.memory_space<hbm>>) target(%dma_start3A_103 : memref<80x64xf32, #tpu.memory_space<vmem>>) offsets(%dma_start3A_105 : memref<80xi32, #tpu.memory_space<vmem>>) semaphore(%arg11 : memref<!tpu.dma_semaphore, #tpu.memory_space<semaphore_mem>>)
      %dma_start3A_109 = arith.constant 960 : i32
      %dma_start3A_110 = arith.constant 0 : i32
      %dma_start3A_111 = tpu.memref_slice %arg8[%dma_start3A_109, %dma_start3A_110] : memref<1600x64xf32, #tpu.memory_space<vmem>> -> memref<80x64xf32, #tpu.memory_space<vmem>>
      %dma_start3A_112 = arith.constant 960 : i32
      %dma_start3A_113 = tpu.memref_slice %arg7[%dma_start3A_112] : memref<1600xi32, #tpu.memory_space<vmem>> -> memref<80xi32, #tpu.memory_space<vmem>>
      %dma_start3A_114 = arith.constant 0 : i32
      %dma_start3A_115 = arith.constant 0 : i32
      %dma_start3A_116 = tpu.memref_slice %arg4[%dma_start3A_114, %dma_start3A_115] : memref<1000000x64xf32, #tpu.memory_space<hbm>> -> memref<1000000x64xf32, #tpu.memory_space<hbm>>
      tpu.enqueue_indirect_dma source(%dma_start3A_116 : memref<1000000x64xf32, #tpu.memory_space<hbm>>) target(%dma_start3A_111 : memref<80x64xf32, #tpu.memory_space<vmem>>) offsets(%dma_start3A_113 : memref<80xi32, #tpu.memory_space<vmem>>) semaphore(%arg11 : memref<!tpu.dma_semaphore, #tpu.memory_space<semaphore_mem>>)
      %dma_start3A_117 = arith.constant 1040 : i32
      %dma_start3A_118 = arith.constant 0 : i32
      %dma_start3A_119 = tpu.memref_slice %arg8[%dma_start3A_117, %dma_start3A_118] : memref<1600x64xf32, #tpu.memory_space<vmem>> -> memref<80x64xf32, #tpu.memory_space<vmem>>
      %dma_start3A_120 = arith.constant 1040 : i32
      %dma_start3A_121 = tpu.memref_slice %arg7[%dma_start3A_120] : memref<1600xi32, #tpu.memory_space<vmem>> -> memref<80xi32, #tpu.memory_space<vmem>>
      %dma_start3A_122 = arith.constant 0 : i32
      %dma_start3A_123 = arith.constant 0 : i32
      %dma_start3A_124 = tpu.memref_slice %arg4[%dma_start3A_122, %dma_start3A_123] : memref<1000000x64xf32, #tpu.memory_space<hbm>> -> memref<1000000x64xf32, #tpu.memory_space<hbm>>
      tpu.enqueue_indirect_dma source(%dma_start3A_124 : memref<1000000x64xf32, #tpu.memory_space<hbm>>) target(%dma_start3A_119 : memref<80x64xf32, #tpu.memory_space<vmem>>) offsets(%dma_start3A_121 : memref<80xi32, #tpu.memory_space<vmem>>) semaphore(%arg11 : memref<!tpu.dma_semaphore, #tpu.memory_space<semaphore_mem>>)
      %dma_start3A_125 = arith.constant 1120 : i32
      %dma_start3A_126 = arith.constant 0 : i32
      %dma_start3A_127 = tpu.memref_slice %arg8[%dma_start3A_125, %dma_start3A_126] : memref<1600x64xf32, #tpu.memory_space<vmem>> -> memref<80x64xf32, #tpu.memory_space<vmem>>
      %dma_start3A_128 = arith.constant 1120 : i32
      %dma_start3A_129 = tpu.memref_slice %arg7[%dma_start3A_128] : memref<1600xi32, #tpu.memory_space<vmem>> -> memref<80xi32, #tpu.memory_space<vmem>>
      %dma_start3A_130 = arith.constant 0 : i32
      %dma_start3A_131 = arith.constant 0 : i32
      %dma_start3A_132 = tpu.memref_slice %arg4[%dma_start3A_130, %dma_start3A_131] : memref<1000000x64xf32, #tpu.memory_space<hbm>> -> memref<1000000x64xf32, #tpu.memory_space<hbm>>
      tpu.enqueue_indirect_dma source(%dma_start3A_132 : memref<1000000x64xf32, #tpu.memory_space<hbm>>) target(%dma_start3A_127 : memref<80x64xf32, #tpu.memory_space<vmem>>) offsets(%dma_start3A_129 : memref<80xi32, #tpu.memory_space<vmem>>) semaphore(%arg11 : memref<!tpu.dma_semaphore, #tpu.memory_space<semaphore_mem>>)
      %dma_start3A_133 = arith.constant 1200 : i32
      %dma_start3A_134 = arith.constant 0 : i32
      %dma_start3A_135 = tpu.memref_slice %arg8[%dma_start3A_133, %dma_start3A_134] : memref<1600x64xf32, #tpu.memory_space<vmem>> -> memref<80x64xf32, #tpu.memory_space<vmem>>
      %dma_start3A_136 = arith.constant 1200 : i32
      %dma_start3A_137 = tpu.memref_slice %arg7[%dma_start3A_136] : memref<1600xi32, #tpu.memory_space<vmem>> -> memref<80xi32, #tpu.memory_space<vmem>>
      %dma_start3A_138 = arith.constant 0 : i32
      %dma_start3A_139 = arith.constant 0 : i32
      %dma_start3A_140 = tpu.memref_slice %arg4[%dma_start3A_138, %dma_start3A_139] : memref<1000000x64xf32, #tpu.memory_space<hbm>> -> memref<1000000x64xf32, #tpu.memory_space<hbm>>
      tpu.enqueue_indirect_dma source(%dma_start3A_140 : memref<1000000x64xf32, #tpu.memory_space<hbm>>) target(%dma_start3A_135 : memref<80x64xf32, #tpu.memory_space<vmem>>) offsets(%dma_start3A_137 : memref<80xi32, #tpu.memory_space<vmem>>) semaphore(%arg11 : memref<!tpu.dma_semaphore, #tpu.memory_space<semaphore_mem>>)
      %dma_start3A_141 = arith.constant 1280 : i32
      %dma_start3A_142 = arith.constant 0 : i32
      %dma_start3A_143 = tpu.memref_slice %arg8[%dma_start3A_141, %dma_start3A_142] : memref<1600x64xf32, #tpu.memory_space<vmem>> -> memref<80x64xf32, #tpu.memory_space<vmem>>
      %dma_start3A_144 = arith.constant 1280 : i32
      %dma_start3A_145 = tpu.memref_slice %arg7[%dma_start3A_144] : memref<1600xi32, #tpu.memory_space<vmem>> -> memref<80xi32, #tpu.memory_space<vmem>>
      %dma_start3A_146 = arith.constant 0 : i32
      %dma_start3A_147 = arith.constant 0 : i32
      %dma_start3A_148 = tpu.memref_slice %arg4[%dma_start3A_146, %dma_start3A_147] : memref<1000000x64xf32, #tpu.memory_space<hbm>> -> memref<1000000x64xf32, #tpu.memory_space<hbm>>
      tpu.enqueue_indirect_dma source(%dma_start3A_148 : memref<1000000x64xf32, #tpu.memory_space<hbm>>) target(%dma_start3A_143 : memref<80x64xf32, #tpu.memory_space<vmem>>) offsets(%dma_start3A_145 : memref<80xi32, #tpu.memory_space<vmem>>) semaphore(%arg11 : memref<!tpu.dma_semaphore, #tpu.memory_space<semaphore_mem>>)
      %dma_start3A_149 = arith.constant 1360 : i32
      %dma_start3A_150 = arith.constant 0 : i32
      %dma_start3A_151 = tpu.memref_slice %arg8[%dma_start3A_149, %dma_start3A_150] : memref<1600x64xf32, #tpu.memory_space<vmem>> -> memref<80x64xf32, #tpu.memory_space<vmem>>
      %dma_start3A_152 = arith.constant 1360 : i32
      %dma_start3A_153 = tpu.memref_slice %arg7[%dma_start3A_152] : memref<1600xi32, #tpu.memory_space<vmem>> -> memref<80xi32, #tpu.memory_space<vmem>>
      %dma_start3A_154 = arith.constant 0 : i32
      %dma_start3A_155 = arith.constant 0 : i32
      %dma_start3A_156 = tpu.memref_slice %arg4[%dma_start3A_154, %dma_start3A_155] : memref<1000000x64xf32, #tpu.memory_space<hbm>> -> memref<1000000x64xf32, #tpu.memory_space<hbm>>
      tpu.enqueue_indirect_dma source(%dma_start3A_156 : memref<1000000x64xf32, #tpu.memory_space<hbm>>) target(%dma_start3A_151 : memref<80x64xf32, #tpu.memory_space<vmem>>) offsets(%dma_start3A_153 : memref<80xi32, #tpu.memory_space<vmem>>) semaphore(%arg11 : memref<!tpu.dma_semaphore, #tpu.memory_space<semaphore_mem>>)
      %dma_start3A_157 = arith.constant 1440 : i32
      %dma_start3A_158 = arith.constant 0 : i32
      %dma_start3A_159 = tpu.memref_slice %arg8[%dma_start3A_157, %dma_start3A_158] : memref<1600x64xf32, #tpu.memory_space<vmem>> -> memref<80x64xf32, #tpu.memory_space<vmem>>
      %dma_start3A_160 = arith.constant 1440 : i32
      %dma_start3A_161 = tpu.memref_slice %arg7[%dma_start3A_160] : memref<1600xi32, #tpu.memory_space<vmem>> -> memref<80xi32, #tpu.memory_space<vmem>>
      %dma_start3A_162 = arith.constant 0 : i32
      %dma_start3A_163 = arith.constant 0 : i32
      %dma_start3A_164 = tpu.memref_slice %arg4[%dma_start3A_162, %dma_start3A_163] : memref<1000000x64xf32, #tpu.memory_space<hbm>> -> memref<1000000x64xf32, #tpu.memory_space<hbm>>
      tpu.enqueue_indirect_dma source(%dma_start3A_164 : memref<1000000x64xf32, #tpu.memory_space<hbm>>) target(%dma_start3A_159 : memref<80x64xf32, #tpu.memory_space<vmem>>) offsets(%dma_start3A_161 : memref<80xi32, #tpu.memory_space<vmem>>) semaphore(%arg11 : memref<!tpu.dma_semaphore, #tpu.memory_space<semaphore_mem>>)
      %dma_start3A_165 = arith.constant 1520 : i32
      %dma_start3A_166 = arith.constant 0 : i32
      %dma_start3A_167 = tpu.memref_slice %arg8[%dma_start3A_165, %dma_start3A_166] : memref<1600x64xf32, #tpu.memory_space<vmem>> -> memref<80x64xf32, #tpu.memory_space<vmem>>
      %dma_start3A_168 = arith.constant 1520 : i32
      %dma_start3A_169 = tpu.memref_slice %arg7[%dma_start3A_168] : memref<1600xi32, #tpu.memory_space<vmem>> -> memref<80xi32, #tpu.memory_space<vmem>>
      %dma_start3A_170 = arith.constant 0 : i32
      %dma_start3A_171 = arith.constant 0 : i32
      %dma_start3A_172 = tpu.memref_slice %arg4[%dma_start3A_170, %dma_start3A_171] : memref<1000000x64xf32, #tpu.memory_space<hbm>> -> memref<1000000x64xf32, #tpu.memory_space<hbm>>
      tpu.enqueue_indirect_dma source(%dma_start3A_172 : memref<1000000x64xf32, #tpu.memory_space<hbm>>) target(%dma_start3A_167 : memref<80x64xf32, #tpu.memory_space<vmem>>) offsets(%dma_start3A_169 : memref<80xi32, #tpu.memory_space<vmem>>) semaphore(%arg11 : memref<!tpu.dma_semaphore, #tpu.memory_space<semaphore_mem>>)
      %mul3A_173 = arith.constant 32 : i32
      %mul3A_174 = arith.muli %scan3A_8, %mul3A_173 : i32
      %get3A = arith.index_cast %mul3A_174 : i32 to index
      %get3A_175 = tpu.vector_load %arg9[%get3A] {strides = array<i32>} : memref<512xi32, #tpu.memory_space<vmem>>, vector<32xi32>,
      %get3A_176 = vector.shape_cast %get3A_175 : vector<32xi32> to vector<32xi32>
      %dma_wait3A = arith.constant 0 : i32
      %dma_wait3A_177 = arith.constant 0 : i32
      %dma_wait3A_178 = tpu.memref_slice %arg8[%dma_wait3A, %dma_wait3A_177] : memref<1600x64xf32, #tpu.memory_space<vmem>> -> memref<80x64xf32, #tpu.memory_space<vmem>>
      %dma_wait3A_179 = arith.constant 0 : i32
      %dma_wait3A_180 = tpu.memref_slice %arg7[%dma_wait3A_179] : memref<1600xi32, #tpu.memory_space<vmem>> -> memref<80xi32, #tpu.memory_space<vmem>>
      %dma_wait3A_181 = arith.constant 0 : i32
      %dma_wait3A_182 = arith.constant 0 : i32
      %dma_wait3A_183 = tpu.memref_slice %arg4[%dma_wait3A_181, %dma_wait3A_182] : memref<1000000x64xf32, #tpu.memory_space<hbm>> -> memref<1000000x64xf32, #tpu.memory_space<hbm>>
      tpu.wait_indirect_dma semaphore(%arg11 : memref<!tpu.dma_semaphore, #tpu.memory_space<semaphore_mem>>) src(%dma_wait3A_183 : memref<1000000x64xf32, #tpu.memory_space<hbm>>) dst(%dma_wait3A_178 : memref<80x64xf32, #tpu.memory_space<vmem>>)
      %dma_wait3A_184 = arith.constant 80 : i32
      %dma_wait3A_185 = arith.constant 0 : i32
      %dma_wait3A_186 = tpu.memref_slice %arg8[%dma_wait3A_184, %dma_wait3A_185] : memref<1600x64xf32, #tpu.memory_space<vmem>> -> memref<80x64xf32, #tpu.memory_space<vmem>>
      %dma_wait3A_187 = arith.constant 80 : i32
      %dma_wait3A_188 = tpu.memref_slice %arg7[%dma_wait3A_187] : memref<1600xi32, #tpu.memory_space<vmem>> -> memref<80xi32, #tpu.memory_space<vmem>>
      %dma_wait3A_189 = arith.constant 0 : i32
      %dma_wait3A_190 = arith.constant 0 : i32
      %dma_wait3A_191 = tpu.memref_slice %arg4[%dma_wait3A_189, %dma_wait3A_190] : memref<1000000x64xf32, #tpu.memory_space<hbm>> -> memref<1000000x64xf32, #tpu.memory_space<hbm>>
      tpu.wait_indirect_dma semaphore(%arg11 : memref<!tpu.dma_semaphore, #tpu.memory_space<semaphore_mem>>) src(%dma_wait3A_191 : memref<1000000x64xf32, #tpu.memory_space<hbm>>) dst(%dma_wait3A_186 : memref<80x64xf32, #tpu.memory_space<vmem>>)
      %dma_wait3A_192 = arith.constant 160 : i32
      %dma_wait3A_193 = arith.constant 0 : i32
      %dma_wait3A_194 = tpu.memref_slice %arg8[%dma_wait3A_192, %dma_wait3A_193] : memref<1600x64xf32, #tpu.memory_space<vmem>> -> memref<80x64xf32, #tpu.memory_space<vmem>>
      %dma_wait3A_195 = arith.constant 160 : i32
      %dma_wait3A_196 = tpu.memref_slice %arg7[%dma_wait3A_195] : memref<1600xi32, #tpu.memory_space<vmem>> -> memref<80xi32, #tpu.memory_space<vmem>>
      %dma_wait3A_197 = arith.constant 0 : i32
      %dma_wait3A_198 = arith.constant 0 : i32
      %dma_wait3A_199 = tpu.memref_slice %arg4[%dma_wait3A_197, %dma_wait3A_198] : memref<1000000x64xf32, #tpu.memory_space<hbm>> -> memref<1000000x64xf32, #tpu.memory_space<hbm>>
      tpu.wait_indirect_dma semaphore(%arg11 : memref<!tpu.dma_semaphore, #tpu.memory_space<semaphore_mem>>) src(%dma_wait3A_199 : memref<1000000x64xf32, #tpu.memory_space<hbm>>) dst(%dma_wait3A_194 : memref<80x64xf32, #tpu.memory_space<vmem>>)
      %dma_wait3A_200 = arith.constant 240 : i32
      %dma_wait3A_201 = arith.constant 0 : i32
      %dma_wait3A_202 = tpu.memref_slice %arg8[%dma_wait3A_200, %dma_wait3A_201] : memref<1600x64xf32, #tpu.memory_space<vmem>> -> memref<80x64xf32, #tpu.memory_space<vmem>>
      %dma_wait3A_203 = arith.constant 240 : i32
      %dma_wait3A_204 = tpu.memref_slice %arg7[%dma_wait3A_203] : memref<1600xi32, #tpu.memory_space<vmem>> -> memref<80xi32, #tpu.memory_space<vmem>>
      %dma_wait3A_205 = arith.constant 0 : i32
      %dma_wait3A_206 = arith.constant 0 : i32
      %dma_wait3A_207 = tpu.memref_slice %arg4[%dma_wait3A_205, %dma_wait3A_206] : memref<1000000x64xf32, #tpu.memory_space<hbm>> -> memref<1000000x64xf32, #tpu.memory_space<hbm>>
      tpu.wait_indirect_dma semaphore(%arg11 : memref<!tpu.dma_semaphore, #tpu.memory_space<semaphore_mem>>) src(%dma_wait3A_207 : memref<1000000x64xf32, #tpu.memory_space<hbm>>) dst(%dma_wait3A_202 : memref<80x64xf32, #tpu.memory_space<vmem>>)
      %dma_wait3A_208 = arith.constant 320 : i32
      %dma_wait3A_209 = arith.constant 0 : i32
      %dma_wait3A_210 = tpu.memref_slice %arg8[%dma_wait3A_208, %dma_wait3A_209] : memref<1600x64xf32, #tpu.memory_space<vmem>> -> memref<80x64xf32, #tpu.memory_space<vmem>>
      %dma_wait3A_211 = arith.constant 320 : i32
      %dma_wait3A_212 = tpu.memref_slice %arg7[%dma_wait3A_211] : memref<1600xi32, #tpu.memory_space<vmem>> -> memref<80xi32, #tpu.memory_space<vmem>>
      %dma_wait3A_213 = arith.constant 0 : i32
      %dma_wait3A_214 = arith.constant 0 : i32
      %dma_wait3A_215 = tpu.memref_slice %arg4[%dma_wait3A_213, %dma_wait3A_214] : memref<1000000x64xf32, #tpu.memory_space<hbm>> -> memref<1000000x64xf32, #tpu.memory_space<hbm>>
      tpu.wait_indirect_dma semaphore(%arg11 : memref<!tpu.dma_semaphore, #tpu.memory_space<semaphore_mem>>) src(%dma_wait3A_215 : memref<1000000x64xf32, #tpu.memory_space<hbm>>) dst(%dma_wait3A_210 : memref<80x64xf32, #tpu.memory_space<vmem>>)
      %dma_wait3A_216 = arith.constant 400 : i32
      %dma_wait3A_217 = arith.constant 0 : i32
      %dma_wait3A_218 = tpu.memref_slice %arg8[%dma_wait3A_216, %dma_wait3A_217] : memref<1600x64xf32, #tpu.memory_space<vmem>> -> memref<80x64xf32, #tpu.memory_space<vmem>>
      %dma_wait3A_219 = arith.constant 400 : i32
      %dma_wait3A_220 = tpu.memref_slice %arg7[%dma_wait3A_219] : memref<1600xi32, #tpu.memory_space<vmem>> -> memref<80xi32, #tpu.memory_space<vmem>>
      %dma_wait3A_221 = arith.constant 0 : i32
      %dma_wait3A_222 = arith.constant 0 : i32
      %dma_wait3A_223 = tpu.memref_slice %arg4[%dma_wait3A_221, %dma_wait3A_222] : memref<1000000x64xf32, #tpu.memory_space<hbm>> -> memref<1000000x64xf32, #tpu.memory_space<hbm>>
      tpu.wait_indirect_dma semaphore(%arg11 : memref<!tpu.dma_semaphore, #tpu.memory_space<semaphore_mem>>) src(%dma_wait3A_223 : memref<1000000x64xf32, #tpu.memory_space<hbm>>) dst(%dma_wait3A_218 : memref<80x64xf32, #tpu.memory_space<vmem>>)
      %dma_wait3A_224 = arith.constant 480 : i32
      %dma_wait3A_225 = arith.constant 0 : i32
      %dma_wait3A_226 = tpu.memref_slice %arg8[%dma_wait3A_224, %dma_wait3A_225] : memref<1600x64xf32, #tpu.memory_space<vmem>> -> memref<80x64xf32, #tpu.memory_space<vmem>>
      %dma_wait3A_227 = arith.constant 480 : i32
      %dma_wait3A_228 = tpu.memref_slice %arg7[%dma_wait3A_227] : memref<1600xi32, #tpu.memory_space<vmem>> -> memref<80xi32, #tpu.memory_space<vmem>>
      %dma_wait3A_229 = arith.constant 0 : i32
      %dma_wait3A_230 = arith.constant 0 : i32
      %dma_wait3A_231 = tpu.memref_slice %arg4[%dma_wait3A_229, %dma_wait3A_230] : memref<1000000x64xf32, #tpu.memory_space<hbm>> -> memref<1000000x64xf32, #tpu.memory_space<hbm>>
      tpu.wait_indirect_dma semaphore(%arg11 : memref<!tpu.dma_semaphore, #tpu.memory_space<semaphore_mem>>) src(%dma_wait3A_231 : memref<1000000x64xf32, #tpu.memory_space<hbm>>) dst(%dma_wait3A_226 : memref<80x64xf32, #tpu.memory_space<vmem>>)
      %dma_wait3A_232 = arith.constant 560 : i32
      %dma_wait3A_233 = arith.constant 0 : i32
      %dma_wait3A_234 = tpu.memref_slice %arg8[%dma_wait3A_232, %dma_wait3A_233] : memref<1600x64xf32, #tpu.memory_space<vmem>> -> memref<80x64xf32, #tpu.memory_space<vmem>>
      %dma_wait3A_235 = arith.constant 560 : i32
      %dma_wait3A_236 = tpu.memref_slice %arg7[%dma_wait3A_235] : memref<1600xi32, #tpu.memory_space<vmem>> -> memref<80xi32, #tpu.memory_space<vmem>>
      %dma_wait3A_237 = arith.constant 0 : i32
      %dma_wait3A_238 = arith.constant 0 : i32
      %dma_wait3A_239 = tpu.memref_slice %arg4[%dma_wait3A_237, %dma_wait3A_238] : memref<1000000x64xf32, #tpu.memory_space<hbm>> -> memref<1000000x64xf32, #tpu.memory_space<hbm>>
      tpu.wait_indirect_dma semaphore(%arg11 : memref<!tpu.dma_semaphore, #tpu.memory_space<semaphore_mem>>) src(%dma_wait3A_239 : memref<1000000x64xf32, #tpu.memory_space<hbm>>) dst(%dma_wait3A_234 : memref<80x64xf32, #tpu.memory_space<vmem>>)
      %dma_wait3A_240 = arith.constant 640 : i32
      %dma_wait3A_241 = arith.constant 0 : i32
      %dma_wait3A_242 = tpu.memref_slice %arg8[%dma_wait3A_240, %dma_wait3A_241] : memref<1600x64xf32, #tpu.memory_space<vmem>> -> memref<80x64xf32, #tpu.memory_space<vmem>>
      %dma_wait3A_243 = arith.constant 640 : i32
      %dma_wait3A_244 = tpu.memref_slice %arg7[%dma_wait3A_243] : memref<1600xi32, #tpu.memory_space<vmem>> -> memref<80xi32, #tpu.memory_space<vmem>>
      %dma_wait3A_245 = arith.constant 0 : i32
      %dma_wait3A_246 = arith.constant 0 : i32
      %dma_wait3A_247 = tpu.memref_slice %arg4[%dma_wait3A_245, %dma_wait3A_246] : memref<1000000x64xf32, #tpu.memory_space<hbm>> -> memref<1000000x64xf32, #tpu.memory_space<hbm>>
      tpu.wait_indirect_dma semaphore(%arg11 : memref<!tpu.dma_semaphore, #tpu.memory_space<semaphore_mem>>) src(%dma_wait3A_247 : memref<1000000x64xf32, #tpu.memory_space<hbm>>) dst(%dma_wait3A_242 : memref<80x64xf32, #tpu.memory_space<vmem>>)
      %dma_wait3A_248 = arith.constant 720 : i32
      %dma_wait3A_249 = arith.constant 0 : i32
      %dma_wait3A_250 = tpu.memref_slice %arg8[%dma_wait3A_248, %dma_wait3A_249] : memref<1600x64xf32, #tpu.memory_space<vmem>> -> memref<80x64xf32, #tpu.memory_space<vmem>>
      %dma_wait3A_251 = arith.constant 720 : i32
      %dma_wait3A_252 = tpu.memref_slice %arg7[%dma_wait3A_251] : memref<1600xi32, #tpu.memory_space<vmem>> -> memref<80xi32, #tpu.memory_space<vmem>>
      %dma_wait3A_253 = arith.constant 0 : i32
      %dma_wait3A_254 = arith.constant 0 : i32
      %dma_wait3A_255 = tpu.memref_slice %arg4[%dma_wait3A_253, %dma_wait3A_254] : memref<1000000x64xf32, #tpu.memory_space<hbm>> -> memref<1000000x64xf32, #tpu.memory_space<hbm>>
      tpu.wait_indirect_dma semaphore(%arg11 : memref<!tpu.dma_semaphore, #tpu.memory_space<semaphore_mem>>) src(%dma_wait3A_255 : memref<1000000x64xf32, #tpu.memory_space<hbm>>) dst(%dma_wait3A_250 : memref<80x64xf32, #tpu.memory_space<vmem>>)
      %mul3A_256 = arith.constant 50 : i32
      %mul3A_257 = arith.muli %add3A_11, %mul3A_256 : i32
      %add3A_258 = arith.constant 0 : i32
      %add3A_259 = arith.addi %mul3A_257, %add3A_258 : i32
      %dma_start3A_260 = arith.constant 0 : i32
      %dma_start3A_261 = arith.constant 0 : i32
      %dma_start3A_262 = tpu.memref_slice %arg8[%dma_start3A_260, %dma_start3A_261] : memref<1600x64xf32, #tpu.memory_space<vmem>> -> memref<800x64xf32, #tpu.memory_space<vmem>>
      %dma_start3A_263 = arith.constant 0 : i32
      %dma_start3A_264 = tpu.memref_slice %arg5[%add3A_259, %dma_start3A_263] : memref<819200x64xf32, #tpu.memory_space<hbm>> -> memref<800x64xf32, #tpu.memory_space<hbm>>
      %dma_start3A_265 = arith.constant 0 : i32
      %dma_start3A_266 = tpu.memref_slice %arg5[%add3A_259, %dma_start3A_265] : memref<819200x64xf32, #tpu.memory_space<hbm>> -> memref<800x64xf32, #tpu.memory_space<hbm>>
      %dma_start3A_267 = arith.constant 0 : i32
      %dma_start3A_268 = arith.constant 0 : i32
      %dma_start3A_269 = tpu.memref_slice %arg8[%dma_start3A_267, %dma_start3A_268] : memref<1600x64xf32, #tpu.memory_space<vmem>> -> memref<800x64xf32, #tpu.memory_space<vmem>>
      tpu.enqueue_dma source(%dma_start3A_269 : memref<800x64xf32, #tpu.memory_space<vmem>>) target(%dma_start3A_266 : memref<800x64xf32, #tpu.memory_space<hbm>>) target_semaphore(%arg12 : memref<!tpu.dma_semaphore, #tpu.memory_space<semaphore_mem>>)
      %slice3A = vector.extract_strided_slice %get3A_176 {offsets = [0], sizes = [1], strides = [1]} : vector<32xi32> to vector<1xi32>
      %squeeze3A = vector.extract %slice3A[0] : i32 from vector<1xi32>
      %convert_element_type3A = arith.sitofp %squeeze3A : i32 to f32
      %broadcast_in_dim3A = arith.constant 0.000000e+00 : f32
      %broadcast_in_dim3A_270 = vector.broadcast %broadcast_in_dim3A : f32 to vector<16xf32>
      %while3A = arith.constant 0 : i32
      %while3A_271 = arith.subi %squeeze3A, %while3A : i32
      %while3A_272 = arith.addi %while3A, %while3A_271 : i32
      %while3A_273 = arith.constant 1 : i32
      %while3A_274 = arith.divsi %while3A_271, %while3A_273 : i32
      %while3A_275 = arith.muli %while3A_274, %while3A_273 : i32
      %while3A_276 = arith.addi %while3A, %while3A_275 : i32
      %while3A_277 = arith.constant 1 : i32
      %while3A_278:4 = scf.for %while3A_1913 = %while3A to %while3A_276 step %while3A_277 iter_args(%while3A_1914 = %broadcast_in_dim3A_270, %while3A_1915 = %broadcast_in_dim3A_270, %while3A_1916 = %broadcast_in_dim3A_270, %while3A_1917 = %broadcast_in_dim3A_270) -> (vector<16xf32>, vector<16xf32>, vector<16xf32>, vector<16xf32>)  : i32 {
        %add3A_1918 = arith.constant 0 : i32
        %add3A_1919 = arith.addi %add3A_1918, %while3A_1913 : i32
        %get3A_1920 = arith.index_cast %add3A_1919 : i32 to index
        %get3A_1921 = arith.constant 0 : index
        %get3A_1922 = tpu.vector_load %arg8[%get3A_1920, %get3A_1921] {strides = array<i32>} : memref<1600x64xf32, #tpu.memory_space<vmem>>, vector<1x16xf32>,
        %get3A_1923 = vector.shape_cast %get3A_1922 : vector<1x16xf32> to vector<16xf32>
        %add3A_1924 = arith.addf %while3A_1914, %get3A_1923 : vector<16xf32>
        %get3A_1925 = arith.index_cast %add3A_1919 : i32 to index
        %get3A_1926 = arith.constant 16 : index
        %get3A_1927 = tpu.vector_load %arg8[%get3A_1925, %get3A_1926] {strides = array<i32>} : memref<1600x64xf32, #tpu.memory_space<vmem>>, vector<1x16xf32>,
        %get3A_1928 = vector.shape_cast %get3A_1927 : vector<1x16xf32> to vector<16xf32>
        %add3A_1929 = arith.addf %while3A_1915, %get3A_1928 : vector<16xf32>
        %get3A_1930 = arith.index_cast %add3A_1919 : i32 to index
        %get3A_1931 = arith.constant 32 : index
        %get3A_1932 = tpu.vector_load %arg8[%get3A_1930, %get3A_1931] {strides = array<i32>} : memref<1600x64xf32, #tpu.memory_space<vmem>>, vector<1x16xf32>,
        %get3A_1933 = vector.shape_cast %get3A_1932 : vector<1x16xf32> to vector<16xf32>
        %add3A_1934 = arith.addf %while3A_1916, %get3A_1933 : vector<16xf32>
        %get3A_1935 = arith.index_cast %add3A_1919 : i32 to index
        %get3A_1936 = arith.constant 48 : index
        %get3A_1937 = tpu.vector_load %arg8[%get3A_1935, %get3A_1936] {strides = array<i32>} : memref<1600x64xf32, #tpu.memory_space<vmem>>, vector<1x16xf32>,
        %get3A_1938 = vector.shape_cast %get3A_1937 : vector<1x16xf32> to vector<16xf32>
        %add3A_1939 = arith.addf %while3A_1917, %get3A_1938 : vector<16xf32>
        scf.yield %add3A_1924, %add3A_1929, %add3A_1934, %add3A_1939 : vector<16xf32>, vector<16xf32>, vector<16xf32>, vector<16xf32>
      }
      %while3A_279 = arith.constant 1 : i32
      %while3A_280:4 = scf.for %while3A_1913 = %while3A_276 to %while3A_272 step %while3A_279 iter_args(%while3A_1914 = %while3A_278#0, %while3A_1915 = %while3A_278#1, %while3A_1916 = %while3A_278#2, %while3A_1917 = %while3A_278#3) -> (vector<16xf32>, vector<16xf32>, vector<16xf32>, vector<16xf32>)  : i32 {
        %add3A_1918 = arith.constant 0 : i32
        %add3A_1919 = arith.addi %add3A_1918, %while3A_1913 : i32
        %get3A_1920 = arith.index_cast %add3A_1919 : i32 to index
        %get3A_1921 = arith.constant 0 : index
        %get3A_1922 = tpu.vector_load %arg8[%get3A_1920, %get3A_1921] {strides = array<i32>} : memref<1600x64xf32, #tpu.memory_space<vmem>>, vector<1x16xf32>,
        %get3A_1923 = vector.shape_cast %get3A_1922 : vector<1x16xf32> to vector<16xf32>
        %add3A_1924 = arith.addf %while3A_1914, %get3A_1923 : vector<16xf32>
        %get3A_1925 = arith.index_cast %add3A_1919 : i32 to index
        %get3A_1926 = arith.constant 16 : index
        %get3A_1927 = tpu.vector_load %arg8[%get3A_1925, %get3A_1926] {strides = array<i32>} : memref<1600x64xf32, #tpu.memory_space<vmem>>, vector<1x16xf32>,
        %get3A_1928 = vector.shape_cast %get3A_1927 : vector<1x16xf32> to vector<16xf32>
        %add3A_1929 = arith.addf %while3A_1915, %get3A_1928 : vector<16xf32>
        %get3A_1930 = arith.index_cast %add3A_1919 : i32 to index
        %get3A_1931 = arith.constant 32 : index
        %get3A_1932 = tpu.vector_load %arg8[%get3A_1930, %get3A_1931] {strides = array<i32>} : memref<1600x64xf32, #tpu.memory_space<vmem>>, vector<1x16xf32>,
        %get3A_1933 = vector.shape_cast %get3A_1932 : vector<1x16xf32> to vector<16xf32>
        %add3A_1934 = arith.addf %while3A_1916, %get3A_1933 : vector<16xf32>
        %get3A_1935 = arith.index_cast %add3A_1919 : i32 to index
        %get3A_1936 = arith.constant 48 : index
        %get3A_1937 = tpu.vector_load %arg8[%get3A_1935, %get3A_1936] {strides = array<i32>} : memref<1600x64xf32, #tpu.memory_space<vmem>>, vector<1x16xf32>,
        %get3A_1938 = vector.shape_cast %get3A_1937 : vector<1x16xf32> to vector<16xf32>
        %add3A_1939 = arith.addf %while3A_1917, %get3A_1938 : vector<16xf32>
        scf.yield %add3A_1924, %add3A_1929, %add3A_1934, %add3A_1939 : vector<16xf32>, vector<16xf32>, vector<16xf32>, vector<16xf32>
      }
      %div3A = vector.broadcast %convert_element_type3A : f32 to vector<16xf32>
      %div3A_281 = arith.divf %while3A_280#0, %div3A : vector<16xf32>
      %swap3A = arith.constant 0 : i32
      %swap3A_282 = arith.index_cast %swap3A : i32 to index
      %swap3A_283 = arith.constant 0 : index
      %swap3A_284 = tpu.vector_load %arg10[%swap3A_282, %swap3A_283] {strides = array<i32>} : memref<32x64xf32, #tpu.memory_space<vmem>>, vector<1x16xf32>,
      %swap3A_285 = vector.shape_cast %swap3A_284 : vector<1x16xf32> to vector<16xf32>
      %swap3A_286 = vector.shape_cast %div3A_281 : vector<16xf32> to vector<1x16xf32>
      tpu.vector_store %arg10[%swap3A_282, %swap3A_283], %swap3A_286 {strides = array<i32>} : memref<32x64xf32, #tpu.memory_space<vmem>>, vector<1x16xf32>,
      %div3A_287 = vector.broadcast %convert_element_type3A : f32 to vector<16xf32>
      %div3A_288 = arith.divf %while3A_280#1, %div3A_287 : vector<16xf32>
      %swap3A_289 = arith.constant 0 : i32
      %swap3A_290 = arith.index_cast %swap3A_289 : i32 to index
      %swap3A_291 = arith.constant 16 : index
      %swap3A_292 = tpu.vector_load %arg10[%swap3A_290, %swap3A_291] {strides = array<i32>} : memref<32x64xf32, #tpu.memory_space<vmem>>, vector<1x16xf32>,
      %swap3A_293 = vector.shape_cast %swap3A_292 : vector<1x16xf32> to vector<16xf32>
      %swap3A_294 = vector.shape_cast %div3A_288 : vector<16xf32> to vector<1x16xf32>
      tpu.vector_store %arg10[%swap3A_290, %swap3A_291], %swap3A_294 {strides = array<i32>} : memref<32x64xf32, #tpu.memory_space<vmem>>, vector<1x16xf32>,
      %div3A_295 = vector.broadcast %convert_element_type3A : f32 to vector<16xf32>
      %div3A_296 = arith.divf %while3A_280#2, %div3A_295 : vector<16xf32>
      %swap3A_297 = arith.constant 0 : i32
      %swap3A_298 = arith.index_cast %swap3A_297 : i32 to index
      %swap3A_299 = arith.constant 32 : index
      %swap3A_300 = tpu.vector_load %arg10[%swap3A_298, %swap3A_299] {strides = array<i32>} : memref<32x64xf32, #tpu.memory_space<vmem>>, vector<1x16xf32>,
      %swap3A_301 = vector.shape_cast %swap3A_300 : vector<1x16xf32> to vector<16xf32>
      %swap3A_302 = vector.shape_cast %div3A_296 : vector<16xf32> to vector<1x16xf32>
      tpu.vector_store %arg10[%swap3A_298, %swap3A_299], %swap3A_302 {strides = array<i32>} : memref<32x64xf32, #tpu.memory_space<vmem>>, vector<1x16xf32>,
      %div3A_303 = vector.broadcast %convert_element_type3A : f32 to vector<16xf32>
      %div3A_304 = arith.divf %while3A_280#3, %div3A_303 : vector<16xf32>
      %swap3A_305 = arith.constant 0 : i32
      %swap3A_306 = arith.index_cast %swap3A_305 : i32 to index
      %swap3A_307 = arith.constant 48 : index
      %swap3A_308 = tpu.vector_load %arg10[%swap3A_306, %swap3A_307] {strides = array<i32>} : memref<32x64xf32, #tpu.memory_space<vmem>>, vector<1x16xf32>,
      %swap3A_309 = vector.shape_cast %swap3A_308 : vector<1x16xf32> to vector<16xf32>
      %swap3A_310 = vector.shape_cast %div3A_304 : vector<16xf32> to vector<1x16xf32>
      tpu.vector_store %arg10[%swap3A_306, %swap3A_307], %swap3A_310 {strides = array<i32>} : memref<32x64xf32, #tpu.memory_space<vmem>>, vector<1x16xf32>,
      %slice3A_311 = vector.extract_strided_slice %get3A_176 {offsets = [1], sizes = [1], strides = [1]} : vector<32xi32> to vector<1xi32>
      %squeeze3A_312 = vector.extract %slice3A_311[0] : i32 from vector<1xi32>
      %convert_element_type3A_313 = arith.sitofp %squeeze3A_312 : i32 to f32
      %broadcast_in_dim3A_314 = arith.constant 0.000000e+00 : f32
      %broadcast_in_dim3A_315 = vector.broadcast %broadcast_in_dim3A_314 : f32 to vector<16xf32>
      %while3A_316 = arith.constant 0 : i32
      %while3A_317 = arith.subi %squeeze3A_312, %while3A_316 : i32
      %while3A_318 = arith.addi %while3A_316, %while3A_317 : i32
      %while3A_319 = arith.constant 1 : i32
      %while3A_320 = arith.divsi %while3A_317, %while3A_319 : i32
      %while3A_321 = arith.muli %while3A_320, %while3A_319 : i32
      %while3A_322 = arith.addi %while3A_316, %while3A_321 : i32
      %while3A_323 = arith.constant 1 : i32
      %while3A_324:4 = scf.for %while3A_1913 = %while3A_316 to %while3A_322 step %while3A_323 iter_args(%while3A_1914 = %broadcast_in_dim3A_315, %while3A_1915 = %broadcast_in_dim3A_315, %while3A_1916 = %broadcast_in_dim3A_315, %while3A_1917 = %broadcast_in_dim3A_315) -> (vector<16xf32>, vector<16xf32>, vector<16xf32>, vector<16xf32>)  : i32 {
        %add3A_1918 = arith.constant 50 : i32
        %add3A_1919 = arith.addi %add3A_1918, %while3A_1913 : i32
        %get3A_1920 = arith.index_cast %add3A_1919 : i32 to index
        %get3A_1921 = arith.constant 0 : index
        %get3A_1922 = tpu.vector_load %arg8[%get3A_1920, %get3A_1921] {strides = array<i32>} : memref<1600x64xf32, #tpu.memory_space<vmem>>, vector<1x16xf32>,
        %get3A_1923 = vector.shape_cast %get3A_1922 : vector<1x16xf32> to vector<16xf32>
        %add3A_1924 = arith.addf %while3A_1914, %get3A_1923 : vector<16xf32>
        %get3A_1925 = arith.index_cast %add3A_1919 : i32 to index
        %get3A_1926 = arith.constant 16 : index
        %get3A_1927 = tpu.vector_load %arg8[%get3A_1925, %get3A_1926] {strides = array<i32>} : memref<1600x64xf32, #tpu.memory_space<vmem>>, vector<1x16xf32>,
        %get3A_1928 = vector.shape_cast %get3A_1927 : vector<1x16xf32> to vector<16xf32>
        %add3A_1929 = arith.addf %while3A_1915, %get3A_1928 : vector<16xf32>
        %get3A_1930 = arith.index_cast %add3A_1919 : i32 to index
        %get3A_1931 = arith.constant 32 : index
        %get3A_1932 = tpu.vector_load %arg8[%get3A_1930, %get3A_1931] {strides = array<i32>} : memref<1600x64xf32, #tpu.memory_space<vmem>>, vector<1x16xf32>,
        %get3A_1933 = vector.shape_cast %get3A_1932 : vector<1x16xf32> to vector<16xf32>
        %add3A_1934 = arith.addf %while3A_1916, %get3A_1933 : vector<16xf32>
        %get3A_1935 = arith.index_cast %add3A_1919 : i32 to index
        %get3A_1936 = arith.constant 48 : index
        %get3A_1937 = tpu.vector_load %arg8[%get3A_1935, %get3A_1936] {strides = array<i32>} : memref<1600x64xf32, #tpu.memory_space<vmem>>, vector<1x16xf32>,
        %get3A_1938 = vector.shape_cast %get3A_1937 : vector<1x16xf32> to vector<16xf32>
        %add3A_1939 = arith.addf %while3A_1917, %get3A_1938 : vector<16xf32>
        scf.yield %add3A_1924, %add3A_1929, %add3A_1934, %add3A_1939 : vector<16xf32>, vector<16xf32>, vector<16xf32>, vector<16xf32>
      }
      %while3A_325 = arith.constant 1 : i32
      %while3A_326:4 = scf.for %while3A_1913 = %while3A_322 to %while3A_318 step %while3A_325 iter_args(%while3A_1914 = %while3A_324#0, %while3A_1915 = %while3A_324#1, %while3A_1916 = %while3A_324#2, %while3A_1917 = %while3A_324#3) -> (vector<16xf32>, vector<16xf32>, vector<16xf32>, vector<16xf32>)  : i32 {
        %add3A_1918 = arith.constant 50 : i32
        %add3A_1919 = arith.addi %add3A_1918, %while3A_1913 : i32
        %get3A_1920 = arith.index_cast %add3A_1919 : i32 to index
        %get3A_1921 = arith.constant 0 : index
        %get3A_1922 = tpu.vector_load %arg8[%get3A_1920, %get3A_1921] {strides = array<i32>} : memref<1600x64xf32, #tpu.memory_space<vmem>>, vector<1x16xf32>,
        %get3A_1923 = vector.shape_cast %get3A_1922 : vector<1x16xf32> to vector<16xf32>
        %add3A_1924 = arith.addf %while3A_1914, %get3A_1923 : vector<16xf32>
        %get3A_1925 = arith.index_cast %add3A_1919 : i32 to index
        %get3A_1926 = arith.constant 16 : index
        %get3A_1927 = tpu.vector_load %arg8[%get3A_1925, %get3A_1926] {strides = array<i32>} : memref<1600x64xf32, #tpu.memory_space<vmem>>, vector<1x16xf32>,
        %get3A_1928 = vector.shape_cast %get3A_1927 : vector<1x16xf32> to vector<16xf32>
        %add3A_1929 = arith.addf %while3A_1915, %get3A_1928 : vector<16xf32>
        %get3A_1930 = arith.index_cast %add3A_1919 : i32 to index
        %get3A_1931 = arith.constant 32 : index
        %get3A_1932 = tpu.vector_load %arg8[%get3A_1930, %get3A_1931] {strides = array<i32>} : memref<1600x64xf32, #tpu.memory_space<vmem>>, vector<1x16xf32>,
        %get3A_1933 = vector.shape_cast %get3A_1932 : vector<1x16xf32> to vector<16xf32>
        %add3A_1934 = arith.addf %while3A_1916, %get3A_1933 : vector<16xf32>
        %get3A_1935 = arith.index_cast %add3A_1919 : i32 to index
        %get3A_1936 = arith.constant 48 : index
        %get3A_1937 = tpu.vector_load %arg8[%get3A_1935, %get3A_1936] {strides = array<i32>} : memref<1600x64xf32, #tpu.memory_space<vmem>>, vector<1x16xf32>,
        %get3A_1938 = vector.shape_cast %get3A_1937 : vector<1x16xf32> to vector<16xf32>
        %add3A_1939 = arith.addf %while3A_1917, %get3A_1938 : vector<16xf32>
        scf.yield %add3A_1924, %add3A_1929, %add3A_1934, %add3A_1939 : vector<16xf32>, vector<16xf32>, vector<16xf32>, vector<16xf32>
      }
      %div3A_327 = vector.broadcast %convert_element_type3A_313 : f32 to vector<16xf32>
      %div3A_328 = arith.divf %while3A_326#0, %div3A_327 : vector<16xf32>
      %swap3A_329 = arith.constant 1 : i32
      %swap3A_330 = arith.index_cast %swap3A_329 : i32 to index
      %swap3A_331 = arith.constant 0 : index
      %swap3A_332 = tpu.vector_load %arg10[%swap3A_330, %swap3A_331] {strides = array<i32>} : memref<32x64xf32, #tpu.memory_space<vmem>>, vector<1x16xf32>,
      %swap3A_333 = vector.shape_cast %swap3A_332 : vector<1x16xf32> to vector<16xf32>
      %swap3A_334 = vector.shape_cast %div3A_328 : vector<16xf32> to vector<1x16xf32>
      tpu.vector_store %arg10[%swap3A_330, %swap3A_331], %swap3A_334 {strides = array<i32>} : memref<32x64xf32, #tpu.memory_space<vmem>>, vector<1x16xf32>,
      %div3A_335 = vector.broadcast %convert_element_type3A_313 : f32 to vector<16xf32>
      %div3A_336 = arith.divf %while3A_326#1, %div3A_335 : vector<16xf32>
      %swap3A_337 = arith.constant 1 : i32
      %swap3A_338 = arith.index_cast %swap3A_337 : i32 to index
      %swap3A_339 = arith.constant 16 : index
      %swap3A_340 = tpu.vector_load %arg10[%swap3A_338, %swap3A_339] {strides = array<i32>} : memref<32x64xf32, #tpu.memory_space<vmem>>, vector<1x16xf32>,
      %swap3A_341 = vector.shape_cast %swap3A_340 : vector<1x16xf32> to vector<16xf32>
      %swap3A_342 = vector.shape_cast %div3A_336 : vector<16xf32> to vector<1x16xf32>
      tpu.vector_store %arg10[%swap3A_338, %swap3A_339], %swap3A_342 {strides = array<i32>} : memref<32x64xf32, #tpu.memory_space<vmem>>, vector<1x16xf32>,
      %div3A_343 = vector.broadcast %convert_element_type3A_313 : f32 to vector<16xf32>
      %div3A_344 = arith.divf %while3A_326#2, %div3A_343 : vector<16xf32>
      %swap3A_345 = arith.constant 1 : i32
      %swap3A_346 = arith.index_cast %swap3A_345 : i32 to index
      %swap3A_347 = arith.constant 32 : index
      %swap3A_348 = tpu.vector_load %arg10[%swap3A_346, %swap3A_347] {strides = array<i32>} : memref<32x64xf32, #tpu.memory_space<vmem>>, vector<1x16xf32>,
      %swap3A_349 = vector.shape_cast %swap3A_348 : vector<1x16xf32> to vector<16xf32>
      %swap3A_350 = vector.shape_cast %div3A_344 : vector<16xf32> to vector<1x16xf32>
      tpu.vector_store %arg10[%swap3A_346, %swap3A_347], %swap3A_350 {strides = array<i32>} : memref<32x64xf32, #tpu.memory_space<vmem>>, vector<1x16xf32>,
      %div3A_351 = vector.broadcast %convert_element_type3A_313 : f32 to vector<16xf32>
      %div3A_352 = arith.divf %while3A_326#3, %div3A_351 : vector<16xf32>
      %swap3A_353 = arith.constant 1 : i32
      %swap3A_354 = arith.index_cast %swap3A_353 : i32 to index
      %swap3A_355 = arith.constant 48 : index
      %swap3A_356 = tpu.vector_load %arg10[%swap3A_354, %swap3A_355] {strides = array<i32>} : memref<32x64xf32, #tpu.memory_space<vmem>>, vector<1x16xf32>,
      %swap3A_357 = vector.shape_cast %swap3A_356 : vector<1x16xf32> to vector<16xf32>
      %swap3A_358 = vector.shape_cast %div3A_352 : vector<16xf32> to vector<1x16xf32>
      tpu.vector_store %arg10[%swap3A_354, %swap3A_355], %swap3A_358 {strides = array<i32>} : memref<32x64xf32, #tpu.memory_space<vmem>>, vector<1x16xf32>,
      %slice3A_359 = vector.extract_strided_slice %get3A_176 {offsets = [2], sizes = [1], strides = [1]} : vector<32xi32> to vector<1xi32>
      %squeeze3A_360 = vector.extract %slice3A_359[0] : i32 from vector<1xi32>
      %convert_element_type3A_361 = arith.sitofp %squeeze3A_360 : i32 to f32
      %broadcast_in_dim3A_362 = arith.constant 0.000000e+00 : f32
      %broadcast_in_dim3A_363 = vector.broadcast %broadcast_in_dim3A_362 : f32 to vector<16xf32>
      %while3A_364 = arith.constant 0 : i32
      %while3A_365 = arith.subi %squeeze3A_360, %while3A_364 : i32
      %while3A_366 = arith.addi %while3A_364, %while3A_365 : i32
      %while3A_367 = arith.constant 1 : i32
      %while3A_368 = arith.divsi %while3A_365, %while3A_367 : i32
      %while3A_369 = arith.muli %while3A_368, %while3A_367 : i32
      %while3A_370 = arith.addi %while3A_364, %while3A_369 : i32
      %while3A_371 = arith.constant 1 : i32
      %while3A_372:4 = scf.for %while3A_1913 = %while3A_364 to %while3A_370 step %while3A_371 iter_args(%while3A_1914 = %broadcast_in_dim3A_363, %while3A_1915 = %broadcast_in_dim3A_363, %while3A_1916 = %broadcast_in_dim3A_363, %while3A_1917 = %broadcast_in_dim3A_363) -> (vector<16xf32>, vector<16xf32>, vector<16xf32>, vector<16xf32>)  : i32 {
        %add3A_1918 = arith.constant 100 : i32
        %add3A_1919 = arith.addi %add3A_1918, %while3A_1913 : i32
        %get3A_1920 = arith.index_cast %add3A_1919 : i32 to index
        %get3A_1921 = arith.constant 0 : index
        %get3A_1922 = tpu.vector_load %arg8[%get3A_1920, %get3A_1921] {strides = array<i32>} : memref<1600x64xf32, #tpu.memory_space<vmem>>, vector<1x16xf32>,
        %get3A_1923 = vector.shape_cast %get3A_1922 : vector<1x16xf32> to vector<16xf32>
        %add3A_1924 = arith.addf %while3A_1914, %get3A_1923 : vector<16xf32>
        %get3A_1925 = arith.index_cast %add3A_1919 : i32 to index
        %get3A_1926 = arith.constant 16 : index
        %get3A_1927 = tpu.vector_load %arg8[%get3A_1925, %get3A_1926] {strides = array<i32>} : memref<1600x64xf32, #tpu.memory_space<vmem>>, vector<1x16xf32>,
        %get3A_1928 = vector.shape_cast %get3A_1927 : vector<1x16xf32> to vector<16xf32>
        %add3A_1929 = arith.addf %while3A_1915, %get3A_1928 : vector<16xf32>
        %get3A_1930 = arith.index_cast %add3A_1919 : i32 to index
        %get3A_1931 = arith.constant 32 : index
        %get3A_1932 = tpu.vector_load %arg8[%get3A_1930, %get3A_1931] {strides = array<i32>} : memref<1600x64xf32, #tpu.memory_space<vmem>>, vector<1x16xf32>,
        %get3A_1933 = vector.shape_cast %get3A_1932 : vector<1x16xf32> to vector<16xf32>
        %add3A_1934 = arith.addf %while3A_1916, %get3A_1933 : vector<16xf32>
        %get3A_1935 = arith.index_cast %add3A_1919 : i32 to index
        %get3A_1936 = arith.constant 48 : index
        %get3A_1937 = tpu.vector_load %arg8[%get3A_1935, %get3A_1936] {strides = array<i32>} : memref<1600x64xf32, #tpu.memory_space<vmem>>, vector<1x16xf32>,
        %get3A_1938 = vector.shape_cast %get3A_1937 : vector<1x16xf32> to vector<16xf32>
        %add3A_1939 = arith.addf %while3A_1917, %get3A_1938 : vector<16xf32>
        scf.yield %add3A_1924, %add3A_1929, %add3A_1934, %add3A_1939 : vector<16xf32>, vector<16xf32>, vector<16xf32>, vector<16xf32>
      }
      %while3A_373 = arith.constant 1 : i32
      %while3A_374:4 = scf.for %while3A_1913 = %while3A_370 to %while3A_366 step %while3A_373 iter_args(%while3A_1914 = %while3A_372#0, %while3A_1915 = %while3A_372#1, %while3A_1916 = %while3A_372#2, %while3A_1917 = %while3A_372#3) -> (vector<16xf32>, vector<16xf32>, vector<16xf32>, vector<16xf32>)  : i32 {
        %add3A_1918 = arith.constant 100 : i32
        %add3A_1919 = arith.addi %add3A_1918, %while3A_1913 : i32
        %get3A_1920 = arith.index_cast %add3A_1919 : i32 to index
        %get3A_1921 = arith.constant 0 : index
        %get3A_1922 = tpu.vector_load %arg8[%get3A_1920, %get3A_1921] {strides = array<i32>} : memref<1600x64xf32, #tpu.memory_space<vmem>>, vector<1x16xf32>,
        %get3A_1923 = vector.shape_cast %get3A_1922 : vector<1x16xf32> to vector<16xf32>
        %add3A_1924 = arith.addf %while3A_1914, %get3A_1923 : vector<16xf32>
        %get3A_1925 = arith.index_cast %add3A_1919 : i32 to index
        %get3A_1926 = arith.constant 16 : index
        %get3A_1927 = tpu.vector_load %arg8[%get3A_1925, %get3A_1926] {strides = array<i32>} : memref<1600x64xf32, #tpu.memory_space<vmem>>, vector<1x16xf32>,
        %get3A_1928 = vector.shape_cast %get3A_1927 : vector<1x16xf32> to vector<16xf32>
        %add3A_1929 = arith.addf %while3A_1915, %get3A_1928 : vector<16xf32>
        %get3A_1930 = arith.index_cast %add3A_1919 : i32 to index
        %get3A_1931 = arith.constant 32 : index
        %get3A_1932 = tpu.vector_load %arg8[%get3A_1930, %get3A_1931] {strides = array<i32>} : memref<1600x64xf32, #tpu.memory_space<vmem>>, vector<1x16xf32>,
        %get3A_1933 = vector.shape_cast %get3A_1932 : vector<1x16xf32> to vector<16xf32>
        %add3A_1934 = arith.addf %while3A_1916, %get3A_1933 : vector<16xf32>
        %get3A_1935 = arith.index_cast %add3A_1919 : i32 to index
        %get3A_1936 = arith.constant 48 : index
        %get3A_1937 = tpu.vector_load %arg8[%get3A_1935, %get3A_1936] {strides = array<i32>} : memref<1600x64xf32, #tpu.memory_space<vmem>>, vector<1x16xf32>,
        %get3A_1938 = vector.shape_cast %get3A_1937 : vector<1x16xf32> to vector<16xf32>
        %add3A_1939 = arith.addf %while3A_1917, %get3A_1938 : vector<16xf32>
        scf.yield %add3A_1924, %add3A_1929, %add3A_1934, %add3A_1939 : vector<16xf32>, vector<16xf32>, vector<16xf32>, vector<16xf32>
      }
      %div3A_375 = vector.broadcast %convert_element_type3A_361 : f32 to vector<16xf32>
      %div3A_376 = arith.divf %while3A_374#0, %div3A_375 : vector<16xf32>
      %swap3A_377 = arith.constant 2 : i32
      %swap3A_378 = arith.index_cast %swap3A_377 : i32 to index
      %swap3A_379 = arith.constant 0 : index
      %swap3A_380 = tpu.vector_load %arg10[%swap3A_378, %swap3A_379] {strides = array<i32>} : memref<32x64xf32, #tpu.memory_space<vmem>>, vector<1x16xf32>,
      %swap3A_381 = vector.shape_cast %swap3A_380 : vector<1x16xf32> to vector<16xf32>
      %swap3A_382 = vector.shape_cast %div3A_376 : vector<16xf32> to vector<1x16xf32>
      tpu.vector_store %arg10[%swap3A_378, %swap3A_379], %swap3A_382 {strides = array<i32>} : memref<32x64xf32, #tpu.memory_space<vmem>>, vector<1x16xf32>,
      %div3A_383 = vector.broadcast %convert_element_type3A_361 : f32 to vector<16xf32>
      %div3A_384 = arith.divf %while3A_374#1, %div3A_383 : vector<16xf32>
      %swap3A_385 = arith.constant 2 : i32
      %swap3A_386 = arith.index_cast %swap3A_385 : i32 to index
      %swap3A_387 = arith.constant 16 : index
      %swap3A_388 = tpu.vector_load %arg10[%swap3A_386, %swap3A_387] {strides = array<i32>} : memref<32x64xf32, #tpu.memory_space<vmem>>, vector<1x16xf32>,
      %swap3A_389 = vector.shape_cast %swap3A_388 : vector<1x16xf32> to vector<16xf32>
      %swap3A_390 = vector.shape_cast %div3A_384 : vector<16xf32> to vector<1x16xf32>
      tpu.vector_store %arg10[%swap3A_386, %swap3A_387], %swap3A_390 {strides = array<i32>} : memref<32x64xf32, #tpu.memory_space<vmem>>, vector<1x16xf32>,
      %div3A_391 = vector.broadcast %convert_element_type3A_361 : f32 to vector<16xf32>
      %div3A_392 = arith.divf %while3A_374#2, %div3A_391 : vector<16xf32>
      %swap3A_393 = arith.constant 2 : i32
      %swap3A_394 = arith.index_cast %swap3A_393 : i32 to index
      %swap3A_395 = arith.constant 32 : index
      %swap3A_396 = tpu.vector_load %arg10[%swap3A_394, %swap3A_395] {strides = array<i32>} : memref<32x64xf32, #tpu.memory_space<vmem>>, vector<1x16xf32>,
      %swap3A_397 = vector.shape_cast %swap3A_396 : vector<1x16xf32> to vector<16xf32>
      %swap3A_398 = vector.shape_cast %div3A_392 : vector<16xf32> to vector<1x16xf32>
      tpu.vector_store %arg10[%swap3A_394, %swap3A_395], %swap3A_398 {strides = array<i32>} : memref<32x64xf32, #tpu.memory_space<vmem>>, vector<1x16xf32>,
      %div3A_399 = vector.broadcast %convert_element_type3A_361 : f32 to vector<16xf32>
      %div3A_400 = arith.divf %while3A_374#3, %div3A_399 : vector<16xf32>
      %swap3A_401 = arith.constant 2 : i32
      %swap3A_402 = arith.index_cast %swap3A_401 : i32 to index
      %swap3A_403 = arith.constant 48 : index
      %swap3A_404 = tpu.vector_load %arg10[%swap3A_402, %swap3A_403] {strides = array<i32>} : memref<32x64xf32, #tpu.memory_space<vmem>>, vector<1x16xf32>,
      %swap3A_405 = vector.shape_cast %swap3A_404 : vector<1x16xf32> to vector<16xf32>
      %swap3A_406 = vector.shape_cast %div3A_400 : vector<16xf32> to vector<1x16xf32>
      tpu.vector_store %arg10[%swap3A_402, %swap3A_403], %swap3A_406 {strides = array<i32>} : memref<32x64xf32, #tpu.memory_space<vmem>>, vector<1x16xf32>,
      %slice3A_407 = vector.extract_strided_slice %get3A_176 {offsets = [3], sizes = [1], strides = [1]} : vector<32xi32> to vector<1xi32>
      %squeeze3A_408 = vector.extract %slice3A_407[0] : i32 from vector<1xi32>
      %convert_element_type3A_409 = arith.sitofp %squeeze3A_408 : i32 to f32
      %broadcast_in_dim3A_410 = arith.constant 0.000000e+00 : f32
      %broadcast_in_dim3A_411 = vector.broadcast %broadcast_in_dim3A_410 : f32 to vector<16xf32>
      %while3A_412 = arith.constant 0 : i32
      %while3A_413 = arith.subi %squeeze3A_408, %while3A_412 : i32
      %while3A_414 = arith.addi %while3A_412, %while3A_413 : i32
      %while3A_415 = arith.constant 1 : i32
      %while3A_416 = arith.divsi %while3A_413, %while3A_415 : i32
      %while3A_417 = arith.muli %while3A_416, %while3A_415 : i32
      %while3A_418 = arith.addi %while3A_412, %while3A_417 : i32
      %while3A_419 = arith.constant 1 : i32
      %while3A_420:4 = scf.for %while3A_1913 = %while3A_412 to %while3A_418 step %while3A_419 iter_args(%while3A_1914 = %broadcast_in_dim3A_411, %while3A_1915 = %broadcast_in_dim3A_411, %while3A_1916 = %broadcast_in_dim3A_411, %while3A_1917 = %broadcast_in_dim3A_411) -> (vector<16xf32>, vector<16xf32>, vector<16xf32>, vector<16xf32>)  : i32 {
        %add3A_1918 = arith.constant 150 : i32
        %add3A_1919 = arith.addi %add3A_1918, %while3A_1913 : i32
        %get3A_1920 = arith.index_cast %add3A_1919 : i32 to index
        %get3A_1921 = arith.constant 0 : index
        %get3A_1922 = tpu.vector_load %arg8[%get3A_1920, %get3A_1921] {strides = array<i32>} : memref<1600x64xf32, #tpu.memory_space<vmem>>, vector<1x16xf32>,
        %get3A_1923 = vector.shape_cast %get3A_1922 : vector<1x16xf32> to vector<16xf32>
        %add3A_1924 = arith.addf %while3A_1914, %get3A_1923 : vector<16xf32>
        %get3A_1925 = arith.index_cast %add3A_1919 : i32 to index
        %get3A_1926 = arith.constant 16 : index
        %get3A_1927 = tpu.vector_load %arg8[%get3A_1925, %get3A_1926] {strides = array<i32>} : memref<1600x64xf32, #tpu.memory_space<vmem>>, vector<1x16xf32>,
        %get3A_1928 = vector.shape_cast %get3A_1927 : vector<1x16xf32> to vector<16xf32>
        %add3A_1929 = arith.addf %while3A_1915, %get3A_1928 : vector<16xf32>
        %get3A_1930 = arith.index_cast %add3A_1919 : i32 to index
        %get3A_1931 = arith.constant 32 : index
        %get3A_1932 = tpu.vector_load %arg8[%get3A_1930, %get3A_1931] {strides = array<i32>} : memref<1600x64xf32, #tpu.memory_space<vmem>>, vector<1x16xf32>,
        %get3A_1933 = vector.shape_cast %get3A_1932 : vector<1x16xf32> to vector<16xf32>
        %add3A_1934 = arith.addf %while3A_1916, %get3A_1933 : vector<16xf32>
        %get3A_1935 = arith.index_cast %add3A_1919 : i32 to index
        %get3A_1936 = arith.constant 48 : index
        %get3A_1937 = tpu.vector_load %arg8[%get3A_1935, %get3A_1936] {strides = array<i32>} : memref<1600x64xf32, #tpu.memory_space<vmem>>, vector<1x16xf32>,
        %get3A_1938 = vector.shape_cast %get3A_1937 : vector<1x16xf32> to vector<16xf32>
        %add3A_1939 = arith.addf %while3A_1917, %get3A_1938 : vector<16xf32>
        scf.yield %add3A_1924, %add3A_1929, %add3A_1934, %add3A_1939 : vector<16xf32>, vector<16xf32>, vector<16xf32>, vector<16xf32>
      }
      %while3A_421 = arith.constant 1 : i32
      %while3A_422:4 = scf.for %while3A_1913 = %while3A_418 to %while3A_414 step %while3A_421 iter_args(%while3A_1914 = %while3A_420#0, %while3A_1915 = %while3A_420#1, %while3A_1916 = %while3A_420#2, %while3A_1917 = %while3A_420#3) -> (vector<16xf32>, vector<16xf32>, vector<16xf32>, vector<16xf32>)  : i32 {
        %add3A_1918 = arith.constant 150 : i32
        %add3A_1919 = arith.addi %add3A_1918, %while3A_1913 : i32
        %get3A_1920 = arith.index_cast %add3A_1919 : i32 to index
        %get3A_1921 = arith.constant 0 : index
        %get3A_1922 = tpu.vector_load %arg8[%get3A_1920, %get3A_1921] {strides = array<i32>} : memref<1600x64xf32, #tpu.memory_space<vmem>>, vector<1x16xf32>,
        %get3A_1923 = vector.shape_cast %get3A_1922 : vector<1x16xf32> to vector<16xf32>
        %add3A_1924 = arith.addf %while3A_1914, %get3A_1923 : vector<16xf32>
        %get3A_1925 = arith.index_cast %add3A_1919 : i32 to index
        %get3A_1926 = arith.constant 16 : index
        %get3A_1927 = tpu.vector_load %arg8[%get3A_1925, %get3A_1926] {strides = array<i32>} : memref<1600x64xf32, #tpu.memory_space<vmem>>, vector<1x16xf32>,
        %get3A_1928 = vector.shape_cast %get3A_1927 : vector<1x16xf32> to vector<16xf32>
        %add3A_1929 = arith.addf %while3A_1915, %get3A_1928 : vector<16xf32>
        %get3A_1930 = arith.index_cast %add3A_1919 : i32 to index
        %get3A_1931 = arith.constant 32 : index
        %get3A_1932 = tpu.vector_load %arg8[%get3A_1930, %get3A_1931] {strides = array<i32>} : memref<1600x64xf32, #tpu.memory_space<vmem>>, vector<1x16xf32>,
        %get3A_1933 = vector.shape_cast %get3A_1932 : vector<1x16xf32> to vector<16xf32>
        %add3A_1934 = arith.addf %while3A_1916, %get3A_1933 : vector<16xf32>
        %get3A_1935 = arith.index_cast %add3A_1919 : i32 to index
        %get3A_1936 = arith.constant 48 : index
        %get3A_1937 = tpu.vector_load %arg8[%get3A_1935, %get3A_1936] {strides = array<i32>} : memref<1600x64xf32, #tpu.memory_space<vmem>>, vector<1x16xf32>,
        %get3A_1938 = vector.shape_cast %get3A_1937 : vector<1x16xf32> to vector<16xf32>
        %add3A_1939 = arith.addf %while3A_1917, %get3A_1938 : vector<16xf32>
        scf.yield %add3A_1924, %add3A_1929, %add3A_1934, %add3A_1939 : vector<16xf32>, vector<16xf32>, vector<16xf32>, vector<16xf32>
      }
      %div3A_423 = vector.broadcast %convert_element_type3A_409 : f32 to vector<16xf32>
      %div3A_424 = arith.divf %while3A_422#0, %div3A_423 : vector<16xf32>
      %swap3A_425 = arith.constant 3 : i32
      %swap3A_426 = arith.index_cast %swap3A_425 : i32 to index
      %swap3A_427 = arith.constant 0 : index
      %swap3A_428 = tpu.vector_load %arg10[%swap3A_426, %swap3A_427] {strides = array<i32>} : memref<32x64xf32, #tpu.memory_space<vmem>>, vector<1x16xf32>,
      %swap3A_429 = vector.shape_cast %swap3A_428 : vector<1x16xf32> to vector<16xf32>
      %swap3A_430 = vector.shape_cast %div3A_424 : vector<16xf32> to vector<1x16xf32>
      tpu.vector_store %arg10[%swap3A_426, %swap3A_427], %swap3A_430 {strides = array<i32>} : memref<32x64xf32, #tpu.memory_space<vmem>>, vector<1x16xf32>,
      %div3A_431 = vector.broadcast %convert_element_type3A_409 : f32 to vector<16xf32>
      %div3A_432 = arith.divf %while3A_422#1, %div3A_431 : vector<16xf32>
      %swap3A_433 = arith.constant 3 : i32
      %swap3A_434 = arith.index_cast %swap3A_433 : i32 to index
      %swap3A_435 = arith.constant 16 : index
      %swap3A_436 = tpu.vector_load %arg10[%swap3A_434, %swap3A_435] {strides = array<i32>} : memref<32x64xf32, #tpu.memory_space<vmem>>, vector<1x16xf32>,
      %swap3A_437 = vector.shape_cast %swap3A_436 : vector<1x16xf32> to vector<16xf32>
      %swap3A_438 = vector.shape_cast %div3A_432 : vector<16xf32> to vector<1x16xf32>
      tpu.vector_store %arg10[%swap3A_434, %swap3A_435], %swap3A_438 {strides = array<i32>} : memref<32x64xf32, #tpu.memory_space<vmem>>, vector<1x16xf32>,
      %div3A_439 = vector.broadcast %convert_element_type3A_409 : f32 to vector<16xf32>
      %div3A_440 = arith.divf %while3A_422#2, %div3A_439 : vector<16xf32>
      %swap3A_441 = arith.constant 3 : i32
      %swap3A_442 = arith.index_cast %swap3A_441 : i32 to index
      %swap3A_443 = arith.constant 32 : index
      %swap3A_444 = tpu.vector_load %arg10[%swap3A_442, %swap3A_443] {strides = array<i32>} : memref<32x64xf32, #tpu.memory_space<vmem>>, vector<1x16xf32>,
      %swap3A_445 = vector.shape_cast %swap3A_444 : vector<1x16xf32> to vector<16xf32>
      %swap3A_446 = vector.shape_cast %div3A_440 : vector<16xf32> to vector<1x16xf32>
      tpu.vector_store %arg10[%swap3A_442, %swap3A_443], %swap3A_446 {strides = array<i32>} : memref<32x64xf32, #tpu.memory_space<vmem>>, vector<1x16xf32>,
      %div3A_447 = vector.broadcast %convert_element_type3A_409 : f32 to vector<16xf32>
      %div3A_448 = arith.divf %while3A_422#3, %div3A_447 : vector<16xf32>
      %swap3A_449 = arith.constant 3 : i32
      %swap3A_450 = arith.index_cast %swap3A_449 : i32 to index
      %swap3A_451 = arith.constant 48 : index
      %swap3A_452 = tpu.vector_load %arg10[%swap3A_450, %swap3A_451] {strides = array<i32>} : memref<32x64xf32, #tpu.memory_space<vmem>>, vector<1x16xf32>,
      %swap3A_453 = vector.shape_cast %swap3A_452 : vector<1x16xf32> to vector<16xf32>
      %swap3A_454 = vector.shape_cast %div3A_448 : vector<16xf32> to vector<1x16xf32>
      tpu.vector_store %arg10[%swap3A_450, %swap3A_451], %swap3A_454 {strides = array<i32>} : memref<32x64xf32, #tpu.memory_space<vmem>>, vector<1x16xf32>,
      %slice3A_455 = vector.extract_strided_slice %get3A_176 {offsets = [4], sizes = [1], strides = [1]} : vector<32xi32> to vector<1xi32>
      %squeeze3A_456 = vector.extract %slice3A_455[0] : i32 from vector<1xi32>
      %convert_element_type3A_457 = arith.sitofp %squeeze3A_456 : i32 to f32
      %broadcast_in_dim3A_458 = arith.constant 0.000000e+00 : f32
      %broadcast_in_dim3A_459 = vector.broadcast %broadcast_in_dim3A_458 : f32 to vector<16xf32>
      %while3A_460 = arith.constant 0 : i32
      %while3A_461 = arith.subi %squeeze3A_456, %while3A_460 : i32
      %while3A_462 = arith.addi %while3A_460, %while3A_461 : i32
      %while3A_463 = arith.constant 1 : i32
      %while3A_464 = arith.divsi %while3A_461, %while3A_463 : i32
      %while3A_465 = arith.muli %while3A_464, %while3A_463 : i32
      %while3A_466 = arith.addi %while3A_460, %while3A_465 : i32
      %while3A_467 = arith.constant 1 : i32
      %while3A_468:4 = scf.for %while3A_1913 = %while3A_460 to %while3A_466 step %while3A_467 iter_args(%while3A_1914 = %broadcast_in_dim3A_459, %while3A_1915 = %broadcast_in_dim3A_459, %while3A_1916 = %broadcast_in_dim3A_459, %while3A_1917 = %broadcast_in_dim3A_459) -> (vector<16xf32>, vector<16xf32>, vector<16xf32>, vector<16xf32>)  : i32 {
        %add3A_1918 = arith.constant 200 : i32
        %add3A_1919 = arith.addi %add3A_1918, %while3A_1913 : i32
        %get3A_1920 = arith.index_cast %add3A_1919 : i32 to index
        %get3A_1921 = arith.constant 0 : index
        %get3A_1922 = tpu.vector_load %arg8[%get3A_1920, %get3A_1921] {strides = array<i32>} : memref<1600x64xf32, #tpu.memory_space<vmem>>, vector<1x16xf32>,
        %get3A_1923 = vector.shape_cast %get3A_1922 : vector<1x16xf32> to vector<16xf32>
        %add3A_1924 = arith.addf %while3A_1914, %get3A_1923 : vector<16xf32>
        %get3A_1925 = arith.index_cast %add3A_1919 : i32 to index
        %get3A_1926 = arith.constant 16 : index
        %get3A_1927 = tpu.vector_load %arg8[%get3A_1925, %get3A_1926] {strides = array<i32>} : memref<1600x64xf32, #tpu.memory_space<vmem>>, vector<1x16xf32>,
        %get3A_1928 = vector.shape_cast %get3A_1927 : vector<1x16xf32> to vector<16xf32>
        %add3A_1929 = arith.addf %while3A_1915, %get3A_1928 : vector<16xf32>
        %get3A_1930 = arith.index_cast %add3A_1919 : i32 to index
        %get3A_1931 = arith.constant 32 : index
        %get3A_1932 = tpu.vector_load %arg8[%get3A_1930, %get3A_1931] {strides = array<i32>} : memref<1600x64xf32, #tpu.memory_space<vmem>>, vector<1x16xf32>,
        %get3A_1933 = vector.shape_cast %get3A_1932 : vector<1x16xf32> to vector<16xf32>
        %add3A_1934 = arith.addf %while3A_1916, %get3A_1933 : vector<16xf32>
        %get3A_1935 = arith.index_cast %add3A_1919 : i32 to index
        %get3A_1936 = arith.constant 48 : index
        %get3A_1937 = tpu.vector_load %arg8[%get3A_1935, %get3A_1936] {strides = array<i32>} : memref<1600x64xf32, #tpu.memory_space<vmem>>, vector<1x16xf32>,
        %get3A_1938 = vector.shape_cast %get3A_1937 : vector<1x16xf32> to vector<16xf32>
        %add3A_1939 = arith.addf %while3A_1917, %get3A_1938 : vector<16xf32>
        scf.yield %add3A_1924, %add3A_1929, %add3A_1934, %add3A_1939 : vector<16xf32>, vector<16xf32>, vector<16xf32>, vector<16xf32>
      }
      %while3A_469 = arith.constant 1 : i32
      %while3A_470:4 = scf.for %while3A_1913 = %while3A_466 to %while3A_462 step %while3A_469 iter_args(%while3A_1914 = %while3A_468#0, %while3A_1915 = %while3A_468#1, %while3A_1916 = %while3A_468#2, %while3A_1917 = %while3A_468#3) -> (vector<16xf32>, vector<16xf32>, vector<16xf32>, vector<16xf32>)  : i32 {
        %add3A_1918 = arith.constant 200 : i32
        %add3A_1919 = arith.addi %add3A_1918, %while3A_1913 : i32
        %get3A_1920 = arith.index_cast %add3A_1919 : i32 to index
        %get3A_1921 = arith.constant 0 : index
        %get3A_1922 = tpu.vector_load %arg8[%get3A_1920, %get3A_1921] {strides = array<i32>} : memref<1600x64xf32, #tpu.memory_space<vmem>>, vector<1x16xf32>,
        %get3A_1923 = vector.shape_cast %get3A_1922 : vector<1x16xf32> to vector<16xf32>
        %add3A_1924 = arith.addf %while3A_1914, %get3A_1923 : vector<16xf32>
        %get3A_1925 = arith.index_cast %add3A_1919 : i32 to index
        %get3A_1926 = arith.constant 16 : index
        %get3A_1927 = tpu.vector_load %arg8[%get3A_1925, %get3A_1926] {strides = array<i32>} : memref<1600x64xf32, #tpu.memory_space<vmem>>, vector<1x16xf32>,
        %get3A_1928 = vector.shape_cast %get3A_1927 : vector<1x16xf32> to vector<16xf32>
        %add3A_1929 = arith.addf %while3A_1915, %get3A_1928 : vector<16xf32>
        %get3A_1930 = arith.index_cast %add3A_1919 : i32 to index
        %get3A_1931 = arith.constant 32 : index
        %get3A_1932 = tpu.vector_load %arg8[%get3A_1930, %get3A_1931] {strides = array<i32>} : memref<1600x64xf32, #tpu.memory_space<vmem>>, vector<1x16xf32>,
        %get3A_1933 = vector.shape_cast %get3A_1932 : vector<1x16xf32> to vector<16xf32>
        %add3A_1934 = arith.addf %while3A_1916, %get3A_1933 : vector<16xf32>
        %get3A_1935 = arith.index_cast %add3A_1919 : i32 to index
        %get3A_1936 = arith.constant 48 : index
        %get3A_1937 = tpu.vector_load %arg8[%get3A_1935, %get3A_1936] {strides = array<i32>} : memref<1600x64xf32, #tpu.memory_space<vmem>>, vector<1x16xf32>,
        %get3A_1938 = vector.shape_cast %get3A_1937 : vector<1x16xf32> to vector<16xf32>
        %add3A_1939 = arith.addf %while3A_1917, %get3A_1938 : vector<16xf32>
        scf.yield %add3A_1924, %add3A_1929, %add3A_1934, %add3A_1939 : vector<16xf32>, vector<16xf32>, vector<16xf32>, vector<16xf32>
      }
      %div3A_471 = vector.broadcast %convert_element_type3A_457 : f32 to vector<16xf32>
      %div3A_472 = arith.divf %while3A_470#0, %div3A_471 : vector<16xf32>
      %swap3A_473 = arith.constant 4 : i32
      %swap3A_474 = arith.index_cast %swap3A_473 : i32 to index
      %swap3A_475 = arith.constant 0 : index
      %swap3A_476 = tpu.vector_load %arg10[%swap3A_474, %swap3A_475] {strides = array<i32>} : memref<32x64xf32, #tpu.memory_space<vmem>>, vector<1x16xf32>,
      %swap3A_477 = vector.shape_cast %swap3A_476 : vector<1x16xf32> to vector<16xf32>
      %swap3A_478 = vector.shape_cast %div3A_472 : vector<16xf32> to vector<1x16xf32>
      tpu.vector_store %arg10[%swap3A_474, %swap3A_475], %swap3A_478 {strides = array<i32>} : memref<32x64xf32, #tpu.memory_space<vmem>>, vector<1x16xf32>,
      %div3A_479 = vector.broadcast %convert_element_type3A_457 : f32 to vector<16xf32>
      %div3A_480 = arith.divf %while3A_470#1, %div3A_479 : vector<16xf32>
      %swap3A_481 = arith.constant 4 : i32
      %swap3A_482 = arith.index_cast %swap3A_481 : i32 to index
      %swap3A_483 = arith.constant 16 : index
      %swap3A_484 = tpu.vector_load %arg10[%swap3A_482, %swap3A_483] {strides = array<i32>} : memref<32x64xf32, #tpu.memory_space<vmem>>, vector<1x16xf32>,
      %swap3A_485 = vector.shape_cast %swap3A_484 : vector<1x16xf32> to vector<16xf32>
      %swap3A_486 = vector.shape_cast %div3A_480 : vector<16xf32> to vector<1x16xf32>
      tpu.vector_store %arg10[%swap3A_482, %swap3A_483], %swap3A_486 {strides = array<i32>} : memref<32x64xf32, #tpu.memory_space<vmem>>, vector<1x16xf32>,
      %div3A_487 = vector.broadcast %convert_element_type3A_457 : f32 to vector<16xf32>
      %div3A_488 = arith.divf %while3A_470#2, %div3A_487 : vector<16xf32>
      %swap3A_489 = arith.constant 4 : i32
      %swap3A_490 = arith.index_cast %swap3A_489 : i32 to index
      %swap3A_491 = arith.constant 32 : index
      %swap3A_492 = tpu.vector_load %arg10[%swap3A_490, %swap3A_491] {strides = array<i32>} : memref<32x64xf32, #tpu.memory_space<vmem>>, vector<1x16xf32>,
      %swap3A_493 = vector.shape_cast %swap3A_492 : vector<1x16xf32> to vector<16xf32>
      %swap3A_494 = vector.shape_cast %div3A_488 : vector<16xf32> to vector<1x16xf32>
      tpu.vector_store %arg10[%swap3A_490, %swap3A_491], %swap3A_494 {strides = array<i32>} : memref<32x64xf32, #tpu.memory_space<vmem>>, vector<1x16xf32>,
      %div3A_495 = vector.broadcast %convert_element_type3A_457 : f32 to vector<16xf32>
      %div3A_496 = arith.divf %while3A_470#3, %div3A_495 : vector<16xf32>
      %swap3A_497 = arith.constant 4 : i32
      %swap3A_498 = arith.index_cast %swap3A_497 : i32 to index
      %swap3A_499 = arith.constant 48 : index
      %swap3A_500 = tpu.vector_load %arg10[%swap3A_498, %swap3A_499] {strides = array<i32>} : memref<32x64xf32, #tpu.memory_space<vmem>>, vector<1x16xf32>,
      %swap3A_501 = vector.shape_cast %swap3A_500 : vector<1x16xf32> to vector<16xf32>
      %swap3A_502 = vector.shape_cast %div3A_496 : vector<16xf32> to vector<1x16xf32>
      tpu.vector_store %arg10[%swap3A_498, %swap3A_499], %swap3A_502 {strides = array<i32>} : memref<32x64xf32, #tpu.memory_space<vmem>>, vector<1x16xf32>,
      %slice3A_503 = vector.extract_strided_slice %get3A_176 {offsets = [5], sizes = [1], strides = [1]} : vector<32xi32> to vector<1xi32>
      %squeeze3A_504 = vector.extract %slice3A_503[0] : i32 from vector<1xi32>
      %convert_element_type3A_505 = arith.sitofp %squeeze3A_504 : i32 to f32
      %broadcast_in_dim3A_506 = arith.constant 0.000000e+00 : f32
      %broadcast_in_dim3A_507 = vector.broadcast %broadcast_in_dim3A_506 : f32 to vector<16xf32>
      %while3A_508 = arith.constant 0 : i32
      %while3A_509 = arith.subi %squeeze3A_504, %while3A_508 : i32
      %while3A_510 = arith.addi %while3A_508, %while3A_509 : i32
      %while3A_511 = arith.constant 1 : i32
      %while3A_512 = arith.divsi %while3A_509, %while3A_511 : i32
      %while3A_513 = arith.muli %while3A_512, %while3A_511 : i32
      %while3A_514 = arith.addi %while3A_508, %while3A_513 : i32
      %while3A_515 = arith.constant 1 : i32
      %while3A_516:4 = scf.for %while3A_1913 = %while3A_508 to %while3A_514 step %while3A_515 iter_args(%while3A_1914 = %broadcast_in_dim3A_507, %while3A_1915 = %broadcast_in_dim3A_507, %while3A_1916 = %broadcast_in_dim3A_507, %while3A_1917 = %broadcast_in_dim3A_507) -> (vector<16xf32>, vector<16xf32>, vector<16xf32>, vector<16xf32>)  : i32 {
        %add3A_1918 = arith.constant 250 : i32
        %add3A_1919 = arith.addi %add3A_1918, %while3A_1913 : i32
        %get3A_1920 = arith.index_cast %add3A_1919 : i32 to index
        %get3A_1921 = arith.constant 0 : index
        %get3A_1922 = tpu.vector_load %arg8[%get3A_1920, %get3A_1921] {strides = array<i32>} : memref<1600x64xf32, #tpu.memory_space<vmem>>, vector<1x16xf32>,
        %get3A_1923 = vector.shape_cast %get3A_1922 : vector<1x16xf32> to vector<16xf32>
        %add3A_1924 = arith.addf %while3A_1914, %get3A_1923 : vector<16xf32>
        %get3A_1925 = arith.index_cast %add3A_1919 : i32 to index
        %get3A_1926 = arith.constant 16 : index
        %get3A_1927 = tpu.vector_load %arg8[%get3A_1925, %get3A_1926] {strides = array<i32>} : memref<1600x64xf32, #tpu.memory_space<vmem>>, vector<1x16xf32>,
        %get3A_1928 = vector.shape_cast %get3A_1927 : vector<1x16xf32> to vector<16xf32>
        %add3A_1929 = arith.addf %while3A_1915, %get3A_1928 : vector<16xf32>
        %get3A_1930 = arith.index_cast %add3A_1919 : i32 to index
        %get3A_1931 = arith.constant 32 : index
        %get3A_1932 = tpu.vector_load %arg8[%get3A_1930, %get3A_1931] {strides = array<i32>} : memref<1600x64xf32, #tpu.memory_space<vmem>>, vector<1x16xf32>,
        %get3A_1933 = vector.shape_cast %get3A_1932 : vector<1x16xf32> to vector<16xf32>
        %add3A_1934 = arith.addf %while3A_1916, %get3A_1933 : vector<16xf32>
        %get3A_1935 = arith.index_cast %add3A_1919 : i32 to index
        %get3A_1936 = arith.constant 48 : index
        %get3A_1937 = tpu.vector_load %arg8[%get3A_1935, %get3A_1936] {strides = array<i32>} : memref<1600x64xf32, #tpu.memory_space<vmem>>, vector<1x16xf32>,
        %get3A_1938 = vector.shape_cast %get3A_1937 : vector<1x16xf32> to vector<16xf32>
        %add3A_1939 = arith.addf %while3A_1917, %get3A_1938 : vector<16xf32>
        scf.yield %add3A_1924, %add3A_1929, %add3A_1934, %add3A_1939 : vector<16xf32>, vector<16xf32>, vector<16xf32>, vector<16xf32>
      }
      %while3A_517 = arith.constant 1 : i32
      %while3A_518:4 = scf.for %while3A_1913 = %while3A_514 to %while3A_510 step %while3A_517 iter_args(%while3A_1914 = %while3A_516#0, %while3A_1915 = %while3A_516#1, %while3A_1916 = %while3A_516#2, %while3A_1917 = %while3A_516#3) -> (vector<16xf32>, vector<16xf32>, vector<16xf32>, vector<16xf32>)  : i32 {
        %add3A_1918 = arith.constant 250 : i32
        %add3A_1919 = arith.addi %add3A_1918, %while3A_1913 : i32
        %get3A_1920 = arith.index_cast %add3A_1919 : i32 to index
        %get3A_1921 = arith.constant 0 : index
        %get3A_1922 = tpu.vector_load %arg8[%get3A_1920, %get3A_1921] {strides = array<i32>} : memref<1600x64xf32, #tpu.memory_space<vmem>>, vector<1x16xf32>,
        %get3A_1923 = vector.shape_cast %get3A_1922 : vector<1x16xf32> to vector<16xf32>
        %add3A_1924 = arith.addf %while3A_1914, %get3A_1923 : vector<16xf32>
        %get3A_1925 = arith.index_cast %add3A_1919 : i32 to index
        %get3A_1926 = arith.constant 16 : index
        %get3A_1927 = tpu.vector_load %arg8[%get3A_1925, %get3A_1926] {strides = array<i32>} : memref<1600x64xf32, #tpu.memory_space<vmem>>, vector<1x16xf32>,
        %get3A_1928 = vector.shape_cast %get3A_1927 : vector<1x16xf32> to vector<16xf32>
        %add3A_1929 = arith.addf %while3A_1915, %get3A_1928 : vector<16xf32>
        %get3A_1930 = arith.index_cast %add3A_1919 : i32 to index
        %get3A_1931 = arith.constant 32 : index
        %get3A_1932 = tpu.vector_load %arg8[%get3A_1930, %get3A_1931] {strides = array<i32>} : memref<1600x64xf32, #tpu.memory_space<vmem>>, vector<1x16xf32>,
        %get3A_1933 = vector.shape_cast %get3A_1932 : vector<1x16xf32> to vector<16xf32>
        %add3A_1934 = arith.addf %while3A_1916, %get3A_1933 : vector<16xf32>
        %get3A_1935 = arith.index_cast %add3A_1919 : i32 to index
        %get3A_1936 = arith.constant 48 : index
        %get3A_1937 = tpu.vector_load %arg8[%get3A_1935, %get3A_1936] {strides = array<i32>} : memref<1600x64xf32, #tpu.memory_space<vmem>>, vector<1x16xf32>,
        %get3A_1938 = vector.shape_cast %get3A_1937 : vector<1x16xf32> to vector<16xf32>
        %add3A_1939 = arith.addf %while3A_1917, %get3A_1938 : vector<16xf32>
        scf.yield %add3A_1924, %add3A_1929, %add3A_1934, %add3A_1939 : vector<16xf32>, vector<16xf32>, vector<16xf32>, vector<16xf32>
      }
      %div3A_519 = vector.broadcast %convert_element_type3A_505 : f32 to vector<16xf32>
      %div3A_520 = arith.divf %while3A_518#0, %div3A_519 : vector<16xf32>
      %swap3A_521 = arith.constant 5 : i32
      %swap3A_522 = arith.index_cast %swap3A_521 : i32 to index
      %swap3A_523 = arith.constant 0 : index
      %swap3A_524 = tpu.vector_load %arg10[%swap3A_522, %swap3A_523] {strides = array<i32>} : memref<32x64xf32, #tpu.memory_space<vmem>>, vector<1x16xf32>,
      %swap3A_525 = vector.shape_cast %swap3A_524 : vector<1x16xf32> to vector<16xf32>
      %swap3A_526 = vector.shape_cast %div3A_520 : vector<16xf32> to vector<1x16xf32>
      tpu.vector_store %arg10[%swap3A_522, %swap3A_523], %swap3A_526 {strides = array<i32>} : memref<32x64xf32, #tpu.memory_space<vmem>>, vector<1x16xf32>,
      %div3A_527 = vector.broadcast %convert_element_type3A_505 : f32 to vector<16xf32>
      %div3A_528 = arith.divf %while3A_518#1, %div3A_527 : vector<16xf32>
      %swap3A_529 = arith.constant 5 : i32
      %swap3A_530 = arith.index_cast %swap3A_529 : i32 to index
      %swap3A_531 = arith.constant 16 : index
      %swap3A_532 = tpu.vector_load %arg10[%swap3A_530, %swap3A_531] {strides = array<i32>} : memref<32x64xf32, #tpu.memory_space<vmem>>, vector<1x16xf32>,
      %swap3A_533 = vector.shape_cast %swap3A_532 : vector<1x16xf32> to vector<16xf32>
      %swap3A_534 = vector.shape_cast %div3A_528 : vector<16xf32> to vector<1x16xf32>
      tpu.vector_store %arg10[%swap3A_530, %swap3A_531], %swap3A_534 {strides = array<i32>} : memref<32x64xf32, #tpu.memory_space<vmem>>, vector<1x16xf32>,
      %div3A_535 = vector.broadcast %convert_element_type3A_505 : f32 to vector<16xf32>
      %div3A_536 = arith.divf %while3A_518#2, %div3A_535 : vector<16xf32>
      %swap3A_537 = arith.constant 5 : i32
      %swap3A_538 = arith.index_cast %swap3A_537 : i32 to index
      %swap3A_539 = arith.constant 32 : index
      %swap3A_540 = tpu.vector_load %arg10[%swap3A_538, %swap3A_539] {strides = array<i32>} : memref<32x64xf32, #tpu.memory_space<vmem>>, vector<1x16xf32>,
      %swap3A_541 = vector.shape_cast %swap3A_540 : vector<1x16xf32> to vector<16xf32>
      %swap3A_542 = vector.shape_cast %div3A_536 : vector<16xf32> to vector<1x16xf32>
      tpu.vector_store %arg10[%swap3A_538, %swap3A_539], %swap3A_542 {strides = array<i32>} : memref<32x64xf32, #tpu.memory_space<vmem>>, vector<1x16xf32>,
      %div3A_543 = vector.broadcast %convert_element_type3A_505 : f32 to vector<16xf32>
      %div3A_544 = arith.divf %while3A_518#3, %div3A_543 : vector<16xf32>
      %swap3A_545 = arith.constant 5 : i32
      %swap3A_546 = arith.index_cast %swap3A_545 : i32 to index
      %swap3A_547 = arith.constant 48 : index
      %swap3A_548 = tpu.vector_load %arg10[%swap3A_546, %swap3A_547] {strides = array<i32>} : memref<32x64xf32, #tpu.memory_space<vmem>>, vector<1x16xf32>,
      %swap3A_549 = vector.shape_cast %swap3A_548 : vector<1x16xf32> to vector<16xf32>
      %swap3A_550 = vector.shape_cast %div3A_544 : vector<16xf32> to vector<1x16xf32>
      tpu.vector_store %arg10[%swap3A_546, %swap3A_547], %swap3A_550 {strides = array<i32>} : memref<32x64xf32, #tpu.memory_space<vmem>>, vector<1x16xf32>,
      %slice3A_551 = vector.extract_strided_slice %get3A_176 {offsets = [6], sizes = [1], strides = [1]} : vector<32xi32> to vector<1xi32>
      %squeeze3A_552 = vector.extract %slice3A_551[0] : i32 from vector<1xi32>
      %convert_element_type3A_553 = arith.sitofp %squeeze3A_552 : i32 to f32
      %broadcast_in_dim3A_554 = arith.constant 0.000000e+00 : f32
      %broadcast_in_dim3A_555 = vector.broadcast %broadcast_in_dim3A_554 : f32 to vector<16xf32>
      %while3A_556 = arith.constant 0 : i32
      %while3A_557 = arith.subi %squeeze3A_552, %while3A_556 : i32
      %while3A_558 = arith.addi %while3A_556, %while3A_557 : i32
      %while3A_559 = arith.constant 1 : i32
      %while3A_560 = arith.divsi %while3A_557, %while3A_559 : i32
      %while3A_561 = arith.muli %while3A_560, %while3A_559 : i32
      %while3A_562 = arith.addi %while3A_556, %while3A_561 : i32
      %while3A_563 = arith.constant 1 : i32
      %while3A_564:4 = scf.for %while3A_1913 = %while3A_556 to %while3A_562 step %while3A_563 iter_args(%while3A_1914 = %broadcast_in_dim3A_555, %while3A_1915 = %broadcast_in_dim3A_555, %while3A_1916 = %broadcast_in_dim3A_555, %while3A_1917 = %broadcast_in_dim3A_555) -> (vector<16xf32>, vector<16xf32>, vector<16xf32>, vector<16xf32>)  : i32 {
        %add3A_1918 = arith.constant 300 : i32
        %add3A_1919 = arith.addi %add3A_1918, %while3A_1913 : i32
        %get3A_1920 = arith.index_cast %add3A_1919 : i32 to index
        %get3A_1921 = arith.constant 0 : index
        %get3A_1922 = tpu.vector_load %arg8[%get3A_1920, %get3A_1921] {strides = array<i32>} : memref<1600x64xf32, #tpu.memory_space<vmem>>, vector<1x16xf32>,
        %get3A_1923 = vector.shape_cast %get3A_1922 : vector<1x16xf32> to vector<16xf32>
        %add3A_1924 = arith.addf %while3A_1914, %get3A_1923 : vector<16xf32>
        %get3A_1925 = arith.index_cast %add3A_1919 : i32 to index
        %get3A_1926 = arith.constant 16 : index
        %get3A_1927 = tpu.vector_load %arg8[%get3A_1925, %get3A_1926] {strides = array<i32>} : memref<1600x64xf32, #tpu.memory_space<vmem>>, vector<1x16xf32>,
        %get3A_1928 = vector.shape_cast %get3A_1927 : vector<1x16xf32> to vector<16xf32>
        %add3A_1929 = arith.addf %while3A_1915, %get3A_1928 : vector<16xf32>
        %get3A_1930 = arith.index_cast %add3A_1919 : i32 to index
        %get3A_1931 = arith.constant 32 : index
        %get3A_1932 = tpu.vector_load %arg8[%get3A_1930, %get3A_1931] {strides = array<i32>} : memref<1600x64xf32, #tpu.memory_space<vmem>>, vector<1x16xf32>,
        %get3A_1933 = vector.shape_cast %get3A_1932 : vector<1x16xf32> to vector<16xf32>
        %add3A_1934 = arith.addf %while3A_1916, %get3A_1933 : vector<16xf32>
        %get3A_1935 = arith.index_cast %add3A_1919 : i32 to index
        %get3A_1936 = arith.constant 48 : index
        %get3A_1937 = tpu.vector_load %arg8[%get3A_1935, %get3A_1936] {strides = array<i32>} : memref<1600x64xf32, #tpu.memory_space<vmem>>, vector<1x16xf32>,
        %get3A_1938 = vector.shape_cast %get3A_1937 : vector<1x16xf32> to vector<16xf32>
        %add3A_1939 = arith.addf %while3A_1917, %get3A_1938 : vector<16xf32>
        scf.yield %add3A_1924, %add3A_1929, %add3A_1934, %add3A_1939 : vector<16xf32>, vector<16xf32>, vector<16xf32>, vector<16xf32>
      }
      %while3A_565 = arith.constant 1 : i32
      %while3A_566:4 = scf.for %while3A_1913 = %while3A_562 to %while3A_558 step %while3A_565 iter_args(%while3A_1914 = %while3A_564#0, %while3A_1915 = %while3A_564#1, %while3A_1916 = %while3A_564#2, %while3A_1917 = %while3A_564#3) -> (vector<16xf32>, vector<16xf32>, vector<16xf32>, vector<16xf32>)  : i32 {
        %add3A_1918 = arith.constant 300 : i32
        %add3A_1919 = arith.addi %add3A_1918, %while3A_1913 : i32
        %get3A_1920 = arith.index_cast %add3A_1919 : i32 to index
        %get3A_1921 = arith.constant 0 : index
        %get3A_1922 = tpu.vector_load %arg8[%get3A_1920, %get3A_1921] {strides = array<i32>} : memref<1600x64xf32, #tpu.memory_space<vmem>>, vector<1x16xf32>,
        %get3A_1923 = vector.shape_cast %get3A_1922 : vector<1x16xf32> to vector<16xf32>
        %add3A_1924 = arith.addf %while3A_1914, %get3A_1923 : vector<16xf32>
        %get3A_1925 = arith.index_cast %add3A_1919 : i32 to index
        %get3A_1926 = arith.constant 16 : index
        %get3A_1927 = tpu.vector_load %arg8[%get3A_1925, %get3A_1926] {strides = array<i32>} : memref<1600x64xf32, #tpu.memory_space<vmem>>, vector<1x16xf32>,
        %get3A_1928 = vector.shape_cast %get3A_1927 : vector<1x16xf32> to vector<16xf32>
        %add3A_1929 = arith.addf %while3A_1915, %get3A_1928 : vector<16xf32>
        %get3A_1930 = arith.index_cast %add3A_1919 : i32 to index
        %get3A_1931 = arith.constant 32 : index
        %get3A_1932 = tpu.vector_load %arg8[%get3A_1930, %get3A_1931] {strides = array<i32>} : memref<1600x64xf32, #tpu.memory_space<vmem>>, vector<1x16xf32>,
        %get3A_1933 = vector.shape_cast %get3A_1932 : vector<1x16xf32> to vector<16xf32>
        %add3A_1934 = arith.addf %while3A_1916, %get3A_1933 : vector<16xf32>
        %get3A_1935 = arith.index_cast %add3A_1919 : i32 to index
        %get3A_1936 = arith.constant 48 : index
        %get3A_1937 = tpu.vector_load %arg8[%get3A_1935, %get3A_1936] {strides = array<i32>} : memref<1600x64xf32, #tpu.memory_space<vmem>>, vector<1x16xf32>,
        %get3A_1938 = vector.shape_cast %get3A_1937 : vector<1x16xf32> to vector<16xf32>
        %add3A_1939 = arith.addf %while3A_1917, %get3A_1938 : vector<16xf32>
        scf.yield %add3A_1924, %add3A_1929, %add3A_1934, %add3A_1939 : vector<16xf32>, vector<16xf32>, vector<16xf32>, vector<16xf32>
      }
      %div3A_567 = vector.broadcast %convert_element_type3A_553 : f32 to vector<16xf32>
      %div3A_568 = arith.divf %while3A_566#0, %div3A_567 : vector<16xf32>
      %swap3A_569 = arith.constant 6 : i32
      %swap3A_570 = arith.index_cast %swap3A_569 : i32 to index
      %swap3A_571 = arith.constant 0 : index
      %swap3A_572 = tpu.vector_load %arg10[%swap3A_570, %swap3A_571] {strides = array<i32>} : memref<32x64xf32, #tpu.memory_space<vmem>>, vector<1x16xf32>,
      %swap3A_573 = vector.shape_cast %swap3A_572 : vector<1x16xf32> to vector<16xf32>
      %swap3A_574 = vector.shape_cast %div3A_568 : vector<16xf32> to vector<1x16xf32>
      tpu.vector_store %arg10[%swap3A_570, %swap3A_571], %swap3A_574 {strides = array<i32>} : memref<32x64xf32, #tpu.memory_space<vmem>>, vector<1x16xf32>,
      %div3A_575 = vector.broadcast %convert_element_type3A_553 : f32 to vector<16xf32>
      %div3A_576 = arith.divf %while3A_566#1, %div3A_575 : vector<16xf32>
      %swap3A_577 = arith.constant 6 : i32
      %swap3A_578 = arith.index_cast %swap3A_577 : i32 to index
      %swap3A_579 = arith.constant 16 : index
      %swap3A_580 = tpu.vector_load %arg10[%swap3A_578, %swap3A_579] {strides = array<i32>} : memref<32x64xf32, #tpu.memory_space<vmem>>, vector<1x16xf32>,
      %swap3A_581 = vector.shape_cast %swap3A_580 : vector<1x16xf32> to vector<16xf32>
      %swap3A_582 = vector.shape_cast %div3A_576 : vector<16xf32> to vector<1x16xf32>
      tpu.vector_store %arg10[%swap3A_578, %swap3A_579], %swap3A_582 {strides = array<i32>} : memref<32x64xf32, #tpu.memory_space<vmem>>, vector<1x16xf32>,
      %div3A_583 = vector.broadcast %convert_element_type3A_553 : f32 to vector<16xf32>
      %div3A_584 = arith.divf %while3A_566#2, %div3A_583 : vector<16xf32>
      %swap3A_585 = arith.constant 6 : i32
      %swap3A_586 = arith.index_cast %swap3A_585 : i32 to index
      %swap3A_587 = arith.constant 32 : index
      %swap3A_588 = tpu.vector_load %arg10[%swap3A_586, %swap3A_587] {strides = array<i32>} : memref<32x64xf32, #tpu.memory_space<vmem>>, vector<1x16xf32>,
      %swap3A_589 = vector.shape_cast %swap3A_588 : vector<1x16xf32> to vector<16xf32>
      %swap3A_590 = vector.shape_cast %div3A_584 : vector<16xf32> to vector<1x16xf32>
      tpu.vector_store %arg10[%swap3A_586, %swap3A_587], %swap3A_590 {strides = array<i32>} : memref<32x64xf32, #tpu.memory_space<vmem>>, vector<1x16xf32>,
      %div3A_591 = vector.broadcast %convert_element_type3A_553 : f32 to vector<16xf32>
      %div3A_592 = arith.divf %while3A_566#3, %div3A_591 : vector<16xf32>
      %swap3A_593 = arith.constant 6 : i32
      %swap3A_594 = arith.index_cast %swap3A_593 : i32 to index
      %swap3A_595 = arith.constant 48 : index
      %swap3A_596 = tpu.vector_load %arg10[%swap3A_594, %swap3A_595] {strides = array<i32>} : memref<32x64xf32, #tpu.memory_space<vmem>>, vector<1x16xf32>,
      %swap3A_597 = vector.shape_cast %swap3A_596 : vector<1x16xf32> to vector<16xf32>
      %swap3A_598 = vector.shape_cast %div3A_592 : vector<16xf32> to vector<1x16xf32>
      tpu.vector_store %arg10[%swap3A_594, %swap3A_595], %swap3A_598 {strides = array<i32>} : memref<32x64xf32, #tpu.memory_space<vmem>>, vector<1x16xf32>,
      %slice3A_599 = vector.extract_strided_slice %get3A_176 {offsets = [7], sizes = [1], strides = [1]} : vector<32xi32> to vector<1xi32>
      %squeeze3A_600 = vector.extract %slice3A_599[0] : i32 from vector<1xi32>
      %convert_element_type3A_601 = arith.sitofp %squeeze3A_600 : i32 to f32
      %broadcast_in_dim3A_602 = arith.constant 0.000000e+00 : f32
      %broadcast_in_dim3A_603 = vector.broadcast %broadcast_in_dim3A_602 : f32 to vector<16xf32>
      %while3A_604 = arith.constant 0 : i32
      %while3A_605 = arith.subi %squeeze3A_600, %while3A_604 : i32
      %while3A_606 = arith.addi %while3A_604, %while3A_605 : i32
      %while3A_607 = arith.constant 1 : i32
      %while3A_608 = arith.divsi %while3A_605, %while3A_607 : i32
      %while3A_609 = arith.muli %while3A_608, %while3A_607 : i32
      %while3A_610 = arith.addi %while3A_604, %while3A_609 : i32
      %while3A_611 = arith.constant 1 : i32
      %while3A_612:4 = scf.for %while3A_1913 = %while3A_604 to %while3A_610 step %while3A_611 iter_args(%while3A_1914 = %broadcast_in_dim3A_603, %while3A_1915 = %broadcast_in_dim3A_603, %while3A_1916 = %broadcast_in_dim3A_603, %while3A_1917 = %broadcast_in_dim3A_603) -> (vector<16xf32>, vector<16xf32>, vector<16xf32>, vector<16xf32>)  : i32 {
        %add3A_1918 = arith.constant 350 : i32
        %add3A_1919 = arith.addi %add3A_1918, %while3A_1913 : i32
        %get3A_1920 = arith.index_cast %add3A_1919 : i32 to index
        %get3A_1921 = arith.constant 0 : index
        %get3A_1922 = tpu.vector_load %arg8[%get3A_1920, %get3A_1921] {strides = array<i32>} : memref<1600x64xf32, #tpu.memory_space<vmem>>, vector<1x16xf32>,
        %get3A_1923 = vector.shape_cast %get3A_1922 : vector<1x16xf32> to vector<16xf32>
        %add3A_1924 = arith.addf %while3A_1914, %get3A_1923 : vector<16xf32>
        %get3A_1925 = arith.index_cast %add3A_1919 : i32 to index
        %get3A_1926 = arith.constant 16 : index
        %get3A_1927 = tpu.vector_load %arg8[%get3A_1925, %get3A_1926] {strides = array<i32>} : memref<1600x64xf32, #tpu.memory_space<vmem>>, vector<1x16xf32>,
        %get3A_1928 = vector.shape_cast %get3A_1927 : vector<1x16xf32> to vector<16xf32>
        %add3A_1929 = arith.addf %while3A_1915, %get3A_1928 : vector<16xf32>
        %get3A_1930 = arith.index_cast %add3A_1919 : i32 to index
        %get3A_1931 = arith.constant 32 : index
        %get3A_1932 = tpu.vector_load %arg8[%get3A_1930, %get3A_1931] {strides = array<i32>} : memref<1600x64xf32, #tpu.memory_space<vmem>>, vector<1x16xf32>,
        %get3A_1933 = vector.shape_cast %get3A_1932 : vector<1x16xf32> to vector<16xf32>
        %add3A_1934 = arith.addf %while3A_1916, %get3A_1933 : vector<16xf32>
        %get3A_1935 = arith.index_cast %add3A_1919 : i32 to index
        %get3A_1936 = arith.constant 48 : index
        %get3A_1937 = tpu.vector_load %arg8[%get3A_1935, %get3A_1936] {strides = array<i32>} : memref<1600x64xf32, #tpu.memory_space<vmem>>, vector<1x16xf32>,
        %get3A_1938 = vector.shape_cast %get3A_1937 : vector<1x16xf32> to vector<16xf32>
        %add3A_1939 = arith.addf %while3A_1917, %get3A_1938 : vector<16xf32>
        scf.yield %add3A_1924, %add3A_1929, %add3A_1934, %add3A_1939 : vector<16xf32>, vector<16xf32>, vector<16xf32>, vector<16xf32>
      }
      %while3A_613 = arith.constant 1 : i32
      %while3A_614:4 = scf.for %while3A_1913 = %while3A_610 to %while3A_606 step %while3A_613 iter_args(%while3A_1914 = %while3A_612#0, %while3A_1915 = %while3A_612#1, %while3A_1916 = %while3A_612#2, %while3A_1917 = %while3A_612#3) -> (vector<16xf32>, vector<16xf32>, vector<16xf32>, vector<16xf32>)  : i32 {
        %add3A_1918 = arith.constant 350 : i32
        %add3A_1919 = arith.addi %add3A_1918, %while3A_1913 : i32
        %get3A_1920 = arith.index_cast %add3A_1919 : i32 to index
        %get3A_1921 = arith.constant 0 : index
        %get3A_1922 = tpu.vector_load %arg8[%get3A_1920, %get3A_1921] {strides = array<i32>} : memref<1600x64xf32, #tpu.memory_space<vmem>>, vector<1x16xf32>,
        %get3A_1923 = vector.shape_cast %get3A_1922 : vector<1x16xf32> to vector<16xf32>
        %add3A_1924 = arith.addf %while3A_1914, %get3A_1923 : vector<16xf32>
        %get3A_1925 = arith.index_cast %add3A_1919 : i32 to index
        %get3A_1926 = arith.constant 16 : index
        %get3A_1927 = tpu.vector_load %arg8[%get3A_1925, %get3A_1926] {strides = array<i32>} : memref<1600x64xf32, #tpu.memory_space<vmem>>, vector<1x16xf32>,
        %get3A_1928 = vector.shape_cast %get3A_1927 : vector<1x16xf32> to vector<16xf32>
        %add3A_1929 = arith.addf %while3A_1915, %get3A_1928 : vector<16xf32>
        %get3A_1930 = arith.index_cast %add3A_1919 : i32 to index
        %get3A_1931 = arith.constant 32 : index
        %get3A_1932 = tpu.vector_load %arg8[%get3A_1930, %get3A_1931] {strides = array<i32>} : memref<1600x64xf32, #tpu.memory_space<vmem>>, vector<1x16xf32>,
        %get3A_1933 = vector.shape_cast %get3A_1932 : vector<1x16xf32> to vector<16xf32>
        %add3A_1934 = arith.addf %while3A_1916, %get3A_1933 : vector<16xf32>
        %get3A_1935 = arith.index_cast %add3A_1919 : i32 to index
        %get3A_1936 = arith.constant 48 : index
        %get3A_1937 = tpu.vector_load %arg8[%get3A_1935, %get3A_1936] {strides = array<i32>} : memref<1600x64xf32, #tpu.memory_space<vmem>>, vector<1x16xf32>,
        %get3A_1938 = vector.shape_cast %get3A_1937 : vector<1x16xf32> to vector<16xf32>
        %add3A_1939 = arith.addf %while3A_1917, %get3A_1938 : vector<16xf32>
        scf.yield %add3A_1924, %add3A_1929, %add3A_1934, %add3A_1939 : vector<16xf32>, vector<16xf32>, vector<16xf32>, vector<16xf32>
      }
      %div3A_615 = vector.broadcast %convert_element_type3A_601 : f32 to vector<16xf32>
      %div3A_616 = arith.divf %while3A_614#0, %div3A_615 : vector<16xf32>
      %swap3A_617 = arith.constant 7 : i32
      %swap3A_618 = arith.index_cast %swap3A_617 : i32 to index
      %swap3A_619 = arith.constant 0 : index
      %swap3A_620 = tpu.vector_load %arg10[%swap3A_618, %swap3A_619] {strides = array<i32>} : memref<32x64xf32, #tpu.memory_space<vmem>>, vector<1x16xf32>,
      %swap3A_621 = vector.shape_cast %swap3A_620 : vector<1x16xf32> to vector<16xf32>
      %swap3A_622 = vector.shape_cast %div3A_616 : vector<16xf32> to vector<1x16xf32>
      tpu.vector_store %arg10[%swap3A_618, %swap3A_619], %swap3A_622 {strides = array<i32>} : memref<32x64xf32, #tpu.memory_space<vmem>>, vector<1x16xf32>,
      %div3A_623 = vector.broadcast %convert_element_type3A_601 : f32 to vector<16xf32>
      %div3A_624 = arith.divf %while3A_614#1, %div3A_623 : vector<16xf32>
      %swap3A_625 = arith.constant 7 : i32
      %swap3A_626 = arith.index_cast %swap3A_625 : i32 to index
      %swap3A_627 = arith.constant 16 : index
      %swap3A_628 = tpu.vector_load %arg10[%swap3A_626, %swap3A_627] {strides = array<i32>} : memref<32x64xf32, #tpu.memory_space<vmem>>, vector<1x16xf32>,
      %swap3A_629 = vector.shape_cast %swap3A_628 : vector<1x16xf32> to vector<16xf32>
      %swap3A_630 = vector.shape_cast %div3A_624 : vector<16xf32> to vector<1x16xf32>
      tpu.vector_store %arg10[%swap3A_626, %swap3A_627], %swap3A_630 {strides = array<i32>} : memref<32x64xf32, #tpu.memory_space<vmem>>, vector<1x16xf32>,
      %div3A_631 = vector.broadcast %convert_element_type3A_601 : f32 to vector<16xf32>
      %div3A_632 = arith.divf %while3A_614#2, %div3A_631 : vector<16xf32>
      %swap3A_633 = arith.constant 7 : i32
      %swap3A_634 = arith.index_cast %swap3A_633 : i32 to index
      %swap3A_635 = arith.constant 32 : index
      %swap3A_636 = tpu.vector_load %arg10[%swap3A_634, %swap3A_635] {strides = array<i32>} : memref<32x64xf32, #tpu.memory_space<vmem>>, vector<1x16xf32>,
      %swap3A_637 = vector.shape_cast %swap3A_636 : vector<1x16xf32> to vector<16xf32>
      %swap3A_638 = vector.shape_cast %div3A_632 : vector<16xf32> to vector<1x16xf32>
      tpu.vector_store %arg10[%swap3A_634, %swap3A_635], %swap3A_638 {strides = array<i32>} : memref<32x64xf32, #tpu.memory_space<vmem>>, vector<1x16xf32>,
      %div3A_639 = vector.broadcast %convert_element_type3A_601 : f32 to vector<16xf32>
      %div3A_640 = arith.divf %while3A_614#3, %div3A_639 : vector<16xf32>
      %swap3A_641 = arith.constant 7 : i32
      %swap3A_642 = arith.index_cast %swap3A_641 : i32 to index
      %swap3A_643 = arith.constant 48 : index
      %swap3A_644 = tpu.vector_load %arg10[%swap3A_642, %swap3A_643] {strides = array<i32>} : memref<32x64xf32, #tpu.memory_space<vmem>>, vector<1x16xf32>,
      %swap3A_645 = vector.shape_cast %swap3A_644 : vector<1x16xf32> to vector<16xf32>
      %swap3A_646 = vector.shape_cast %div3A_640 : vector<16xf32> to vector<1x16xf32>
      tpu.vector_store %arg10[%swap3A_642, %swap3A_643], %swap3A_646 {strides = array<i32>} : memref<32x64xf32, #tpu.memory_space<vmem>>, vector<1x16xf32>,
      %slice3A_647 = vector.extract_strided_slice %get3A_176 {offsets = [8], sizes = [1], strides = [1]} : vector<32xi32> to vector<1xi32>
      %squeeze3A_648 = vector.extract %slice3A_647[0] : i32 from vector<1xi32>
      %convert_element_type3A_649 = arith.sitofp %squeeze3A_648 : i32 to f32
      %broadcast_in_dim3A_650 = arith.constant 0.000000e+00 : f32
      %broadcast_in_dim3A_651 = vector.broadcast %broadcast_in_dim3A_650 : f32 to vector<16xf32>
      %while3A_652 = arith.constant 0 : i32
      %while3A_653 = arith.subi %squeeze3A_648, %while3A_652 : i32
      %while3A_654 = arith.addi %while3A_652, %while3A_653 : i32
      %while3A_655 = arith.constant 1 : i32
      %while3A_656 = arith.divsi %while3A_653, %while3A_655 : i32
      %while3A_657 = arith.muli %while3A_656, %while3A_655 : i32
      %while3A_658 = arith.addi %while3A_652, %while3A_657 : i32
      %while3A_659 = arith.constant 1 : i32
      %while3A_660:4 = scf.for %while3A_1913 = %while3A_652 to %while3A_658 step %while3A_659 iter_args(%while3A_1914 = %broadcast_in_dim3A_651, %while3A_1915 = %broadcast_in_dim3A_651, %while3A_1916 = %broadcast_in_dim3A_651, %while3A_1917 = %broadcast_in_dim3A_651) -> (vector<16xf32>, vector<16xf32>, vector<16xf32>, vector<16xf32>)  : i32 {
        %add3A_1918 = arith.constant 400 : i32
        %add3A_1919 = arith.addi %add3A_1918, %while3A_1913 : i32
        %get3A_1920 = arith.index_cast %add3A_1919 : i32 to index
        %get3A_1921 = arith.constant 0 : index
        %get3A_1922 = tpu.vector_load %arg8[%get3A_1920, %get3A_1921] {strides = array<i32>} : memref<1600x64xf32, #tpu.memory_space<vmem>>, vector<1x16xf32>,
        %get3A_1923 = vector.shape_cast %get3A_1922 : vector<1x16xf32> to vector<16xf32>
        %add3A_1924 = arith.addf %while3A_1914, %get3A_1923 : vector<16xf32>
        %get3A_1925 = arith.index_cast %add3A_1919 : i32 to index
        %get3A_1926 = arith.constant 16 : index
        %get3A_1927 = tpu.vector_load %arg8[%get3A_1925, %get3A_1926] {strides = array<i32>} : memref<1600x64xf32, #tpu.memory_space<vmem>>, vector<1x16xf32>,
        %get3A_1928 = vector.shape_cast %get3A_1927 : vector<1x16xf32> to vector<16xf32>
        %add3A_1929 = arith.addf %while3A_1915, %get3A_1928 : vector<16xf32>
        %get3A_1930 = arith.index_cast %add3A_1919 : i32 to index
        %get3A_1931 = arith.constant 32 : index
        %get3A_1932 = tpu.vector_load %arg8[%get3A_1930, %get3A_1931] {strides = array<i32>} : memref<1600x64xf32, #tpu.memory_space<vmem>>, vector<1x16xf32>,
        %get3A_1933 = vector.shape_cast %get3A_1932 : vector<1x16xf32> to vector<16xf32>
        %add3A_1934 = arith.addf %while3A_1916, %get3A_1933 : vector<16xf32>
        %get3A_1935 = arith.index_cast %add3A_1919 : i32 to index
        %get3A_1936 = arith.constant 48 : index
        %get3A_1937 = tpu.vector_load %arg8[%get3A_1935, %get3A_1936] {strides = array<i32>} : memref<1600x64xf32, #tpu.memory_space<vmem>>, vector<1x16xf32>,
        %get3A_1938 = vector.shape_cast %get3A_1937 : vector<1x16xf32> to vector<16xf32>
        %add3A_1939 = arith.addf %while3A_1917, %get3A_1938 : vector<16xf32>
        scf.yield %add3A_1924, %add3A_1929, %add3A_1934, %add3A_1939 : vector<16xf32>, vector<16xf32>, vector<16xf32>, vector<16xf32>
      }
      %while3A_661 = arith.constant 1 : i32
      %while3A_662:4 = scf.for %while3A_1913 = %while3A_658 to %while3A_654 step %while3A_661 iter_args(%while3A_1914 = %while3A_660#0, %while3A_1915 = %while3A_660#1, %while3A_1916 = %while3A_660#2, %while3A_1917 = %while3A_660#3) -> (vector<16xf32>, vector<16xf32>, vector<16xf32>, vector<16xf32>)  : i32 {
        %add3A_1918 = arith.constant 400 : i32
        %add3A_1919 = arith.addi %add3A_1918, %while3A_1913 : i32
        %get3A_1920 = arith.index_cast %add3A_1919 : i32 to index
        %get3A_1921 = arith.constant 0 : index
        %get3A_1922 = tpu.vector_load %arg8[%get3A_1920, %get3A_1921] {strides = array<i32>} : memref<1600x64xf32, #tpu.memory_space<vmem>>, vector<1x16xf32>,
        %get3A_1923 = vector.shape_cast %get3A_1922 : vector<1x16xf32> to vector<16xf32>
        %add3A_1924 = arith.addf %while3A_1914, %get3A_1923 : vector<16xf32>
        %get3A_1925 = arith.index_cast %add3A_1919 : i32 to index
        %get3A_1926 = arith.constant 16 : index
        %get3A_1927 = tpu.vector_load %arg8[%get3A_1925, %get3A_1926] {strides = array<i32>} : memref<1600x64xf32, #tpu.memory_space<vmem>>, vector<1x16xf32>,
        %get3A_1928 = vector.shape_cast %get3A_1927 : vector<1x16xf32> to vector<16xf32>
        %add3A_1929 = arith.addf %while3A_1915, %get3A_1928 : vector<16xf32>
        %get3A_1930 = arith.index_cast %add3A_1919 : i32 to index
        %get3A_1931 = arith.constant 32 : index
        %get3A_1932 = tpu.vector_load %arg8[%get3A_1930, %get3A_1931] {strides = array<i32>} : memref<1600x64xf32, #tpu.memory_space<vmem>>, vector<1x16xf32>,
        %get3A_1933 = vector.shape_cast %get3A_1932 : vector<1x16xf32> to vector<16xf32>
        %add3A_1934 = arith.addf %while3A_1916, %get3A_1933 : vector<16xf32>
        %get3A_1935 = arith.index_cast %add3A_1919 : i32 to index
        %get3A_1936 = arith.constant 48 : index
        %get3A_1937 = tpu.vector_load %arg8[%get3A_1935, %get3A_1936] {strides = array<i32>} : memref<1600x64xf32, #tpu.memory_space<vmem>>, vector<1x16xf32>,
        %get3A_1938 = vector.shape_cast %get3A_1937 : vector<1x16xf32> to vector<16xf32>
        %add3A_1939 = arith.addf %while3A_1917, %get3A_1938 : vector<16xf32>
        scf.yield %add3A_1924, %add3A_1929, %add3A_1934, %add3A_1939 : vector<16xf32>, vector<16xf32>, vector<16xf32>, vector<16xf32>
      }
      %div3A_663 = vector.broadcast %convert_element_type3A_649 : f32 to vector<16xf32>
      %div3A_664 = arith.divf %while3A_662#0, %div3A_663 : vector<16xf32>
      %swap3A_665 = arith.constant 8 : i32
      %swap3A_666 = arith.index_cast %swap3A_665 : i32 to index
      %swap3A_667 = arith.constant 0 : index
      %swap3A_668 = tpu.vector_load %arg10[%swap3A_666, %swap3A_667] {strides = array<i32>} : memref<32x64xf32, #tpu.memory_space<vmem>>, vector<1x16xf32>,
      %swap3A_669 = vector.shape_cast %swap3A_668 : vector<1x16xf32> to vector<16xf32>
      %swap3A_670 = vector.shape_cast %div3A_664 : vector<16xf32> to vector<1x16xf32>
      tpu.vector_store %arg10[%swap3A_666, %swap3A_667], %swap3A_670 {strides = array<i32>} : memref<32x64xf32, #tpu.memory_space<vmem>>, vector<1x16xf32>,
      %div3A_671 = vector.broadcast %convert_element_type3A_649 : f32 to vector<16xf32>
      %div3A_672 = arith.divf %while3A_662#1, %div3A_671 : vector<16xf32>
      %swap3A_673 = arith.constant 8 : i32
      %swap3A_674 = arith.index_cast %swap3A_673 : i32 to index
      %swap3A_675 = arith.constant 16 : index
      %swap3A_676 = tpu.vector_load %arg10[%swap3A_674, %swap3A_675] {strides = array<i32>} : memref<32x64xf32, #tpu.memory_space<vmem>>, vector<1x16xf32>,
      %swap3A_677 = vector.shape_cast %swap3A_676 : vector<1x16xf32> to vector<16xf32>
      %swap3A_678 = vector.shape_cast %div3A_672 : vector<16xf32> to vector<1x16xf32>
      tpu.vector_store %arg10[%swap3A_674, %swap3A_675], %swap3A_678 {strides = array<i32>} : memref<32x64xf32, #tpu.memory_space<vmem>>, vector<1x16xf32>,
      %div3A_679 = vector.broadcast %convert_element_type3A_649 : f32 to vector<16xf32>
      %div3A_680 = arith.divf %while3A_662#2, %div3A_679 : vector<16xf32>
      %swap3A_681 = arith.constant 8 : i32
      %swap3A_682 = arith.index_cast %swap3A_681 : i32 to index
      %swap3A_683 = arith.constant 32 : index
      %swap3A_684 = tpu.vector_load %arg10[%swap3A_682, %swap3A_683] {strides = array<i32>} : memref<32x64xf32, #tpu.memory_space<vmem>>, vector<1x16xf32>,
      %swap3A_685 = vector.shape_cast %swap3A_684 : vector<1x16xf32> to vector<16xf32>
      %swap3A_686 = vector.shape_cast %div3A_680 : vector<16xf32> to vector<1x16xf32>
      tpu.vector_store %arg10[%swap3A_682, %swap3A_683], %swap3A_686 {strides = array<i32>} : memref<32x64xf32, #tpu.memory_space<vmem>>, vector<1x16xf32>,
      %div3A_687 = vector.broadcast %convert_element_type3A_649 : f32 to vector<16xf32>
      %div3A_688 = arith.divf %while3A_662#3, %div3A_687 : vector<16xf32>
      %swap3A_689 = arith.constant 8 : i32
      %swap3A_690 = arith.index_cast %swap3A_689 : i32 to index
      %swap3A_691 = arith.constant 48 : index
      %swap3A_692 = tpu.vector_load %arg10[%swap3A_690, %swap3A_691] {strides = array<i32>} : memref<32x64xf32, #tpu.memory_space<vmem>>, vector<1x16xf32>,
      %swap3A_693 = vector.shape_cast %swap3A_692 : vector<1x16xf32> to vector<16xf32>
      %swap3A_694 = vector.shape_cast %div3A_688 : vector<16xf32> to vector<1x16xf32>
      tpu.vector_store %arg10[%swap3A_690, %swap3A_691], %swap3A_694 {strides = array<i32>} : memref<32x64xf32, #tpu.memory_space<vmem>>, vector<1x16xf32>,
      %slice3A_695 = vector.extract_strided_slice %get3A_176 {offsets = [9], sizes = [1], strides = [1]} : vector<32xi32> to vector<1xi32>
      %squeeze3A_696 = vector.extract %slice3A_695[0] : i32 from vector<1xi32>
      %convert_element_type3A_697 = arith.sitofp %squeeze3A_696 : i32 to f32
      %broadcast_in_dim3A_698 = arith.constant 0.000000e+00 : f32
      %broadcast_in_dim3A_699 = vector.broadcast %broadcast_in_dim3A_698 : f32 to vector<16xf32>
      %while3A_700 = arith.constant 0 : i32
      %while3A_701 = arith.subi %squeeze3A_696, %while3A_700 : i32
      %while3A_702 = arith.addi %while3A_700, %while3A_701 : i32
      %while3A_703 = arith.constant 1 : i32
      %while3A_704 = arith.divsi %while3A_701, %while3A_703 : i32
      %while3A_705 = arith.muli %while3A_704, %while3A_703 : i32
      %while3A_706 = arith.addi %while3A_700, %while3A_705 : i32
      %while3A_707 = arith.constant 1 : i32
      %while3A_708:4 = scf.for %while3A_1913 = %while3A_700 to %while3A_706 step %while3A_707 iter_args(%while3A_1914 = %broadcast_in_dim3A_699, %while3A_1915 = %broadcast_in_dim3A_699, %while3A_1916 = %broadcast_in_dim3A_699, %while3A_1917 = %broadcast_in_dim3A_699) -> (vector<16xf32>, vector<16xf32>, vector<16xf32>, vector<16xf32>)  : i32 {
        %add3A_1918 = arith.constant 450 : i32
        %add3A_1919 = arith.addi %add3A_1918, %while3A_1913 : i32
        %get3A_1920 = arith.index_cast %add3A_1919 : i32 to index
        %get3A_1921 = arith.constant 0 : index
        %get3A_1922 = tpu.vector_load %arg8[%get3A_1920, %get3A_1921] {strides = array<i32>} : memref<1600x64xf32, #tpu.memory_space<vmem>>, vector<1x16xf32>,
        %get3A_1923 = vector.shape_cast %get3A_1922 : vector<1x16xf32> to vector<16xf32>
        %add3A_1924 = arith.addf %while3A_1914, %get3A_1923 : vector<16xf32>
        %get3A_1925 = arith.index_cast %add3A_1919 : i32 to index
        %get3A_1926 = arith.constant 16 : index
        %get3A_1927 = tpu.vector_load %arg8[%get3A_1925, %get3A_1926] {strides = array<i32>} : memref<1600x64xf32, #tpu.memory_space<vmem>>, vector<1x16xf32>,
        %get3A_1928 = vector.shape_cast %get3A_1927 : vector<1x16xf32> to vector<16xf32>
        %add3A_1929 = arith.addf %while3A_1915, %get3A_1928 : vector<16xf32>
        %get3A_1930 = arith.index_cast %add3A_1919 : i32 to index
        %get3A_1931 = arith.constant 32 : index
        %get3A_1932 = tpu.vector_load %arg8[%get3A_1930, %get3A_1931] {strides = array<i32>} : memref<1600x64xf32, #tpu.memory_space<vmem>>, vector<1x16xf32>,
        %get3A_1933 = vector.shape_cast %get3A_1932 : vector<1x16xf32> to vector<16xf32>
        %add3A_1934 = arith.addf %while3A_1916, %get3A_1933 : vector<16xf32>
        %get3A_1935 = arith.index_cast %add3A_1919 : i32 to index
        %get3A_1936 = arith.constant 48 : index
        %get3A_1937 = tpu.vector_load %arg8[%get3A_1935, %get3A_1936] {strides = array<i32>} : memref<1600x64xf32, #tpu.memory_space<vmem>>, vector<1x16xf32>,
        %get3A_1938 = vector.shape_cast %get3A_1937 : vector<1x16xf32> to vector<16xf32>
        %add3A_1939 = arith.addf %while3A_1917, %get3A_1938 : vector<16xf32>
        scf.yield %add3A_1924, %add3A_1929, %add3A_1934, %add3A_1939 : vector<16xf32>, vector<16xf32>, vector<16xf32>, vector<16xf32>
      }
      %while3A_709 = arith.constant 1 : i32
      %while3A_710:4 = scf.for %while3A_1913 = %while3A_706 to %while3A_702 step %while3A_709 iter_args(%while3A_1914 = %while3A_708#0, %while3A_1915 = %while3A_708#1, %while3A_1916 = %while3A_708#2, %while3A_1917 = %while3A_708#3) -> (vector<16xf32>, vector<16xf32>, vector<16xf32>, vector<16xf32>)  : i32 {
        %add3A_1918 = arith.constant 450 : i32
        %add3A_1919 = arith.addi %add3A_1918, %while3A_1913 : i32
        %get3A_1920 = arith.index_cast %add3A_1919 : i32 to index
        %get3A_1921 = arith.constant 0 : index
        %get3A_1922 = tpu.vector_load %arg8[%get3A_1920, %get3A_1921] {strides = array<i32>} : memref<1600x64xf32, #tpu.memory_space<vmem>>, vector<1x16xf32>,
        %get3A_1923 = vector.shape_cast %get3A_1922 : vector<1x16xf32> to vector<16xf32>
        %add3A_1924 = arith.addf %while3A_1914, %get3A_1923 : vector<16xf32>
        %get3A_1925 = arith.index_cast %add3A_1919 : i32 to index
        %get3A_1926 = arith.constant 16 : index
        %get3A_1927 = tpu.vector_load %arg8[%get3A_1925, %get3A_1926] {strides = array<i32>} : memref<1600x64xf32, #tpu.memory_space<vmem>>, vector<1x16xf32>,
        %get3A_1928 = vector.shape_cast %get3A_1927 : vector<1x16xf32> to vector<16xf32>
        %add3A_1929 = arith.addf %while3A_1915, %get3A_1928 : vector<16xf32>
        %get3A_1930 = arith.index_cast %add3A_1919 : i32 to index
        %get3A_1931 = arith.constant 32 : index
        %get3A_1932 = tpu.vector_load %arg8[%get3A_1930, %get3A_1931] {strides = array<i32>} : memref<1600x64xf32, #tpu.memory_space<vmem>>, vector<1x16xf32>,
        %get3A_1933 = vector.shape_cast %get3A_1932 : vector<1x16xf32> to vector<16xf32>
        %add3A_1934 = arith.addf %while3A_1916, %get3A_1933 : vector<16xf32>
        %get3A_1935 = arith.index_cast %add3A_1919 : i32 to index
        %get3A_1936 = arith.constant 48 : index
        %get3A_1937 = tpu.vector_load %arg8[%get3A_1935, %get3A_1936] {strides = array<i32>} : memref<1600x64xf32, #tpu.memory_space<vmem>>, vector<1x16xf32>,
        %get3A_1938 = vector.shape_cast %get3A_1937 : vector<1x16xf32> to vector<16xf32>
        %add3A_1939 = arith.addf %while3A_1917, %get3A_1938 : vector<16xf32>
        scf.yield %add3A_1924, %add3A_1929, %add3A_1934, %add3A_1939 : vector<16xf32>, vector<16xf32>, vector<16xf32>, vector<16xf32>
      }
      %div3A_711 = vector.broadcast %convert_element_type3A_697 : f32 to vector<16xf32>
      %div3A_712 = arith.divf %while3A_710#0, %div3A_711 : vector<16xf32>
      %swap3A_713 = arith.constant 9 : i32
      %swap3A_714 = arith.index_cast %swap3A_713 : i32 to index
      %swap3A_715 = arith.constant 0 : index
      %swap3A_716 = tpu.vector_load %arg10[%swap3A_714, %swap3A_715] {strides = array<i32>} : memref<32x64xf32, #tpu.memory_space<vmem>>, vector<1x16xf32>,
      %swap3A_717 = vector.shape_cast %swap3A_716 : vector<1x16xf32> to vector<16xf32>
      %swap3A_718 = vector.shape_cast %div3A_712 : vector<16xf32> to vector<1x16xf32>
      tpu.vector_store %arg10[%swap3A_714, %swap3A_715], %swap3A_718 {strides = array<i32>} : memref<32x64xf32, #tpu.memory_space<vmem>>, vector<1x16xf32>,
      %div3A_719 = vector.broadcast %convert_element_type3A_697 : f32 to vector<16xf32>
      %div3A_720 = arith.divf %while3A_710#1, %div3A_719 : vector<16xf32>
      %swap3A_721 = arith.constant 9 : i32
      %swap3A_722 = arith.index_cast %swap3A_721 : i32 to index
      %swap3A_723 = arith.constant 16 : index
      %swap3A_724 = tpu.vector_load %arg10[%swap3A_722, %swap3A_723] {strides = array<i32>} : memref<32x64xf32, #tpu.memory_space<vmem>>, vector<1x16xf32>,
      %swap3A_725 = vector.shape_cast %swap3A_724 : vector<1x16xf32> to vector<16xf32>
      %swap3A_726 = vector.shape_cast %div3A_720 : vector<16xf32> to vector<1x16xf32>
      tpu.vector_store %arg10[%swap3A_722, %swap3A_723], %swap3A_726 {strides = array<i32>} : memref<32x64xf32, #tpu.memory_space<vmem>>, vector<1x16xf32>,
      %div3A_727 = vector.broadcast %convert_element_type3A_697 : f32 to vector<16xf32>
      %div3A_728 = arith.divf %while3A_710#2, %div3A_727 : vector<16xf32>
      %swap3A_729 = arith.constant 9 : i32
      %swap3A_730 = arith.index_cast %swap3A_729 : i32 to index
      %swap3A_731 = arith.constant 32 : index
      %swap3A_732 = tpu.vector_load %arg10[%swap3A_730, %swap3A_731] {strides = array<i32>} : memref<32x64xf32, #tpu.memory_space<vmem>>, vector<1x16xf32>,
      %swap3A_733 = vector.shape_cast %swap3A_732 : vector<1x16xf32> to vector<16xf32>
      %swap3A_734 = vector.shape_cast %div3A_728 : vector<16xf32> to vector<1x16xf32>
      tpu.vector_store %arg10[%swap3A_730, %swap3A_731], %swap3A_734 {strides = array<i32>} : memref<32x64xf32, #tpu.memory_space<vmem>>, vector<1x16xf32>,
      %div3A_735 = vector.broadcast %convert_element_type3A_697 : f32 to vector<16xf32>
      %div3A_736 = arith.divf %while3A_710#3, %div3A_735 : vector<16xf32>
      %swap3A_737 = arith.constant 9 : i32
      %swap3A_738 = arith.index_cast %swap3A_737 : i32 to index
      %swap3A_739 = arith.constant 48 : index
      %swap3A_740 = tpu.vector_load %arg10[%swap3A_738, %swap3A_739] {strides = array<i32>} : memref<32x64xf32, #tpu.memory_space<vmem>>, vector<1x16xf32>,
      %swap3A_741 = vector.shape_cast %swap3A_740 : vector<1x16xf32> to vector<16xf32>
      %swap3A_742 = vector.shape_cast %div3A_736 : vector<16xf32> to vector<1x16xf32>
      tpu.vector_store %arg10[%swap3A_738, %swap3A_739], %swap3A_742 {strides = array<i32>} : memref<32x64xf32, #tpu.memory_space<vmem>>, vector<1x16xf32>,
      %slice3A_743 = vector.extract_strided_slice %get3A_176 {offsets = [10], sizes = [1], strides = [1]} : vector<32xi32> to vector<1xi32>
      %squeeze3A_744 = vector.extract %slice3A_743[0] : i32 from vector<1xi32>
      %convert_element_type3A_745 = arith.sitofp %squeeze3A_744 : i32 to f32
      %broadcast_in_dim3A_746 = arith.constant 0.000000e+00 : f32
      %broadcast_in_dim3A_747 = vector.broadcast %broadcast_in_dim3A_746 : f32 to vector<16xf32>
      %while3A_748 = arith.constant 0 : i32
      %while3A_749 = arith.subi %squeeze3A_744, %while3A_748 : i32
      %while3A_750 = arith.addi %while3A_748, %while3A_749 : i32
      %while3A_751 = arith.constant 1 : i32
      %while3A_752 = arith.divsi %while3A_749, %while3A_751 : i32
      %while3A_753 = arith.muli %while3A_752, %while3A_751 : i32
      %while3A_754 = arith.addi %while3A_748, %while3A_753 : i32
      %while3A_755 = arith.constant 1 : i32
      %while3A_756:4 = scf.for %while3A_1913 = %while3A_748 to %while3A_754 step %while3A_755 iter_args(%while3A_1914 = %broadcast_in_dim3A_747, %while3A_1915 = %broadcast_in_dim3A_747, %while3A_1916 = %broadcast_in_dim3A_747, %while3A_1917 = %broadcast_in_dim3A_747) -> (vector<16xf32>, vector<16xf32>, vector<16xf32>, vector<16xf32>)  : i32 {
        %add3A_1918 = arith.constant 500 : i32
        %add3A_1919 = arith.addi %add3A_1918, %while3A_1913 : i32
        %get3A_1920 = arith.index_cast %add3A_1919 : i32 to index
        %get3A_1921 = arith.constant 0 : index
        %get3A_1922 = tpu.vector_load %arg8[%get3A_1920, %get3A_1921] {strides = array<i32>} : memref<1600x64xf32, #tpu.memory_space<vmem>>, vector<1x16xf32>,
        %get3A_1923 = vector.shape_cast %get3A_1922 : vector<1x16xf32> to vector<16xf32>
        %add3A_1924 = arith.addf %while3A_1914, %get3A_1923 : vector<16xf32>
        %get3A_1925 = arith.index_cast %add3A_1919 : i32 to index
        %get3A_1926 = arith.constant 16 : index
        %get3A_1927 = tpu.vector_load %arg8[%get3A_1925, %get3A_1926] {strides = array<i32>} : memref<1600x64xf32, #tpu.memory_space<vmem>>, vector<1x16xf32>,
        %get3A_1928 = vector.shape_cast %get3A_1927 : vector<1x16xf32> to vector<16xf32>
        %add3A_1929 = arith.addf %while3A_1915, %get3A_1928 : vector<16xf32>
        %get3A_1930 = arith.index_cast %add3A_1919 : i32 to index
        %get3A_1931 = arith.constant 32 : index
        %get3A_1932 = tpu.vector_load %arg8[%get3A_1930, %get3A_1931] {strides = array<i32>} : memref<1600x64xf32, #tpu.memory_space<vmem>>, vector<1x16xf32>,
        %get3A_1933 = vector.shape_cast %get3A_1932 : vector<1x16xf32> to vector<16xf32>
        %add3A_1934 = arith.addf %while3A_1916, %get3A_1933 : vector<16xf32>
        %get3A_1935 = arith.index_cast %add3A_1919 : i32 to index
        %get3A_1936 = arith.constant 48 : index
        %get3A_1937 = tpu.vector_load %arg8[%get3A_1935, %get3A_1936] {strides = array<i32>} : memref<1600x64xf32, #tpu.memory_space<vmem>>, vector<1x16xf32>,
        %get3A_1938 = vector.shape_cast %get3A_1937 : vector<1x16xf32> to vector<16xf32>
        %add3A_1939 = arith.addf %while3A_1917, %get3A_1938 : vector<16xf32>
        scf.yield %add3A_1924, %add3A_1929, %add3A_1934, %add3A_1939 : vector<16xf32>, vector<16xf32>, vector<16xf32>, vector<16xf32>
      }
      %while3A_757 = arith.constant 1 : i32
      %while3A_758:4 = scf.for %while3A_1913 = %while3A_754 to %while3A_750 step %while3A_757 iter_args(%while3A_1914 = %while3A_756#0, %while3A_1915 = %while3A_756#1, %while3A_1916 = %while3A_756#2, %while3A_1917 = %while3A_756#3) -> (vector<16xf32>, vector<16xf32>, vector<16xf32>, vector<16xf32>)  : i32 {
        %add3A_1918 = arith.constant 500 : i32
        %add3A_1919 = arith.addi %add3A_1918, %while3A_1913 : i32
        %get3A_1920 = arith.index_cast %add3A_1919 : i32 to index
        %get3A_1921 = arith.constant 0 : index
        %get3A_1922 = tpu.vector_load %arg8[%get3A_1920, %get3A_1921] {strides = array<i32>} : memref<1600x64xf32, #tpu.memory_space<vmem>>, vector<1x16xf32>,
        %get3A_1923 = vector.shape_cast %get3A_1922 : vector<1x16xf32> to vector<16xf32>
        %add3A_1924 = arith.addf %while3A_1914, %get3A_1923 : vector<16xf32>
        %get3A_1925 = arith.index_cast %add3A_1919 : i32 to index
        %get3A_1926 = arith.constant 16 : index
        %get3A_1927 = tpu.vector_load %arg8[%get3A_1925, %get3A_1926] {strides = array<i32>} : memref<1600x64xf32, #tpu.memory_space<vmem>>, vector<1x16xf32>,
        %get3A_1928 = vector.shape_cast %get3A_1927 : vector<1x16xf32> to vector<16xf32>
        %add3A_1929 = arith.addf %while3A_1915, %get3A_1928 : vector<16xf32>
        %get3A_1930 = arith.index_cast %add3A_1919 : i32 to index
        %get3A_1931 = arith.constant 32 : index
        %get3A_1932 = tpu.vector_load %arg8[%get3A_1930, %get3A_1931] {strides = array<i32>} : memref<1600x64xf32, #tpu.memory_space<vmem>>, vector<1x16xf32>,
        %get3A_1933 = vector.shape_cast %get3A_1932 : vector<1x16xf32> to vector<16xf32>
        %add3A_1934 = arith.addf %while3A_1916, %get3A_1933 : vector<16xf32>
        %get3A_1935 = arith.index_cast %add3A_1919 : i32 to index
        %get3A_1936 = arith.constant 48 : index
        %get3A_1937 = tpu.vector_load %arg8[%get3A_1935, %get3A_1936] {strides = array<i32>} : memref<1600x64xf32, #tpu.memory_space<vmem>>, vector<1x16xf32>,
        %get3A_1938 = vector.shape_cast %get3A_1937 : vector<1x16xf32> to vector<16xf32>
        %add3A_1939 = arith.addf %while3A_1917, %get3A_1938 : vector<16xf32>
        scf.yield %add3A_1924, %add3A_1929, %add3A_1934, %add3A_1939 : vector<16xf32>, vector<16xf32>, vector<16xf32>, vector<16xf32>
      }
      %div3A_759 = vector.broadcast %convert_element_type3A_745 : f32 to vector<16xf32>
      %div3A_760 = arith.divf %while3A_758#0, %div3A_759 : vector<16xf32>
      %swap3A_761 = arith.constant 10 : i32
      %swap3A_762 = arith.index_cast %swap3A_761 : i32 to index
      %swap3A_763 = arith.constant 0 : index
      %swap3A_764 = tpu.vector_load %arg10[%swap3A_762, %swap3A_763] {strides = array<i32>} : memref<32x64xf32, #tpu.memory_space<vmem>>, vector<1x16xf32>,
      %swap3A_765 = vector.shape_cast %swap3A_764 : vector<1x16xf32> to vector<16xf32>
      %swap3A_766 = vector.shape_cast %div3A_760 : vector<16xf32> to vector<1x16xf32>
      tpu.vector_store %arg10[%swap3A_762, %swap3A_763], %swap3A_766 {strides = array<i32>} : memref<32x64xf32, #tpu.memory_space<vmem>>, vector<1x16xf32>,
      %div3A_767 = vector.broadcast %convert_element_type3A_745 : f32 to vector<16xf32>
      %div3A_768 = arith.divf %while3A_758#1, %div3A_767 : vector<16xf32>
      %swap3A_769 = arith.constant 10 : i32
      %swap3A_770 = arith.index_cast %swap3A_769 : i32 to index
      %swap3A_771 = arith.constant 16 : index
      %swap3A_772 = tpu.vector_load %arg10[%swap3A_770, %swap3A_771] {strides = array<i32>} : memref<32x64xf32, #tpu.memory_space<vmem>>, vector<1x16xf32>,
      %swap3A_773 = vector.shape_cast %swap3A_772 : vector<1x16xf32> to vector<16xf32>
      %swap3A_774 = vector.shape_cast %div3A_768 : vector<16xf32> to vector<1x16xf32>
      tpu.vector_store %arg10[%swap3A_770, %swap3A_771], %swap3A_774 {strides = array<i32>} : memref<32x64xf32, #tpu.memory_space<vmem>>, vector<1x16xf32>,
      %div3A_775 = vector.broadcast %convert_element_type3A_745 : f32 to vector<16xf32>
      %div3A_776 = arith.divf %while3A_758#2, %div3A_775 : vector<16xf32>
      %swap3A_777 = arith.constant 10 : i32
      %swap3A_778 = arith.index_cast %swap3A_777 : i32 to index
      %swap3A_779 = arith.constant 32 : index
      %swap3A_780 = tpu.vector_load %arg10[%swap3A_778, %swap3A_779] {strides = array<i32>} : memref<32x64xf32, #tpu.memory_space<vmem>>, vector<1x16xf32>,
      %swap3A_781 = vector.shape_cast %swap3A_780 : vector<1x16xf32> to vector<16xf32>
      %swap3A_782 = vector.shape_cast %div3A_776 : vector<16xf32> to vector<1x16xf32>
      tpu.vector_store %arg10[%swap3A_778, %swap3A_779], %swap3A_782 {strides = array<i32>} : memref<32x64xf32, #tpu.memory_space<vmem>>, vector<1x16xf32>,
      %div3A_783 = vector.broadcast %convert_element_type3A_745 : f32 to vector<16xf32>
      %div3A_784 = arith.divf %while3A_758#3, %div3A_783 : vector<16xf32>
      %swap3A_785 = arith.constant 10 : i32
      %swap3A_786 = arith.index_cast %swap3A_785 : i32 to index
      %swap3A_787 = arith.constant 48 : index
      %swap3A_788 = tpu.vector_load %arg10[%swap3A_786, %swap3A_787] {strides = array<i32>} : memref<32x64xf32, #tpu.memory_space<vmem>>, vector<1x16xf32>,
      %swap3A_789 = vector.shape_cast %swap3A_788 : vector<1x16xf32> to vector<16xf32>
      %swap3A_790 = vector.shape_cast %div3A_784 : vector<16xf32> to vector<1x16xf32>
      tpu.vector_store %arg10[%swap3A_786, %swap3A_787], %swap3A_790 {strides = array<i32>} : memref<32x64xf32, #tpu.memory_space<vmem>>, vector<1x16xf32>,
      %slice3A_791 = vector.extract_strided_slice %get3A_176 {offsets = [11], sizes = [1], strides = [1]} : vector<32xi32> to vector<1xi32>
      %squeeze3A_792 = vector.extract %slice3A_791[0] : i32 from vector<1xi32>
      %convert_element_type3A_793 = arith.sitofp %squeeze3A_792 : i32 to f32
      %broadcast_in_dim3A_794 = arith.constant 0.000000e+00 : f32
      %broadcast_in_dim3A_795 = vector.broadcast %broadcast_in_dim3A_794 : f32 to vector<16xf32>
      %while3A_796 = arith.constant 0 : i32
      %while3A_797 = arith.subi %squeeze3A_792, %while3A_796 : i32
      %while3A_798 = arith.addi %while3A_796, %while3A_797 : i32
      %while3A_799 = arith.constant 1 : i32
      %while3A_800 = arith.divsi %while3A_797, %while3A_799 : i32
      %while3A_801 = arith.muli %while3A_800, %while3A_799 : i32
      %while3A_802 = arith.addi %while3A_796, %while3A_801 : i32
      %while3A_803 = arith.constant 1 : i32
      %while3A_804:4 = scf.for %while3A_1913 = %while3A_796 to %while3A_802 step %while3A_803 iter_args(%while3A_1914 = %broadcast_in_dim3A_795, %while3A_1915 = %broadcast_in_dim3A_795, %while3A_1916 = %broadcast_in_dim3A_795, %while3A_1917 = %broadcast_in_dim3A_795) -> (vector<16xf32>, vector<16xf32>, vector<16xf32>, vector<16xf32>)  : i32 {
        %add3A_1918 = arith.constant 550 : i32
        %add3A_1919 = arith.addi %add3A_1918, %while3A_1913 : i32
        %get3A_1920 = arith.index_cast %add3A_1919 : i32 to index
        %get3A_1921 = arith.constant 0 : index
        %get3A_1922 = tpu.vector_load %arg8[%get3A_1920, %get3A_1921] {strides = array<i32>} : memref<1600x64xf32, #tpu.memory_space<vmem>>, vector<1x16xf32>,
        %get3A_1923 = vector.shape_cast %get3A_1922 : vector<1x16xf32> to vector<16xf32>
        %add3A_1924 = arith.addf %while3A_1914, %get3A_1923 : vector<16xf32>
        %get3A_1925 = arith.index_cast %add3A_1919 : i32 to index
        %get3A_1926 = arith.constant 16 : index
        %get3A_1927 = tpu.vector_load %arg8[%get3A_1925, %get3A_1926] {strides = array<i32>} : memref<1600x64xf32, #tpu.memory_space<vmem>>, vector<1x16xf32>,
        %get3A_1928 = vector.shape_cast %get3A_1927 : vector<1x16xf32> to vector<16xf32>
        %add3A_1929 = arith.addf %while3A_1915, %get3A_1928 : vector<16xf32>
        %get3A_1930 = arith.index_cast %add3A_1919 : i32 to index
        %get3A_1931 = arith.constant 32 : index
        %get3A_1932 = tpu.vector_load %arg8[%get3A_1930, %get3A_1931] {strides = array<i32>} : memref<1600x64xf32, #tpu.memory_space<vmem>>, vector<1x16xf32>,
        %get3A_1933 = vector.shape_cast %get3A_1932 : vector<1x16xf32> to vector<16xf32>
        %add3A_1934 = arith.addf %while3A_1916, %get3A_1933 : vector<16xf32>
        %get3A_1935 = arith.index_cast %add3A_1919 : i32 to index
        %get3A_1936 = arith.constant 48 : index
        %get3A_1937 = tpu.vector_load %arg8[%get3A_1935, %get3A_1936] {strides = array<i32>} : memref<1600x64xf32, #tpu.memory_space<vmem>>, vector<1x16xf32>,
        %get3A_1938 = vector.shape_cast %get3A_1937 : vector<1x16xf32> to vector<16xf32>
        %add3A_1939 = arith.addf %while3A_1917, %get3A_1938 : vector<16xf32>
        scf.yield %add3A_1924, %add3A_1929, %add3A_1934, %add3A_1939 : vector<16xf32>, vector<16xf32>, vector<16xf32>, vector<16xf32>
      }
      %while3A_805 = arith.constant 1 : i32
      %while3A_806:4 = scf.for %while3A_1913 = %while3A_802 to %while3A_798 step %while3A_805 iter_args(%while3A_1914 = %while3A_804#0, %while3A_1915 = %while3A_804#1, %while3A_1916 = %while3A_804#2, %while3A_1917 = %while3A_804#3) -> (vector<16xf32>, vector<16xf32>, vector<16xf32>, vector<16xf32>)  : i32 {
        %add3A_1918 = arith.constant 550 : i32
        %add3A_1919 = arith.addi %add3A_1918, %while3A_1913 : i32
        %get3A_1920 = arith.index_cast %add3A_1919 : i32 to index
        %get3A_1921 = arith.constant 0 : index
        %get3A_1922 = tpu.vector_load %arg8[%get3A_1920, %get3A_1921] {strides = array<i32>} : memref<1600x64xf32, #tpu.memory_space<vmem>>, vector<1x16xf32>,
        %get3A_1923 = vector.shape_cast %get3A_1922 : vector<1x16xf32> to vector<16xf32>
        %add3A_1924 = arith.addf %while3A_1914, %get3A_1923 : vector<16xf32>
        %get3A_1925 = arith.index_cast %add3A_1919 : i32 to index
        %get3A_1926 = arith.constant 16 : index
        %get3A_1927 = tpu.vector_load %arg8[%get3A_1925, %get3A_1926] {strides = array<i32>} : memref<1600x64xf32, #tpu.memory_space<vmem>>, vector<1x16xf32>,
        %get3A_1928 = vector.shape_cast %get3A_1927 : vector<1x16xf32> to vector<16xf32>
        %add3A_1929 = arith.addf %while3A_1915, %get3A_1928 : vector<16xf32>
        %get3A_1930 = arith.index_cast %add3A_1919 : i32 to index
        %get3A_1931 = arith.constant 32 : index
        %get3A_1932 = tpu.vector_load %arg8[%get3A_1930, %get3A_1931] {strides = array<i32>} : memref<1600x64xf32, #tpu.memory_space<vmem>>, vector<1x16xf32>,
        %get3A_1933 = vector.shape_cast %get3A_1932 : vector<1x16xf32> to vector<16xf32>
        %add3A_1934 = arith.addf %while3A_1916, %get3A_1933 : vector<16xf32>
        %get3A_1935 = arith.index_cast %add3A_1919 : i32 to index
        %get3A_1936 = arith.constant 48 : index
        %get3A_1937 = tpu.vector_load %arg8[%get3A_1935, %get3A_1936] {strides = array<i32>} : memref<1600x64xf32, #tpu.memory_space<vmem>>, vector<1x16xf32>,
        %get3A_1938 = vector.shape_cast %get3A_1937 : vector<1x16xf32> to vector<16xf32>
        %add3A_1939 = arith.addf %while3A_1917, %get3A_1938 : vector<16xf32>
        scf.yield %add3A_1924, %add3A_1929, %add3A_1934, %add3A_1939 : vector<16xf32>, vector<16xf32>, vector<16xf32>, vector<16xf32>
      }
      %div3A_807 = vector.broadcast %convert_element_type3A_793 : f32 to vector<16xf32>
      %div3A_808 = arith.divf %while3A_806#0, %div3A_807 : vector<16xf32>
      %swap3A_809 = arith.constant 11 : i32
      %swap3A_810 = arith.index_cast %swap3A_809 : i32 to index
      %swap3A_811 = arith.constant 0 : index
      %swap3A_812 = tpu.vector_load %arg10[%swap3A_810, %swap3A_811] {strides = array<i32>} : memref<32x64xf32, #tpu.memory_space<vmem>>, vector<1x16xf32>,
      %swap3A_813 = vector.shape_cast %swap3A_812 : vector<1x16xf32> to vector<16xf32>
      %swap3A_814 = vector.shape_cast %div3A_808 : vector<16xf32> to vector<1x16xf32>
      tpu.vector_store %arg10[%swap3A_810, %swap3A_811], %swap3A_814 {strides = array<i32>} : memref<32x64xf32, #tpu.memory_space<vmem>>, vector<1x16xf32>,
      %div3A_815 = vector.broadcast %convert_element_type3A_793 : f32 to vector<16xf32>
      %div3A_816 = arith.divf %while3A_806#1, %div3A_815 : vector<16xf32>
      %swap3A_817 = arith.constant 11 : i32
      %swap3A_818 = arith.index_cast %swap3A_817 : i32 to index
      %swap3A_819 = arith.constant 16 : index
      %swap3A_820 = tpu.vector_load %arg10[%swap3A_818, %swap3A_819] {strides = array<i32>} : memref<32x64xf32, #tpu.memory_space<vmem>>, vector<1x16xf32>,
      %swap3A_821 = vector.shape_cast %swap3A_820 : vector<1x16xf32> to vector<16xf32>
      %swap3A_822 = vector.shape_cast %div3A_816 : vector<16xf32> to vector<1x16xf32>
      tpu.vector_store %arg10[%swap3A_818, %swap3A_819], %swap3A_822 {strides = array<i32>} : memref<32x64xf32, #tpu.memory_space<vmem>>, vector<1x16xf32>,
      %div3A_823 = vector.broadcast %convert_element_type3A_793 : f32 to vector<16xf32>
      %div3A_824 = arith.divf %while3A_806#2, %div3A_823 : vector<16xf32>
      %swap3A_825 = arith.constant 11 : i32
      %swap3A_826 = arith.index_cast %swap3A_825 : i32 to index
      %swap3A_827 = arith.constant 32 : index
      %swap3A_828 = tpu.vector_load %arg10[%swap3A_826, %swap3A_827] {strides = array<i32>} : memref<32x64xf32, #tpu.memory_space<vmem>>, vector<1x16xf32>,
      %swap3A_829 = vector.shape_cast %swap3A_828 : vector<1x16xf32> to vector<16xf32>
      %swap3A_830 = vector.shape_cast %div3A_824 : vector<16xf32> to vector<1x16xf32>
      tpu.vector_store %arg10[%swap3A_826, %swap3A_827], %swap3A_830 {strides = array<i32>} : memref<32x64xf32, #tpu.memory_space<vmem>>, vector<1x16xf32>,
      %div3A_831 = vector.broadcast %convert_element_type3A_793 : f32 to vector<16xf32>
      %div3A_832 = arith.divf %while3A_806#3, %div3A_831 : vector<16xf32>
      %swap3A_833 = arith.constant 11 : i32
      %swap3A_834 = arith.index_cast %swap3A_833 : i32 to index
      %swap3A_835 = arith.constant 48 : index
      %swap3A_836 = tpu.vector_load %arg10[%swap3A_834, %swap3A_835] {strides = array<i32>} : memref<32x64xf32, #tpu.memory_space<vmem>>, vector<1x16xf32>,
      %swap3A_837 = vector.shape_cast %swap3A_836 : vector<1x16xf32> to vector<16xf32>
      %swap3A_838 = vector.shape_cast %div3A_832 : vector<16xf32> to vector<1x16xf32>
      tpu.vector_store %arg10[%swap3A_834, %swap3A_835], %swap3A_838 {strides = array<i32>} : memref<32x64xf32, #tpu.memory_space<vmem>>, vector<1x16xf32>,
      %slice3A_839 = vector.extract_strided_slice %get3A_176 {offsets = [12], sizes = [1], strides = [1]} : vector<32xi32> to vector<1xi32>
      %squeeze3A_840 = vector.extract %slice3A_839[0] : i32 from vector<1xi32>
      %convert_element_type3A_841 = arith.sitofp %squeeze3A_840 : i32 to f32
      %broadcast_in_dim3A_842 = arith.constant 0.000000e+00 : f32
      %broadcast_in_dim3A_843 = vector.broadcast %broadcast_in_dim3A_842 : f32 to vector<16xf32>
      %while3A_844 = arith.constant 0 : i32
      %while3A_845 = arith.subi %squeeze3A_840, %while3A_844 : i32
      %while3A_846 = arith.addi %while3A_844, %while3A_845 : i32
      %while3A_847 = arith.constant 1 : i32
      %while3A_848 = arith.divsi %while3A_845, %while3A_847 : i32
      %while3A_849 = arith.muli %while3A_848, %while3A_847 : i32
      %while3A_850 = arith.addi %while3A_844, %while3A_849 : i32
      %while3A_851 = arith.constant 1 : i32
      %while3A_852:4 = scf.for %while3A_1913 = %while3A_844 to %while3A_850 step %while3A_851 iter_args(%while3A_1914 = %broadcast_in_dim3A_843, %while3A_1915 = %broadcast_in_dim3A_843, %while3A_1916 = %broadcast_in_dim3A_843, %while3A_1917 = %broadcast_in_dim3A_843) -> (vector<16xf32>, vector<16xf32>, vector<16xf32>, vector<16xf32>)  : i32 {
        %add3A_1918 = arith.constant 600 : i32
        %add3A_1919 = arith.addi %add3A_1918, %while3A_1913 : i32
        %get3A_1920 = arith.index_cast %add3A_1919 : i32 to index
        %get3A_1921 = arith.constant 0 : index
        %get3A_1922 = tpu.vector_load %arg8[%get3A_1920, %get3A_1921] {strides = array<i32>} : memref<1600x64xf32, #tpu.memory_space<vmem>>, vector<1x16xf32>,
        %get3A_1923 = vector.shape_cast %get3A_1922 : vector<1x16xf32> to vector<16xf32>
        %add3A_1924 = arith.addf %while3A_1914, %get3A_1923 : vector<16xf32>
        %get3A_1925 = arith.index_cast %add3A_1919 : i32 to index
        %get3A_1926 = arith.constant 16 : index
        %get3A_1927 = tpu.vector_load %arg8[%get3A_1925, %get3A_1926] {strides = array<i32>} : memref<1600x64xf32, #tpu.memory_space<vmem>>, vector<1x16xf32>,
        %get3A_1928 = vector.shape_cast %get3A_1927 : vector<1x16xf32> to vector<16xf32>
        %add3A_1929 = arith.addf %while3A_1915, %get3A_1928 : vector<16xf32>
        %get3A_1930 = arith.index_cast %add3A_1919 : i32 to index
        %get3A_1931 = arith.constant 32 : index
        %get3A_1932 = tpu.vector_load %arg8[%get3A_1930, %get3A_1931] {strides = array<i32>} : memref<1600x64xf32, #tpu.memory_space<vmem>>, vector<1x16xf32>,
        %get3A_1933 = vector.shape_cast %get3A_1932 : vector<1x16xf32> to vector<16xf32>
        %add3A_1934 = arith.addf %while3A_1916, %get3A_1933 : vector<16xf32>
        %get3A_1935 = arith.index_cast %add3A_1919 : i32 to index
        %get3A_1936 = arith.constant 48 : index
        %get3A_1937 = tpu.vector_load %arg8[%get3A_1935, %get3A_1936] {strides = array<i32>} : memref<1600x64xf32, #tpu.memory_space<vmem>>, vector<1x16xf32>,
        %get3A_1938 = vector.shape_cast %get3A_1937 : vector<1x16xf32> to vector<16xf32>
        %add3A_1939 = arith.addf %while3A_1917, %get3A_1938 : vector<16xf32>
        scf.yield %add3A_1924, %add3A_1929, %add3A_1934, %add3A_1939 : vector<16xf32>, vector<16xf32>, vector<16xf32>, vector<16xf32>
      }
      %while3A_853 = arith.constant 1 : i32
      %while3A_854:4 = scf.for %while3A_1913 = %while3A_850 to %while3A_846 step %while3A_853 iter_args(%while3A_1914 = %while3A_852#0, %while3A_1915 = %while3A_852#1, %while3A_1916 = %while3A_852#2, %while3A_1917 = %while3A_852#3) -> (vector<16xf32>, vector<16xf32>, vector<16xf32>, vector<16xf32>)  : i32 {
        %add3A_1918 = arith.constant 600 : i32
        %add3A_1919 = arith.addi %add3A_1918, %while3A_1913 : i32
        %get3A_1920 = arith.index_cast %add3A_1919 : i32 to index
        %get3A_1921 = arith.constant 0 : index
        %get3A_1922 = tpu.vector_load %arg8[%get3A_1920, %get3A_1921] {strides = array<i32>} : memref<1600x64xf32, #tpu.memory_space<vmem>>, vector<1x16xf32>,
        %get3A_1923 = vector.shape_cast %get3A_1922 : vector<1x16xf32> to vector<16xf32>
        %add3A_1924 = arith.addf %while3A_1914, %get3A_1923 : vector<16xf32>
        %get3A_1925 = arith.index_cast %add3A_1919 : i32 to index
        %get3A_1926 = arith.constant 16 : index
        %get3A_1927 = tpu.vector_load %arg8[%get3A_1925, %get3A_1926] {strides = array<i32>} : memref<1600x64xf32, #tpu.memory_space<vmem>>, vector<1x16xf32>,
        %get3A_1928 = vector.shape_cast %get3A_1927 : vector<1x16xf32> to vector<16xf32>
        %add3A_1929 = arith.addf %while3A_1915, %get3A_1928 : vector<16xf32>
        %get3A_1930 = arith.index_cast %add3A_1919 : i32 to index
        %get3A_1931 = arith.constant 32 : index
        %get3A_1932 = tpu.vector_load %arg8[%get3A_1930, %get3A_1931] {strides = array<i32>} : memref<1600x64xf32, #tpu.memory_space<vmem>>, vector<1x16xf32>,
        %get3A_1933 = vector.shape_cast %get3A_1932 : vector<1x16xf32> to vector<16xf32>
        %add3A_1934 = arith.addf %while3A_1916, %get3A_1933 : vector<16xf32>
        %get3A_1935 = arith.index_cast %add3A_1919 : i32 to index
        %get3A_1936 = arith.constant 48 : index
        %get3A_1937 = tpu.vector_load %arg8[%get3A_1935, %get3A_1936] {strides = array<i32>} : memref<1600x64xf32, #tpu.memory_space<vmem>>, vector<1x16xf32>,
        %get3A_1938 = vector.shape_cast %get3A_1937 : vector<1x16xf32> to vector<16xf32>
        %add3A_1939 = arith.addf %while3A_1917, %get3A_1938 : vector<16xf32>
        scf.yield %add3A_1924, %add3A_1929, %add3A_1934, %add3A_1939 : vector<16xf32>, vector<16xf32>, vector<16xf32>, vector<16xf32>
      }
      %div3A_855 = vector.broadcast %convert_element_type3A_841 : f32 to vector<16xf32>
      %div3A_856 = arith.divf %while3A_854#0, %div3A_855 : vector<16xf32>
      %swap3A_857 = arith.constant 12 : i32
      %swap3A_858 = arith.index_cast %swap3A_857 : i32 to index
      %swap3A_859 = arith.constant 0 : index
      %swap3A_860 = tpu.vector_load %arg10[%swap3A_858, %swap3A_859] {strides = array<i32>} : memref<32x64xf32, #tpu.memory_space<vmem>>, vector<1x16xf32>,
      %swap3A_861 = vector.shape_cast %swap3A_860 : vector<1x16xf32> to vector<16xf32>
      %swap3A_862 = vector.shape_cast %div3A_856 : vector<16xf32> to vector<1x16xf32>
      tpu.vector_store %arg10[%swap3A_858, %swap3A_859], %swap3A_862 {strides = array<i32>} : memref<32x64xf32, #tpu.memory_space<vmem>>, vector<1x16xf32>,
      %div3A_863 = vector.broadcast %convert_element_type3A_841 : f32 to vector<16xf32>
      %div3A_864 = arith.divf %while3A_854#1, %div3A_863 : vector<16xf32>
      %swap3A_865 = arith.constant 12 : i32
      %swap3A_866 = arith.index_cast %swap3A_865 : i32 to index
      %swap3A_867 = arith.constant 16 : index
      %swap3A_868 = tpu.vector_load %arg10[%swap3A_866, %swap3A_867] {strides = array<i32>} : memref<32x64xf32, #tpu.memory_space<vmem>>, vector<1x16xf32>,
      %swap3A_869 = vector.shape_cast %swap3A_868 : vector<1x16xf32> to vector<16xf32>
      %swap3A_870 = vector.shape_cast %div3A_864 : vector<16xf32> to vector<1x16xf32>
      tpu.vector_store %arg10[%swap3A_866, %swap3A_867], %swap3A_870 {strides = array<i32>} : memref<32x64xf32, #tpu.memory_space<vmem>>, vector<1x16xf32>,
      %div3A_871 = vector.broadcast %convert_element_type3A_841 : f32 to vector<16xf32>
      %div3A_872 = arith.divf %while3A_854#2, %div3A_871 : vector<16xf32>
      %swap3A_873 = arith.constant 12 : i32
      %swap3A_874 = arith.index_cast %swap3A_873 : i32 to index
      %swap3A_875 = arith.constant 32 : index
      %swap3A_876 = tpu.vector_load %arg10[%swap3A_874, %swap3A_875] {strides = array<i32>} : memref<32x64xf32, #tpu.memory_space<vmem>>, vector<1x16xf32>,
      %swap3A_877 = vector.shape_cast %swap3A_876 : vector<1x16xf32> to vector<16xf32>
      %swap3A_878 = vector.shape_cast %div3A_872 : vector<16xf32> to vector<1x16xf32>
      tpu.vector_store %arg10[%swap3A_874, %swap3A_875], %swap3A_878 {strides = array<i32>} : memref<32x64xf32, #tpu.memory_space<vmem>>, vector<1x16xf32>,
      %div3A_879 = vector.broadcast %convert_element_type3A_841 : f32 to vector<16xf32>
      %div3A_880 = arith.divf %while3A_854#3, %div3A_879 : vector<16xf32>
      %swap3A_881 = arith.constant 12 : i32
      %swap3A_882 = arith.index_cast %swap3A_881 : i32 to index
      %swap3A_883 = arith.constant 48 : index
      %swap3A_884 = tpu.vector_load %arg10[%swap3A_882, %swap3A_883] {strides = array<i32>} : memref<32x64xf32, #tpu.memory_space<vmem>>, vector<1x16xf32>,
      %swap3A_885 = vector.shape_cast %swap3A_884 : vector<1x16xf32> to vector<16xf32>
      %swap3A_886 = vector.shape_cast %div3A_880 : vector<16xf32> to vector<1x16xf32>
      tpu.vector_store %arg10[%swap3A_882, %swap3A_883], %swap3A_886 {strides = array<i32>} : memref<32x64xf32, #tpu.memory_space<vmem>>, vector<1x16xf32>,
      %slice3A_887 = vector.extract_strided_slice %get3A_176 {offsets = [13], sizes = [1], strides = [1]} : vector<32xi32> to vector<1xi32>
      %squeeze3A_888 = vector.extract %slice3A_887[0] : i32 from vector<1xi32>
      %convert_element_type3A_889 = arith.sitofp %squeeze3A_888 : i32 to f32
      %broadcast_in_dim3A_890 = arith.constant 0.000000e+00 : f32
      %broadcast_in_dim3A_891 = vector.broadcast %broadcast_in_dim3A_890 : f32 to vector<16xf32>
      %while3A_892 = arith.constant 0 : i32
      %while3A_893 = arith.subi %squeeze3A_888, %while3A_892 : i32
      %while3A_894 = arith.addi %while3A_892, %while3A_893 : i32
      %while3A_895 = arith.constant 1 : i32
      %while3A_896 = arith.divsi %while3A_893, %while3A_895 : i32
      %while3A_897 = arith.muli %while3A_896, %while3A_895 : i32
      %while3A_898 = arith.addi %while3A_892, %while3A_897 : i32
      %while3A_899 = arith.constant 1 : i32
      %while3A_900:4 = scf.for %while3A_1913 = %while3A_892 to %while3A_898 step %while3A_899 iter_args(%while3A_1914 = %broadcast_in_dim3A_891, %while3A_1915 = %broadcast_in_dim3A_891, %while3A_1916 = %broadcast_in_dim3A_891, %while3A_1917 = %broadcast_in_dim3A_891) -> (vector<16xf32>, vector<16xf32>, vector<16xf32>, vector<16xf32>)  : i32 {
        %add3A_1918 = arith.constant 650 : i32
        %add3A_1919 = arith.addi %add3A_1918, %while3A_1913 : i32
        %get3A_1920 = arith.index_cast %add3A_1919 : i32 to index
        %get3A_1921 = arith.constant 0 : index
        %get3A_1922 = tpu.vector_load %arg8[%get3A_1920, %get3A_1921] {strides = array<i32>} : memref<1600x64xf32, #tpu.memory_space<vmem>>, vector<1x16xf32>,
        %get3A_1923 = vector.shape_cast %get3A_1922 : vector<1x16xf32> to vector<16xf32>
        %add3A_1924 = arith.addf %while3A_1914, %get3A_1923 : vector<16xf32>
        %get3A_1925 = arith.index_cast %add3A_1919 : i32 to index
        %get3A_1926 = arith.constant 16 : index
        %get3A_1927 = tpu.vector_load %arg8[%get3A_1925, %get3A_1926] {strides = array<i32>} : memref<1600x64xf32, #tpu.memory_space<vmem>>, vector<1x16xf32>,
        %get3A_1928 = vector.shape_cast %get3A_1927 : vector<1x16xf32> to vector<16xf32>
        %add3A_1929 = arith.addf %while3A_1915, %get3A_1928 : vector<16xf32>
        %get3A_1930 = arith.index_cast %add3A_1919 : i32 to index
        %get3A_1931 = arith.constant 32 : index
        %get3A_1932 = tpu.vector_load %arg8[%get3A_1930, %get3A_1931] {strides = array<i32>} : memref<1600x64xf32, #tpu.memory_space<vmem>>, vector<1x16xf32>,
        %get3A_1933 = vector.shape_cast %get3A_1932 : vector<1x16xf32> to vector<16xf32>
        %add3A_1934 = arith.addf %while3A_1916, %get3A_1933 : vector<16xf32>
        %get3A_1935 = arith.index_cast %add3A_1919 : i32 to index
        %get3A_1936 = arith.constant 48 : index
        %get3A_1937 = tpu.vector_load %arg8[%get3A_1935, %get3A_1936] {strides = array<i32>} : memref<1600x64xf32, #tpu.memory_space<vmem>>, vector<1x16xf32>,
        %get3A_1938 = vector.shape_cast %get3A_1937 : vector<1x16xf32> to vector<16xf32>
        %add3A_1939 = arith.addf %while3A_1917, %get3A_1938 : vector<16xf32>
        scf.yield %add3A_1924, %add3A_1929, %add3A_1934, %add3A_1939 : vector<16xf32>, vector<16xf32>, vector<16xf32>, vector<16xf32>
      }
      %while3A_901 = arith.constant 1 : i32
      %while3A_902:4 = scf.for %while3A_1913 = %while3A_898 to %while3A_894 step %while3A_901 iter_args(%while3A_1914 = %while3A_900#0, %while3A_1915 = %while3A_900#1, %while3A_1916 = %while3A_900#2, %while3A_1917 = %while3A_900#3) -> (vector<16xf32>, vector<16xf32>, vector<16xf32>, vector<16xf32>)  : i32 {
        %add3A_1918 = arith.constant 650 : i32
        %add3A_1919 = arith.addi %add3A_1918, %while3A_1913 : i32
        %get3A_1920 = arith.index_cast %add3A_1919 : i32 to index
        %get3A_1921 = arith.constant 0 : index
        %get3A_1922 = tpu.vector_load %arg8[%get3A_1920, %get3A_1921] {strides = array<i32>} : memref<1600x64xf32, #tpu.memory_space<vmem>>, vector<1x16xf32>,
        %get3A_1923 = vector.shape_cast %get3A_1922 : vector<1x16xf32> to vector<16xf32>
        %add3A_1924 = arith.addf %while3A_1914, %get3A_1923 : vector<16xf32>
        %get3A_1925 = arith.index_cast %add3A_1919 : i32 to index
        %get3A_1926 = arith.constant 16 : index
        %get3A_1927 = tpu.vector_load %arg8[%get3A_1925, %get3A_1926] {strides = array<i32>} : memref<1600x64xf32, #tpu.memory_space<vmem>>, vector<1x16xf32>,
        %get3A_1928 = vector.shape_cast %get3A_1927 : vector<1x16xf32> to vector<16xf32>
        %add3A_1929 = arith.addf %while3A_1915, %get3A_1928 : vector<16xf32>
        %get3A_1930 = arith.index_cast %add3A_1919 : i32 to index
        %get3A_1931 = arith.constant 32 : index
        %get3A_1932 = tpu.vector_load %arg8[%get3A_1930, %get3A_1931] {strides = array<i32>} : memref<1600x64xf32, #tpu.memory_space<vmem>>, vector<1x16xf32>,
        %get3A_1933 = vector.shape_cast %get3A_1932 : vector<1x16xf32> to vector<16xf32>
        %add3A_1934 = arith.addf %while3A_1916, %get3A_1933 : vector<16xf32>
        %get3A_1935 = arith.index_cast %add3A_1919 : i32 to index
        %get3A_1936 = arith.constant 48 : index
        %get3A_1937 = tpu.vector_load %arg8[%get3A_1935, %get3A_1936] {strides = array<i32>} : memref<1600x64xf32, #tpu.memory_space<vmem>>, vector<1x16xf32>,
        %get3A_1938 = vector.shape_cast %get3A_1937 : vector<1x16xf32> to vector<16xf32>
        %add3A_1939 = arith.addf %while3A_1917, %get3A_1938 : vector<16xf32>
        scf.yield %add3A_1924, %add3A_1929, %add3A_1934, %add3A_1939 : vector<16xf32>, vector<16xf32>, vector<16xf32>, vector<16xf32>
      }
      %div3A_903 = vector.broadcast %convert_element_type3A_889 : f32 to vector<16xf32>
      %div3A_904 = arith.divf %while3A_902#0, %div3A_903 : vector<16xf32>
      %swap3A_905 = arith.constant 13 : i32
      %swap3A_906 = arith.index_cast %swap3A_905 : i32 to index
      %swap3A_907 = arith.constant 0 : index
      %swap3A_908 = tpu.vector_load %arg10[%swap3A_906, %swap3A_907] {strides = array<i32>} : memref<32x64xf32, #tpu.memory_space<vmem>>, vector<1x16xf32>,
      %swap3A_909 = vector.shape_cast %swap3A_908 : vector<1x16xf32> to vector<16xf32>
      %swap3A_910 = vector.shape_cast %div3A_904 : vector<16xf32> to vector<1x16xf32>
      tpu.vector_store %arg10[%swap3A_906, %swap3A_907], %swap3A_910 {strides = array<i32>} : memref<32x64xf32, #tpu.memory_space<vmem>>, vector<1x16xf32>,
      %div3A_911 = vector.broadcast %convert_element_type3A_889 : f32 to vector<16xf32>
      %div3A_912 = arith.divf %while3A_902#1, %div3A_911 : vector<16xf32>
      %swap3A_913 = arith.constant 13 : i32
      %swap3A_914 = arith.index_cast %swap3A_913 : i32 to index
      %swap3A_915 = arith.constant 16 : index
      %swap3A_916 = tpu.vector_load %arg10[%swap3A_914, %swap3A_915] {strides = array<i32>} : memref<32x64xf32, #tpu.memory_space<vmem>>, vector<1x16xf32>,
      %swap3A_917 = vector.shape_cast %swap3A_916 : vector<1x16xf32> to vector<16xf32>
      %swap3A_918 = vector.shape_cast %div3A_912 : vector<16xf32> to vector<1x16xf32>
      tpu.vector_store %arg10[%swap3A_914, %swap3A_915], %swap3A_918 {strides = array<i32>} : memref<32x64xf32, #tpu.memory_space<vmem>>, vector<1x16xf32>,
      %div3A_919 = vector.broadcast %convert_element_type3A_889 : f32 to vector<16xf32>
      %div3A_920 = arith.divf %while3A_902#2, %div3A_919 : vector<16xf32>
      %swap3A_921 = arith.constant 13 : i32
      %swap3A_922 = arith.index_cast %swap3A_921 : i32 to index
      %swap3A_923 = arith.constant 32 : index
      %swap3A_924 = tpu.vector_load %arg10[%swap3A_922, %swap3A_923] {strides = array<i32>} : memref<32x64xf32, #tpu.memory_space<vmem>>, vector<1x16xf32>,
      %swap3A_925 = vector.shape_cast %swap3A_924 : vector<1x16xf32> to vector<16xf32>
      %swap3A_926 = vector.shape_cast %div3A_920 : vector<16xf32> to vector<1x16xf32>
      tpu.vector_store %arg10[%swap3A_922, %swap3A_923], %swap3A_926 {strides = array<i32>} : memref<32x64xf32, #tpu.memory_space<vmem>>, vector<1x16xf32>,
      %div3A_927 = vector.broadcast %convert_element_type3A_889 : f32 to vector<16xf32>
      %div3A_928 = arith.divf %while3A_902#3, %div3A_927 : vector<16xf32>
      %swap3A_929 = arith.constant 13 : i32
      %swap3A_930 = arith.index_cast %swap3A_929 : i32 to index
      %swap3A_931 = arith.constant 48 : index
      %swap3A_932 = tpu.vector_load %arg10[%swap3A_930, %swap3A_931] {strides = array<i32>} : memref<32x64xf32, #tpu.memory_space<vmem>>, vector<1x16xf32>,
      %swap3A_933 = vector.shape_cast %swap3A_932 : vector<1x16xf32> to vector<16xf32>
      %swap3A_934 = vector.shape_cast %div3A_928 : vector<16xf32> to vector<1x16xf32>
      tpu.vector_store %arg10[%swap3A_930, %swap3A_931], %swap3A_934 {strides = array<i32>} : memref<32x64xf32, #tpu.memory_space<vmem>>, vector<1x16xf32>,
      %slice3A_935 = vector.extract_strided_slice %get3A_176 {offsets = [14], sizes = [1], strides = [1]} : vector<32xi32> to vector<1xi32>
      %squeeze3A_936 = vector.extract %slice3A_935[0] : i32 from vector<1xi32>
      %convert_element_type3A_937 = arith.sitofp %squeeze3A_936 : i32 to f32
      %broadcast_in_dim3A_938 = arith.constant 0.000000e+00 : f32
      %broadcast_in_dim3A_939 = vector.broadcast %broadcast_in_dim3A_938 : f32 to vector<16xf32>
      %while3A_940 = arith.constant 0 : i32
      %while3A_941 = arith.subi %squeeze3A_936, %while3A_940 : i32
      %while3A_942 = arith.addi %while3A_940, %while3A_941 : i32
      %while3A_943 = arith.constant 1 : i32
      %while3A_944 = arith.divsi %while3A_941, %while3A_943 : i32
      %while3A_945 = arith.muli %while3A_944, %while3A_943 : i32
      %while3A_946 = arith.addi %while3A_940, %while3A_945 : i32
      %while3A_947 = arith.constant 1 : i32
      %while3A_948:4 = scf.for %while3A_1913 = %while3A_940 to %while3A_946 step %while3A_947 iter_args(%while3A_1914 = %broadcast_in_dim3A_939, %while3A_1915 = %broadcast_in_dim3A_939, %while3A_1916 = %broadcast_in_dim3A_939, %while3A_1917 = %broadcast_in_dim3A_939) -> (vector<16xf32>, vector<16xf32>, vector<16xf32>, vector<16xf32>)  : i32 {
        %add3A_1918 = arith.constant 700 : i32
        %add3A_1919 = arith.addi %add3A_1918, %while3A_1913 : i32
        %get3A_1920 = arith.index_cast %add3A_1919 : i32 to index
        %get3A_1921 = arith.constant 0 : index
        %get3A_1922 = tpu.vector_load %arg8[%get3A_1920, %get3A_1921] {strides = array<i32>} : memref<1600x64xf32, #tpu.memory_space<vmem>>, vector<1x16xf32>,
        %get3A_1923 = vector.shape_cast %get3A_1922 : vector<1x16xf32> to vector<16xf32>
        %add3A_1924 = arith.addf %while3A_1914, %get3A_1923 : vector<16xf32>
        %get3A_1925 = arith.index_cast %add3A_1919 : i32 to index
        %get3A_1926 = arith.constant 16 : index
        %get3A_1927 = tpu.vector_load %arg8[%get3A_1925, %get3A_1926] {strides = array<i32>} : memref<1600x64xf32, #tpu.memory_space<vmem>>, vector<1x16xf32>,
        %get3A_1928 = vector.shape_cast %get3A_1927 : vector<1x16xf32> to vector<16xf32>
        %add3A_1929 = arith.addf %while3A_1915, %get3A_1928 : vector<16xf32>
        %get3A_1930 = arith.index_cast %add3A_1919 : i32 to index
        %get3A_1931 = arith.constant 32 : index
        %get3A_1932 = tpu.vector_load %arg8[%get3A_1930, %get3A_1931] {strides = array<i32>} : memref<1600x64xf32, #tpu.memory_space<vmem>>, vector<1x16xf32>,
        %get3A_1933 = vector.shape_cast %get3A_1932 : vector<1x16xf32> to vector<16xf32>
        %add3A_1934 = arith.addf %while3A_1916, %get3A_1933 : vector<16xf32>
        %get3A_1935 = arith.index_cast %add3A_1919 : i32 to index
        %get3A_1936 = arith.constant 48 : index
        %get3A_1937 = tpu.vector_load %arg8[%get3A_1935, %get3A_1936] {strides = array<i32>} : memref<1600x64xf32, #tpu.memory_space<vmem>>, vector<1x16xf32>,
        %get3A_1938 = vector.shape_cast %get3A_1937 : vector<1x16xf32> to vector<16xf32>
        %add3A_1939 = arith.addf %while3A_1917, %get3A_1938 : vector<16xf32>
        scf.yield %add3A_1924, %add3A_1929, %add3A_1934, %add3A_1939 : vector<16xf32>, vector<16xf32>, vector<16xf32>, vector<16xf32>
      }
      %while3A_949 = arith.constant 1 : i32
      %while3A_950:4 = scf.for %while3A_1913 = %while3A_946 to %while3A_942 step %while3A_949 iter_args(%while3A_1914 = %while3A_948#0, %while3A_1915 = %while3A_948#1, %while3A_1916 = %while3A_948#2, %while3A_1917 = %while3A_948#3) -> (vector<16xf32>, vector<16xf32>, vector<16xf32>, vector<16xf32>)  : i32 {
        %add3A_1918 = arith.constant 700 : i32
        %add3A_1919 = arith.addi %add3A_1918, %while3A_1913 : i32
        %get3A_1920 = arith.index_cast %add3A_1919 : i32 to index
        %get3A_1921 = arith.constant 0 : index
        %get3A_1922 = tpu.vector_load %arg8[%get3A_1920, %get3A_1921] {strides = array<i32>} : memref<1600x64xf32, #tpu.memory_space<vmem>>, vector<1x16xf32>,
        %get3A_1923 = vector.shape_cast %get3A_1922 : vector<1x16xf32> to vector<16xf32>
        %add3A_1924 = arith.addf %while3A_1914, %get3A_1923 : vector<16xf32>
        %get3A_1925 = arith.index_cast %add3A_1919 : i32 to index
        %get3A_1926 = arith.constant 16 : index
        %get3A_1927 = tpu.vector_load %arg8[%get3A_1925, %get3A_1926] {strides = array<i32>} : memref<1600x64xf32, #tpu.memory_space<vmem>>, vector<1x16xf32>,
        %get3A_1928 = vector.shape_cast %get3A_1927 : vector<1x16xf32> to vector<16xf32>
        %add3A_1929 = arith.addf %while3A_1915, %get3A_1928 : vector<16xf32>
        %get3A_1930 = arith.index_cast %add3A_1919 : i32 to index
        %get3A_1931 = arith.constant 32 : index
        %get3A_1932 = tpu.vector_load %arg8[%get3A_1930, %get3A_1931] {strides = array<i32>} : memref<1600x64xf32, #tpu.memory_space<vmem>>, vector<1x16xf32>,
        %get3A_1933 = vector.shape_cast %get3A_1932 : vector<1x16xf32> to vector<16xf32>
        %add3A_1934 = arith.addf %while3A_1916, %get3A_1933 : vector<16xf32>
        %get3A_1935 = arith.index_cast %add3A_1919 : i32 to index
        %get3A_1936 = arith.constant 48 : index
        %get3A_1937 = tpu.vector_load %arg8[%get3A_1935, %get3A_1936] {strides = array<i32>} : memref<1600x64xf32, #tpu.memory_space<vmem>>, vector<1x16xf32>,
        %get3A_1938 = vector.shape_cast %get3A_1937 : vector<1x16xf32> to vector<16xf32>
        %add3A_1939 = arith.addf %while3A_1917, %get3A_1938 : vector<16xf32>
        scf.yield %add3A_1924, %add3A_1929, %add3A_1934, %add3A_1939 : vector<16xf32>, vector<16xf32>, vector<16xf32>, vector<16xf32>
      }
      %div3A_951 = vector.broadcast %convert_element_type3A_937 : f32 to vector<16xf32>
      %div3A_952 = arith.divf %while3A_950#0, %div3A_951 : vector<16xf32>
      %swap3A_953 = arith.constant 14 : i32
      %swap3A_954 = arith.index_cast %swap3A_953 : i32 to index
      %swap3A_955 = arith.constant 0 : index
      %swap3A_956 = tpu.vector_load %arg10[%swap3A_954, %swap3A_955] {strides = array<i32>} : memref<32x64xf32, #tpu.memory_space<vmem>>, vector<1x16xf32>,
      %swap3A_957 = vector.shape_cast %swap3A_956 : vector<1x16xf32> to vector<16xf32>
      %swap3A_958 = vector.shape_cast %div3A_952 : vector<16xf32> to vector<1x16xf32>
      tpu.vector_store %arg10[%swap3A_954, %swap3A_955], %swap3A_958 {strides = array<i32>} : memref<32x64xf32, #tpu.memory_space<vmem>>, vector<1x16xf32>,
      %div3A_959 = vector.broadcast %convert_element_type3A_937 : f32 to vector<16xf32>
      %div3A_960 = arith.divf %while3A_950#1, %div3A_959 : vector<16xf32>
      %swap3A_961 = arith.constant 14 : i32
      %swap3A_962 = arith.index_cast %swap3A_961 : i32 to index
      %swap3A_963 = arith.constant 16 : index
      %swap3A_964 = tpu.vector_load %arg10[%swap3A_962, %swap3A_963] {strides = array<i32>} : memref<32x64xf32, #tpu.memory_space<vmem>>, vector<1x16xf32>,
      %swap3A_965 = vector.shape_cast %swap3A_964 : vector<1x16xf32> to vector<16xf32>
      %swap3A_966 = vector.shape_cast %div3A_960 : vector<16xf32> to vector<1x16xf32>
      tpu.vector_store %arg10[%swap3A_962, %swap3A_963], %swap3A_966 {strides = array<i32>} : memref<32x64xf32, #tpu.memory_space<vmem>>, vector<1x16xf32>,
      %div3A_967 = vector.broadcast %convert_element_type3A_937 : f32 to vector<16xf32>
      %div3A_968 = arith.divf %while3A_950#2, %div3A_967 : vector<16xf32>
      %swap3A_969 = arith.constant 14 : i32
      %swap3A_970 = arith.index_cast %swap3A_969 : i32 to index
      %swap3A_971 = arith.constant 32 : index
      %swap3A_972 = tpu.vector_load %arg10[%swap3A_970, %swap3A_971] {strides = array<i32>} : memref<32x64xf32, #tpu.memory_space<vmem>>, vector<1x16xf32>,
      %swap3A_973 = vector.shape_cast %swap3A_972 : vector<1x16xf32> to vector<16xf32>
      %swap3A_974 = vector.shape_cast %div3A_968 : vector<16xf32> to vector<1x16xf32>
      tpu.vector_store %arg10[%swap3A_970, %swap3A_971], %swap3A_974 {strides = array<i32>} : memref<32x64xf32, #tpu.memory_space<vmem>>, vector<1x16xf32>,
      %div3A_975 = vector.broadcast %convert_element_type3A_937 : f32 to vector<16xf32>
      %div3A_976 = arith.divf %while3A_950#3, %div3A_975 : vector<16xf32>
      %swap3A_977 = arith.constant 14 : i32
      %swap3A_978 = arith.index_cast %swap3A_977 : i32 to index
      %swap3A_979 = arith.constant 48 : index
      %swap3A_980 = tpu.vector_load %arg10[%swap3A_978, %swap3A_979] {strides = array<i32>} : memref<32x64xf32, #tpu.memory_space<vmem>>, vector<1x16xf32>,
      %swap3A_981 = vector.shape_cast %swap3A_980 : vector<1x16xf32> to vector<16xf32>
      %swap3A_982 = vector.shape_cast %div3A_976 : vector<16xf32> to vector<1x16xf32>
      tpu.vector_store %arg10[%swap3A_978, %swap3A_979], %swap3A_982 {strides = array<i32>} : memref<32x64xf32, #tpu.memory_space<vmem>>, vector<1x16xf32>,
      %slice3A_983 = vector.extract_strided_slice %get3A_176 {offsets = [15], sizes = [1], strides = [1]} : vector<32xi32> to vector<1xi32>
      %squeeze3A_984 = vector.extract %slice3A_983[0] : i32 from vector<1xi32>
      %convert_element_type3A_985 = arith.sitofp %squeeze3A_984 : i32 to f32
      %broadcast_in_dim3A_986 = arith.constant 0.000000e+00 : f32
      %broadcast_in_dim3A_987 = vector.broadcast %broadcast_in_dim3A_986 : f32 to vector<16xf32>
      %while3A_988 = arith.constant 0 : i32
      %while3A_989 = arith.subi %squeeze3A_984, %while3A_988 : i32
      %while3A_990 = arith.addi %while3A_988, %while3A_989 : i32
      %while3A_991 = arith.constant 1 : i32
      %while3A_992 = arith.divsi %while3A_989, %while3A_991 : i32
      %while3A_993 = arith.muli %while3A_992, %while3A_991 : i32
      %while3A_994 = arith.addi %while3A_988, %while3A_993 : i32
      %while3A_995 = arith.constant 1 : i32
      %while3A_996:4 = scf.for %while3A_1913 = %while3A_988 to %while3A_994 step %while3A_995 iter_args(%while3A_1914 = %broadcast_in_dim3A_987, %while3A_1915 = %broadcast_in_dim3A_987, %while3A_1916 = %broadcast_in_dim3A_987, %while3A_1917 = %broadcast_in_dim3A_987) -> (vector<16xf32>, vector<16xf32>, vector<16xf32>, vector<16xf32>)  : i32 {
        %add3A_1918 = arith.constant 750 : i32
        %add3A_1919 = arith.addi %add3A_1918, %while3A_1913 : i32
        %get3A_1920 = arith.index_cast %add3A_1919 : i32 to index
        %get3A_1921 = arith.constant 0 : index
        %get3A_1922 = tpu.vector_load %arg8[%get3A_1920, %get3A_1921] {strides = array<i32>} : memref<1600x64xf32, #tpu.memory_space<vmem>>, vector<1x16xf32>,
        %get3A_1923 = vector.shape_cast %get3A_1922 : vector<1x16xf32> to vector<16xf32>
        %add3A_1924 = arith.addf %while3A_1914, %get3A_1923 : vector<16xf32>
        %get3A_1925 = arith.index_cast %add3A_1919 : i32 to index
        %get3A_1926 = arith.constant 16 : index
        %get3A_1927 = tpu.vector_load %arg8[%get3A_1925, %get3A_1926] {strides = array<i32>} : memref<1600x64xf32, #tpu.memory_space<vmem>>, vector<1x16xf32>,
        %get3A_1928 = vector.shape_cast %get3A_1927 : vector<1x16xf32> to vector<16xf32>
        %add3A_1929 = arith.addf %while3A_1915, %get3A_1928 : vector<16xf32>
        %get3A_1930 = arith.index_cast %add3A_1919 : i32 to index
        %get3A_1931 = arith.constant 32 : index
        %get3A_1932 = tpu.vector_load %arg8[%get3A_1930, %get3A_1931] {strides = array<i32>} : memref<1600x64xf32, #tpu.memory_space<vmem>>, vector<1x16xf32>,
        %get3A_1933 = vector.shape_cast %get3A_1932 : vector<1x16xf32> to vector<16xf32>
        %add3A_1934 = arith.addf %while3A_1916, %get3A_1933 : vector<16xf32>
        %get3A_1935 = arith.index_cast %add3A_1919 : i32 to index
        %get3A_1936 = arith.constant 48 : index
        %get3A_1937 = tpu.vector_load %arg8[%get3A_1935, %get3A_1936] {strides = array<i32>} : memref<1600x64xf32, #tpu.memory_space<vmem>>, vector<1x16xf32>,
        %get3A_1938 = vector.shape_cast %get3A_1937 : vector<1x16xf32> to vector<16xf32>
        %add3A_1939 = arith.addf %while3A_1917, %get3A_1938 : vector<16xf32>
        scf.yield %add3A_1924, %add3A_1929, %add3A_1934, %add3A_1939 : vector<16xf32>, vector<16xf32>, vector<16xf32>, vector<16xf32>
      }
      %while3A_997 = arith.constant 1 : i32
      %while3A_998:4 = scf.for %while3A_1913 = %while3A_994 to %while3A_990 step %while3A_997 iter_args(%while3A_1914 = %while3A_996#0, %while3A_1915 = %while3A_996#1, %while3A_1916 = %while3A_996#2, %while3A_1917 = %while3A_996#3) -> (vector<16xf32>, vector<16xf32>, vector<16xf32>, vector<16xf32>)  : i32 {
        %add3A_1918 = arith.constant 750 : i32
        %add3A_1919 = arith.addi %add3A_1918, %while3A_1913 : i32
        %get3A_1920 = arith.index_cast %add3A_1919 : i32 to index
        %get3A_1921 = arith.constant 0 : index
        %get3A_1922 = tpu.vector_load %arg8[%get3A_1920, %get3A_1921] {strides = array<i32>} : memref<1600x64xf32, #tpu.memory_space<vmem>>, vector<1x16xf32>,
        %get3A_1923 = vector.shape_cast %get3A_1922 : vector<1x16xf32> to vector<16xf32>
        %add3A_1924 = arith.addf %while3A_1914, %get3A_1923 : vector<16xf32>
        %get3A_1925 = arith.index_cast %add3A_1919 : i32 to index
        %get3A_1926 = arith.constant 16 : index
        %get3A_1927 = tpu.vector_load %arg8[%get3A_1925, %get3A_1926] {strides = array<i32>} : memref<1600x64xf32, #tpu.memory_space<vmem>>, vector<1x16xf32>,
        %get3A_1928 = vector.shape_cast %get3A_1927 : vector<1x16xf32> to vector<16xf32>
        %add3A_1929 = arith.addf %while3A_1915, %get3A_1928 : vector<16xf32>
        %get3A_1930 = arith.index_cast %add3A_1919 : i32 to index
        %get3A_1931 = arith.constant 32 : index
        %get3A_1932 = tpu.vector_load %arg8[%get3A_1930, %get3A_1931] {strides = array<i32>} : memref<1600x64xf32, #tpu.memory_space<vmem>>, vector<1x16xf32>,
        %get3A_1933 = vector.shape_cast %get3A_1932 : vector<1x16xf32> to vector<16xf32>
        %add3A_1934 = arith.addf %while3A_1916, %get3A_1933 : vector<16xf32>
        %get3A_1935 = arith.index_cast %add3A_1919 : i32 to index
        %get3A_1936 = arith.constant 48 : index
        %get3A_1937 = tpu.vector_load %arg8[%get3A_1935, %get3A_1936] {strides = array<i32>} : memref<1600x64xf32, #tpu.memory_space<vmem>>, vector<1x16xf32>,
        %get3A_1938 = vector.shape_cast %get3A_1937 : vector<1x16xf32> to vector<16xf32>
        %add3A_1939 = arith.addf %while3A_1917, %get3A_1938 : vector<16xf32>
        scf.yield %add3A_1924, %add3A_1929, %add3A_1934, %add3A_1939 : vector<16xf32>, vector<16xf32>, vector<16xf32>, vector<16xf32>
      }
      %div3A_999 = vector.broadcast %convert_element_type3A_985 : f32 to vector<16xf32>
      %div3A_1000 = arith.divf %while3A_998#0, %div3A_999 : vector<16xf32>
      %swap3A_1001 = arith.constant 15 : i32
      %swap3A_1002 = arith.index_cast %swap3A_1001 : i32 to index
      %swap3A_1003 = arith.constant 0 : index
      %swap3A_1004 = tpu.vector_load %arg10[%swap3A_1002, %swap3A_1003] {strides = array<i32>} : memref<32x64xf32, #tpu.memory_space<vmem>>, vector<1x16xf32>,
      %swap3A_1005 = vector.shape_cast %swap3A_1004 : vector<1x16xf32> to vector<16xf32>
      %swap3A_1006 = vector.shape_cast %div3A_1000 : vector<16xf32> to vector<1x16xf32>
      tpu.vector_store %arg10[%swap3A_1002, %swap3A_1003], %swap3A_1006 {strides = array<i32>} : memref<32x64xf32, #tpu.memory_space<vmem>>, vector<1x16xf32>,
      %div3A_1007 = vector.broadcast %convert_element_type3A_985 : f32 to vector<16xf32>
      %div3A_1008 = arith.divf %while3A_998#1, %div3A_1007 : vector<16xf32>
      %swap3A_1009 = arith.constant 15 : i32
      %swap3A_1010 = arith.index_cast %swap3A_1009 : i32 to index
      %swap3A_1011 = arith.constant 16 : index
      %swap3A_1012 = tpu.vector_load %arg10[%swap3A_1010, %swap3A_1011] {strides = array<i32>} : memref<32x64xf32, #tpu.memory_space<vmem>>, vector<1x16xf32>,
      %swap3A_1013 = vector.shape_cast %swap3A_1012 : vector<1x16xf32> to vector<16xf32>
      %swap3A_1014 = vector.shape_cast %div3A_1008 : vector<16xf32> to vector<1x16xf32>
      tpu.vector_store %arg10[%swap3A_1010, %swap3A_1011], %swap3A_1014 {strides = array<i32>} : memref<32x64xf32, #tpu.memory_space<vmem>>, vector<1x16xf32>,
      %div3A_1015 = vector.broadcast %convert_element_type3A_985 : f32 to vector<16xf32>
      %div3A_1016 = arith.divf %while3A_998#2, %div3A_1015 : vector<16xf32>
      %swap3A_1017 = arith.constant 15 : i32
      %swap3A_1018 = arith.index_cast %swap3A_1017 : i32 to index
      %swap3A_1019 = arith.constant 32 : index
      %swap3A_1020 = tpu.vector_load %arg10[%swap3A_1018, %swap3A_1019] {strides = array<i32>} : memref<32x64xf32, #tpu.memory_space<vmem>>, vector<1x16xf32>,
      %swap3A_1021 = vector.shape_cast %swap3A_1020 : vector<1x16xf32> to vector<16xf32>
      %swap3A_1022 = vector.shape_cast %div3A_1016 : vector<16xf32> to vector<1x16xf32>
      tpu.vector_store %arg10[%swap3A_1018, %swap3A_1019], %swap3A_1022 {strides = array<i32>} : memref<32x64xf32, #tpu.memory_space<vmem>>, vector<1x16xf32>,
      %div3A_1023 = vector.broadcast %convert_element_type3A_985 : f32 to vector<16xf32>
      %div3A_1024 = arith.divf %while3A_998#3, %div3A_1023 : vector<16xf32>
      %swap3A_1025 = arith.constant 15 : i32
      %swap3A_1026 = arith.index_cast %swap3A_1025 : i32 to index
      %swap3A_1027 = arith.constant 48 : index
      %swap3A_1028 = tpu.vector_load %arg10[%swap3A_1026, %swap3A_1027] {strides = array<i32>} : memref<32x64xf32, #tpu.memory_space<vmem>>, vector<1x16xf32>,
      %swap3A_1029 = vector.shape_cast %swap3A_1028 : vector<1x16xf32> to vector<16xf32>
      %swap3A_1030 = vector.shape_cast %div3A_1024 : vector<16xf32> to vector<1x16xf32>
      tpu.vector_store %arg10[%swap3A_1026, %swap3A_1027], %swap3A_1030 {strides = array<i32>} : memref<32x64xf32, #tpu.memory_space<vmem>>, vector<1x16xf32>,
      %dma_wait3A_1031 = arith.constant 800 : i32
      %dma_wait3A_1032 = arith.constant 0 : i32
      %dma_wait3A_1033 = tpu.memref_slice %arg8[%dma_wait3A_1031, %dma_wait3A_1032] : memref<1600x64xf32, #tpu.memory_space<vmem>> -> memref<80x64xf32, #tpu.memory_space<vmem>>
      %dma_wait3A_1034 = arith.constant 800 : i32
      %dma_wait3A_1035 = tpu.memref_slice %arg7[%dma_wait3A_1034] : memref<1600xi32, #tpu.memory_space<vmem>> -> memref<80xi32, #tpu.memory_space<vmem>>
      %dma_wait3A_1036 = arith.constant 0 : i32
      %dma_wait3A_1037 = arith.constant 0 : i32
      %dma_wait3A_1038 = tpu.memref_slice %arg4[%dma_wait3A_1036, %dma_wait3A_1037] : memref<1000000x64xf32, #tpu.memory_space<hbm>> -> memref<1000000x64xf32, #tpu.memory_space<hbm>>
      tpu.wait_indirect_dma semaphore(%arg11 : memref<!tpu.dma_semaphore, #tpu.memory_space<semaphore_mem>>) src(%dma_wait3A_1038 : memref<1000000x64xf32, #tpu.memory_space<hbm>>) dst(%dma_wait3A_1033 : memref<80x64xf32, #tpu.memory_space<vmem>>)
      %dma_wait3A_1039 = arith.constant 880 : i32
      %dma_wait3A_1040 = arith.constant 0 : i32
      %dma_wait3A_1041 = tpu.memref_slice %arg8[%dma_wait3A_1039, %dma_wait3A_1040] : memref<1600x64xf32, #tpu.memory_space<vmem>> -> memref<80x64xf32, #tpu.memory_space<vmem>>
      %dma_wait3A_1042 = arith.constant 880 : i32
      %dma_wait3A_1043 = tpu.memref_slice %arg7[%dma_wait3A_1042] : memref<1600xi32, #tpu.memory_space<vmem>> -> memref<80xi32, #tpu.memory_space<vmem>>
      %dma_wait3A_1044 = arith.constant 0 : i32
      %dma_wait3A_1045 = arith.constant 0 : i32
      %dma_wait3A_1046 = tpu.memref_slice %arg4[%dma_wait3A_1044, %dma_wait3A_1045] : memref<1000000x64xf32, #tpu.memory_space<hbm>> -> memref<1000000x64xf32, #tpu.memory_space<hbm>>
      tpu.wait_indirect_dma semaphore(%arg11 : memref<!tpu.dma_semaphore, #tpu.memory_space<semaphore_mem>>) src(%dma_wait3A_1046 : memref<1000000x64xf32, #tpu.memory_space<hbm>>) dst(%dma_wait3A_1041 : memref<80x64xf32, #tpu.memory_space<vmem>>)
      %dma_wait3A_1047 = arith.constant 960 : i32
      %dma_wait3A_1048 = arith.constant 0 : i32
      %dma_wait3A_1049 = tpu.memref_slice %arg8[%dma_wait3A_1047, %dma_wait3A_1048] : memref<1600x64xf32, #tpu.memory_space<vmem>> -> memref<80x64xf32, #tpu.memory_space<vmem>>
      %dma_wait3A_1050 = arith.constant 960 : i32
      %dma_wait3A_1051 = tpu.memref_slice %arg7[%dma_wait3A_1050] : memref<1600xi32, #tpu.memory_space<vmem>> -> memref<80xi32, #tpu.memory_space<vmem>>
      %dma_wait3A_1052 = arith.constant 0 : i32
      %dma_wait3A_1053 = arith.constant 0 : i32
      %dma_wait3A_1054 = tpu.memref_slice %arg4[%dma_wait3A_1052, %dma_wait3A_1053] : memref<1000000x64xf32, #tpu.memory_space<hbm>> -> memref<1000000x64xf32, #tpu.memory_space<hbm>>
      tpu.wait_indirect_dma semaphore(%arg11 : memref<!tpu.dma_semaphore, #tpu.memory_space<semaphore_mem>>) src(%dma_wait3A_1054 : memref<1000000x64xf32, #tpu.memory_space<hbm>>) dst(%dma_wait3A_1049 : memref<80x64xf32, #tpu.memory_space<vmem>>)
      %dma_wait3A_1055 = arith.constant 1040 : i32
      %dma_wait3A_1056 = arith.constant 0 : i32
      %dma_wait3A_1057 = tpu.memref_slice %arg8[%dma_wait3A_1055, %dma_wait3A_1056] : memref<1600x64xf32, #tpu.memory_space<vmem>> -> memref<80x64xf32, #tpu.memory_space<vmem>>
      %dma_wait3A_1058 = arith.constant 1040 : i32
      %dma_wait3A_1059 = tpu.memref_slice %arg7[%dma_wait3A_1058] : memref<1600xi32, #tpu.memory_space<vmem>> -> memref<80xi32, #tpu.memory_space<vmem>>
      %dma_wait3A_1060 = arith.constant 0 : i32
      %dma_wait3A_1061 = arith.constant 0 : i32
      %dma_wait3A_1062 = tpu.memref_slice %arg4[%dma_wait3A_1060, %dma_wait3A_1061] : memref<1000000x64xf32, #tpu.memory_space<hbm>> -> memref<1000000x64xf32, #tpu.memory_space<hbm>>
      tpu.wait_indirect_dma semaphore(%arg11 : memref<!tpu.dma_semaphore, #tpu.memory_space<semaphore_mem>>) src(%dma_wait3A_1062 : memref<1000000x64xf32, #tpu.memory_space<hbm>>) dst(%dma_wait3A_1057 : memref<80x64xf32, #tpu.memory_space<vmem>>)
      %dma_wait3A_1063 = arith.constant 1120 : i32
      %dma_wait3A_1064 = arith.constant 0 : i32
      %dma_wait3A_1065 = tpu.memref_slice %arg8[%dma_wait3A_1063, %dma_wait3A_1064] : memref<1600x64xf32, #tpu.memory_space<vmem>> -> memref<80x64xf32, #tpu.memory_space<vmem>>
      %dma_wait3A_1066 = arith.constant 1120 : i32
      %dma_wait3A_1067 = tpu.memref_slice %arg7[%dma_wait3A_1066] : memref<1600xi32, #tpu.memory_space<vmem>> -> memref<80xi32, #tpu.memory_space<vmem>>
      %dma_wait3A_1068 = arith.constant 0 : i32
      %dma_wait3A_1069 = arith.constant 0 : i32
      %dma_wait3A_1070 = tpu.memref_slice %arg4[%dma_wait3A_1068, %dma_wait3A_1069] : memref<1000000x64xf32, #tpu.memory_space<hbm>> -> memref<1000000x64xf32, #tpu.memory_space<hbm>>
      tpu.wait_indirect_dma semaphore(%arg11 : memref<!tpu.dma_semaphore, #tpu.memory_space<semaphore_mem>>) src(%dma_wait3A_1070 : memref<1000000x64xf32, #tpu.memory_space<hbm>>) dst(%dma_wait3A_1065 : memref<80x64xf32, #tpu.memory_space<vmem>>)
      %dma_wait3A_1071 = arith.constant 1200 : i32
      %dma_wait3A_1072 = arith.constant 0 : i32
      %dma_wait3A_1073 = tpu.memref_slice %arg8[%dma_wait3A_1071, %dma_wait3A_1072] : memref<1600x64xf32, #tpu.memory_space<vmem>> -> memref<80x64xf32, #tpu.memory_space<vmem>>
      %dma_wait3A_1074 = arith.constant 1200 : i32
      %dma_wait3A_1075 = tpu.memref_slice %arg7[%dma_wait3A_1074] : memref<1600xi32, #tpu.memory_space<vmem>> -> memref<80xi32, #tpu.memory_space<vmem>>
      %dma_wait3A_1076 = arith.constant 0 : i32
      %dma_wait3A_1077 = arith.constant 0 : i32
      %dma_wait3A_1078 = tpu.memref_slice %arg4[%dma_wait3A_1076, %dma_wait3A_1077] : memref<1000000x64xf32, #tpu.memory_space<hbm>> -> memref<1000000x64xf32, #tpu.memory_space<hbm>>
      tpu.wait_indirect_dma semaphore(%arg11 : memref<!tpu.dma_semaphore, #tpu.memory_space<semaphore_mem>>) src(%dma_wait3A_1078 : memref<1000000x64xf32, #tpu.memory_space<hbm>>) dst(%dma_wait3A_1073 : memref<80x64xf32, #tpu.memory_space<vmem>>)
      %dma_wait3A_1079 = arith.constant 1280 : i32
      %dma_wait3A_1080 = arith.constant 0 : i32
      %dma_wait3A_1081 = tpu.memref_slice %arg8[%dma_wait3A_1079, %dma_wait3A_1080] : memref<1600x64xf32, #tpu.memory_space<vmem>> -> memref<80x64xf32, #tpu.memory_space<vmem>>
      %dma_wait3A_1082 = arith.constant 1280 : i32
      %dma_wait3A_1083 = tpu.memref_slice %arg7[%dma_wait3A_1082] : memref<1600xi32, #tpu.memory_space<vmem>> -> memref<80xi32, #tpu.memory_space<vmem>>
      %dma_wait3A_1084 = arith.constant 0 : i32
      %dma_wait3A_1085 = arith.constant 0 : i32
      %dma_wait3A_1086 = tpu.memref_slice %arg4[%dma_wait3A_1084, %dma_wait3A_1085] : memref<1000000x64xf32, #tpu.memory_space<hbm>> -> memref<1000000x64xf32, #tpu.memory_space<hbm>>
      tpu.wait_indirect_dma semaphore(%arg11 : memref<!tpu.dma_semaphore, #tpu.memory_space<semaphore_mem>>) src(%dma_wait3A_1086 : memref<1000000x64xf32, #tpu.memory_space<hbm>>) dst(%dma_wait3A_1081 : memref<80x64xf32, #tpu.memory_space<vmem>>)
      %dma_wait3A_1087 = arith.constant 1360 : i32
      %dma_wait3A_1088 = arith.constant 0 : i32
      %dma_wait3A_1089 = tpu.memref_slice %arg8[%dma_wait3A_1087, %dma_wait3A_1088] : memref<1600x64xf32, #tpu.memory_space<vmem>> -> memref<80x64xf32, #tpu.memory_space<vmem>>
      %dma_wait3A_1090 = arith.constant 1360 : i32
      %dma_wait3A_1091 = tpu.memref_slice %arg7[%dma_wait3A_1090] : memref<1600xi32, #tpu.memory_space<vmem>> -> memref<80xi32, #tpu.memory_space<vmem>>
      %dma_wait3A_1092 = arith.constant 0 : i32
      %dma_wait3A_1093 = arith.constant 0 : i32
      %dma_wait3A_1094 = tpu.memref_slice %arg4[%dma_wait3A_1092, %dma_wait3A_1093] : memref<1000000x64xf32, #tpu.memory_space<hbm>> -> memref<1000000x64xf32, #tpu.memory_space<hbm>>
      tpu.wait_indirect_dma semaphore(%arg11 : memref<!tpu.dma_semaphore, #tpu.memory_space<semaphore_mem>>) src(%dma_wait3A_1094 : memref<1000000x64xf32, #tpu.memory_space<hbm>>) dst(%dma_wait3A_1089 : memref<80x64xf32, #tpu.memory_space<vmem>>)
      %dma_wait3A_1095 = arith.constant 1440 : i32
      %dma_wait3A_1096 = arith.constant 0 : i32
      %dma_wait3A_1097 = tpu.memref_slice %arg8[%dma_wait3A_1095, %dma_wait3A_1096] : memref<1600x64xf32, #tpu.memory_space<vmem>> -> memref<80x64xf32, #tpu.memory_space<vmem>>
      %dma_wait3A_1098 = arith.constant 1440 : i32
      %dma_wait3A_1099 = tpu.memref_slice %arg7[%dma_wait3A_1098] : memref<1600xi32, #tpu.memory_space<vmem>> -> memref<80xi32, #tpu.memory_space<vmem>>
      %dma_wait3A_1100 = arith.constant 0 : i32
      %dma_wait3A_1101 = arith.constant 0 : i32
      %dma_wait3A_1102 = tpu.memref_slice %arg4[%dma_wait3A_1100, %dma_wait3A_1101] : memref<1000000x64xf32, #tpu.memory_space<hbm>> -> memref<1000000x64xf32, #tpu.memory_space<hbm>>
      tpu.wait_indirect_dma semaphore(%arg11 : memref<!tpu.dma_semaphore, #tpu.memory_space<semaphore_mem>>) src(%dma_wait3A_1102 : memref<1000000x64xf32, #tpu.memory_space<hbm>>) dst(%dma_wait3A_1097 : memref<80x64xf32, #tpu.memory_space<vmem>>)
      %dma_wait3A_1103 = arith.constant 1520 : i32
      %dma_wait3A_1104 = arith.constant 0 : i32
      %dma_wait3A_1105 = tpu.memref_slice %arg8[%dma_wait3A_1103, %dma_wait3A_1104] : memref<1600x64xf32, #tpu.memory_space<vmem>> -> memref<80x64xf32, #tpu.memory_space<vmem>>
      %dma_wait3A_1106 = arith.constant 1520 : i32
      %dma_wait3A_1107 = tpu.memref_slice %arg7[%dma_wait3A_1106] : memref<1600xi32, #tpu.memory_space<vmem>> -> memref<80xi32, #tpu.memory_space<vmem>>
      %dma_wait3A_1108 = arith.constant 0 : i32
      %dma_wait3A_1109 = arith.constant 0 : i32
      %dma_wait3A_1110 = tpu.memref_slice %arg4[%dma_wait3A_1108, %dma_wait3A_1109] : memref<1000000x64xf32, #tpu.memory_space<hbm>> -> memref<1000000x64xf32, #tpu.memory_space<hbm>>
      tpu.wait_indirect_dma semaphore(%arg11 : memref<!tpu.dma_semaphore, #tpu.memory_space<semaphore_mem>>) src(%dma_wait3A_1110 : memref<1000000x64xf32, #tpu.memory_space<hbm>>) dst(%dma_wait3A_1105 : memref<80x64xf32, #tpu.memory_space<vmem>>)
      %mul3A_1111 = arith.constant 50 : i32
      %mul3A_1112 = arith.muli %add3A_11, %mul3A_1111 : i32
      %add3A_1113 = arith.constant 800 : i32
      %add3A_1114 = arith.addi %mul3A_1112, %add3A_1113 : i32
      %dma_start3A_1115 = arith.constant 800 : i32
      %dma_start3A_1116 = arith.constant 0 : i32
      %dma_start3A_1117 = tpu.memref_slice %arg8[%dma_start3A_1115, %dma_start3A_1116] : memref<1600x64xf32, #tpu.memory_space<vmem>> -> memref<800x64xf32, #tpu.memory_space<vmem>>
      %dma_start3A_1118 = arith.constant 0 : i32
      %dma_start3A_1119 = tpu.memref_slice %arg5[%add3A_1114, %dma_start3A_1118] : memref<819200x64xf32, #tpu.memory_space<hbm>> -> memref<800x64xf32, #tpu.memory_space<hbm>>
      %dma_start3A_1120 = arith.constant 0 : i32
      %dma_start3A_1121 = tpu.memref_slice %arg5[%add3A_1114, %dma_start3A_1120] : memref<819200x64xf32, #tpu.memory_space<hbm>> -> memref<800x64xf32, #tpu.memory_space<hbm>>
      %dma_start3A_1122 = arith.constant 800 : i32
      %dma_start3A_1123 = arith.constant 0 : i32
      %dma_start3A_1124 = tpu.memref_slice %arg8[%dma_start3A_1122, %dma_start3A_1123] : memref<1600x64xf32, #tpu.memory_space<vmem>> -> memref<800x64xf32, #tpu.memory_space<vmem>>
      tpu.enqueue_dma source(%dma_start3A_1124 : memref<800x64xf32, #tpu.memory_space<vmem>>) target(%dma_start3A_1121 : memref<800x64xf32, #tpu.memory_space<hbm>>) target_semaphore(%arg12 : memref<!tpu.dma_semaphore, #tpu.memory_space<semaphore_mem>>)
      %slice3A_1125 = vector.extract_strided_slice %get3A_176 {offsets = [16], sizes = [1], strides = [1]} : vector<32xi32> to vector<1xi32>
      %squeeze3A_1126 = vector.extract %slice3A_1125[0] : i32 from vector<1xi32>
      %convert_element_type3A_1127 = arith.sitofp %squeeze3A_1126 : i32 to f32
      %broadcast_in_dim3A_1128 = arith.constant 0.000000e+00 : f32
      %broadcast_in_dim3A_1129 = vector.broadcast %broadcast_in_dim3A_1128 : f32 to vector<16xf32>
      %while3A_1130 = arith.constant 0 : i32
      %while3A_1131 = arith.subi %squeeze3A_1126, %while3A_1130 : i32
      %while3A_1132 = arith.addi %while3A_1130, %while3A_1131 : i32
      %while3A_1133 = arith.constant 1 : i32
      %while3A_1134 = arith.divsi %while3A_1131, %while3A_1133 : i32
      %while3A_1135 = arith.muli %while3A_1134, %while3A_1133 : i32
      %while3A_1136 = arith.addi %while3A_1130, %while3A_1135 : i32
      %while3A_1137 = arith.constant 1 : i32
      %while3A_1138:4 = scf.for %while3A_1913 = %while3A_1130 to %while3A_1136 step %while3A_1137 iter_args(%while3A_1914 = %broadcast_in_dim3A_1129, %while3A_1915 = %broadcast_in_dim3A_1129, %while3A_1916 = %broadcast_in_dim3A_1129, %while3A_1917 = %broadcast_in_dim3A_1129) -> (vector<16xf32>, vector<16xf32>, vector<16xf32>, vector<16xf32>)  : i32 {
        %add3A_1918 = arith.constant 800 : i32
        %add3A_1919 = arith.addi %add3A_1918, %while3A_1913 : i32
        %get3A_1920 = arith.index_cast %add3A_1919 : i32 to index
        %get3A_1921 = arith.constant 0 : index
        %get3A_1922 = tpu.vector_load %arg8[%get3A_1920, %get3A_1921] {strides = array<i32>} : memref<1600x64xf32, #tpu.memory_space<vmem>>, vector<1x16xf32>,
        %get3A_1923 = vector.shape_cast %get3A_1922 : vector<1x16xf32> to vector<16xf32>
        %add3A_1924 = arith.addf %while3A_1914, %get3A_1923 : vector<16xf32>
        %get3A_1925 = arith.index_cast %add3A_1919 : i32 to index
        %get3A_1926 = arith.constant 16 : index
        %get3A_1927 = tpu.vector_load %arg8[%get3A_1925, %get3A_1926] {strides = array<i32>} : memref<1600x64xf32, #tpu.memory_space<vmem>>, vector<1x16xf32>,
        %get3A_1928 = vector.shape_cast %get3A_1927 : vector<1x16xf32> to vector<16xf32>
        %add3A_1929 = arith.addf %while3A_1915, %get3A_1928 : vector<16xf32>
        %get3A_1930 = arith.index_cast %add3A_1919 : i32 to index
        %get3A_1931 = arith.constant 32 : index
        %get3A_1932 = tpu.vector_load %arg8[%get3A_1930, %get3A_1931] {strides = array<i32>} : memref<1600x64xf32, #tpu.memory_space<vmem>>, vector<1x16xf32>,
        %get3A_1933 = vector.shape_cast %get3A_1932 : vector<1x16xf32> to vector<16xf32>
        %add3A_1934 = arith.addf %while3A_1916, %get3A_1933 : vector<16xf32>
        %get3A_1935 = arith.index_cast %add3A_1919 : i32 to index
        %get3A_1936 = arith.constant 48 : index
        %get3A_1937 = tpu.vector_load %arg8[%get3A_1935, %get3A_1936] {strides = array<i32>} : memref<1600x64xf32, #tpu.memory_space<vmem>>, vector<1x16xf32>,
        %get3A_1938 = vector.shape_cast %get3A_1937 : vector<1x16xf32> to vector<16xf32>
        %add3A_1939 = arith.addf %while3A_1917, %get3A_1938 : vector<16xf32>
        scf.yield %add3A_1924, %add3A_1929, %add3A_1934, %add3A_1939 : vector<16xf32>, vector<16xf32>, vector<16xf32>, vector<16xf32>
      }
      %while3A_1139 = arith.constant 1 : i32
      %while3A_1140:4 = scf.for %while3A_1913 = %while3A_1136 to %while3A_1132 step %while3A_1139 iter_args(%while3A_1914 = %while3A_1138#0, %while3A_1915 = %while3A_1138#1, %while3A_1916 = %while3A_1138#2, %while3A_1917 = %while3A_1138#3) -> (vector<16xf32>, vector<16xf32>, vector<16xf32>, vector<16xf32>)  : i32 {
        %add3A_1918 = arith.constant 800 : i32
        %add3A_1919 = arith.addi %add3A_1918, %while3A_1913 : i32
        %get3A_1920 = arith.index_cast %add3A_1919 : i32 to index
        %get3A_1921 = arith.constant 0 : index
        %get3A_1922 = tpu.vector_load %arg8[%get3A_1920, %get3A_1921] {strides = array<i32>} : memref<1600x64xf32, #tpu.memory_space<vmem>>, vector<1x16xf32>,
        %get3A_1923 = vector.shape_cast %get3A_1922 : vector<1x16xf32> to vector<16xf32>
        %add3A_1924 = arith.addf %while3A_1914, %get3A_1923 : vector<16xf32>
        %get3A_1925 = arith.index_cast %add3A_1919 : i32 to index
        %get3A_1926 = arith.constant 16 : index
        %get3A_1927 = tpu.vector_load %arg8[%get3A_1925, %get3A_1926] {strides = array<i32>} : memref<1600x64xf32, #tpu.memory_space<vmem>>, vector<1x16xf32>,
        %get3A_1928 = vector.shape_cast %get3A_1927 : vector<1x16xf32> to vector<16xf32>
        %add3A_1929 = arith.addf %while3A_1915, %get3A_1928 : vector<16xf32>
        %get3A_1930 = arith.index_cast %add3A_1919 : i32 to index
        %get3A_1931 = arith.constant 32 : index
        %get3A_1932 = tpu.vector_load %arg8[%get3A_1930, %get3A_1931] {strides = array<i32>} : memref<1600x64xf32, #tpu.memory_space<vmem>>, vector<1x16xf32>,
        %get3A_1933 = vector.shape_cast %get3A_1932 : vector<1x16xf32> to vector<16xf32>
        %add3A_1934 = arith.addf %while3A_1916, %get3A_1933 : vector<16xf32>
        %get3A_1935 = arith.index_cast %add3A_1919 : i32 to index
        %get3A_1936 = arith.constant 48 : index
        %get3A_1937 = tpu.vector_load %arg8[%get3A_1935, %get3A_1936] {strides = array<i32>} : memref<1600x64xf32, #tpu.memory_space<vmem>>, vector<1x16xf32>,
        %get3A_1938 = vector.shape_cast %get3A_1937 : vector<1x16xf32> to vector<16xf32>
        %add3A_1939 = arith.addf %while3A_1917, %get3A_1938 : vector<16xf32>
        scf.yield %add3A_1924, %add3A_1929, %add3A_1934, %add3A_1939 : vector<16xf32>, vector<16xf32>, vector<16xf32>, vector<16xf32>
      }
      %div3A_1141 = vector.broadcast %convert_element_type3A_1127 : f32 to vector<16xf32>
      %div3A_1142 = arith.divf %while3A_1140#0, %div3A_1141 : vector<16xf32>
      %swap3A_1143 = arith.constant 16 : i32
      %swap3A_1144 = arith.index_cast %swap3A_1143 : i32 to index
      %swap3A_1145 = arith.constant 0 : index
      %swap3A_1146 = tpu.vector_load %arg10[%swap3A_1144, %swap3A_1145] {strides = array<i32>} : memref<32x64xf32, #tpu.memory_space<vmem>>, vector<1x16xf32>,
      %swap3A_1147 = vector.shape_cast %swap3A_1146 : vector<1x16xf32> to vector<16xf32>
      %swap3A_1148 = vector.shape_cast %div3A_1142 : vector<16xf32> to vector<1x16xf32>
      tpu.vector_store %arg10[%swap3A_1144, %swap3A_1145], %swap3A_1148 {strides = array<i32>} : memref<32x64xf32, #tpu.memory_space<vmem>>, vector<1x16xf32>,
      %div3A_1149 = vector.broadcast %convert_element_type3A_1127 : f32 to vector<16xf32>
      %div3A_1150 = arith.divf %while3A_1140#1, %div3A_1149 : vector<16xf32>
      %swap3A_1151 = arith.constant 16 : i32
      %swap3A_1152 = arith.index_cast %swap3A_1151 : i32 to index
      %swap3A_1153 = arith.constant 16 : index
      %swap3A_1154 = tpu.vector_load %arg10[%swap3A_1152, %swap3A_1153] {strides = array<i32>} : memref<32x64xf32, #tpu.memory_space<vmem>>, vector<1x16xf32>,
      %swap3A_1155 = vector.shape_cast %swap3A_1154 : vector<1x16xf32> to vector<16xf32>
      %swap3A_1156 = vector.shape_cast %div3A_1150 : vector<16xf32> to vector<1x16xf32>
      tpu.vector_store %arg10[%swap3A_1152, %swap3A_1153], %swap3A_1156 {strides = array<i32>} : memref<32x64xf32, #tpu.memory_space<vmem>>, vector<1x16xf32>,
      %div3A_1157 = vector.broadcast %convert_element_type3A_1127 : f32 to vector<16xf32>
      %div3A_1158 = arith.divf %while3A_1140#2, %div3A_1157 : vector<16xf32>
      %swap3A_1159 = arith.constant 16 : i32
      %swap3A_1160 = arith.index_cast %swap3A_1159 : i32 to index
      %swap3A_1161 = arith.constant 32 : index
      %swap3A_1162 = tpu.vector_load %arg10[%swap3A_1160, %swap3A_1161] {strides = array<i32>} : memref<32x64xf32, #tpu.memory_space<vmem>>, vector<1x16xf32>,
      %swap3A_1163 = vector.shape_cast %swap3A_1162 : vector<1x16xf32> to vector<16xf32>
      %swap3A_1164 = vector.shape_cast %div3A_1158 : vector<16xf32> to vector<1x16xf32>
      tpu.vector_store %arg10[%swap3A_1160, %swap3A_1161], %swap3A_1164 {strides = array<i32>} : memref<32x64xf32, #tpu.memory_space<vmem>>, vector<1x16xf32>,
      %div3A_1165 = vector.broadcast %convert_element_type3A_1127 : f32 to vector<16xf32>
      %div3A_1166 = arith.divf %while3A_1140#3, %div3A_1165 : vector<16xf32>
      %swap3A_1167 = arith.constant 16 : i32
      %swap3A_1168 = arith.index_cast %swap3A_1167 : i32 to index
      %swap3A_1169 = arith.constant 48 : index
      %swap3A_1170 = tpu.vector_load %arg10[%swap3A_1168, %swap3A_1169] {strides = array<i32>} : memref<32x64xf32, #tpu.memory_space<vmem>>, vector<1x16xf32>,
      %swap3A_1171 = vector.shape_cast %swap3A_1170 : vector<1x16xf32> to vector<16xf32>
      %swap3A_1172 = vector.shape_cast %div3A_1166 : vector<16xf32> to vector<1x16xf32>
      tpu.vector_store %arg10[%swap3A_1168, %swap3A_1169], %swap3A_1172 {strides = array<i32>} : memref<32x64xf32, #tpu.memory_space<vmem>>, vector<1x16xf32>,
      %slice3A_1173 = vector.extract_strided_slice %get3A_176 {offsets = [17], sizes = [1], strides = [1]} : vector<32xi32> to vector<1xi32>
      %squeeze3A_1174 = vector.extract %slice3A_1173[0] : i32 from vector<1xi32>
      %convert_element_type3A_1175 = arith.sitofp %squeeze3A_1174 : i32 to f32
      %broadcast_in_dim3A_1176 = arith.constant 0.000000e+00 : f32
      %broadcast_in_dim3A_1177 = vector.broadcast %broadcast_in_dim3A_1176 : f32 to vector<16xf32>
      %while3A_1178 = arith.constant 0 : i32
      %while3A_1179 = arith.subi %squeeze3A_1174, %while3A_1178 : i32
      %while3A_1180 = arith.addi %while3A_1178, %while3A_1179 : i32
      %while3A_1181 = arith.constant 1 : i32
      %while3A_1182 = arith.divsi %while3A_1179, %while3A_1181 : i32
      %while3A_1183 = arith.muli %while3A_1182, %while3A_1181 : i32
      %while3A_1184 = arith.addi %while3A_1178, %while3A_1183 : i32
      %while3A_1185 = arith.constant 1 : i32
      %while3A_1186:4 = scf.for %while3A_1913 = %while3A_1178 to %while3A_1184 step %while3A_1185 iter_args(%while3A_1914 = %broadcast_in_dim3A_1177, %while3A_1915 = %broadcast_in_dim3A_1177, %while3A_1916 = %broadcast_in_dim3A_1177, %while3A_1917 = %broadcast_in_dim3A_1177) -> (vector<16xf32>, vector<16xf32>, vector<16xf32>, vector<16xf32>)  : i32 {
        %add3A_1918 = arith.constant 850 : i32
        %add3A_1919 = arith.addi %add3A_1918, %while3A_1913 : i32
        %get3A_1920 = arith.index_cast %add3A_1919 : i32 to index
        %get3A_1921 = arith.constant 0 : index
        %get3A_1922 = tpu.vector_load %arg8[%get3A_1920, %get3A_1921] {strides = array<i32>} : memref<1600x64xf32, #tpu.memory_space<vmem>>, vector<1x16xf32>,
        %get3A_1923 = vector.shape_cast %get3A_1922 : vector<1x16xf32> to vector<16xf32>
        %add3A_1924 = arith.addf %while3A_1914, %get3A_1923 : vector<16xf32>
        %get3A_1925 = arith.index_cast %add3A_1919 : i32 to index
        %get3A_1926 = arith.constant 16 : index
        %get3A_1927 = tpu.vector_load %arg8[%get3A_1925, %get3A_1926] {strides = array<i32>} : memref<1600x64xf32, #tpu.memory_space<vmem>>, vector<1x16xf32>,
        %get3A_1928 = vector.shape_cast %get3A_1927 : vector<1x16xf32> to vector<16xf32>
        %add3A_1929 = arith.addf %while3A_1915, %get3A_1928 : vector<16xf32>
        %get3A_1930 = arith.index_cast %add3A_1919 : i32 to index
        %get3A_1931 = arith.constant 32 : index
        %get3A_1932 = tpu.vector_load %arg8[%get3A_1930, %get3A_1931] {strides = array<i32>} : memref<1600x64xf32, #tpu.memory_space<vmem>>, vector<1x16xf32>,
        %get3A_1933 = vector.shape_cast %get3A_1932 : vector<1x16xf32> to vector<16xf32>
        %add3A_1934 = arith.addf %while3A_1916, %get3A_1933 : vector<16xf32>
        %get3A_1935 = arith.index_cast %add3A_1919 : i32 to index
        %get3A_1936 = arith.constant 48 : index
        %get3A_1937 = tpu.vector_load %arg8[%get3A_1935, %get3A_1936] {strides = array<i32>} : memref<1600x64xf32, #tpu.memory_space<vmem>>, vector<1x16xf32>,
        %get3A_1938 = vector.shape_cast %get3A_1937 : vector<1x16xf32> to vector<16xf32>
        %add3A_1939 = arith.addf %while3A_1917, %get3A_1938 : vector<16xf32>
        scf.yield %add3A_1924, %add3A_1929, %add3A_1934, %add3A_1939 : vector<16xf32>, vector<16xf32>, vector<16xf32>, vector<16xf32>
      }
      %while3A_1187 = arith.constant 1 : i32
      %while3A_1188:4 = scf.for %while3A_1913 = %while3A_1184 to %while3A_1180 step %while3A_1187 iter_args(%while3A_1914 = %while3A_1186#0, %while3A_1915 = %while3A_1186#1, %while3A_1916 = %while3A_1186#2, %while3A_1917 = %while3A_1186#3) -> (vector<16xf32>, vector<16xf32>, vector<16xf32>, vector<16xf32>)  : i32 {
        %add3A_1918 = arith.constant 850 : i32
        %add3A_1919 = arith.addi %add3A_1918, %while3A_1913 : i32
        %get3A_1920 = arith.index_cast %add3A_1919 : i32 to index
        %get3A_1921 = arith.constant 0 : index
        %get3A_1922 = tpu.vector_load %arg8[%get3A_1920, %get3A_1921] {strides = array<i32>} : memref<1600x64xf32, #tpu.memory_space<vmem>>, vector<1x16xf32>,
        %get3A_1923 = vector.shape_cast %get3A_1922 : vector<1x16xf32> to vector<16xf32>
        %add3A_1924 = arith.addf %while3A_1914, %get3A_1923 : vector<16xf32>
        %get3A_1925 = arith.index_cast %add3A_1919 : i32 to index
        %get3A_1926 = arith.constant 16 : index
        %get3A_1927 = tpu.vector_load %arg8[%get3A_1925, %get3A_1926] {strides = array<i32>} : memref<1600x64xf32, #tpu.memory_space<vmem>>, vector<1x16xf32>,
        %get3A_1928 = vector.shape_cast %get3A_1927 : vector<1x16xf32> to vector<16xf32>
        %add3A_1929 = arith.addf %while3A_1915, %get3A_1928 : vector<16xf32>
        %get3A_1930 = arith.index_cast %add3A_1919 : i32 to index
        %get3A_1931 = arith.constant 32 : index
        %get3A_1932 = tpu.vector_load %arg8[%get3A_1930, %get3A_1931] {strides = array<i32>} : memref<1600x64xf32, #tpu.memory_space<vmem>>, vector<1x16xf32>,
        %get3A_1933 = vector.shape_cast %get3A_1932 : vector<1x16xf32> to vector<16xf32>
        %add3A_1934 = arith.addf %while3A_1916, %get3A_1933 : vector<16xf32>
        %get3A_1935 = arith.index_cast %add3A_1919 : i32 to index
        %get3A_1936 = arith.constant 48 : index
        %get3A_1937 = tpu.vector_load %arg8[%get3A_1935, %get3A_1936] {strides = array<i32>} : memref<1600x64xf32, #tpu.memory_space<vmem>>, vector<1x16xf32>,
        %get3A_1938 = vector.shape_cast %get3A_1937 : vector<1x16xf32> to vector<16xf32>
        %add3A_1939 = arith.addf %while3A_1917, %get3A_1938 : vector<16xf32>
        scf.yield %add3A_1924, %add3A_1929, %add3A_1934, %add3A_1939 : vector<16xf32>, vector<16xf32>, vector<16xf32>, vector<16xf32>
      }
      %div3A_1189 = vector.broadcast %convert_element_type3A_1175 : f32 to vector<16xf32>
      %div3A_1190 = arith.divf %while3A_1188#0, %div3A_1189 : vector<16xf32>
      %swap3A_1191 = arith.constant 17 : i32
      %swap3A_1192 = arith.index_cast %swap3A_1191 : i32 to index
      %swap3A_1193 = arith.constant 0 : index
      %swap3A_1194 = tpu.vector_load %arg10[%swap3A_1192, %swap3A_1193] {strides = array<i32>} : memref<32x64xf32, #tpu.memory_space<vmem>>, vector<1x16xf32>,
      %swap3A_1195 = vector.shape_cast %swap3A_1194 : vector<1x16xf32> to vector<16xf32>
      %swap3A_1196 = vector.shape_cast %div3A_1190 : vector<16xf32> to vector<1x16xf32>
      tpu.vector_store %arg10[%swap3A_1192, %swap3A_1193], %swap3A_1196 {strides = array<i32>} : memref<32x64xf32, #tpu.memory_space<vmem>>, vector<1x16xf32>,
      %div3A_1197 = vector.broadcast %convert_element_type3A_1175 : f32 to vector<16xf32>
      %div3A_1198 = arith.divf %while3A_1188#1, %div3A_1197 : vector<16xf32>
      %swap3A_1199 = arith.constant 17 : i32
      %swap3A_1200 = arith.index_cast %swap3A_1199 : i32 to index
      %swap3A_1201 = arith.constant 16 : index
      %swap3A_1202 = tpu.vector_load %arg10[%swap3A_1200, %swap3A_1201] {strides = array<i32>} : memref<32x64xf32, #tpu.memory_space<vmem>>, vector<1x16xf32>,
      %swap3A_1203 = vector.shape_cast %swap3A_1202 : vector<1x16xf32> to vector<16xf32>
      %swap3A_1204 = vector.shape_cast %div3A_1198 : vector<16xf32> to vector<1x16xf32>
      tpu.vector_store %arg10[%swap3A_1200, %swap3A_1201], %swap3A_1204 {strides = array<i32>} : memref<32x64xf32, #tpu.memory_space<vmem>>, vector<1x16xf32>,
      %div3A_1205 = vector.broadcast %convert_element_type3A_1175 : f32 to vector<16xf32>
      %div3A_1206 = arith.divf %while3A_1188#2, %div3A_1205 : vector<16xf32>
      %swap3A_1207 = arith.constant 17 : i32
      %swap3A_1208 = arith.index_cast %swap3A_1207 : i32 to index
      %swap3A_1209 = arith.constant 32 : index
      %swap3A_1210 = tpu.vector_load %arg10[%swap3A_1208, %swap3A_1209] {strides = array<i32>} : memref<32x64xf32, #tpu.memory_space<vmem>>, vector<1x16xf32>,
      %swap3A_1211 = vector.shape_cast %swap3A_1210 : vector<1x16xf32> to vector<16xf32>
      %swap3A_1212 = vector.shape_cast %div3A_1206 : vector<16xf32> to vector<1x16xf32>
      tpu.vector_store %arg10[%swap3A_1208, %swap3A_1209], %swap3A_1212 {strides = array<i32>} : memref<32x64xf32, #tpu.memory_space<vmem>>, vector<1x16xf32>,
      %div3A_1213 = vector.broadcast %convert_element_type3A_1175 : f32 to vector<16xf32>
      %div3A_1214 = arith.divf %while3A_1188#3, %div3A_1213 : vector<16xf32>
      %swap3A_1215 = arith.constant 17 : i32
      %swap3A_1216 = arith.index_cast %swap3A_1215 : i32 to index
      %swap3A_1217 = arith.constant 48 : index
      %swap3A_1218 = tpu.vector_load %arg10[%swap3A_1216, %swap3A_1217] {strides = array<i32>} : memref<32x64xf32, #tpu.memory_space<vmem>>, vector<1x16xf32>,
      %swap3A_1219 = vector.shape_cast %swap3A_1218 : vector<1x16xf32> to vector<16xf32>
      %swap3A_1220 = vector.shape_cast %div3A_1214 : vector<16xf32> to vector<1x16xf32>
      tpu.vector_store %arg10[%swap3A_1216, %swap3A_1217], %swap3A_1220 {strides = array<i32>} : memref<32x64xf32, #tpu.memory_space<vmem>>, vector<1x16xf32>,
      %slice3A_1221 = vector.extract_strided_slice %get3A_176 {offsets = [18], sizes = [1], strides = [1]} : vector<32xi32> to vector<1xi32>
      %squeeze3A_1222 = vector.extract %slice3A_1221[0] : i32 from vector<1xi32>
      %convert_element_type3A_1223 = arith.sitofp %squeeze3A_1222 : i32 to f32
      %broadcast_in_dim3A_1224 = arith.constant 0.000000e+00 : f32
      %broadcast_in_dim3A_1225 = vector.broadcast %broadcast_in_dim3A_1224 : f32 to vector<16xf32>
      %while3A_1226 = arith.constant 0 : i32
      %while3A_1227 = arith.subi %squeeze3A_1222, %while3A_1226 : i32
      %while3A_1228 = arith.addi %while3A_1226, %while3A_1227 : i32
      %while3A_1229 = arith.constant 1 : i32
      %while3A_1230 = arith.divsi %while3A_1227, %while3A_1229 : i32
      %while3A_1231 = arith.muli %while3A_1230, %while3A_1229 : i32
      %while3A_1232 = arith.addi %while3A_1226, %while3A_1231 : i32
      %while3A_1233 = arith.constant 1 : i32
      %while3A_1234:4 = scf.for %while3A_1913 = %while3A_1226 to %while3A_1232 step %while3A_1233 iter_args(%while3A_1914 = %broadcast_in_dim3A_1225, %while3A_1915 = %broadcast_in_dim3A_1225, %while3A_1916 = %broadcast_in_dim3A_1225, %while3A_1917 = %broadcast_in_dim3A_1225) -> (vector<16xf32>, vector<16xf32>, vector<16xf32>, vector<16xf32>)  : i32 {
        %add3A_1918 = arith.constant 900 : i32
        %add3A_1919 = arith.addi %add3A_1918, %while3A_1913 : i32
        %get3A_1920 = arith.index_cast %add3A_1919 : i32 to index
        %get3A_1921 = arith.constant 0 : index
        %get3A_1922 = tpu.vector_load %arg8[%get3A_1920, %get3A_1921] {strides = array<i32>} : memref<1600x64xf32, #tpu.memory_space<vmem>>, vector<1x16xf32>,
        %get3A_1923 = vector.shape_cast %get3A_1922 : vector<1x16xf32> to vector<16xf32>
        %add3A_1924 = arith.addf %while3A_1914, %get3A_1923 : vector<16xf32>
        %get3A_1925 = arith.index_cast %add3A_1919 : i32 to index
        %get3A_1926 = arith.constant 16 : index
        %get3A_1927 = tpu.vector_load %arg8[%get3A_1925, %get3A_1926] {strides = array<i32>} : memref<1600x64xf32, #tpu.memory_space<vmem>>, vector<1x16xf32>,
        %get3A_1928 = vector.shape_cast %get3A_1927 : vector<1x16xf32> to vector<16xf32>
        %add3A_1929 = arith.addf %while3A_1915, %get3A_1928 : vector<16xf32>
        %get3A_1930 = arith.index_cast %add3A_1919 : i32 to index
        %get3A_1931 = arith.constant 32 : index
        %get3A_1932 = tpu.vector_load %arg8[%get3A_1930, %get3A_1931] {strides = array<i32>} : memref<1600x64xf32, #tpu.memory_space<vmem>>, vector<1x16xf32>,
        %get3A_1933 = vector.shape_cast %get3A_1932 : vector<1x16xf32> to vector<16xf32>
        %add3A_1934 = arith.addf %while3A_1916, %get3A_1933 : vector<16xf32>
        %get3A_1935 = arith.index_cast %add3A_1919 : i32 to index
        %get3A_1936 = arith.constant 48 : index
        %get3A_1937 = tpu.vector_load %arg8[%get3A_1935, %get3A_1936] {strides = array<i32>} : memref<1600x64xf32, #tpu.memory_space<vmem>>, vector<1x16xf32>,
        %get3A_1938 = vector.shape_cast %get3A_1937 : vector<1x16xf32> to vector<16xf32>
        %add3A_1939 = arith.addf %while3A_1917, %get3A_1938 : vector<16xf32>
        scf.yield %add3A_1924, %add3A_1929, %add3A_1934, %add3A_1939 : vector<16xf32>, vector<16xf32>, vector<16xf32>, vector<16xf32>
      }
      %while3A_1235 = arith.constant 1 : i32
      %while3A_1236:4 = scf.for %while3A_1913 = %while3A_1232 to %while3A_1228 step %while3A_1235 iter_args(%while3A_1914 = %while3A_1234#0, %while3A_1915 = %while3A_1234#1, %while3A_1916 = %while3A_1234#2, %while3A_1917 = %while3A_1234#3) -> (vector<16xf32>, vector<16xf32>, vector<16xf32>, vector<16xf32>)  : i32 {
        %add3A_1918 = arith.constant 900 : i32
        %add3A_1919 = arith.addi %add3A_1918, %while3A_1913 : i32
        %get3A_1920 = arith.index_cast %add3A_1919 : i32 to index
        %get3A_1921 = arith.constant 0 : index
        %get3A_1922 = tpu.vector_load %arg8[%get3A_1920, %get3A_1921] {strides = array<i32>} : memref<1600x64xf32, #tpu.memory_space<vmem>>, vector<1x16xf32>,
        %get3A_1923 = vector.shape_cast %get3A_1922 : vector<1x16xf32> to vector<16xf32>
        %add3A_1924 = arith.addf %while3A_1914, %get3A_1923 : vector<16xf32>
        %get3A_1925 = arith.index_cast %add3A_1919 : i32 to index
        %get3A_1926 = arith.constant 16 : index
        %get3A_1927 = tpu.vector_load %arg8[%get3A_1925, %get3A_1926] {strides = array<i32>} : memref<1600x64xf32, #tpu.memory_space<vmem>>, vector<1x16xf32>,
        %get3A_1928 = vector.shape_cast %get3A_1927 : vector<1x16xf32> to vector<16xf32>
        %add3A_1929 = arith.addf %while3A_1915, %get3A_1928 : vector<16xf32>
        %get3A_1930 = arith.index_cast %add3A_1919 : i32 to index
        %get3A_1931 = arith.constant 32 : index
        %get3A_1932 = tpu.vector_load %arg8[%get3A_1930, %get3A_1931] {strides = array<i32>} : memref<1600x64xf32, #tpu.memory_space<vmem>>, vector<1x16xf32>,
        %get3A_1933 = vector.shape_cast %get3A_1932 : vector<1x16xf32> to vector<16xf32>
        %add3A_1934 = arith.addf %while3A_1916, %get3A_1933 : vector<16xf32>
        %get3A_1935 = arith.index_cast %add3A_1919 : i32 to index
        %get3A_1936 = arith.constant 48 : index
        %get3A_1937 = tpu.vector_load %arg8[%get3A_1935, %get3A_1936] {strides = array<i32>} : memref<1600x64xf32, #tpu.memory_space<vmem>>, vector<1x16xf32>,
        %get3A_1938 = vector.shape_cast %get3A_1937 : vector<1x16xf32> to vector<16xf32>
        %add3A_1939 = arith.addf %while3A_1917, %get3A_1938 : vector<16xf32>
        scf.yield %add3A_1924, %add3A_1929, %add3A_1934, %add3A_1939 : vector<16xf32>, vector<16xf32>, vector<16xf32>, vector<16xf32>
      }
      %div3A_1237 = vector.broadcast %convert_element_type3A_1223 : f32 to vector<16xf32>
      %div3A_1238 = arith.divf %while3A_1236#0, %div3A_1237 : vector<16xf32>
      %swap3A_1239 = arith.constant 18 : i32
      %swap3A_1240 = arith.index_cast %swap3A_1239 : i32 to index
      %swap3A_1241 = arith.constant 0 : index
      %swap3A_1242 = tpu.vector_load %arg10[%swap3A_1240, %swap3A_1241] {strides = array<i32>} : memref<32x64xf32, #tpu.memory_space<vmem>>, vector<1x16xf32>,
      %swap3A_1243 = vector.shape_cast %swap3A_1242 : vector<1x16xf32> to vector<16xf32>
      %swap3A_1244 = vector.shape_cast %div3A_1238 : vector<16xf32> to vector<1x16xf32>
      tpu.vector_store %arg10[%swap3A_1240, %swap3A_1241], %swap3A_1244 {strides = array<i32>} : memref<32x64xf32, #tpu.memory_space<vmem>>, vector<1x16xf32>,
      %div3A_1245 = vector.broadcast %convert_element_type3A_1223 : f32 to vector<16xf32>
      %div3A_1246 = arith.divf %while3A_1236#1, %div3A_1245 : vector<16xf32>
      %swap3A_1247 = arith.constant 18 : i32
      %swap3A_1248 = arith.index_cast %swap3A_1247 : i32 to index
      %swap3A_1249 = arith.constant 16 : index
      %swap3A_1250 = tpu.vector_load %arg10[%swap3A_1248, %swap3A_1249] {strides = array<i32>} : memref<32x64xf32, #tpu.memory_space<vmem>>, vector<1x16xf32>,
      %swap3A_1251 = vector.shape_cast %swap3A_1250 : vector<1x16xf32> to vector<16xf32>
      %swap3A_1252 = vector.shape_cast %div3A_1246 : vector<16xf32> to vector<1x16xf32>
      tpu.vector_store %arg10[%swap3A_1248, %swap3A_1249], %swap3A_1252 {strides = array<i32>} : memref<32x64xf32, #tpu.memory_space<vmem>>, vector<1x16xf32>,
      %div3A_1253 = vector.broadcast %convert_element_type3A_1223 : f32 to vector<16xf32>
      %div3A_1254 = arith.divf %while3A_1236#2, %div3A_1253 : vector<16xf32>
      %swap3A_1255 = arith.constant 18 : i32
      %swap3A_1256 = arith.index_cast %swap3A_1255 : i32 to index
      %swap3A_1257 = arith.constant 32 : index
      %swap3A_1258 = tpu.vector_load %arg10[%swap3A_1256, %swap3A_1257] {strides = array<i32>} : memref<32x64xf32, #tpu.memory_space<vmem>>, vector<1x16xf32>,
      %swap3A_1259 = vector.shape_cast %swap3A_1258 : vector<1x16xf32> to vector<16xf32>
      %swap3A_1260 = vector.shape_cast %div3A_1254 : vector<16xf32> to vector<1x16xf32>
      tpu.vector_store %arg10[%swap3A_1256, %swap3A_1257], %swap3A_1260 {strides = array<i32>} : memref<32x64xf32, #tpu.memory_space<vmem>>, vector<1x16xf32>,
      %div3A_1261 = vector.broadcast %convert_element_type3A_1223 : f32 to vector<16xf32>
      %div3A_1262 = arith.divf %while3A_1236#3, %div3A_1261 : vector<16xf32>
      %swap3A_1263 = arith.constant 18 : i32
      %swap3A_1264 = arith.index_cast %swap3A_1263 : i32 to index
      %swap3A_1265 = arith.constant 48 : index
      %swap3A_1266 = tpu.vector_load %arg10[%swap3A_1264, %swap3A_1265] {strides = array<i32>} : memref<32x64xf32, #tpu.memory_space<vmem>>, vector<1x16xf32>,
      %swap3A_1267 = vector.shape_cast %swap3A_1266 : vector<1x16xf32> to vector<16xf32>
      %swap3A_1268 = vector.shape_cast %div3A_1262 : vector<16xf32> to vector<1x16xf32>
      tpu.vector_store %arg10[%swap3A_1264, %swap3A_1265], %swap3A_1268 {strides = array<i32>} : memref<32x64xf32, #tpu.memory_space<vmem>>, vector<1x16xf32>,
      %slice3A_1269 = vector.extract_strided_slice %get3A_176 {offsets = [19], sizes = [1], strides = [1]} : vector<32xi32> to vector<1xi32>
      %squeeze3A_1270 = vector.extract %slice3A_1269[0] : i32 from vector<1xi32>
      %convert_element_type3A_1271 = arith.sitofp %squeeze3A_1270 : i32 to f32
      %broadcast_in_dim3A_1272 = arith.constant 0.000000e+00 : f32
      %broadcast_in_dim3A_1273 = vector.broadcast %broadcast_in_dim3A_1272 : f32 to vector<16xf32>
      %while3A_1274 = arith.constant 0 : i32
      %while3A_1275 = arith.subi %squeeze3A_1270, %while3A_1274 : i32
      %while3A_1276 = arith.addi %while3A_1274, %while3A_1275 : i32
      %while3A_1277 = arith.constant 1 : i32
      %while3A_1278 = arith.divsi %while3A_1275, %while3A_1277 : i32
      %while3A_1279 = arith.muli %while3A_1278, %while3A_1277 : i32
      %while3A_1280 = arith.addi %while3A_1274, %while3A_1279 : i32
      %while3A_1281 = arith.constant 1 : i32
      %while3A_1282:4 = scf.for %while3A_1913 = %while3A_1274 to %while3A_1280 step %while3A_1281 iter_args(%while3A_1914 = %broadcast_in_dim3A_1273, %while3A_1915 = %broadcast_in_dim3A_1273, %while3A_1916 = %broadcast_in_dim3A_1273, %while3A_1917 = %broadcast_in_dim3A_1273) -> (vector<16xf32>, vector<16xf32>, vector<16xf32>, vector<16xf32>)  : i32 {
        %add3A_1918 = arith.constant 950 : i32
        %add3A_1919 = arith.addi %add3A_1918, %while3A_1913 : i32
        %get3A_1920 = arith.index_cast %add3A_1919 : i32 to index
        %get3A_1921 = arith.constant 0 : index
        %get3A_1922 = tpu.vector_load %arg8[%get3A_1920, %get3A_1921] {strides = array<i32>} : memref<1600x64xf32, #tpu.memory_space<vmem>>, vector<1x16xf32>,
        %get3A_1923 = vector.shape_cast %get3A_1922 : vector<1x16xf32> to vector<16xf32>
        %add3A_1924 = arith.addf %while3A_1914, %get3A_1923 : vector<16xf32>
        %get3A_1925 = arith.index_cast %add3A_1919 : i32 to index
        %get3A_1926 = arith.constant 16 : index
        %get3A_1927 = tpu.vector_load %arg8[%get3A_1925, %get3A_1926] {strides = array<i32>} : memref<1600x64xf32, #tpu.memory_space<vmem>>, vector<1x16xf32>,
        %get3A_1928 = vector.shape_cast %get3A_1927 : vector<1x16xf32> to vector<16xf32>
        %add3A_1929 = arith.addf %while3A_1915, %get3A_1928 : vector<16xf32>
        %get3A_1930 = arith.index_cast %add3A_1919 : i32 to index
        %get3A_1931 = arith.constant 32 : index
        %get3A_1932 = tpu.vector_load %arg8[%get3A_1930, %get3A_1931] {strides = array<i32>} : memref<1600x64xf32, #tpu.memory_space<vmem>>, vector<1x16xf32>,
        %get3A_1933 = vector.shape_cast %get3A_1932 : vector<1x16xf32> to vector<16xf32>
        %add3A_1934 = arith.addf %while3A_1916, %get3A_1933 : vector<16xf32>
        %get3A_1935 = arith.index_cast %add3A_1919 : i32 to index
        %get3A_1936 = arith.constant 48 : index
        %get3A_1937 = tpu.vector_load %arg8[%get3A_1935, %get3A_1936] {strides = array<i32>} : memref<1600x64xf32, #tpu.memory_space<vmem>>, vector<1x16xf32>,
        %get3A_1938 = vector.shape_cast %get3A_1937 : vector<1x16xf32> to vector<16xf32>
        %add3A_1939 = arith.addf %while3A_1917, %get3A_1938 : vector<16xf32>
        scf.yield %add3A_1924, %add3A_1929, %add3A_1934, %add3A_1939 : vector<16xf32>, vector<16xf32>, vector<16xf32>, vector<16xf32>
      }
      %while3A_1283 = arith.constant 1 : i32
      %while3A_1284:4 = scf.for %while3A_1913 = %while3A_1280 to %while3A_1276 step %while3A_1283 iter_args(%while3A_1914 = %while3A_1282#0, %while3A_1915 = %while3A_1282#1, %while3A_1916 = %while3A_1282#2, %while3A_1917 = %while3A_1282#3) -> (vector<16xf32>, vector<16xf32>, vector<16xf32>, vector<16xf32>)  : i32 {
        %add3A_1918 = arith.constant 950 : i32
        %add3A_1919 = arith.addi %add3A_1918, %while3A_1913 : i32
        %get3A_1920 = arith.index_cast %add3A_1919 : i32 to index
        %get3A_1921 = arith.constant 0 : index
        %get3A_1922 = tpu.vector_load %arg8[%get3A_1920, %get3A_1921] {strides = array<i32>} : memref<1600x64xf32, #tpu.memory_space<vmem>>, vector<1x16xf32>,
        %get3A_1923 = vector.shape_cast %get3A_1922 : vector<1x16xf32> to vector<16xf32>
        %add3A_1924 = arith.addf %while3A_1914, %get3A_1923 : vector<16xf32>
        %get3A_1925 = arith.index_cast %add3A_1919 : i32 to index
        %get3A_1926 = arith.constant 16 : index
        %get3A_1927 = tpu.vector_load %arg8[%get3A_1925, %get3A_1926] {strides = array<i32>} : memref<1600x64xf32, #tpu.memory_space<vmem>>, vector<1x16xf32>,
        %get3A_1928 = vector.shape_cast %get3A_1927 : vector<1x16xf32> to vector<16xf32>
        %add3A_1929 = arith.addf %while3A_1915, %get3A_1928 : vector<16xf32>
        %get3A_1930 = arith.index_cast %add3A_1919 : i32 to index
        %get3A_1931 = arith.constant 32 : index
        %get3A_1932 = tpu.vector_load %arg8[%get3A_1930, %get3A_1931] {strides = array<i32>} : memref<1600x64xf32, #tpu.memory_space<vmem>>, vector<1x16xf32>,
        %get3A_1933 = vector.shape_cast %get3A_1932 : vector<1x16xf32> to vector<16xf32>
        %add3A_1934 = arith.addf %while3A_1916, %get3A_1933 : vector<16xf32>
        %get3A_1935 = arith.index_cast %add3A_1919 : i32 to index
        %get3A_1936 = arith.constant 48 : index
        %get3A_1937 = tpu.vector_load %arg8[%get3A_1935, %get3A_1936] {strides = array<i32>} : memref<1600x64xf32, #tpu.memory_space<vmem>>, vector<1x16xf32>,
        %get3A_1938 = vector.shape_cast %get3A_1937 : vector<1x16xf32> to vector<16xf32>
        %add3A_1939 = arith.addf %while3A_1917, %get3A_1938 : vector<16xf32>
        scf.yield %add3A_1924, %add3A_1929, %add3A_1934, %add3A_1939 : vector<16xf32>, vector<16xf32>, vector<16xf32>, vector<16xf32>
      }
      %div3A_1285 = vector.broadcast %convert_element_type3A_1271 : f32 to vector<16xf32>
      %div3A_1286 = arith.divf %while3A_1284#0, %div3A_1285 : vector<16xf32>
      %swap3A_1287 = arith.constant 19 : i32
      %swap3A_1288 = arith.index_cast %swap3A_1287 : i32 to index
      %swap3A_1289 = arith.constant 0 : index
      %swap3A_1290 = tpu.vector_load %arg10[%swap3A_1288, %swap3A_1289] {strides = array<i32>} : memref<32x64xf32, #tpu.memory_space<vmem>>, vector<1x16xf32>,
      %swap3A_1291 = vector.shape_cast %swap3A_1290 : vector<1x16xf32> to vector<16xf32>
      %swap3A_1292 = vector.shape_cast %div3A_1286 : vector<16xf32> to vector<1x16xf32>
      tpu.vector_store %arg10[%swap3A_1288, %swap3A_1289], %swap3A_1292 {strides = array<i32>} : memref<32x64xf32, #tpu.memory_space<vmem>>, vector<1x16xf32>,
      %div3A_1293 = vector.broadcast %convert_element_type3A_1271 : f32 to vector<16xf32>
      %div3A_1294 = arith.divf %while3A_1284#1, %div3A_1293 : vector<16xf32>
      %swap3A_1295 = arith.constant 19 : i32
      %swap3A_1296 = arith.index_cast %swap3A_1295 : i32 to index
      %swap3A_1297 = arith.constant 16 : index
      %swap3A_1298 = tpu.vector_load %arg10[%swap3A_1296, %swap3A_1297] {strides = array<i32>} : memref<32x64xf32, #tpu.memory_space<vmem>>, vector<1x16xf32>,
      %swap3A_1299 = vector.shape_cast %swap3A_1298 : vector<1x16xf32> to vector<16xf32>
      %swap3A_1300 = vector.shape_cast %div3A_1294 : vector<16xf32> to vector<1x16xf32>
      tpu.vector_store %arg10[%swap3A_1296, %swap3A_1297], %swap3A_1300 {strides = array<i32>} : memref<32x64xf32, #tpu.memory_space<vmem>>, vector<1x16xf32>,
      %div3A_1301 = vector.broadcast %convert_element_type3A_1271 : f32 to vector<16xf32>
      %div3A_1302 = arith.divf %while3A_1284#2, %div3A_1301 : vector<16xf32>
      %swap3A_1303 = arith.constant 19 : i32
      %swap3A_1304 = arith.index_cast %swap3A_1303 : i32 to index
      %swap3A_1305 = arith.constant 32 : index
      %swap3A_1306 = tpu.vector_load %arg10[%swap3A_1304, %swap3A_1305] {strides = array<i32>} : memref<32x64xf32, #tpu.memory_space<vmem>>, vector<1x16xf32>,
      %swap3A_1307 = vector.shape_cast %swap3A_1306 : vector<1x16xf32> to vector<16xf32>
      %swap3A_1308 = vector.shape_cast %div3A_1302 : vector<16xf32> to vector<1x16xf32>
      tpu.vector_store %arg10[%swap3A_1304, %swap3A_1305], %swap3A_1308 {strides = array<i32>} : memref<32x64xf32, #tpu.memory_space<vmem>>, vector<1x16xf32>,
      %div3A_1309 = vector.broadcast %convert_element_type3A_1271 : f32 to vector<16xf32>
      %div3A_1310 = arith.divf %while3A_1284#3, %div3A_1309 : vector<16xf32>
      %swap3A_1311 = arith.constant 19 : i32
      %swap3A_1312 = arith.index_cast %swap3A_1311 : i32 to index
      %swap3A_1313 = arith.constant 48 : index
      %swap3A_1314 = tpu.vector_load %arg10[%swap3A_1312, %swap3A_1313] {strides = array<i32>} : memref<32x64xf32, #tpu.memory_space<vmem>>, vector<1x16xf32>,
      %swap3A_1315 = vector.shape_cast %swap3A_1314 : vector<1x16xf32> to vector<16xf32>
      %swap3A_1316 = vector.shape_cast %div3A_1310 : vector<16xf32> to vector<1x16xf32>
      tpu.vector_store %arg10[%swap3A_1312, %swap3A_1313], %swap3A_1316 {strides = array<i32>} : memref<32x64xf32, #tpu.memory_space<vmem>>, vector<1x16xf32>,
      %slice3A_1317 = vector.extract_strided_slice %get3A_176 {offsets = [20], sizes = [1], strides = [1]} : vector<32xi32> to vector<1xi32>
      %squeeze3A_1318 = vector.extract %slice3A_1317[0] : i32 from vector<1xi32>
      %convert_element_type3A_1319 = arith.sitofp %squeeze3A_1318 : i32 to f32
      %broadcast_in_dim3A_1320 = arith.constant 0.000000e+00 : f32
      %broadcast_in_dim3A_1321 = vector.broadcast %broadcast_in_dim3A_1320 : f32 to vector<16xf32>
      %while3A_1322 = arith.constant 0 : i32
      %while3A_1323 = arith.subi %squeeze3A_1318, %while3A_1322 : i32
      %while3A_1324 = arith.addi %while3A_1322, %while3A_1323 : i32
      %while3A_1325 = arith.constant 1 : i32
      %while3A_1326 = arith.divsi %while3A_1323, %while3A_1325 : i32
      %while3A_1327 = arith.muli %while3A_1326, %while3A_1325 : i32
      %while3A_1328 = arith.addi %while3A_1322, %while3A_1327 : i32
      %while3A_1329 = arith.constant 1 : i32
      %while3A_1330:4 = scf.for %while3A_1913 = %while3A_1322 to %while3A_1328 step %while3A_1329 iter_args(%while3A_1914 = %broadcast_in_dim3A_1321, %while3A_1915 = %broadcast_in_dim3A_1321, %while3A_1916 = %broadcast_in_dim3A_1321, %while3A_1917 = %broadcast_in_dim3A_1321) -> (vector<16xf32>, vector<16xf32>, vector<16xf32>, vector<16xf32>)  : i32 {
        %add3A_1918 = arith.constant 1000 : i32
        %add3A_1919 = arith.addi %add3A_1918, %while3A_1913 : i32
        %get3A_1920 = arith.index_cast %add3A_1919 : i32 to index
        %get3A_1921 = arith.constant 0 : index
        %get3A_1922 = tpu.vector_load %arg8[%get3A_1920, %get3A_1921] {strides = array<i32>} : memref<1600x64xf32, #tpu.memory_space<vmem>>, vector<1x16xf32>,
        %get3A_1923 = vector.shape_cast %get3A_1922 : vector<1x16xf32> to vector<16xf32>
        %add3A_1924 = arith.addf %while3A_1914, %get3A_1923 : vector<16xf32>
        %get3A_1925 = arith.index_cast %add3A_1919 : i32 to index
        %get3A_1926 = arith.constant 16 : index
        %get3A_1927 = tpu.vector_load %arg8[%get3A_1925, %get3A_1926] {strides = array<i32>} : memref<1600x64xf32, #tpu.memory_space<vmem>>, vector<1x16xf32>,
        %get3A_1928 = vector.shape_cast %get3A_1927 : vector<1x16xf32> to vector<16xf32>
        %add3A_1929 = arith.addf %while3A_1915, %get3A_1928 : vector<16xf32>
        %get3A_1930 = arith.index_cast %add3A_1919 : i32 to index
        %get3A_1931 = arith.constant 32 : index
        %get3A_1932 = tpu.vector_load %arg8[%get3A_1930, %get3A_1931] {strides = array<i32>} : memref<1600x64xf32, #tpu.memory_space<vmem>>, vector<1x16xf32>,
        %get3A_1933 = vector.shape_cast %get3A_1932 : vector<1x16xf32> to vector<16xf32>
        %add3A_1934 = arith.addf %while3A_1916, %get3A_1933 : vector<16xf32>
        %get3A_1935 = arith.index_cast %add3A_1919 : i32 to index
        %get3A_1936 = arith.constant 48 : index
        %get3A_1937 = tpu.vector_load %arg8[%get3A_1935, %get3A_1936] {strides = array<i32>} : memref<1600x64xf32, #tpu.memory_space<vmem>>, vector<1x16xf32>,
        %get3A_1938 = vector.shape_cast %get3A_1937 : vector<1x16xf32> to vector<16xf32>
        %add3A_1939 = arith.addf %while3A_1917, %get3A_1938 : vector<16xf32>
        scf.yield %add3A_1924, %add3A_1929, %add3A_1934, %add3A_1939 : vector<16xf32>, vector<16xf32>, vector<16xf32>, vector<16xf32>
      }
      %while3A_1331 = arith.constant 1 : i32
      %while3A_1332:4 = scf.for %while3A_1913 = %while3A_1328 to %while3A_1324 step %while3A_1331 iter_args(%while3A_1914 = %while3A_1330#0, %while3A_1915 = %while3A_1330#1, %while3A_1916 = %while3A_1330#2, %while3A_1917 = %while3A_1330#3) -> (vector<16xf32>, vector<16xf32>, vector<16xf32>, vector<16xf32>)  : i32 {
        %add3A_1918 = arith.constant 1000 : i32
        %add3A_1919 = arith.addi %add3A_1918, %while3A_1913 : i32
        %get3A_1920 = arith.index_cast %add3A_1919 : i32 to index
        %get3A_1921 = arith.constant 0 : index
        %get3A_1922 = tpu.vector_load %arg8[%get3A_1920, %get3A_1921] {strides = array<i32>} : memref<1600x64xf32, #tpu.memory_space<vmem>>, vector<1x16xf32>,
        %get3A_1923 = vector.shape_cast %get3A_1922 : vector<1x16xf32> to vector<16xf32>
        %add3A_1924 = arith.addf %while3A_1914, %get3A_1923 : vector<16xf32>
        %get3A_1925 = arith.index_cast %add3A_1919 : i32 to index
        %get3A_1926 = arith.constant 16 : index
        %get3A_1927 = tpu.vector_load %arg8[%get3A_1925, %get3A_1926] {strides = array<i32>} : memref<1600x64xf32, #tpu.memory_space<vmem>>, vector<1x16xf32>,
        %get3A_1928 = vector.shape_cast %get3A_1927 : vector<1x16xf32> to vector<16xf32>
        %add3A_1929 = arith.addf %while3A_1915, %get3A_1928 : vector<16xf32>
        %get3A_1930 = arith.index_cast %add3A_1919 : i32 to index
        %get3A_1931 = arith.constant 32 : index
        %get3A_1932 = tpu.vector_load %arg8[%get3A_1930, %get3A_1931] {strides = array<i32>} : memref<1600x64xf32, #tpu.memory_space<vmem>>, vector<1x16xf32>,
        %get3A_1933 = vector.shape_cast %get3A_1932 : vector<1x16xf32> to vector<16xf32>
        %add3A_1934 = arith.addf %while3A_1916, %get3A_1933 : vector<16xf32>
        %get3A_1935 = arith.index_cast %add3A_1919 : i32 to index
        %get3A_1936 = arith.constant 48 : index
        %get3A_1937 = tpu.vector_load %arg8[%get3A_1935, %get3A_1936] {strides = array<i32>} : memref<1600x64xf32, #tpu.memory_space<vmem>>, vector<1x16xf32>,
        %get3A_1938 = vector.shape_cast %get3A_1937 : vector<1x16xf32> to vector<16xf32>
        %add3A_1939 = arith.addf %while3A_1917, %get3A_1938 : vector<16xf32>
        scf.yield %add3A_1924, %add3A_1929, %add3A_1934, %add3A_1939 : vector<16xf32>, vector<16xf32>, vector<16xf32>, vector<16xf32>
      }
      %div3A_1333 = vector.broadcast %convert_element_type3A_1319 : f32 to vector<16xf32>
      %div3A_1334 = arith.divf %while3A_1332#0, %div3A_1333 : vector<16xf32>
      %swap3A_1335 = arith.constant 20 : i32
      %swap3A_1336 = arith.index_cast %swap3A_1335 : i32 to index
      %swap3A_1337 = arith.constant 0 : index
      %swap3A_1338 = tpu.vector_load %arg10[%swap3A_1336, %swap3A_1337] {strides = array<i32>} : memref<32x64xf32, #tpu.memory_space<vmem>>, vector<1x16xf32>,
      %swap3A_1339 = vector.shape_cast %swap3A_1338 : vector<1x16xf32> to vector<16xf32>
      %swap3A_1340 = vector.shape_cast %div3A_1334 : vector<16xf32> to vector<1x16xf32>
      tpu.vector_store %arg10[%swap3A_1336, %swap3A_1337], %swap3A_1340 {strides = array<i32>} : memref<32x64xf32, #tpu.memory_space<vmem>>, vector<1x16xf32>,
      %div3A_1341 = vector.broadcast %convert_element_type3A_1319 : f32 to vector<16xf32>
      %div3A_1342 = arith.divf %while3A_1332#1, %div3A_1341 : vector<16xf32>
      %swap3A_1343 = arith.constant 20 : i32
      %swap3A_1344 = arith.index_cast %swap3A_1343 : i32 to index
      %swap3A_1345 = arith.constant 16 : index
      %swap3A_1346 = tpu.vector_load %arg10[%swap3A_1344, %swap3A_1345] {strides = array<i32>} : memref<32x64xf32, #tpu.memory_space<vmem>>, vector<1x16xf32>,
      %swap3A_1347 = vector.shape_cast %swap3A_1346 : vector<1x16xf32> to vector<16xf32>
      %swap3A_1348 = vector.shape_cast %div3A_1342 : vector<16xf32> to vector<1x16xf32>
      tpu.vector_store %arg10[%swap3A_1344, %swap3A_1345], %swap3A_1348 {strides = array<i32>} : memref<32x64xf32, #tpu.memory_space<vmem>>, vector<1x16xf32>,
      %div3A_1349 = vector.broadcast %convert_element_type3A_1319 : f32 to vector<16xf32>
      %div3A_1350 = arith.divf %while3A_1332#2, %div3A_1349 : vector<16xf32>
      %swap3A_1351 = arith.constant 20 : i32
      %swap3A_1352 = arith.index_cast %swap3A_1351 : i32 to index
      %swap3A_1353 = arith.constant 32 : index
      %swap3A_1354 = tpu.vector_load %arg10[%swap3A_1352, %swap3A_1353] {strides = array<i32>} : memref<32x64xf32, #tpu.memory_space<vmem>>, vector<1x16xf32>,
      %swap3A_1355 = vector.shape_cast %swap3A_1354 : vector<1x16xf32> to vector<16xf32>
      %swap3A_1356 = vector.shape_cast %div3A_1350 : vector<16xf32> to vector<1x16xf32>
      tpu.vector_store %arg10[%swap3A_1352, %swap3A_1353], %swap3A_1356 {strides = array<i32>} : memref<32x64xf32, #tpu.memory_space<vmem>>, vector<1x16xf32>,
      %div3A_1357 = vector.broadcast %convert_element_type3A_1319 : f32 to vector<16xf32>
      %div3A_1358 = arith.divf %while3A_1332#3, %div3A_1357 : vector<16xf32>
      %swap3A_1359 = arith.constant 20 : i32
      %swap3A_1360 = arith.index_cast %swap3A_1359 : i32 to index
      %swap3A_1361 = arith.constant 48 : index
      %swap3A_1362 = tpu.vector_load %arg10[%swap3A_1360, %swap3A_1361] {strides = array<i32>} : memref<32x64xf32, #tpu.memory_space<vmem>>, vector<1x16xf32>,
      %swap3A_1363 = vector.shape_cast %swap3A_1362 : vector<1x16xf32> to vector<16xf32>
      %swap3A_1364 = vector.shape_cast %div3A_1358 : vector<16xf32> to vector<1x16xf32>
      tpu.vector_store %arg10[%swap3A_1360, %swap3A_1361], %swap3A_1364 {strides = array<i32>} : memref<32x64xf32, #tpu.memory_space<vmem>>, vector<1x16xf32>,
      %slice3A_1365 = vector.extract_strided_slice %get3A_176 {offsets = [21], sizes = [1], strides = [1]} : vector<32xi32> to vector<1xi32>
      %squeeze3A_1366 = vector.extract %slice3A_1365[0] : i32 from vector<1xi32>
      %convert_element_type3A_1367 = arith.sitofp %squeeze3A_1366 : i32 to f32
      %broadcast_in_dim3A_1368 = arith.constant 0.000000e+00 : f32
      %broadcast_in_dim3A_1369 = vector.broadcast %broadcast_in_dim3A_1368 : f32 to vector<16xf32>
      %while3A_1370 = arith.constant 0 : i32
      %while3A_1371 = arith.subi %squeeze3A_1366, %while3A_1370 : i32
      %while3A_1372 = arith.addi %while3A_1370, %while3A_1371 : i32
      %while3A_1373 = arith.constant 1 : i32
      %while3A_1374 = arith.divsi %while3A_1371, %while3A_1373 : i32
      %while3A_1375 = arith.muli %while3A_1374, %while3A_1373 : i32
      %while3A_1376 = arith.addi %while3A_1370, %while3A_1375 : i32
      %while3A_1377 = arith.constant 1 : i32
      %while3A_1378:4 = scf.for %while3A_1913 = %while3A_1370 to %while3A_1376 step %while3A_1377 iter_args(%while3A_1914 = %broadcast_in_dim3A_1369, %while3A_1915 = %broadcast_in_dim3A_1369, %while3A_1916 = %broadcast_in_dim3A_1369, %while3A_1917 = %broadcast_in_dim3A_1369) -> (vector<16xf32>, vector<16xf32>, vector<16xf32>, vector<16xf32>)  : i32 {
        %add3A_1918 = arith.constant 1050 : i32
        %add3A_1919 = arith.addi %add3A_1918, %while3A_1913 : i32
        %get3A_1920 = arith.index_cast %add3A_1919 : i32 to index
        %get3A_1921 = arith.constant 0 : index
        %get3A_1922 = tpu.vector_load %arg8[%get3A_1920, %get3A_1921] {strides = array<i32>} : memref<1600x64xf32, #tpu.memory_space<vmem>>, vector<1x16xf32>,
        %get3A_1923 = vector.shape_cast %get3A_1922 : vector<1x16xf32> to vector<16xf32>
        %add3A_1924 = arith.addf %while3A_1914, %get3A_1923 : vector<16xf32>
        %get3A_1925 = arith.index_cast %add3A_1919 : i32 to index
        %get3A_1926 = arith.constant 16 : index
        %get3A_1927 = tpu.vector_load %arg8[%get3A_1925, %get3A_1926] {strides = array<i32>} : memref<1600x64xf32, #tpu.memory_space<vmem>>, vector<1x16xf32>,
        %get3A_1928 = vector.shape_cast %get3A_1927 : vector<1x16xf32> to vector<16xf32>
        %add3A_1929 = arith.addf %while3A_1915, %get3A_1928 : vector<16xf32>
        %get3A_1930 = arith.index_cast %add3A_1919 : i32 to index
        %get3A_1931 = arith.constant 32 : index
        %get3A_1932 = tpu.vector_load %arg8[%get3A_1930, %get3A_1931] {strides = array<i32>} : memref<1600x64xf32, #tpu.memory_space<vmem>>, vector<1x16xf32>,
        %get3A_1933 = vector.shape_cast %get3A_1932 : vector<1x16xf32> to vector<16xf32>
        %add3A_1934 = arith.addf %while3A_1916, %get3A_1933 : vector<16xf32>
        %get3A_1935 = arith.index_cast %add3A_1919 : i32 to index
        %get3A_1936 = arith.constant 48 : index
        %get3A_1937 = tpu.vector_load %arg8[%get3A_1935, %get3A_1936] {strides = array<i32>} : memref<1600x64xf32, #tpu.memory_space<vmem>>, vector<1x16xf32>,
        %get3A_1938 = vector.shape_cast %get3A_1937 : vector<1x16xf32> to vector<16xf32>
        %add3A_1939 = arith.addf %while3A_1917, %get3A_1938 : vector<16xf32>
        scf.yield %add3A_1924, %add3A_1929, %add3A_1934, %add3A_1939 : vector<16xf32>, vector<16xf32>, vector<16xf32>, vector<16xf32>
      }
      %while3A_1379 = arith.constant 1 : i32
      %while3A_1380:4 = scf.for %while3A_1913 = %while3A_1376 to %while3A_1372 step %while3A_1379 iter_args(%while3A_1914 = %while3A_1378#0, %while3A_1915 = %while3A_1378#1, %while3A_1916 = %while3A_1378#2, %while3A_1917 = %while3A_1378#3) -> (vector<16xf32>, vector<16xf32>, vector<16xf32>, vector<16xf32>)  : i32 {
        %add3A_1918 = arith.constant 1050 : i32
        %add3A_1919 = arith.addi %add3A_1918, %while3A_1913 : i32
        %get3A_1920 = arith.index_cast %add3A_1919 : i32 to index
        %get3A_1921 = arith.constant 0 : index
        %get3A_1922 = tpu.vector_load %arg8[%get3A_1920, %get3A_1921] {strides = array<i32>} : memref<1600x64xf32, #tpu.memory_space<vmem>>, vector<1x16xf32>,
        %get3A_1923 = vector.shape_cast %get3A_1922 : vector<1x16xf32> to vector<16xf32>
        %add3A_1924 = arith.addf %while3A_1914, %get3A_1923 : vector<16xf32>
        %get3A_1925 = arith.index_cast %add3A_1919 : i32 to index
        %get3A_1926 = arith.constant 16 : index
        %get3A_1927 = tpu.vector_load %arg8[%get3A_1925, %get3A_1926] {strides = array<i32>} : memref<1600x64xf32, #tpu.memory_space<vmem>>, vector<1x16xf32>,
        %get3A_1928 = vector.shape_cast %get3A_1927 : vector<1x16xf32> to vector<16xf32>
        %add3A_1929 = arith.addf %while3A_1915, %get3A_1928 : vector<16xf32>
        %get3A_1930 = arith.index_cast %add3A_1919 : i32 to index
        %get3A_1931 = arith.constant 32 : index
        %get3A_1932 = tpu.vector_load %arg8[%get3A_1930, %get3A_1931] {strides = array<i32>} : memref<1600x64xf32, #tpu.memory_space<vmem>>, vector<1x16xf32>,
        %get3A_1933 = vector.shape_cast %get3A_1932 : vector<1x16xf32> to vector<16xf32>
        %add3A_1934 = arith.addf %while3A_1916, %get3A_1933 : vector<16xf32>
        %get3A_1935 = arith.index_cast %add3A_1919 : i32 to index
        %get3A_1936 = arith.constant 48 : index
        %get3A_1937 = tpu.vector_load %arg8[%get3A_1935, %get3A_1936] {strides = array<i32>} : memref<1600x64xf32, #tpu.memory_space<vmem>>, vector<1x16xf32>,
        %get3A_1938 = vector.shape_cast %get3A_1937 : vector<1x16xf32> to vector<16xf32>
        %add3A_1939 = arith.addf %while3A_1917, %get3A_1938 : vector<16xf32>
        scf.yield %add3A_1924, %add3A_1929, %add3A_1934, %add3A_1939 : vector<16xf32>, vector<16xf32>, vector<16xf32>, vector<16xf32>
      }
      %div3A_1381 = vector.broadcast %convert_element_type3A_1367 : f32 to vector<16xf32>
      %div3A_1382 = arith.divf %while3A_1380#0, %div3A_1381 : vector<16xf32>
      %swap3A_1383 = arith.constant 21 : i32
      %swap3A_1384 = arith.index_cast %swap3A_1383 : i32 to index
      %swap3A_1385 = arith.constant 0 : index
      %swap3A_1386 = tpu.vector_load %arg10[%swap3A_1384, %swap3A_1385] {strides = array<i32>} : memref<32x64xf32, #tpu.memory_space<vmem>>, vector<1x16xf32>,
      %swap3A_1387 = vector.shape_cast %swap3A_1386 : vector<1x16xf32> to vector<16xf32>
      %swap3A_1388 = vector.shape_cast %div3A_1382 : vector<16xf32> to vector<1x16xf32>
      tpu.vector_store %arg10[%swap3A_1384, %swap3A_1385], %swap3A_1388 {strides = array<i32>} : memref<32x64xf32, #tpu.memory_space<vmem>>, vector<1x16xf32>,
      %div3A_1389 = vector.broadcast %convert_element_type3A_1367 : f32 to vector<16xf32>
      %div3A_1390 = arith.divf %while3A_1380#1, %div3A_1389 : vector<16xf32>
      %swap3A_1391 = arith.constant 21 : i32
      %swap3A_1392 = arith.index_cast %swap3A_1391 : i32 to index
      %swap3A_1393 = arith.constant 16 : index
      %swap3A_1394 = tpu.vector_load %arg10[%swap3A_1392, %swap3A_1393] {strides = array<i32>} : memref<32x64xf32, #tpu.memory_space<vmem>>, vector<1x16xf32>,
      %swap3A_1395 = vector.shape_cast %swap3A_1394 : vector<1x16xf32> to vector<16xf32>
      %swap3A_1396 = vector.shape_cast %div3A_1390 : vector<16xf32> to vector<1x16xf32>
      tpu.vector_store %arg10[%swap3A_1392, %swap3A_1393], %swap3A_1396 {strides = array<i32>} : memref<32x64xf32, #tpu.memory_space<vmem>>, vector<1x16xf32>,
      %div3A_1397 = vector.broadcast %convert_element_type3A_1367 : f32 to vector<16xf32>
      %div3A_1398 = arith.divf %while3A_1380#2, %div3A_1397 : vector<16xf32>
      %swap3A_1399 = arith.constant 21 : i32
      %swap3A_1400 = arith.index_cast %swap3A_1399 : i32 to index
      %swap3A_1401 = arith.constant 32 : index
      %swap3A_1402 = tpu.vector_load %arg10[%swap3A_1400, %swap3A_1401] {strides = array<i32>} : memref<32x64xf32, #tpu.memory_space<vmem>>, vector<1x16xf32>,
      %swap3A_1403 = vector.shape_cast %swap3A_1402 : vector<1x16xf32> to vector<16xf32>
      %swap3A_1404 = vector.shape_cast %div3A_1398 : vector<16xf32> to vector<1x16xf32>
      tpu.vector_store %arg10[%swap3A_1400, %swap3A_1401], %swap3A_1404 {strides = array<i32>} : memref<32x64xf32, #tpu.memory_space<vmem>>, vector<1x16xf32>,
      %div3A_1405 = vector.broadcast %convert_element_type3A_1367 : f32 to vector<16xf32>
      %div3A_1406 = arith.divf %while3A_1380#3, %div3A_1405 : vector<16xf32>
      %swap3A_1407 = arith.constant 21 : i32
      %swap3A_1408 = arith.index_cast %swap3A_1407 : i32 to index
      %swap3A_1409 = arith.constant 48 : index
      %swap3A_1410 = tpu.vector_load %arg10[%swap3A_1408, %swap3A_1409] {strides = array<i32>} : memref<32x64xf32, #tpu.memory_space<vmem>>, vector<1x16xf32>,
      %swap3A_1411 = vector.shape_cast %swap3A_1410 : vector<1x16xf32> to vector<16xf32>
      %swap3A_1412 = vector.shape_cast %div3A_1406 : vector<16xf32> to vector<1x16xf32>
      tpu.vector_store %arg10[%swap3A_1408, %swap3A_1409], %swap3A_1412 {strides = array<i32>} : memref<32x64xf32, #tpu.memory_space<vmem>>, vector<1x16xf32>,
      %slice3A_1413 = vector.extract_strided_slice %get3A_176 {offsets = [22], sizes = [1], strides = [1]} : vector<32xi32> to vector<1xi32>
      %squeeze3A_1414 = vector.extract %slice3A_1413[0] : i32 from vector<1xi32>
      %convert_element_type3A_1415 = arith.sitofp %squeeze3A_1414 : i32 to f32
      %broadcast_in_dim3A_1416 = arith.constant 0.000000e+00 : f32
      %broadcast_in_dim3A_1417 = vector.broadcast %broadcast_in_dim3A_1416 : f32 to vector<16xf32>
      %while3A_1418 = arith.constant 0 : i32
      %while3A_1419 = arith.subi %squeeze3A_1414, %while3A_1418 : i32
      %while3A_1420 = arith.addi %while3A_1418, %while3A_1419 : i32
      %while3A_1421 = arith.constant 1 : i32
      %while3A_1422 = arith.divsi %while3A_1419, %while3A_1421 : i32
      %while3A_1423 = arith.muli %while3A_1422, %while3A_1421 : i32
      %while3A_1424 = arith.addi %while3A_1418, %while3A_1423 : i32
      %while3A_1425 = arith.constant 1 : i32
      %while3A_1426:4 = scf.for %while3A_1913 = %while3A_1418 to %while3A_1424 step %while3A_1425 iter_args(%while3A_1914 = %broadcast_in_dim3A_1417, %while3A_1915 = %broadcast_in_dim3A_1417, %while3A_1916 = %broadcast_in_dim3A_1417, %while3A_1917 = %broadcast_in_dim3A_1417) -> (vector<16xf32>, vector<16xf32>, vector<16xf32>, vector<16xf32>)  : i32 {
        %add3A_1918 = arith.constant 1100 : i32
        %add3A_1919 = arith.addi %add3A_1918, %while3A_1913 : i32
        %get3A_1920 = arith.index_cast %add3A_1919 : i32 to index
        %get3A_1921 = arith.constant 0 : index
        %get3A_1922 = tpu.vector_load %arg8[%get3A_1920, %get3A_1921] {strides = array<i32>} : memref<1600x64xf32, #tpu.memory_space<vmem>>, vector<1x16xf32>,
        %get3A_1923 = vector.shape_cast %get3A_1922 : vector<1x16xf32> to vector<16xf32>
        %add3A_1924 = arith.addf %while3A_1914, %get3A_1923 : vector<16xf32>
        %get3A_1925 = arith.index_cast %add3A_1919 : i32 to index
        %get3A_1926 = arith.constant 16 : index
        %get3A_1927 = tpu.vector_load %arg8[%get3A_1925, %get3A_1926] {strides = array<i32>} : memref<1600x64xf32, #tpu.memory_space<vmem>>, vector<1x16xf32>,
        %get3A_1928 = vector.shape_cast %get3A_1927 : vector<1x16xf32> to vector<16xf32>
        %add3A_1929 = arith.addf %while3A_1915, %get3A_1928 : vector<16xf32>
        %get3A_1930 = arith.index_cast %add3A_1919 : i32 to index
        %get3A_1931 = arith.constant 32 : index
        %get3A_1932 = tpu.vector_load %arg8[%get3A_1930, %get3A_1931] {strides = array<i32>} : memref<1600x64xf32, #tpu.memory_space<vmem>>, vector<1x16xf32>,
        %get3A_1933 = vector.shape_cast %get3A_1932 : vector<1x16xf32> to vector<16xf32>
        %add3A_1934 = arith.addf %while3A_1916, %get3A_1933 : vector<16xf32>
        %get3A_1935 = arith.index_cast %add3A_1919 : i32 to index
        %get3A_1936 = arith.constant 48 : index
        %get3A_1937 = tpu.vector_load %arg8[%get3A_1935, %get3A_1936] {strides = array<i32>} : memref<1600x64xf32, #tpu.memory_space<vmem>>, vector<1x16xf32>,
        %get3A_1938 = vector.shape_cast %get3A_1937 : vector<1x16xf32> to vector<16xf32>
        %add3A_1939 = arith.addf %while3A_1917, %get3A_1938 : vector<16xf32>
        scf.yield %add3A_1924, %add3A_1929, %add3A_1934, %add3A_1939 : vector<16xf32>, vector<16xf32>, vector<16xf32>, vector<16xf32>
      }
      %while3A_1427 = arith.constant 1 : i32
      %while3A_1428:4 = scf.for %while3A_1913 = %while3A_1424 to %while3A_1420 step %while3A_1427 iter_args(%while3A_1914 = %while3A_1426#0, %while3A_1915 = %while3A_1426#1, %while3A_1916 = %while3A_1426#2, %while3A_1917 = %while3A_1426#3) -> (vector<16xf32>, vector<16xf32>, vector<16xf32>, vector<16xf32>)  : i32 {
        %add3A_1918 = arith.constant 1100 : i32
        %add3A_1919 = arith.addi %add3A_1918, %while3A_1913 : i32
        %get3A_1920 = arith.index_cast %add3A_1919 : i32 to index
        %get3A_1921 = arith.constant 0 : index
        %get3A_1922 = tpu.vector_load %arg8[%get3A_1920, %get3A_1921] {strides = array<i32>} : memref<1600x64xf32, #tpu.memory_space<vmem>>, vector<1x16xf32>,
        %get3A_1923 = vector.shape_cast %get3A_1922 : vector<1x16xf32> to vector<16xf32>
        %add3A_1924 = arith.addf %while3A_1914, %get3A_1923 : vector<16xf32>
        %get3A_1925 = arith.index_cast %add3A_1919 : i32 to index
        %get3A_1926 = arith.constant 16 : index
        %get3A_1927 = tpu.vector_load %arg8[%get3A_1925, %get3A_1926] {strides = array<i32>} : memref<1600x64xf32, #tpu.memory_space<vmem>>, vector<1x16xf32>,
        %get3A_1928 = vector.shape_cast %get3A_1927 : vector<1x16xf32> to vector<16xf32>
        %add3A_1929 = arith.addf %while3A_1915, %get3A_1928 : vector<16xf32>
        %get3A_1930 = arith.index_cast %add3A_1919 : i32 to index
        %get3A_1931 = arith.constant 32 : index
        %get3A_1932 = tpu.vector_load %arg8[%get3A_1930, %get3A_1931] {strides = array<i32>} : memref<1600x64xf32, #tpu.memory_space<vmem>>, vector<1x16xf32>,
        %get3A_1933 = vector.shape_cast %get3A_1932 : vector<1x16xf32> to vector<16xf32>
        %add3A_1934 = arith.addf %while3A_1916, %get3A_1933 : vector<16xf32>
        %get3A_1935 = arith.index_cast %add3A_1919 : i32 to index
        %get3A_1936 = arith.constant 48 : index
        %get3A_1937 = tpu.vector_load %arg8[%get3A_1935, %get3A_1936] {strides = array<i32>} : memref<1600x64xf32, #tpu.memory_space<vmem>>, vector<1x16xf32>,
        %get3A_1938 = vector.shape_cast %get3A_1937 : vector<1x16xf32> to vector<16xf32>
        %add3A_1939 = arith.addf %while3A_1917, %get3A_1938 : vector<16xf32>
        scf.yield %add3A_1924, %add3A_1929, %add3A_1934, %add3A_1939 : vector<16xf32>, vector<16xf32>, vector<16xf32>, vector<16xf32>
      }
      %div3A_1429 = vector.broadcast %convert_element_type3A_1415 : f32 to vector<16xf32>
      %div3A_1430 = arith.divf %while3A_1428#0, %div3A_1429 : vector<16xf32>
      %swap3A_1431 = arith.constant 22 : i32
      %swap3A_1432 = arith.index_cast %swap3A_1431 : i32 to index
      %swap3A_1433 = arith.constant 0 : index
      %swap3A_1434 = tpu.vector_load %arg10[%swap3A_1432, %swap3A_1433] {strides = array<i32>} : memref<32x64xf32, #tpu.memory_space<vmem>>, vector<1x16xf32>,
      %swap3A_1435 = vector.shape_cast %swap3A_1434 : vector<1x16xf32> to vector<16xf32>
      %swap3A_1436 = vector.shape_cast %div3A_1430 : vector<16xf32> to vector<1x16xf32>
      tpu.vector_store %arg10[%swap3A_1432, %swap3A_1433], %swap3A_1436 {strides = array<i32>} : memref<32x64xf32, #tpu.memory_space<vmem>>, vector<1x16xf32>,
      %div3A_1437 = vector.broadcast %convert_element_type3A_1415 : f32 to vector<16xf32>
      %div3A_1438 = arith.divf %while3A_1428#1, %div3A_1437 : vector<16xf32>
      %swap3A_1439 = arith.constant 22 : i32
      %swap3A_1440 = arith.index_cast %swap3A_1439 : i32 to index
      %swap3A_1441 = arith.constant 16 : index
      %swap3A_1442 = tpu.vector_load %arg10[%swap3A_1440, %swap3A_1441] {strides = array<i32>} : memref<32x64xf32, #tpu.memory_space<vmem>>, vector<1x16xf32>,
      %swap3A_1443 = vector.shape_cast %swap3A_1442 : vector<1x16xf32> to vector<16xf32>
      %swap3A_1444 = vector.shape_cast %div3A_1438 : vector<16xf32> to vector<1x16xf32>
      tpu.vector_store %arg10[%swap3A_1440, %swap3A_1441], %swap3A_1444 {strides = array<i32>} : memref<32x64xf32, #tpu.memory_space<vmem>>, vector<1x16xf32>,
      %div3A_1445 = vector.broadcast %convert_element_type3A_1415 : f32 to vector<16xf32>
      %div3A_1446 = arith.divf %while3A_1428#2, %div3A_1445 : vector<16xf32>
      %swap3A_1447 = arith.constant 22 : i32
      %swap3A_1448 = arith.index_cast %swap3A_1447 : i32 to index
      %swap3A_1449 = arith.constant 32 : index
      %swap3A_1450 = tpu.vector_load %arg10[%swap3A_1448, %swap3A_1449] {strides = array<i32>} : memref<32x64xf32, #tpu.memory_space<vmem>>, vector<1x16xf32>,
      %swap3A_1451 = vector.shape_cast %swap3A_1450 : vector<1x16xf32> to vector<16xf32>
      %swap3A_1452 = vector.shape_cast %div3A_1446 : vector<16xf32> to vector<1x16xf32>
      tpu.vector_store %arg10[%swap3A_1448, %swap3A_1449], %swap3A_1452 {strides = array<i32>} : memref<32x64xf32, #tpu.memory_space<vmem>>, vector<1x16xf32>,
      %div3A_1453 = vector.broadcast %convert_element_type3A_1415 : f32 to vector<16xf32>
      %div3A_1454 = arith.divf %while3A_1428#3, %div3A_1453 : vector<16xf32>
      %swap3A_1455 = arith.constant 22 : i32
      %swap3A_1456 = arith.index_cast %swap3A_1455 : i32 to index
      %swap3A_1457 = arith.constant 48 : index
      %swap3A_1458 = tpu.vector_load %arg10[%swap3A_1456, %swap3A_1457] {strides = array<i32>} : memref<32x64xf32, #tpu.memory_space<vmem>>, vector<1x16xf32>,
      %swap3A_1459 = vector.shape_cast %swap3A_1458 : vector<1x16xf32> to vector<16xf32>
      %swap3A_1460 = vector.shape_cast %div3A_1454 : vector<16xf32> to vector<1x16xf32>
      tpu.vector_store %arg10[%swap3A_1456, %swap3A_1457], %swap3A_1460 {strides = array<i32>} : memref<32x64xf32, #tpu.memory_space<vmem>>, vector<1x16xf32>,
      %slice3A_1461 = vector.extract_strided_slice %get3A_176 {offsets = [23], sizes = [1], strides = [1]} : vector<32xi32> to vector<1xi32>
      %squeeze3A_1462 = vector.extract %slice3A_1461[0] : i32 from vector<1xi32>
      %convert_element_type3A_1463 = arith.sitofp %squeeze3A_1462 : i32 to f32
      %broadcast_in_dim3A_1464 = arith.constant 0.000000e+00 : f32
      %broadcast_in_dim3A_1465 = vector.broadcast %broadcast_in_dim3A_1464 : f32 to vector<16xf32>
      %while3A_1466 = arith.constant 0 : i32
      %while3A_1467 = arith.subi %squeeze3A_1462, %while3A_1466 : i32
      %while3A_1468 = arith.addi %while3A_1466, %while3A_1467 : i32
      %while3A_1469 = arith.constant 1 : i32
      %while3A_1470 = arith.divsi %while3A_1467, %while3A_1469 : i32
      %while3A_1471 = arith.muli %while3A_1470, %while3A_1469 : i32
      %while3A_1472 = arith.addi %while3A_1466, %while3A_1471 : i32
      %while3A_1473 = arith.constant 1 : i32
      %while3A_1474:4 = scf.for %while3A_1913 = %while3A_1466 to %while3A_1472 step %while3A_1473 iter_args(%while3A_1914 = %broadcast_in_dim3A_1465, %while3A_1915 = %broadcast_in_dim3A_1465, %while3A_1916 = %broadcast_in_dim3A_1465, %while3A_1917 = %broadcast_in_dim3A_1465) -> (vector<16xf32>, vector<16xf32>, vector<16xf32>, vector<16xf32>)  : i32 {
        %add3A_1918 = arith.constant 1150 : i32
        %add3A_1919 = arith.addi %add3A_1918, %while3A_1913 : i32
        %get3A_1920 = arith.index_cast %add3A_1919 : i32 to index
        %get3A_1921 = arith.constant 0 : index
        %get3A_1922 = tpu.vector_load %arg8[%get3A_1920, %get3A_1921] {strides = array<i32>} : memref<1600x64xf32, #tpu.memory_space<vmem>>, vector<1x16xf32>,
        %get3A_1923 = vector.shape_cast %get3A_1922 : vector<1x16xf32> to vector<16xf32>
        %add3A_1924 = arith.addf %while3A_1914, %get3A_1923 : vector<16xf32>
        %get3A_1925 = arith.index_cast %add3A_1919 : i32 to index
        %get3A_1926 = arith.constant 16 : index
        %get3A_1927 = tpu.vector_load %arg8[%get3A_1925, %get3A_1926] {strides = array<i32>} : memref<1600x64xf32, #tpu.memory_space<vmem>>, vector<1x16xf32>,
        %get3A_1928 = vector.shape_cast %get3A_1927 : vector<1x16xf32> to vector<16xf32>
        %add3A_1929 = arith.addf %while3A_1915, %get3A_1928 : vector<16xf32>
        %get3A_1930 = arith.index_cast %add3A_1919 : i32 to index
        %get3A_1931 = arith.constant 32 : index
        %get3A_1932 = tpu.vector_load %arg8[%get3A_1930, %get3A_1931] {strides = array<i32>} : memref<1600x64xf32, #tpu.memory_space<vmem>>, vector<1x16xf32>,
        %get3A_1933 = vector.shape_cast %get3A_1932 : vector<1x16xf32> to vector<16xf32>
        %add3A_1934 = arith.addf %while3A_1916, %get3A_1933 : vector<16xf32>
        %get3A_1935 = arith.index_cast %add3A_1919 : i32 to index
        %get3A_1936 = arith.constant 48 : index
        %get3A_1937 = tpu.vector_load %arg8[%get3A_1935, %get3A_1936] {strides = array<i32>} : memref<1600x64xf32, #tpu.memory_space<vmem>>, vector<1x16xf32>,
        %get3A_1938 = vector.shape_cast %get3A_1937 : vector<1x16xf32> to vector<16xf32>
        %add3A_1939 = arith.addf %while3A_1917, %get3A_1938 : vector<16xf32>
        scf.yield %add3A_1924, %add3A_1929, %add3A_1934, %add3A_1939 : vector<16xf32>, vector<16xf32>, vector<16xf32>, vector<16xf32>
      }
      %while3A_1475 = arith.constant 1 : i32
      %while3A_1476:4 = scf.for %while3A_1913 = %while3A_1472 to %while3A_1468 step %while3A_1475 iter_args(%while3A_1914 = %while3A_1474#0, %while3A_1915 = %while3A_1474#1, %while3A_1916 = %while3A_1474#2, %while3A_1917 = %while3A_1474#3) -> (vector<16xf32>, vector<16xf32>, vector<16xf32>, vector<16xf32>)  : i32 {
        %add3A_1918 = arith.constant 1150 : i32
        %add3A_1919 = arith.addi %add3A_1918, %while3A_1913 : i32
        %get3A_1920 = arith.index_cast %add3A_1919 : i32 to index
        %get3A_1921 = arith.constant 0 : index
        %get3A_1922 = tpu.vector_load %arg8[%get3A_1920, %get3A_1921] {strides = array<i32>} : memref<1600x64xf32, #tpu.memory_space<vmem>>, vector<1x16xf32>,
        %get3A_1923 = vector.shape_cast %get3A_1922 : vector<1x16xf32> to vector<16xf32>
        %add3A_1924 = arith.addf %while3A_1914, %get3A_1923 : vector<16xf32>
        %get3A_1925 = arith.index_cast %add3A_1919 : i32 to index
        %get3A_1926 = arith.constant 16 : index
        %get3A_1927 = tpu.vector_load %arg8[%get3A_1925, %get3A_1926] {strides = array<i32>} : memref<1600x64xf32, #tpu.memory_space<vmem>>, vector<1x16xf32>,
        %get3A_1928 = vector.shape_cast %get3A_1927 : vector<1x16xf32> to vector<16xf32>
        %add3A_1929 = arith.addf %while3A_1915, %get3A_1928 : vector<16xf32>
        %get3A_1930 = arith.index_cast %add3A_1919 : i32 to index
        %get3A_1931 = arith.constant 32 : index
        %get3A_1932 = tpu.vector_load %arg8[%get3A_1930, %get3A_1931] {strides = array<i32>} : memref<1600x64xf32, #tpu.memory_space<vmem>>, vector<1x16xf32>,
        %get3A_1933 = vector.shape_cast %get3A_1932 : vector<1x16xf32> to vector<16xf32>
        %add3A_1934 = arith.addf %while3A_1916, %get3A_1933 : vector<16xf32>
        %get3A_1935 = arith.index_cast %add3A_1919 : i32 to index
        %get3A_1936 = arith.constant 48 : index
        %get3A_1937 = tpu.vector_load %arg8[%get3A_1935, %get3A_1936] {strides = array<i32>} : memref<1600x64xf32, #tpu.memory_space<vmem>>, vector<1x16xf32>,
        %get3A_1938 = vector.shape_cast %get3A_1937 : vector<1x16xf32> to vector<16xf32>
        %add3A_1939 = arith.addf %while3A_1917, %get3A_1938 : vector<16xf32>
        scf.yield %add3A_1924, %add3A_1929, %add3A_1934, %add3A_1939 : vector<16xf32>, vector<16xf32>, vector<16xf32>, vector<16xf32>
      }
      %div3A_1477 = vector.broadcast %convert_element_type3A_1463 : f32 to vector<16xf32>
      %div3A_1478 = arith.divf %while3A_1476#0, %div3A_1477 : vector<16xf32>
      %swap3A_1479 = arith.constant 23 : i32
      %swap3A_1480 = arith.index_cast %swap3A_1479 : i32 to index
      %swap3A_1481 = arith.constant 0 : index
      %swap3A_1482 = tpu.vector_load %arg10[%swap3A_1480, %swap3A_1481] {strides = array<i32>} : memref<32x64xf32, #tpu.memory_space<vmem>>, vector<1x16xf32>,
      %swap3A_1483 = vector.shape_cast %swap3A_1482 : vector<1x16xf32> to vector<16xf32>
      %swap3A_1484 = vector.shape_cast %div3A_1478 : vector<16xf32> to vector<1x16xf32>
      tpu.vector_store %arg10[%swap3A_1480, %swap3A_1481], %swap3A_1484 {strides = array<i32>} : memref<32x64xf32, #tpu.memory_space<vmem>>, vector<1x16xf32>,
      %div3A_1485 = vector.broadcast %convert_element_type3A_1463 : f32 to vector<16xf32>
      %div3A_1486 = arith.divf %while3A_1476#1, %div3A_1485 : vector<16xf32>
      %swap3A_1487 = arith.constant 23 : i32
      %swap3A_1488 = arith.index_cast %swap3A_1487 : i32 to index
      %swap3A_1489 = arith.constant 16 : index
      %swap3A_1490 = tpu.vector_load %arg10[%swap3A_1488, %swap3A_1489] {strides = array<i32>} : memref<32x64xf32, #tpu.memory_space<vmem>>, vector<1x16xf32>,
      %swap3A_1491 = vector.shape_cast %swap3A_1490 : vector<1x16xf32> to vector<16xf32>
      %swap3A_1492 = vector.shape_cast %div3A_1486 : vector<16xf32> to vector<1x16xf32>
      tpu.vector_store %arg10[%swap3A_1488, %swap3A_1489], %swap3A_1492 {strides = array<i32>} : memref<32x64xf32, #tpu.memory_space<vmem>>, vector<1x16xf32>,
      %div3A_1493 = vector.broadcast %convert_element_type3A_1463 : f32 to vector<16xf32>
      %div3A_1494 = arith.divf %while3A_1476#2, %div3A_1493 : vector<16xf32>
      %swap3A_1495 = arith.constant 23 : i32
      %swap3A_1496 = arith.index_cast %swap3A_1495 : i32 to index
      %swap3A_1497 = arith.constant 32 : index
      %swap3A_1498 = tpu.vector_load %arg10[%swap3A_1496, %swap3A_1497] {strides = array<i32>} : memref<32x64xf32, #tpu.memory_space<vmem>>, vector<1x16xf32>,
      %swap3A_1499 = vector.shape_cast %swap3A_1498 : vector<1x16xf32> to vector<16xf32>
      %swap3A_1500 = vector.shape_cast %div3A_1494 : vector<16xf32> to vector<1x16xf32>
      tpu.vector_store %arg10[%swap3A_1496, %swap3A_1497], %swap3A_1500 {strides = array<i32>} : memref<32x64xf32, #tpu.memory_space<vmem>>, vector<1x16xf32>,
      %div3A_1501 = vector.broadcast %convert_element_type3A_1463 : f32 to vector<16xf32>
      %div3A_1502 = arith.divf %while3A_1476#3, %div3A_1501 : vector<16xf32>
      %swap3A_1503 = arith.constant 23 : i32
      %swap3A_1504 = arith.index_cast %swap3A_1503 : i32 to index
      %swap3A_1505 = arith.constant 48 : index
      %swap3A_1506 = tpu.vector_load %arg10[%swap3A_1504, %swap3A_1505] {strides = array<i32>} : memref<32x64xf32, #tpu.memory_space<vmem>>, vector<1x16xf32>,
      %swap3A_1507 = vector.shape_cast %swap3A_1506 : vector<1x16xf32> to vector<16xf32>
      %swap3A_1508 = vector.shape_cast %div3A_1502 : vector<16xf32> to vector<1x16xf32>
      tpu.vector_store %arg10[%swap3A_1504, %swap3A_1505], %swap3A_1508 {strides = array<i32>} : memref<32x64xf32, #tpu.memory_space<vmem>>, vector<1x16xf32>,
      %slice3A_1509 = vector.extract_strided_slice %get3A_176 {offsets = [24], sizes = [1], strides = [1]} : vector<32xi32> to vector<1xi32>
      %squeeze3A_1510 = vector.extract %slice3A_1509[0] : i32 from vector<1xi32>
      %convert_element_type3A_1511 = arith.sitofp %squeeze3A_1510 : i32 to f32
      %broadcast_in_dim3A_1512 = arith.constant 0.000000e+00 : f32
      %broadcast_in_dim3A_1513 = vector.broadcast %broadcast_in_dim3A_1512 : f32 to vector<16xf32>
      %while3A_1514 = arith.constant 0 : i32
      %while3A_1515 = arith.subi %squeeze3A_1510, %while3A_1514 : i32
      %while3A_1516 = arith.addi %while3A_1514, %while3A_1515 : i32
      %while3A_1517 = arith.constant 1 : i32
      %while3A_1518 = arith.divsi %while3A_1515, %while3A_1517 : i32
      %while3A_1519 = arith.muli %while3A_1518, %while3A_1517 : i32
      %while3A_1520 = arith.addi %while3A_1514, %while3A_1519 : i32
      %while3A_1521 = arith.constant 1 : i32
      %while3A_1522:4 = scf.for %while3A_1913 = %while3A_1514 to %while3A_1520 step %while3A_1521 iter_args(%while3A_1914 = %broadcast_in_dim3A_1513, %while3A_1915 = %broadcast_in_dim3A_1513, %while3A_1916 = %broadcast_in_dim3A_1513, %while3A_1917 = %broadcast_in_dim3A_1513) -> (vector<16xf32>, vector<16xf32>, vector<16xf32>, vector<16xf32>)  : i32 {
        %add3A_1918 = arith.constant 1200 : i32
        %add3A_1919 = arith.addi %add3A_1918, %while3A_1913 : i32
        %get3A_1920 = arith.index_cast %add3A_1919 : i32 to index
        %get3A_1921 = arith.constant 0 : index
        %get3A_1922 = tpu.vector_load %arg8[%get3A_1920, %get3A_1921] {strides = array<i32>} : memref<1600x64xf32, #tpu.memory_space<vmem>>, vector<1x16xf32>,
        %get3A_1923 = vector.shape_cast %get3A_1922 : vector<1x16xf32> to vector<16xf32>
        %add3A_1924 = arith.addf %while3A_1914, %get3A_1923 : vector<16xf32>
        %get3A_1925 = arith.index_cast %add3A_1919 : i32 to index
        %get3A_1926 = arith.constant 16 : index
        %get3A_1927 = tpu.vector_load %arg8[%get3A_1925, %get3A_1926] {strides = array<i32>} : memref<1600x64xf32, #tpu.memory_space<vmem>>, vector<1x16xf32>,
        %get3A_1928 = vector.shape_cast %get3A_1927 : vector<1x16xf32> to vector<16xf32>
        %add3A_1929 = arith.addf %while3A_1915, %get3A_1928 : vector<16xf32>
        %get3A_1930 = arith.index_cast %add3A_1919 : i32 to index
        %get3A_1931 = arith.constant 32 : index
        %get3A_1932 = tpu.vector_load %arg8[%get3A_1930, %get3A_1931] {strides = array<i32>} : memref<1600x64xf32, #tpu.memory_space<vmem>>, vector<1x16xf32>,
        %get3A_1933 = vector.shape_cast %get3A_1932 : vector<1x16xf32> to vector<16xf32>
        %add3A_1934 = arith.addf %while3A_1916, %get3A_1933 : vector<16xf32>
        %get3A_1935 = arith.index_cast %add3A_1919 : i32 to index
        %get3A_1936 = arith.constant 48 : index
        %get3A_1937 = tpu.vector_load %arg8[%get3A_1935, %get3A_1936] {strides = array<i32>} : memref<1600x64xf32, #tpu.memory_space<vmem>>, vector<1x16xf32>,
        %get3A_1938 = vector.shape_cast %get3A_1937 : vector<1x16xf32> to vector<16xf32>
        %add3A_1939 = arith.addf %while3A_1917, %get3A_1938 : vector<16xf32>
        scf.yield %add3A_1924, %add3A_1929, %add3A_1934, %add3A_1939 : vector<16xf32>, vector<16xf32>, vector<16xf32>, vector<16xf32>
      }
      %while3A_1523 = arith.constant 1 : i32
      %while3A_1524:4 = scf.for %while3A_1913 = %while3A_1520 to %while3A_1516 step %while3A_1523 iter_args(%while3A_1914 = %while3A_1522#0, %while3A_1915 = %while3A_1522#1, %while3A_1916 = %while3A_1522#2, %while3A_1917 = %while3A_1522#3) -> (vector<16xf32>, vector<16xf32>, vector<16xf32>, vector<16xf32>)  : i32 {
        %add3A_1918 = arith.constant 1200 : i32
        %add3A_1919 = arith.addi %add3A_1918, %while3A_1913 : i32
        %get3A_1920 = arith.index_cast %add3A_1919 : i32 to index
        %get3A_1921 = arith.constant 0 : index
        %get3A_1922 = tpu.vector_load %arg8[%get3A_1920, %get3A_1921] {strides = array<i32>} : memref<1600x64xf32, #tpu.memory_space<vmem>>, vector<1x16xf32>,
        %get3A_1923 = vector.shape_cast %get3A_1922 : vector<1x16xf32> to vector<16xf32>
        %add3A_1924 = arith.addf %while3A_1914, %get3A_1923 : vector<16xf32>
        %get3A_1925 = arith.index_cast %add3A_1919 : i32 to index
        %get3A_1926 = arith.constant 16 : index
        %get3A_1927 = tpu.vector_load %arg8[%get3A_1925, %get3A_1926] {strides = array<i32>} : memref<1600x64xf32, #tpu.memory_space<vmem>>, vector<1x16xf32>,
        %get3A_1928 = vector.shape_cast %get3A_1927 : vector<1x16xf32> to vector<16xf32>
        %add3A_1929 = arith.addf %while3A_1915, %get3A_1928 : vector<16xf32>
        %get3A_1930 = arith.index_cast %add3A_1919 : i32 to index
        %get3A_1931 = arith.constant 32 : index
        %get3A_1932 = tpu.vector_load %arg8[%get3A_1930, %get3A_1931] {strides = array<i32>} : memref<1600x64xf32, #tpu.memory_space<vmem>>, vector<1x16xf32>,
        %get3A_1933 = vector.shape_cast %get3A_1932 : vector<1x16xf32> to vector<16xf32>
        %add3A_1934 = arith.addf %while3A_1916, %get3A_1933 : vector<16xf32>
        %get3A_1935 = arith.index_cast %add3A_1919 : i32 to index
        %get3A_1936 = arith.constant 48 : index
        %get3A_1937 = tpu.vector_load %arg8[%get3A_1935, %get3A_1936] {strides = array<i32>} : memref<1600x64xf32, #tpu.memory_space<vmem>>, vector<1x16xf32>,
        %get3A_1938 = vector.shape_cast %get3A_1937 : vector<1x16xf32> to vector<16xf32>
        %add3A_1939 = arith.addf %while3A_1917, %get3A_1938 : vector<16xf32>
        scf.yield %add3A_1924, %add3A_1929, %add3A_1934, %add3A_1939 : vector<16xf32>, vector<16xf32>, vector<16xf32>, vector<16xf32>
      }
      %div3A_1525 = vector.broadcast %convert_element_type3A_1511 : f32 to vector<16xf32>
      %div3A_1526 = arith.divf %while3A_1524#0, %div3A_1525 : vector<16xf32>
      %swap3A_1527 = arith.constant 24 : i32
      %swap3A_1528 = arith.index_cast %swap3A_1527 : i32 to index
      %swap3A_1529 = arith.constant 0 : index
      %swap3A_1530 = tpu.vector_load %arg10[%swap3A_1528, %swap3A_1529] {strides = array<i32>} : memref<32x64xf32, #tpu.memory_space<vmem>>, vector<1x16xf32>,
      %swap3A_1531 = vector.shape_cast %swap3A_1530 : vector<1x16xf32> to vector<16xf32>
      %swap3A_1532 = vector.shape_cast %div3A_1526 : vector<16xf32> to vector<1x16xf32>
      tpu.vector_store %arg10[%swap3A_1528, %swap3A_1529], %swap3A_1532 {strides = array<i32>} : memref<32x64xf32, #tpu.memory_space<vmem>>, vector<1x16xf32>,
      %div3A_1533 = vector.broadcast %convert_element_type3A_1511 : f32 to vector<16xf32>
      %div3A_1534 = arith.divf %while3A_1524#1, %div3A_1533 : vector<16xf32>
      %swap3A_1535 = arith.constant 24 : i32
      %swap3A_1536 = arith.index_cast %swap3A_1535 : i32 to index
      %swap3A_1537 = arith.constant 16 : index
      %swap3A_1538 = tpu.vector_load %arg10[%swap3A_1536, %swap3A_1537] {strides = array<i32>} : memref<32x64xf32, #tpu.memory_space<vmem>>, vector<1x16xf32>,
      %swap3A_1539 = vector.shape_cast %swap3A_1538 : vector<1x16xf32> to vector<16xf32>
      %swap3A_1540 = vector.shape_cast %div3A_1534 : vector<16xf32> to vector<1x16xf32>
      tpu.vector_store %arg10[%swap3A_1536, %swap3A_1537], %swap3A_1540 {strides = array<i32>} : memref<32x64xf32, #tpu.memory_space<vmem>>, vector<1x16xf32>,
      %div3A_1541 = vector.broadcast %convert_element_type3A_1511 : f32 to vector<16xf32>
      %div3A_1542 = arith.divf %while3A_1524#2, %div3A_1541 : vector<16xf32>
      %swap3A_1543 = arith.constant 24 : i32
      %swap3A_1544 = arith.index_cast %swap3A_1543 : i32 to index
      %swap3A_1545 = arith.constant 32 : index
      %swap3A_1546 = tpu.vector_load %arg10[%swap3A_1544, %swap3A_1545] {strides = array<i32>} : memref<32x64xf32, #tpu.memory_space<vmem>>, vector<1x16xf32>,
      %swap3A_1547 = vector.shape_cast %swap3A_1546 : vector<1x16xf32> to vector<16xf32>
      %swap3A_1548 = vector.shape_cast %div3A_1542 : vector<16xf32> to vector<1x16xf32>
      tpu.vector_store %arg10[%swap3A_1544, %swap3A_1545], %swap3A_1548 {strides = array<i32>} : memref<32x64xf32, #tpu.memory_space<vmem>>, vector<1x16xf32>,
      %div3A_1549 = vector.broadcast %convert_element_type3A_1511 : f32 to vector<16xf32>
      %div3A_1550 = arith.divf %while3A_1524#3, %div3A_1549 : vector<16xf32>
      %swap3A_1551 = arith.constant 24 : i32
      %swap3A_1552 = arith.index_cast %swap3A_1551 : i32 to index
      %swap3A_1553 = arith.constant 48 : index
      %swap3A_1554 = tpu.vector_load %arg10[%swap3A_1552, %swap3A_1553] {strides = array<i32>} : memref<32x64xf32, #tpu.memory_space<vmem>>, vector<1x16xf32>,
      %swap3A_1555 = vector.shape_cast %swap3A_1554 : vector<1x16xf32> to vector<16xf32>
      %swap3A_1556 = vector.shape_cast %div3A_1550 : vector<16xf32> to vector<1x16xf32>
      tpu.vector_store %arg10[%swap3A_1552, %swap3A_1553], %swap3A_1556 {strides = array<i32>} : memref<32x64xf32, #tpu.memory_space<vmem>>, vector<1x16xf32>,
      %slice3A_1557 = vector.extract_strided_slice %get3A_176 {offsets = [25], sizes = [1], strides = [1]} : vector<32xi32> to vector<1xi32>
      %squeeze3A_1558 = vector.extract %slice3A_1557[0] : i32 from vector<1xi32>
      %convert_element_type3A_1559 = arith.sitofp %squeeze3A_1558 : i32 to f32
      %broadcast_in_dim3A_1560 = arith.constant 0.000000e+00 : f32
      %broadcast_in_dim3A_1561 = vector.broadcast %broadcast_in_dim3A_1560 : f32 to vector<16xf32>
      %while3A_1562 = arith.constant 0 : i32
      %while3A_1563 = arith.subi %squeeze3A_1558, %while3A_1562 : i32
      %while3A_1564 = arith.addi %while3A_1562, %while3A_1563 : i32
      %while3A_1565 = arith.constant 1 : i32
      %while3A_1566 = arith.divsi %while3A_1563, %while3A_1565 : i32
      %while3A_1567 = arith.muli %while3A_1566, %while3A_1565 : i32
      %while3A_1568 = arith.addi %while3A_1562, %while3A_1567 : i32
      %while3A_1569 = arith.constant 1 : i32
      %while3A_1570:4 = scf.for %while3A_1913 = %while3A_1562 to %while3A_1568 step %while3A_1569 iter_args(%while3A_1914 = %broadcast_in_dim3A_1561, %while3A_1915 = %broadcast_in_dim3A_1561, %while3A_1916 = %broadcast_in_dim3A_1561, %while3A_1917 = %broadcast_in_dim3A_1561) -> (vector<16xf32>, vector<16xf32>, vector<16xf32>, vector<16xf32>)  : i32 {
        %add3A_1918 = arith.constant 1250 : i32
        %add3A_1919 = arith.addi %add3A_1918, %while3A_1913 : i32
        %get3A_1920 = arith.index_cast %add3A_1919 : i32 to index
        %get3A_1921 = arith.constant 0 : index
        %get3A_1922 = tpu.vector_load %arg8[%get3A_1920, %get3A_1921] {strides = array<i32>} : memref<1600x64xf32, #tpu.memory_space<vmem>>, vector<1x16xf32>,
        %get3A_1923 = vector.shape_cast %get3A_1922 : vector<1x16xf32> to vector<16xf32>
        %add3A_1924 = arith.addf %while3A_1914, %get3A_1923 : vector<16xf32>
        %get3A_1925 = arith.index_cast %add3A_1919 : i32 to index
        %get3A_1926 = arith.constant 16 : index
        %get3A_1927 = tpu.vector_load %arg8[%get3A_1925, %get3A_1926] {strides = array<i32>} : memref<1600x64xf32, #tpu.memory_space<vmem>>, vector<1x16xf32>,
        %get3A_1928 = vector.shape_cast %get3A_1927 : vector<1x16xf32> to vector<16xf32>
        %add3A_1929 = arith.addf %while3A_1915, %get3A_1928 : vector<16xf32>
        %get3A_1930 = arith.index_cast %add3A_1919 : i32 to index
        %get3A_1931 = arith.constant 32 : index
        %get3A_1932 = tpu.vector_load %arg8[%get3A_1930, %get3A_1931] {strides = array<i32>} : memref<1600x64xf32, #tpu.memory_space<vmem>>, vector<1x16xf32>,
        %get3A_1933 = vector.shape_cast %get3A_1932 : vector<1x16xf32> to vector<16xf32>
        %add3A_1934 = arith.addf %while3A_1916, %get3A_1933 : vector<16xf32>
        %get3A_1935 = arith.index_cast %add3A_1919 : i32 to index
        %get3A_1936 = arith.constant 48 : index
        %get3A_1937 = tpu.vector_load %arg8[%get3A_1935, %get3A_1936] {strides = array<i32>} : memref<1600x64xf32, #tpu.memory_space<vmem>>, vector<1x16xf32>,
        %get3A_1938 = vector.shape_cast %get3A_1937 : vector<1x16xf32> to vector<16xf32>
        %add3A_1939 = arith.addf %while3A_1917, %get3A_1938 : vector<16xf32>
        scf.yield %add3A_1924, %add3A_1929, %add3A_1934, %add3A_1939 : vector<16xf32>, vector<16xf32>, vector<16xf32>, vector<16xf32>
      }
      %while3A_1571 = arith.constant 1 : i32
      %while3A_1572:4 = scf.for %while3A_1913 = %while3A_1568 to %while3A_1564 step %while3A_1571 iter_args(%while3A_1914 = %while3A_1570#0, %while3A_1915 = %while3A_1570#1, %while3A_1916 = %while3A_1570#2, %while3A_1917 = %while3A_1570#3) -> (vector<16xf32>, vector<16xf32>, vector<16xf32>, vector<16xf32>)  : i32 {
        %add3A_1918 = arith.constant 1250 : i32
        %add3A_1919 = arith.addi %add3A_1918, %while3A_1913 : i32
        %get3A_1920 = arith.index_cast %add3A_1919 : i32 to index
        %get3A_1921 = arith.constant 0 : index
        %get3A_1922 = tpu.vector_load %arg8[%get3A_1920, %get3A_1921] {strides = array<i32>} : memref<1600x64xf32, #tpu.memory_space<vmem>>, vector<1x16xf32>,
        %get3A_1923 = vector.shape_cast %get3A_1922 : vector<1x16xf32> to vector<16xf32>
        %add3A_1924 = arith.addf %while3A_1914, %get3A_1923 : vector<16xf32>
        %get3A_1925 = arith.index_cast %add3A_1919 : i32 to index
        %get3A_1926 = arith.constant 16 : index
        %get3A_1927 = tpu.vector_load %arg8[%get3A_1925, %get3A_1926] {strides = array<i32>} : memref<1600x64xf32, #tpu.memory_space<vmem>>, vector<1x16xf32>,
        %get3A_1928 = vector.shape_cast %get3A_1927 : vector<1x16xf32> to vector<16xf32>
        %add3A_1929 = arith.addf %while3A_1915, %get3A_1928 : vector<16xf32>
        %get3A_1930 = arith.index_cast %add3A_1919 : i32 to index
        %get3A_1931 = arith.constant 32 : index
        %get3A_1932 = tpu.vector_load %arg8[%get3A_1930, %get3A_1931] {strides = array<i32>} : memref<1600x64xf32, #tpu.memory_space<vmem>>, vector<1x16xf32>,
        %get3A_1933 = vector.shape_cast %get3A_1932 : vector<1x16xf32> to vector<16xf32>
        %add3A_1934 = arith.addf %while3A_1916, %get3A_1933 : vector<16xf32>
        %get3A_1935 = arith.index_cast %add3A_1919 : i32 to index
        %get3A_1936 = arith.constant 48 : index
        %get3A_1937 = tpu.vector_load %arg8[%get3A_1935, %get3A_1936] {strides = array<i32>} : memref<1600x64xf32, #tpu.memory_space<vmem>>, vector<1x16xf32>,
        %get3A_1938 = vector.shape_cast %get3A_1937 : vector<1x16xf32> to vector<16xf32>
        %add3A_1939 = arith.addf %while3A_1917, %get3A_1938 : vector<16xf32>
        scf.yield %add3A_1924, %add3A_1929, %add3A_1934, %add3A_1939 : vector<16xf32>, vector<16xf32>, vector<16xf32>, vector<16xf32>
      }
      %div3A_1573 = vector.broadcast %convert_element_type3A_1559 : f32 to vector<16xf32>
      %div3A_1574 = arith.divf %while3A_1572#0, %div3A_1573 : vector<16xf32>
      %swap3A_1575 = arith.constant 25 : i32
      %swap3A_1576 = arith.index_cast %swap3A_1575 : i32 to index
      %swap3A_1577 = arith.constant 0 : index
      %swap3A_1578 = tpu.vector_load %arg10[%swap3A_1576, %swap3A_1577] {strides = array<i32>} : memref<32x64xf32, #tpu.memory_space<vmem>>, vector<1x16xf32>,
      %swap3A_1579 = vector.shape_cast %swap3A_1578 : vector<1x16xf32> to vector<16xf32>
      %swap3A_1580 = vector.shape_cast %div3A_1574 : vector<16xf32> to vector<1x16xf32>
      tpu.vector_store %arg10[%swap3A_1576, %swap3A_1577], %swap3A_1580 {strides = array<i32>} : memref<32x64xf32, #tpu.memory_space<vmem>>, vector<1x16xf32>,
      %div3A_1581 = vector.broadcast %convert_element_type3A_1559 : f32 to vector<16xf32>
      %div3A_1582 = arith.divf %while3A_1572#1, %div3A_1581 : vector<16xf32>
      %swap3A_1583 = arith.constant 25 : i32
      %swap3A_1584 = arith.index_cast %swap3A_1583 : i32 to index
      %swap3A_1585 = arith.constant 16 : index
      %swap3A_1586 = tpu.vector_load %arg10[%swap3A_1584, %swap3A_1585] {strides = array<i32>} : memref<32x64xf32, #tpu.memory_space<vmem>>, vector<1x16xf32>,
      %swap3A_1587 = vector.shape_cast %swap3A_1586 : vector<1x16xf32> to vector<16xf32>
      %swap3A_1588 = vector.shape_cast %div3A_1582 : vector<16xf32> to vector<1x16xf32>
      tpu.vector_store %arg10[%swap3A_1584, %swap3A_1585], %swap3A_1588 {strides = array<i32>} : memref<32x64xf32, #tpu.memory_space<vmem>>, vector<1x16xf32>,
      %div3A_1589 = vector.broadcast %convert_element_type3A_1559 : f32 to vector<16xf32>
      %div3A_1590 = arith.divf %while3A_1572#2, %div3A_1589 : vector<16xf32>
      %swap3A_1591 = arith.constant 25 : i32
      %swap3A_1592 = arith.index_cast %swap3A_1591 : i32 to index
      %swap3A_1593 = arith.constant 32 : index
      %swap3A_1594 = tpu.vector_load %arg10[%swap3A_1592, %swap3A_1593] {strides = array<i32>} : memref<32x64xf32, #tpu.memory_space<vmem>>, vector<1x16xf32>,
      %swap3A_1595 = vector.shape_cast %swap3A_1594 : vector<1x16xf32> to vector<16xf32>
      %swap3A_1596 = vector.shape_cast %div3A_1590 : vector<16xf32> to vector<1x16xf32>
      tpu.vector_store %arg10[%swap3A_1592, %swap3A_1593], %swap3A_1596 {strides = array<i32>} : memref<32x64xf32, #tpu.memory_space<vmem>>, vector<1x16xf32>,
      %div3A_1597 = vector.broadcast %convert_element_type3A_1559 : f32 to vector<16xf32>
      %div3A_1598 = arith.divf %while3A_1572#3, %div3A_1597 : vector<16xf32>
      %swap3A_1599 = arith.constant 25 : i32
      %swap3A_1600 = arith.index_cast %swap3A_1599 : i32 to index
      %swap3A_1601 = arith.constant 48 : index
      %swap3A_1602 = tpu.vector_load %arg10[%swap3A_1600, %swap3A_1601] {strides = array<i32>} : memref<32x64xf32, #tpu.memory_space<vmem>>, vector<1x16xf32>,
      %swap3A_1603 = vector.shape_cast %swap3A_1602 : vector<1x16xf32> to vector<16xf32>
      %swap3A_1604 = vector.shape_cast %div3A_1598 : vector<16xf32> to vector<1x16xf32>
      tpu.vector_store %arg10[%swap3A_1600, %swap3A_1601], %swap3A_1604 {strides = array<i32>} : memref<32x64xf32, #tpu.memory_space<vmem>>, vector<1x16xf32>,
      %slice3A_1605 = vector.extract_strided_slice %get3A_176 {offsets = [26], sizes = [1], strides = [1]} : vector<32xi32> to vector<1xi32>
      %squeeze3A_1606 = vector.extract %slice3A_1605[0] : i32 from vector<1xi32>
      %convert_element_type3A_1607 = arith.sitofp %squeeze3A_1606 : i32 to f32
      %broadcast_in_dim3A_1608 = arith.constant 0.000000e+00 : f32
      %broadcast_in_dim3A_1609 = vector.broadcast %broadcast_in_dim3A_1608 : f32 to vector<16xf32>
      %while3A_1610 = arith.constant 0 : i32
      %while3A_1611 = arith.subi %squeeze3A_1606, %while3A_1610 : i32
      %while3A_1612 = arith.addi %while3A_1610, %while3A_1611 : i32
      %while3A_1613 = arith.constant 1 : i32
      %while3A_1614 = arith.divsi %while3A_1611, %while3A_1613 : i32
      %while3A_1615 = arith.muli %while3A_1614, %while3A_1613 : i32
      %while3A_1616 = arith.addi %while3A_1610, %while3A_1615 : i32
      %while3A_1617 = arith.constant 1 : i32
      %while3A_1618:4 = scf.for %while3A_1913 = %while3A_1610 to %while3A_1616 step %while3A_1617 iter_args(%while3A_1914 = %broadcast_in_dim3A_1609, %while3A_1915 = %broadcast_in_dim3A_1609, %while3A_1916 = %broadcast_in_dim3A_1609, %while3A_1917 = %broadcast_in_dim3A_1609) -> (vector<16xf32>, vector<16xf32>, vector<16xf32>, vector<16xf32>)  : i32 {
        %add3A_1918 = arith.constant 1300 : i32
        %add3A_1919 = arith.addi %add3A_1918, %while3A_1913 : i32
        %get3A_1920 = arith.index_cast %add3A_1919 : i32 to index
        %get3A_1921 = arith.constant 0 : index
        %get3A_1922 = tpu.vector_load %arg8[%get3A_1920, %get3A_1921] {strides = array<i32>} : memref<1600x64xf32, #tpu.memory_space<vmem>>, vector<1x16xf32>,
        %get3A_1923 = vector.shape_cast %get3A_1922 : vector<1x16xf32> to vector<16xf32>
        %add3A_1924 = arith.addf %while3A_1914, %get3A_1923 : vector<16xf32>
        %get3A_1925 = arith.index_cast %add3A_1919 : i32 to index
        %get3A_1926 = arith.constant 16 : index
        %get3A_1927 = tpu.vector_load %arg8[%get3A_1925, %get3A_1926] {strides = array<i32>} : memref<1600x64xf32, #tpu.memory_space<vmem>>, vector<1x16xf32>,
        %get3A_1928 = vector.shape_cast %get3A_1927 : vector<1x16xf32> to vector<16xf32>
        %add3A_1929 = arith.addf %while3A_1915, %get3A_1928 : vector<16xf32>
        %get3A_1930 = arith.index_cast %add3A_1919 : i32 to index
        %get3A_1931 = arith.constant 32 : index
        %get3A_1932 = tpu.vector_load %arg8[%get3A_1930, %get3A_1931] {strides = array<i32>} : memref<1600x64xf32, #tpu.memory_space<vmem>>, vector<1x16xf32>,
        %get3A_1933 = vector.shape_cast %get3A_1932 : vector<1x16xf32> to vector<16xf32>
        %add3A_1934 = arith.addf %while3A_1916, %get3A_1933 : vector<16xf32>
        %get3A_1935 = arith.index_cast %add3A_1919 : i32 to index
        %get3A_1936 = arith.constant 48 : index
        %get3A_1937 = tpu.vector_load %arg8[%get3A_1935, %get3A_1936] {strides = array<i32>} : memref<1600x64xf32, #tpu.memory_space<vmem>>, vector<1x16xf32>,
        %get3A_1938 = vector.shape_cast %get3A_1937 : vector<1x16xf32> to vector<16xf32>
        %add3A_1939 = arith.addf %while3A_1917, %get3A_1938 : vector<16xf32>
        scf.yield %add3A_1924, %add3A_1929, %add3A_1934, %add3A_1939 : vector<16xf32>, vector<16xf32>, vector<16xf32>, vector<16xf32>
      }
      %while3A_1619 = arith.constant 1 : i32
      %while3A_1620:4 = scf.for %while3A_1913 = %while3A_1616 to %while3A_1612 step %while3A_1619 iter_args(%while3A_1914 = %while3A_1618#0, %while3A_1915 = %while3A_1618#1, %while3A_1916 = %while3A_1618#2, %while3A_1917 = %while3A_1618#3) -> (vector<16xf32>, vector<16xf32>, vector<16xf32>, vector<16xf32>)  : i32 {
        %add3A_1918 = arith.constant 1300 : i32
        %add3A_1919 = arith.addi %add3A_1918, %while3A_1913 : i32
        %get3A_1920 = arith.index_cast %add3A_1919 : i32 to index
        %get3A_1921 = arith.constant 0 : index
        %get3A_1922 = tpu.vector_load %arg8[%get3A_1920, %get3A_1921] {strides = array<i32>} : memref<1600x64xf32, #tpu.memory_space<vmem>>, vector<1x16xf32>,
        %get3A_1923 = vector.shape_cast %get3A_1922 : vector<1x16xf32> to vector<16xf32>
        %add3A_1924 = arith.addf %while3A_1914, %get3A_1923 : vector<16xf32>
        %get3A_1925 = arith.index_cast %add3A_1919 : i32 to index
        %get3A_1926 = arith.constant 16 : index
        %get3A_1927 = tpu.vector_load %arg8[%get3A_1925, %get3A_1926] {strides = array<i32>} : memref<1600x64xf32, #tpu.memory_space<vmem>>, vector<1x16xf32>,
        %get3A_1928 = vector.shape_cast %get3A_1927 : vector<1x16xf32> to vector<16xf32>
        %add3A_1929 = arith.addf %while3A_1915, %get3A_1928 : vector<16xf32>
        %get3A_1930 = arith.index_cast %add3A_1919 : i32 to index
        %get3A_1931 = arith.constant 32 : index
        %get3A_1932 = tpu.vector_load %arg8[%get3A_1930, %get3A_1931] {strides = array<i32>} : memref<1600x64xf32, #tpu.memory_space<vmem>>, vector<1x16xf32>,
        %get3A_1933 = vector.shape_cast %get3A_1932 : vector<1x16xf32> to vector<16xf32>
        %add3A_1934 = arith.addf %while3A_1916, %get3A_1933 : vector<16xf32>
        %get3A_1935 = arith.index_cast %add3A_1919 : i32 to index
        %get3A_1936 = arith.constant 48 : index
        %get3A_1937 = tpu.vector_load %arg8[%get3A_1935, %get3A_1936] {strides = array<i32>} : memref<1600x64xf32, #tpu.memory_space<vmem>>, vector<1x16xf32>,
        %get3A_1938 = vector.shape_cast %get3A_1937 : vector<1x16xf32> to vector<16xf32>
        %add3A_1939 = arith.addf %while3A_1917, %get3A_1938 : vector<16xf32>
        scf.yield %add3A_1924, %add3A_1929, %add3A_1934, %add3A_1939 : vector<16xf32>, vector<16xf32>, vector<16xf32>, vector<16xf32>
      }
      %div3A_1621 = vector.broadcast %convert_element_type3A_1607 : f32 to vector<16xf32>
      %div3A_1622 = arith.divf %while3A_1620#0, %div3A_1621 : vector<16xf32>
      %swap3A_1623 = arith.constant 26 : i32
      %swap3A_1624 = arith.index_cast %swap3A_1623 : i32 to index
      %swap3A_1625 = arith.constant 0 : index
      %swap3A_1626 = tpu.vector_load %arg10[%swap3A_1624, %swap3A_1625] {strides = array<i32>} : memref<32x64xf32, #tpu.memory_space<vmem>>, vector<1x16xf32>,
      %swap3A_1627 = vector.shape_cast %swap3A_1626 : vector<1x16xf32> to vector<16xf32>
      %swap3A_1628 = vector.shape_cast %div3A_1622 : vector<16xf32> to vector<1x16xf32>
      tpu.vector_store %arg10[%swap3A_1624, %swap3A_1625], %swap3A_1628 {strides = array<i32>} : memref<32x64xf32, #tpu.memory_space<vmem>>, vector<1x16xf32>,
      %div3A_1629 = vector.broadcast %convert_element_type3A_1607 : f32 to vector<16xf32>
      %div3A_1630 = arith.divf %while3A_1620#1, %div3A_1629 : vector<16xf32>
      %swap3A_1631 = arith.constant 26 : i32
      %swap3A_1632 = arith.index_cast %swap3A_1631 : i32 to index
      %swap3A_1633 = arith.constant 16 : index
      %swap3A_1634 = tpu.vector_load %arg10[%swap3A_1632, %swap3A_1633] {strides = array<i32>} : memref<32x64xf32, #tpu.memory_space<vmem>>, vector<1x16xf32>,
      %swap3A_1635 = vector.shape_cast %swap3A_1634 : vector<1x16xf32> to vector<16xf32>
      %swap3A_1636 = vector.shape_cast %div3A_1630 : vector<16xf32> to vector<1x16xf32>
      tpu.vector_store %arg10[%swap3A_1632, %swap3A_1633], %swap3A_1636 {strides = array<i32>} : memref<32x64xf32, #tpu.memory_space<vmem>>, vector<1x16xf32>,
      %div3A_1637 = vector.broadcast %convert_element_type3A_1607 : f32 to vector<16xf32>
      %div3A_1638 = arith.divf %while3A_1620#2, %div3A_1637 : vector<16xf32>
      %swap3A_1639 = arith.constant 26 : i32
      %swap3A_1640 = arith.index_cast %swap3A_1639 : i32 to index
      %swap3A_1641 = arith.constant 32 : index
      %swap3A_1642 = tpu.vector_load %arg10[%swap3A_1640, %swap3A_1641] {strides = array<i32>} : memref<32x64xf32, #tpu.memory_space<vmem>>, vector<1x16xf32>,
      %swap3A_1643 = vector.shape_cast %swap3A_1642 : vector<1x16xf32> to vector<16xf32>
      %swap3A_1644 = vector.shape_cast %div3A_1638 : vector<16xf32> to vector<1x16xf32>
      tpu.vector_store %arg10[%swap3A_1640, %swap3A_1641], %swap3A_1644 {strides = array<i32>} : memref<32x64xf32, #tpu.memory_space<vmem>>, vector<1x16xf32>,
      %div3A_1645 = vector.broadcast %convert_element_type3A_1607 : f32 to vector<16xf32>
      %div3A_1646 = arith.divf %while3A_1620#3, %div3A_1645 : vector<16xf32>
      %swap3A_1647 = arith.constant 26 : i32
      %swap3A_1648 = arith.index_cast %swap3A_1647 : i32 to index
      %swap3A_1649 = arith.constant 48 : index
      %swap3A_1650 = tpu.vector_load %arg10[%swap3A_1648, %swap3A_1649] {strides = array<i32>} : memref<32x64xf32, #tpu.memory_space<vmem>>, vector<1x16xf32>,
      %swap3A_1651 = vector.shape_cast %swap3A_1650 : vector<1x16xf32> to vector<16xf32>
      %swap3A_1652 = vector.shape_cast %div3A_1646 : vector<16xf32> to vector<1x16xf32>
      tpu.vector_store %arg10[%swap3A_1648, %swap3A_1649], %swap3A_1652 {strides = array<i32>} : memref<32x64xf32, #tpu.memory_space<vmem>>, vector<1x16xf32>,
      %slice3A_1653 = vector.extract_strided_slice %get3A_176 {offsets = [27], sizes = [1], strides = [1]} : vector<32xi32> to vector<1xi32>
      %squeeze3A_1654 = vector.extract %slice3A_1653[0] : i32 from vector<1xi32>
      %convert_element_type3A_1655 = arith.sitofp %squeeze3A_1654 : i32 to f32
      %broadcast_in_dim3A_1656 = arith.constant 0.000000e+00 : f32
      %broadcast_in_dim3A_1657 = vector.broadcast %broadcast_in_dim3A_1656 : f32 to vector<16xf32>
      %while3A_1658 = arith.constant 0 : i32
      %while3A_1659 = arith.subi %squeeze3A_1654, %while3A_1658 : i32
      %while3A_1660 = arith.addi %while3A_1658, %while3A_1659 : i32
      %while3A_1661 = arith.constant 1 : i32
      %while3A_1662 = arith.divsi %while3A_1659, %while3A_1661 : i32
      %while3A_1663 = arith.muli %while3A_1662, %while3A_1661 : i32
      %while3A_1664 = arith.addi %while3A_1658, %while3A_1663 : i32
      %while3A_1665 = arith.constant 1 : i32
      %while3A_1666:4 = scf.for %while3A_1913 = %while3A_1658 to %while3A_1664 step %while3A_1665 iter_args(%while3A_1914 = %broadcast_in_dim3A_1657, %while3A_1915 = %broadcast_in_dim3A_1657, %while3A_1916 = %broadcast_in_dim3A_1657, %while3A_1917 = %broadcast_in_dim3A_1657) -> (vector<16xf32>, vector<16xf32>, vector<16xf32>, vector<16xf32>)  : i32 {
        %add3A_1918 = arith.constant 1350 : i32
        %add3A_1919 = arith.addi %add3A_1918, %while3A_1913 : i32
        %get3A_1920 = arith.index_cast %add3A_1919 : i32 to index
        %get3A_1921 = arith.constant 0 : index
        %get3A_1922 = tpu.vector_load %arg8[%get3A_1920, %get3A_1921] {strides = array<i32>} : memref<1600x64xf32, #tpu.memory_space<vmem>>, vector<1x16xf32>,
        %get3A_1923 = vector.shape_cast %get3A_1922 : vector<1x16xf32> to vector<16xf32>
        %add3A_1924 = arith.addf %while3A_1914, %get3A_1923 : vector<16xf32>
        %get3A_1925 = arith.index_cast %add3A_1919 : i32 to index
        %get3A_1926 = arith.constant 16 : index
        %get3A_1927 = tpu.vector_load %arg8[%get3A_1925, %get3A_1926] {strides = array<i32>} : memref<1600x64xf32, #tpu.memory_space<vmem>>, vector<1x16xf32>,
        %get3A_1928 = vector.shape_cast %get3A_1927 : vector<1x16xf32> to vector<16xf32>
        %add3A_1929 = arith.addf %while3A_1915, %get3A_1928 : vector<16xf32>
        %get3A_1930 = arith.index_cast %add3A_1919 : i32 to index
        %get3A_1931 = arith.constant 32 : index
        %get3A_1932 = tpu.vector_load %arg8[%get3A_1930, %get3A_1931] {strides = array<i32>} : memref<1600x64xf32, #tpu.memory_space<vmem>>, vector<1x16xf32>,
        %get3A_1933 = vector.shape_cast %get3A_1932 : vector<1x16xf32> to vector<16xf32>
        %add3A_1934 = arith.addf %while3A_1916, %get3A_1933 : vector<16xf32>
        %get3A_1935 = arith.index_cast %add3A_1919 : i32 to index
        %get3A_1936 = arith.constant 48 : index
        %get3A_1937 = tpu.vector_load %arg8[%get3A_1935, %get3A_1936] {strides = array<i32>} : memref<1600x64xf32, #tpu.memory_space<vmem>>, vector<1x16xf32>,
        %get3A_1938 = vector.shape_cast %get3A_1937 : vector<1x16xf32> to vector<16xf32>
        %add3A_1939 = arith.addf %while3A_1917, %get3A_1938 : vector<16xf32>
        scf.yield %add3A_1924, %add3A_1929, %add3A_1934, %add3A_1939 : vector<16xf32>, vector<16xf32>, vector<16xf32>, vector<16xf32>
      }
      %while3A_1667 = arith.constant 1 : i32
      %while3A_1668:4 = scf.for %while3A_1913 = %while3A_1664 to %while3A_1660 step %while3A_1667 iter_args(%while3A_1914 = %while3A_1666#0, %while3A_1915 = %while3A_1666#1, %while3A_1916 = %while3A_1666#2, %while3A_1917 = %while3A_1666#3) -> (vector<16xf32>, vector<16xf32>, vector<16xf32>, vector<16xf32>)  : i32 {
        %add3A_1918 = arith.constant 1350 : i32
        %add3A_1919 = arith.addi %add3A_1918, %while3A_1913 : i32
        %get3A_1920 = arith.index_cast %add3A_1919 : i32 to index
        %get3A_1921 = arith.constant 0 : index
        %get3A_1922 = tpu.vector_load %arg8[%get3A_1920, %get3A_1921] {strides = array<i32>} : memref<1600x64xf32, #tpu.memory_space<vmem>>, vector<1x16xf32>,
        %get3A_1923 = vector.shape_cast %get3A_1922 : vector<1x16xf32> to vector<16xf32>
        %add3A_1924 = arith.addf %while3A_1914, %get3A_1923 : vector<16xf32>
        %get3A_1925 = arith.index_cast %add3A_1919 : i32 to index
        %get3A_1926 = arith.constant 16 : index
        %get3A_1927 = tpu.vector_load %arg8[%get3A_1925, %get3A_1926] {strides = array<i32>} : memref<1600x64xf32, #tpu.memory_space<vmem>>, vector<1x16xf32>,
        %get3A_1928 = vector.shape_cast %get3A_1927 : vector<1x16xf32> to vector<16xf32>
        %add3A_1929 = arith.addf %while3A_1915, %get3A_1928 : vector<16xf32>
        %get3A_1930 = arith.index_cast %add3A_1919 : i32 to index
        %get3A_1931 = arith.constant 32 : index
        %get3A_1932 = tpu.vector_load %arg8[%get3A_1930, %get3A_1931] {strides = array<i32>} : memref<1600x64xf32, #tpu.memory_space<vmem>>, vector<1x16xf32>,
        %get3A_1933 = vector.shape_cast %get3A_1932 : vector<1x16xf32> to vector<16xf32>
        %add3A_1934 = arith.addf %while3A_1916, %get3A_1933 : vector<16xf32>
        %get3A_1935 = arith.index_cast %add3A_1919 : i32 to index
        %get3A_1936 = arith.constant 48 : index
        %get3A_1937 = tpu.vector_load %arg8[%get3A_1935, %get3A_1936] {strides = array<i32>} : memref<1600x64xf32, #tpu.memory_space<vmem>>, vector<1x16xf32>,
        %get3A_1938 = vector.shape_cast %get3A_1937 : vector<1x16xf32> to vector<16xf32>
        %add3A_1939 = arith.addf %while3A_1917, %get3A_1938 : vector<16xf32>
        scf.yield %add3A_1924, %add3A_1929, %add3A_1934, %add3A_1939 : vector<16xf32>, vector<16xf32>, vector<16xf32>, vector<16xf32>
      }
      %div3A_1669 = vector.broadcast %convert_element_type3A_1655 : f32 to vector<16xf32>
      %div3A_1670 = arith.divf %while3A_1668#0, %div3A_1669 : vector<16xf32>
      %swap3A_1671 = arith.constant 27 : i32
      %swap3A_1672 = arith.index_cast %swap3A_1671 : i32 to index
      %swap3A_1673 = arith.constant 0 : index
      %swap3A_1674 = tpu.vector_load %arg10[%swap3A_1672, %swap3A_1673] {strides = array<i32>} : memref<32x64xf32, #tpu.memory_space<vmem>>, vector<1x16xf32>,
      %swap3A_1675 = vector.shape_cast %swap3A_1674 : vector<1x16xf32> to vector<16xf32>
      %swap3A_1676 = vector.shape_cast %div3A_1670 : vector<16xf32> to vector<1x16xf32>
      tpu.vector_store %arg10[%swap3A_1672, %swap3A_1673], %swap3A_1676 {strides = array<i32>} : memref<32x64xf32, #tpu.memory_space<vmem>>, vector<1x16xf32>,
      %div3A_1677 = vector.broadcast %convert_element_type3A_1655 : f32 to vector<16xf32>
      %div3A_1678 = arith.divf %while3A_1668#1, %div3A_1677 : vector<16xf32>
      %swap3A_1679 = arith.constant 27 : i32
      %swap3A_1680 = arith.index_cast %swap3A_1679 : i32 to index
      %swap3A_1681 = arith.constant 16 : index
      %swap3A_1682 = tpu.vector_load %arg10[%swap3A_1680, %swap3A_1681] {strides = array<i32>} : memref<32x64xf32, #tpu.memory_space<vmem>>, vector<1x16xf32>,
      %swap3A_1683 = vector.shape_cast %swap3A_1682 : vector<1x16xf32> to vector<16xf32>
      %swap3A_1684 = vector.shape_cast %div3A_1678 : vector<16xf32> to vector<1x16xf32>
      tpu.vector_store %arg10[%swap3A_1680, %swap3A_1681], %swap3A_1684 {strides = array<i32>} : memref<32x64xf32, #tpu.memory_space<vmem>>, vector<1x16xf32>,
      %div3A_1685 = vector.broadcast %convert_element_type3A_1655 : f32 to vector<16xf32>
      %div3A_1686 = arith.divf %while3A_1668#2, %div3A_1685 : vector<16xf32>
      %swap3A_1687 = arith.constant 27 : i32
      %swap3A_1688 = arith.index_cast %swap3A_1687 : i32 to index
      %swap3A_1689 = arith.constant 32 : index
      %swap3A_1690 = tpu.vector_load %arg10[%swap3A_1688, %swap3A_1689] {strides = array<i32>} : memref<32x64xf32, #tpu.memory_space<vmem>>, vector<1x16xf32>,
      %swap3A_1691 = vector.shape_cast %swap3A_1690 : vector<1x16xf32> to vector<16xf32>
      %swap3A_1692 = vector.shape_cast %div3A_1686 : vector<16xf32> to vector<1x16xf32>
      tpu.vector_store %arg10[%swap3A_1688, %swap3A_1689], %swap3A_1692 {strides = array<i32>} : memref<32x64xf32, #tpu.memory_space<vmem>>, vector<1x16xf32>,
      %div3A_1693 = vector.broadcast %convert_element_type3A_1655 : f32 to vector<16xf32>
      %div3A_1694 = arith.divf %while3A_1668#3, %div3A_1693 : vector<16xf32>
      %swap3A_1695 = arith.constant 27 : i32
      %swap3A_1696 = arith.index_cast %swap3A_1695 : i32 to index
      %swap3A_1697 = arith.constant 48 : index
      %swap3A_1698 = tpu.vector_load %arg10[%swap3A_1696, %swap3A_1697] {strides = array<i32>} : memref<32x64xf32, #tpu.memory_space<vmem>>, vector<1x16xf32>,
      %swap3A_1699 = vector.shape_cast %swap3A_1698 : vector<1x16xf32> to vector<16xf32>
      %swap3A_1700 = vector.shape_cast %div3A_1694 : vector<16xf32> to vector<1x16xf32>
      tpu.vector_store %arg10[%swap3A_1696, %swap3A_1697], %swap3A_1700 {strides = array<i32>} : memref<32x64xf32, #tpu.memory_space<vmem>>, vector<1x16xf32>,
      %slice3A_1701 = vector.extract_strided_slice %get3A_176 {offsets = [28], sizes = [1], strides = [1]} : vector<32xi32> to vector<1xi32>
      %squeeze3A_1702 = vector.extract %slice3A_1701[0] : i32 from vector<1xi32>
      %convert_element_type3A_1703 = arith.sitofp %squeeze3A_1702 : i32 to f32
      %broadcast_in_dim3A_1704 = arith.constant 0.000000e+00 : f32
      %broadcast_in_dim3A_1705 = vector.broadcast %broadcast_in_dim3A_1704 : f32 to vector<16xf32>
      %while3A_1706 = arith.constant 0 : i32
      %while3A_1707 = arith.subi %squeeze3A_1702, %while3A_1706 : i32
      %while3A_1708 = arith.addi %while3A_1706, %while3A_1707 : i32
      %while3A_1709 = arith.constant 1 : i32
      %while3A_1710 = arith.divsi %while3A_1707, %while3A_1709 : i32
      %while3A_1711 = arith.muli %while3A_1710, %while3A_1709 : i32
      %while3A_1712 = arith.addi %while3A_1706, %while3A_1711 : i32
      %while3A_1713 = arith.constant 1 : i32
      %while3A_1714:4 = scf.for %while3A_1913 = %while3A_1706 to %while3A_1712 step %while3A_1713 iter_args(%while3A_1914 = %broadcast_in_dim3A_1705, %while3A_1915 = %broadcast_in_dim3A_1705, %while3A_1916 = %broadcast_in_dim3A_1705, %while3A_1917 = %broadcast_in_dim3A_1705) -> (vector<16xf32>, vector<16xf32>, vector<16xf32>, vector<16xf32>)  : i32 {
        %add3A_1918 = arith.constant 1400 : i32
        %add3A_1919 = arith.addi %add3A_1918, %while3A_1913 : i32
        %get3A_1920 = arith.index_cast %add3A_1919 : i32 to index
        %get3A_1921 = arith.constant 0 : index
        %get3A_1922 = tpu.vector_load %arg8[%get3A_1920, %get3A_1921] {strides = array<i32>} : memref<1600x64xf32, #tpu.memory_space<vmem>>, vector<1x16xf32>,
        %get3A_1923 = vector.shape_cast %get3A_1922 : vector<1x16xf32> to vector<16xf32>
        %add3A_1924 = arith.addf %while3A_1914, %get3A_1923 : vector<16xf32>
        %get3A_1925 = arith.index_cast %add3A_1919 : i32 to index
        %get3A_1926 = arith.constant 16 : index
        %get3A_1927 = tpu.vector_load %arg8[%get3A_1925, %get3A_1926] {strides = array<i32>} : memref<1600x64xf32, #tpu.memory_space<vmem>>, vector<1x16xf32>,
        %get3A_1928 = vector.shape_cast %get3A_1927 : vector<1x16xf32> to vector<16xf32>
        %add3A_1929 = arith.addf %while3A_1915, %get3A_1928 : vector<16xf32>
        %get3A_1930 = arith.index_cast %add3A_1919 : i32 to index
        %get3A_1931 = arith.constant 32 : index
        %get3A_1932 = tpu.vector_load %arg8[%get3A_1930, %get3A_1931] {strides = array<i32>} : memref<1600x64xf32, #tpu.memory_space<vmem>>, vector<1x16xf32>,
        %get3A_1933 = vector.shape_cast %get3A_1932 : vector<1x16xf32> to vector<16xf32>
        %add3A_1934 = arith.addf %while3A_1916, %get3A_1933 : vector<16xf32>
        %get3A_1935 = arith.index_cast %add3A_1919 : i32 to index
        %get3A_1936 = arith.constant 48 : index
        %get3A_1937 = tpu.vector_load %arg8[%get3A_1935, %get3A_1936] {strides = array<i32>} : memref<1600x64xf32, #tpu.memory_space<vmem>>, vector<1x16xf32>,
        %get3A_1938 = vector.shape_cast %get3A_1937 : vector<1x16xf32> to vector<16xf32>
        %add3A_1939 = arith.addf %while3A_1917, %get3A_1938 : vector<16xf32>
        scf.yield %add3A_1924, %add3A_1929, %add3A_1934, %add3A_1939 : vector<16xf32>, vector<16xf32>, vector<16xf32>, vector<16xf32>
      }
      %while3A_1715 = arith.constant 1 : i32
      %while3A_1716:4 = scf.for %while3A_1913 = %while3A_1712 to %while3A_1708 step %while3A_1715 iter_args(%while3A_1914 = %while3A_1714#0, %while3A_1915 = %while3A_1714#1, %while3A_1916 = %while3A_1714#2, %while3A_1917 = %while3A_1714#3) -> (vector<16xf32>, vector<16xf32>, vector<16xf32>, vector<16xf32>)  : i32 {
        %add3A_1918 = arith.constant 1400 : i32
        %add3A_1919 = arith.addi %add3A_1918, %while3A_1913 : i32
        %get3A_1920 = arith.index_cast %add3A_1919 : i32 to index
        %get3A_1921 = arith.constant 0 : index
        %get3A_1922 = tpu.vector_load %arg8[%get3A_1920, %get3A_1921] {strides = array<i32>} : memref<1600x64xf32, #tpu.memory_space<vmem>>, vector<1x16xf32>,
        %get3A_1923 = vector.shape_cast %get3A_1922 : vector<1x16xf32> to vector<16xf32>
        %add3A_1924 = arith.addf %while3A_1914, %get3A_1923 : vector<16xf32>
        %get3A_1925 = arith.index_cast %add3A_1919 : i32 to index
        %get3A_1926 = arith.constant 16 : index
        %get3A_1927 = tpu.vector_load %arg8[%get3A_1925, %get3A_1926] {strides = array<i32>} : memref<1600x64xf32, #tpu.memory_space<vmem>>, vector<1x16xf32>,
        %get3A_1928 = vector.shape_cast %get3A_1927 : vector<1x16xf32> to vector<16xf32>
        %add3A_1929 = arith.addf %while3A_1915, %get3A_1928 : vector<16xf32>
        %get3A_1930 = arith.index_cast %add3A_1919 : i32 to index
        %get3A_1931 = arith.constant 32 : index
        %get3A_1932 = tpu.vector_load %arg8[%get3A_1930, %get3A_1931] {strides = array<i32>} : memref<1600x64xf32, #tpu.memory_space<vmem>>, vector<1x16xf32>,
        %get3A_1933 = vector.shape_cast %get3A_1932 : vector<1x16xf32> to vector<16xf32>
        %add3A_1934 = arith.addf %while3A_1916, %get3A_1933 : vector<16xf32>
        %get3A_1935 = arith.index_cast %add3A_1919 : i32 to index
        %get3A_1936 = arith.constant 48 : index
        %get3A_1937 = tpu.vector_load %arg8[%get3A_1935, %get3A_1936] {strides = array<i32>} : memref<1600x64xf32, #tpu.memory_space<vmem>>, vector<1x16xf32>,
        %get3A_1938 = vector.shape_cast %get3A_1937 : vector<1x16xf32> to vector<16xf32>
        %add3A_1939 = arith.addf %while3A_1917, %get3A_1938 : vector<16xf32>
        scf.yield %add3A_1924, %add3A_1929, %add3A_1934, %add3A_1939 : vector<16xf32>, vector<16xf32>, vector<16xf32>, vector<16xf32>
      }
      %div3A_1717 = vector.broadcast %convert_element_type3A_1703 : f32 to vector<16xf32>
      %div3A_1718 = arith.divf %while3A_1716#0, %div3A_1717 : vector<16xf32>
      %swap3A_1719 = arith.constant 28 : i32
      %swap3A_1720 = arith.index_cast %swap3A_1719 : i32 to index
      %swap3A_1721 = arith.constant 0 : index
      %swap3A_1722 = tpu.vector_load %arg10[%swap3A_1720, %swap3A_1721] {strides = array<i32>} : memref<32x64xf32, #tpu.memory_space<vmem>>, vector<1x16xf32>,
      %swap3A_1723 = vector.shape_cast %swap3A_1722 : vector<1x16xf32> to vector<16xf32>
      %swap3A_1724 = vector.shape_cast %div3A_1718 : vector<16xf32> to vector<1x16xf32>
      tpu.vector_store %arg10[%swap3A_1720, %swap3A_1721], %swap3A_1724 {strides = array<i32>} : memref<32x64xf32, #tpu.memory_space<vmem>>, vector<1x16xf32>,
      %div3A_1725 = vector.broadcast %convert_element_type3A_1703 : f32 to vector<16xf32>
      %div3A_1726 = arith.divf %while3A_1716#1, %div3A_1725 : vector<16xf32>
      %swap3A_1727 = arith.constant 28 : i32
      %swap3A_1728 = arith.index_cast %swap3A_1727 : i32 to index
      %swap3A_1729 = arith.constant 16 : index
      %swap3A_1730 = tpu.vector_load %arg10[%swap3A_1728, %swap3A_1729] {strides = array<i32>} : memref<32x64xf32, #tpu.memory_space<vmem>>, vector<1x16xf32>,
      %swap3A_1731 = vector.shape_cast %swap3A_1730 : vector<1x16xf32> to vector<16xf32>
      %swap3A_1732 = vector.shape_cast %div3A_1726 : vector<16xf32> to vector<1x16xf32>
      tpu.vector_store %arg10[%swap3A_1728, %swap3A_1729], %swap3A_1732 {strides = array<i32>} : memref<32x64xf32, #tpu.memory_space<vmem>>, vector<1x16xf32>,
      %div3A_1733 = vector.broadcast %convert_element_type3A_1703 : f32 to vector<16xf32>
      %div3A_1734 = arith.divf %while3A_1716#2, %div3A_1733 : vector<16xf32>
      %swap3A_1735 = arith.constant 28 : i32
      %swap3A_1736 = arith.index_cast %swap3A_1735 : i32 to index
      %swap3A_1737 = arith.constant 32 : index
      %swap3A_1738 = tpu.vector_load %arg10[%swap3A_1736, %swap3A_1737] {strides = array<i32>} : memref<32x64xf32, #tpu.memory_space<vmem>>, vector<1x16xf32>,
      %swap3A_1739 = vector.shape_cast %swap3A_1738 : vector<1x16xf32> to vector<16xf32>
      %swap3A_1740 = vector.shape_cast %div3A_1734 : vector<16xf32> to vector<1x16xf32>
      tpu.vector_store %arg10[%swap3A_1736, %swap3A_1737], %swap3A_1740 {strides = array<i32>} : memref<32x64xf32, #tpu.memory_space<vmem>>, vector<1x16xf32>,
      %div3A_1741 = vector.broadcast %convert_element_type3A_1703 : f32 to vector<16xf32>
      %div3A_1742 = arith.divf %while3A_1716#3, %div3A_1741 : vector<16xf32>
      %swap3A_1743 = arith.constant 28 : i32
      %swap3A_1744 = arith.index_cast %swap3A_1743 : i32 to index
      %swap3A_1745 = arith.constant 48 : index
      %swap3A_1746 = tpu.vector_load %arg10[%swap3A_1744, %swap3A_1745] {strides = array<i32>} : memref<32x64xf32, #tpu.memory_space<vmem>>, vector<1x16xf32>,
      %swap3A_1747 = vector.shape_cast %swap3A_1746 : vector<1x16xf32> to vector<16xf32>
      %swap3A_1748 = vector.shape_cast %div3A_1742 : vector<16xf32> to vector<1x16xf32>
      tpu.vector_store %arg10[%swap3A_1744, %swap3A_1745], %swap3A_1748 {strides = array<i32>} : memref<32x64xf32, #tpu.memory_space<vmem>>, vector<1x16xf32>,
      %slice3A_1749 = vector.extract_strided_slice %get3A_176 {offsets = [29], sizes = [1], strides = [1]} : vector<32xi32> to vector<1xi32>
      %squeeze3A_1750 = vector.extract %slice3A_1749[0] : i32 from vector<1xi32>
      %convert_element_type3A_1751 = arith.sitofp %squeeze3A_1750 : i32 to f32
      %broadcast_in_dim3A_1752 = arith.constant 0.000000e+00 : f32
      %broadcast_in_dim3A_1753 = vector.broadcast %broadcast_in_dim3A_1752 : f32 to vector<16xf32>
      %while3A_1754 = arith.constant 0 : i32
      %while3A_1755 = arith.subi %squeeze3A_1750, %while3A_1754 : i32
      %while3A_1756 = arith.addi %while3A_1754, %while3A_1755 : i32
      %while3A_1757 = arith.constant 1 : i32
      %while3A_1758 = arith.divsi %while3A_1755, %while3A_1757 : i32
      %while3A_1759 = arith.muli %while3A_1758, %while3A_1757 : i32
      %while3A_1760 = arith.addi %while3A_1754, %while3A_1759 : i32
      %while3A_1761 = arith.constant 1 : i32
      %while3A_1762:4 = scf.for %while3A_1913 = %while3A_1754 to %while3A_1760 step %while3A_1761 iter_args(%while3A_1914 = %broadcast_in_dim3A_1753, %while3A_1915 = %broadcast_in_dim3A_1753, %while3A_1916 = %broadcast_in_dim3A_1753, %while3A_1917 = %broadcast_in_dim3A_1753) -> (vector<16xf32>, vector<16xf32>, vector<16xf32>, vector<16xf32>)  : i32 {
        %add3A_1918 = arith.constant 1450 : i32
        %add3A_1919 = arith.addi %add3A_1918, %while3A_1913 : i32
        %get3A_1920 = arith.index_cast %add3A_1919 : i32 to index
        %get3A_1921 = arith.constant 0 : index
        %get3A_1922 = tpu.vector_load %arg8[%get3A_1920, %get3A_1921] {strides = array<i32>} : memref<1600x64xf32, #tpu.memory_space<vmem>>, vector<1x16xf32>,
        %get3A_1923 = vector.shape_cast %get3A_1922 : vector<1x16xf32> to vector<16xf32>
        %add3A_1924 = arith.addf %while3A_1914, %get3A_1923 : vector<16xf32>
        %get3A_1925 = arith.index_cast %add3A_1919 : i32 to index
        %get3A_1926 = arith.constant 16 : index
        %get3A_1927 = tpu.vector_load %arg8[%get3A_1925, %get3A_1926] {strides = array<i32>} : memref<1600x64xf32, #tpu.memory_space<vmem>>, vector<1x16xf32>,
        %get3A_1928 = vector.shape_cast %get3A_1927 : vector<1x16xf32> to vector<16xf32>
        %add3A_1929 = arith.addf %while3A_1915, %get3A_1928 : vector<16xf32>
        %get3A_1930 = arith.index_cast %add3A_1919 : i32 to index
        %get3A_1931 = arith.constant 32 : index
        %get3A_1932 = tpu.vector_load %arg8[%get3A_1930, %get3A_1931] {strides = array<i32>} : memref<1600x64xf32, #tpu.memory_space<vmem>>, vector<1x16xf32>,
        %get3A_1933 = vector.shape_cast %get3A_1932 : vector<1x16xf32> to vector<16xf32>
        %add3A_1934 = arith.addf %while3A_1916, %get3A_1933 : vector<16xf32>
        %get3A_1935 = arith.index_cast %add3A_1919 : i32 to index
        %get3A_1936 = arith.constant 48 : index
        %get3A_1937 = tpu.vector_load %arg8[%get3A_1935, %get3A_1936] {strides = array<i32>} : memref<1600x64xf32, #tpu.memory_space<vmem>>, vector<1x16xf32>,
        %get3A_1938 = vector.shape_cast %get3A_1937 : vector<1x16xf32> to vector<16xf32>
        %add3A_1939 = arith.addf %while3A_1917, %get3A_1938 : vector<16xf32>
        scf.yield %add3A_1924, %add3A_1929, %add3A_1934, %add3A_1939 : vector<16xf32>, vector<16xf32>, vector<16xf32>, vector<16xf32>
      }
      %while3A_1763 = arith.constant 1 : i32
      %while3A_1764:4 = scf.for %while3A_1913 = %while3A_1760 to %while3A_1756 step %while3A_1763 iter_args(%while3A_1914 = %while3A_1762#0, %while3A_1915 = %while3A_1762#1, %while3A_1916 = %while3A_1762#2, %while3A_1917 = %while3A_1762#3) -> (vector<16xf32>, vector<16xf32>, vector<16xf32>, vector<16xf32>)  : i32 {
        %add3A_1918 = arith.constant 1450 : i32
        %add3A_1919 = arith.addi %add3A_1918, %while3A_1913 : i32
        %get3A_1920 = arith.index_cast %add3A_1919 : i32 to index
        %get3A_1921 = arith.constant 0 : index
        %get3A_1922 = tpu.vector_load %arg8[%get3A_1920, %get3A_1921] {strides = array<i32>} : memref<1600x64xf32, #tpu.memory_space<vmem>>, vector<1x16xf32>,
        %get3A_1923 = vector.shape_cast %get3A_1922 : vector<1x16xf32> to vector<16xf32>
        %add3A_1924 = arith.addf %while3A_1914, %get3A_1923 : vector<16xf32>
        %get3A_1925 = arith.index_cast %add3A_1919 : i32 to index
        %get3A_1926 = arith.constant 16 : index
        %get3A_1927 = tpu.vector_load %arg8[%get3A_1925, %get3A_1926] {strides = array<i32>} : memref<1600x64xf32, #tpu.memory_space<vmem>>, vector<1x16xf32>,
        %get3A_1928 = vector.shape_cast %get3A_1927 : vector<1x16xf32> to vector<16xf32>
        %add3A_1929 = arith.addf %while3A_1915, %get3A_1928 : vector<16xf32>
        %get3A_1930 = arith.index_cast %add3A_1919 : i32 to index
        %get3A_1931 = arith.constant 32 : index
        %get3A_1932 = tpu.vector_load %arg8[%get3A_1930, %get3A_1931] {strides = array<i32>} : memref<1600x64xf32, #tpu.memory_space<vmem>>, vector<1x16xf32>,
        %get3A_1933 = vector.shape_cast %get3A_1932 : vector<1x16xf32> to vector<16xf32>
        %add3A_1934 = arith.addf %while3A_1916, %get3A_1933 : vector<16xf32>
        %get3A_1935 = arith.index_cast %add3A_1919 : i32 to index
        %get3A_1936 = arith.constant 48 : index
        %get3A_1937 = tpu.vector_load %arg8[%get3A_1935, %get3A_1936] {strides = array<i32>} : memref<1600x64xf32, #tpu.memory_space<vmem>>, vector<1x16xf32>,
        %get3A_1938 = vector.shape_cast %get3A_1937 : vector<1x16xf32> to vector<16xf32>
        %add3A_1939 = arith.addf %while3A_1917, %get3A_1938 : vector<16xf32>
        scf.yield %add3A_1924, %add3A_1929, %add3A_1934, %add3A_1939 : vector<16xf32>, vector<16xf32>, vector<16xf32>, vector<16xf32>
      }
      %div3A_1765 = vector.broadcast %convert_element_type3A_1751 : f32 to vector<16xf32>
      %div3A_1766 = arith.divf %while3A_1764#0, %div3A_1765 : vector<16xf32>
      %swap3A_1767 = arith.constant 29 : i32
      %swap3A_1768 = arith.index_cast %swap3A_1767 : i32 to index
      %swap3A_1769 = arith.constant 0 : index
      %swap3A_1770 = tpu.vector_load %arg10[%swap3A_1768, %swap3A_1769] {strides = array<i32>} : memref<32x64xf32, #tpu.memory_space<vmem>>, vector<1x16xf32>,
      %swap3A_1771 = vector.shape_cast %swap3A_1770 : vector<1x16xf32> to vector<16xf32>
      %swap3A_1772 = vector.shape_cast %div3A_1766 : vector<16xf32> to vector<1x16xf32>
      tpu.vector_store %arg10[%swap3A_1768, %swap3A_1769], %swap3A_1772 {strides = array<i32>} : memref<32x64xf32, #tpu.memory_space<vmem>>, vector<1x16xf32>,
      %div3A_1773 = vector.broadcast %convert_element_type3A_1751 : f32 to vector<16xf32>
      %div3A_1774 = arith.divf %while3A_1764#1, %div3A_1773 : vector<16xf32>
      %swap3A_1775 = arith.constant 29 : i32
      %swap3A_1776 = arith.index_cast %swap3A_1775 : i32 to index
      %swap3A_1777 = arith.constant 16 : index
      %swap3A_1778 = tpu.vector_load %arg10[%swap3A_1776, %swap3A_1777] {strides = array<i32>} : memref<32x64xf32, #tpu.memory_space<vmem>>, vector<1x16xf32>,
      %swap3A_1779 = vector.shape_cast %swap3A_1778 : vector<1x16xf32> to vector<16xf32>
      %swap3A_1780 = vector.shape_cast %div3A_1774 : vector<16xf32> to vector<1x16xf32>
      tpu.vector_store %arg10[%swap3A_1776, %swap3A_1777], %swap3A_1780 {strides = array<i32>} : memref<32x64xf32, #tpu.memory_space<vmem>>, vector<1x16xf32>,
      %div3A_1781 = vector.broadcast %convert_element_type3A_1751 : f32 to vector<16xf32>
      %div3A_1782 = arith.divf %while3A_1764#2, %div3A_1781 : vector<16xf32>
      %swap3A_1783 = arith.constant 29 : i32
      %swap3A_1784 = arith.index_cast %swap3A_1783 : i32 to index
      %swap3A_1785 = arith.constant 32 : index
      %swap3A_1786 = tpu.vector_load %arg10[%swap3A_1784, %swap3A_1785] {strides = array<i32>} : memref<32x64xf32, #tpu.memory_space<vmem>>, vector<1x16xf32>,
      %swap3A_1787 = vector.shape_cast %swap3A_1786 : vector<1x16xf32> to vector<16xf32>
      %swap3A_1788 = vector.shape_cast %div3A_1782 : vector<16xf32> to vector<1x16xf32>
      tpu.vector_store %arg10[%swap3A_1784, %swap3A_1785], %swap3A_1788 {strides = array<i32>} : memref<32x64xf32, #tpu.memory_space<vmem>>, vector<1x16xf32>,
      %div3A_1789 = vector.broadcast %convert_element_type3A_1751 : f32 to vector<16xf32>
      %div3A_1790 = arith.divf %while3A_1764#3, %div3A_1789 : vector<16xf32>
      %swap3A_1791 = arith.constant 29 : i32
      %swap3A_1792 = arith.index_cast %swap3A_1791 : i32 to index
      %swap3A_1793 = arith.constant 48 : index
      %swap3A_1794 = tpu.vector_load %arg10[%swap3A_1792, %swap3A_1793] {strides = array<i32>} : memref<32x64xf32, #tpu.memory_space<vmem>>, vector<1x16xf32>,
      %swap3A_1795 = vector.shape_cast %swap3A_1794 : vector<1x16xf32> to vector<16xf32>
      %swap3A_1796 = vector.shape_cast %div3A_1790 : vector<16xf32> to vector<1x16xf32>
      tpu.vector_store %arg10[%swap3A_1792, %swap3A_1793], %swap3A_1796 {strides = array<i32>} : memref<32x64xf32, #tpu.memory_space<vmem>>, vector<1x16xf32>,
      %slice3A_1797 = vector.extract_strided_slice %get3A_176 {offsets = [30], sizes = [1], strides = [1]} : vector<32xi32> to vector<1xi32>
      %squeeze3A_1798 = vector.extract %slice3A_1797[0] : i32 from vector<1xi32>
      %convert_element_type3A_1799 = arith.sitofp %squeeze3A_1798 : i32 to f32
      %broadcast_in_dim3A_1800 = arith.constant 0.000000e+00 : f32
      %broadcast_in_dim3A_1801 = vector.broadcast %broadcast_in_dim3A_1800 : f32 to vector<16xf32>
      %while3A_1802 = arith.constant 0 : i32
      %while3A_1803 = arith.subi %squeeze3A_1798, %while3A_1802 : i32
      %while3A_1804 = arith.addi %while3A_1802, %while3A_1803 : i32
      %while3A_1805 = arith.constant 1 : i32
      %while3A_1806 = arith.divsi %while3A_1803, %while3A_1805 : i32
      %while3A_1807 = arith.muli %while3A_1806, %while3A_1805 : i32
      %while3A_1808 = arith.addi %while3A_1802, %while3A_1807 : i32
      %while3A_1809 = arith.constant 1 : i32
      %while3A_1810:4 = scf.for %while3A_1913 = %while3A_1802 to %while3A_1808 step %while3A_1809 iter_args(%while3A_1914 = %broadcast_in_dim3A_1801, %while3A_1915 = %broadcast_in_dim3A_1801, %while3A_1916 = %broadcast_in_dim3A_1801, %while3A_1917 = %broadcast_in_dim3A_1801) -> (vector<16xf32>, vector<16xf32>, vector<16xf32>, vector<16xf32>)  : i32 {
        %add3A_1918 = arith.constant 1500 : i32
        %add3A_1919 = arith.addi %add3A_1918, %while3A_1913 : i32
        %get3A_1920 = arith.index_cast %add3A_1919 : i32 to index
        %get3A_1921 = arith.constant 0 : index
        %get3A_1922 = tpu.vector_load %arg8[%get3A_1920, %get3A_1921] {strides = array<i32>} : memref<1600x64xf32, #tpu.memory_space<vmem>>, vector<1x16xf32>,
        %get3A_1923 = vector.shape_cast %get3A_1922 : vector<1x16xf32> to vector<16xf32>
        %add3A_1924 = arith.addf %while3A_1914, %get3A_1923 : vector<16xf32>
        %get3A_1925 = arith.index_cast %add3A_1919 : i32 to index
        %get3A_1926 = arith.constant 16 : index
        %get3A_1927 = tpu.vector_load %arg8[%get3A_1925, %get3A_1926] {strides = array<i32>} : memref<1600x64xf32, #tpu.memory_space<vmem>>, vector<1x16xf32>,
        %get3A_1928 = vector.shape_cast %get3A_1927 : vector<1x16xf32> to vector<16xf32>
        %add3A_1929 = arith.addf %while3A_1915, %get3A_1928 : vector<16xf32>
        %get3A_1930 = arith.index_cast %add3A_1919 : i32 to index
        %get3A_1931 = arith.constant 32 : index
        %get3A_1932 = tpu.vector_load %arg8[%get3A_1930, %get3A_1931] {strides = array<i32>} : memref<1600x64xf32, #tpu.memory_space<vmem>>, vector<1x16xf32>,
        %get3A_1933 = vector.shape_cast %get3A_1932 : vector<1x16xf32> to vector<16xf32>
        %add3A_1934 = arith.addf %while3A_1916, %get3A_1933 : vector<16xf32>
        %get3A_1935 = arith.index_cast %add3A_1919 : i32 to index
        %get3A_1936 = arith.constant 48 : index
        %get3A_1937 = tpu.vector_load %arg8[%get3A_1935, %get3A_1936] {strides = array<i32>} : memref<1600x64xf32, #tpu.memory_space<vmem>>, vector<1x16xf32>,
        %get3A_1938 = vector.shape_cast %get3A_1937 : vector<1x16xf32> to vector<16xf32>
        %add3A_1939 = arith.addf %while3A_1917, %get3A_1938 : vector<16xf32>
        scf.yield %add3A_1924, %add3A_1929, %add3A_1934, %add3A_1939 : vector<16xf32>, vector<16xf32>, vector<16xf32>, vector<16xf32>
      }
      %while3A_1811 = arith.constant 1 : i32
      %while3A_1812:4 = scf.for %while3A_1913 = %while3A_1808 to %while3A_1804 step %while3A_1811 iter_args(%while3A_1914 = %while3A_1810#0, %while3A_1915 = %while3A_1810#1, %while3A_1916 = %while3A_1810#2, %while3A_1917 = %while3A_1810#3) -> (vector<16xf32>, vector<16xf32>, vector<16xf32>, vector<16xf32>)  : i32 {
        %add3A_1918 = arith.constant 1500 : i32
        %add3A_1919 = arith.addi %add3A_1918, %while3A_1913 : i32
        %get3A_1920 = arith.index_cast %add3A_1919 : i32 to index
        %get3A_1921 = arith.constant 0 : index
        %get3A_1922 = tpu.vector_load %arg8[%get3A_1920, %get3A_1921] {strides = array<i32>} : memref<1600x64xf32, #tpu.memory_space<vmem>>, vector<1x16xf32>,
        %get3A_1923 = vector.shape_cast %get3A_1922 : vector<1x16xf32> to vector<16xf32>
        %add3A_1924 = arith.addf %while3A_1914, %get3A_1923 : vector<16xf32>
        %get3A_1925 = arith.index_cast %add3A_1919 : i32 to index
        %get3A_1926 = arith.constant 16 : index
        %get3A_1927 = tpu.vector_load %arg8[%get3A_1925, %get3A_1926] {strides = array<i32>} : memref<1600x64xf32, #tpu.memory_space<vmem>>, vector<1x16xf32>,
        %get3A_1928 = vector.shape_cast %get3A_1927 : vector<1x16xf32> to vector<16xf32>
        %add3A_1929 = arith.addf %while3A_1915, %get3A_1928 : vector<16xf32>
        %get3A_1930 = arith.index_cast %add3A_1919 : i32 to index
        %get3A_1931 = arith.constant 32 : index
        %get3A_1932 = tpu.vector_load %arg8[%get3A_1930, %get3A_1931] {strides = array<i32>} : memref<1600x64xf32, #tpu.memory_space<vmem>>, vector<1x16xf32>,
        %get3A_1933 = vector.shape_cast %get3A_1932 : vector<1x16xf32> to vector<16xf32>
        %add3A_1934 = arith.addf %while3A_1916, %get3A_1933 : vector<16xf32>
        %get3A_1935 = arith.index_cast %add3A_1919 : i32 to index
        %get3A_1936 = arith.constant 48 : index
        %get3A_1937 = tpu.vector_load %arg8[%get3A_1935, %get3A_1936] {strides = array<i32>} : memref<1600x64xf32, #tpu.memory_space<vmem>>, vector<1x16xf32>,
        %get3A_1938 = vector.shape_cast %get3A_1937 : vector<1x16xf32> to vector<16xf32>
        %add3A_1939 = arith.addf %while3A_1917, %get3A_1938 : vector<16xf32>
        scf.yield %add3A_1924, %add3A_1929, %add3A_1934, %add3A_1939 : vector<16xf32>, vector<16xf32>, vector<16xf32>, vector<16xf32>
      }
      %div3A_1813 = vector.broadcast %convert_element_type3A_1799 : f32 to vector<16xf32>
      %div3A_1814 = arith.divf %while3A_1812#0, %div3A_1813 : vector<16xf32>
      %swap3A_1815 = arith.constant 30 : i32
      %swap3A_1816 = arith.index_cast %swap3A_1815 : i32 to index
      %swap3A_1817 = arith.constant 0 : index
      %swap3A_1818 = tpu.vector_load %arg10[%swap3A_1816, %swap3A_1817] {strides = array<i32>} : memref<32x64xf32, #tpu.memory_space<vmem>>, vector<1x16xf32>,
      %swap3A_1819 = vector.shape_cast %swap3A_1818 : vector<1x16xf32> to vector<16xf32>
      %swap3A_1820 = vector.shape_cast %div3A_1814 : vector<16xf32> to vector<1x16xf32>
      tpu.vector_store %arg10[%swap3A_1816, %swap3A_1817], %swap3A_1820 {strides = array<i32>} : memref<32x64xf32, #tpu.memory_space<vmem>>, vector<1x16xf32>,
      %div3A_1821 = vector.broadcast %convert_element_type3A_1799 : f32 to vector<16xf32>
      %div3A_1822 = arith.divf %while3A_1812#1, %div3A_1821 : vector<16xf32>
      %swap3A_1823 = arith.constant 30 : i32
      %swap3A_1824 = arith.index_cast %swap3A_1823 : i32 to index
      %swap3A_1825 = arith.constant 16 : index
      %swap3A_1826 = tpu.vector_load %arg10[%swap3A_1824, %swap3A_1825] {strides = array<i32>} : memref<32x64xf32, #tpu.memory_space<vmem>>, vector<1x16xf32>,
      %swap3A_1827 = vector.shape_cast %swap3A_1826 : vector<1x16xf32> to vector<16xf32>
      %swap3A_1828 = vector.shape_cast %div3A_1822 : vector<16xf32> to vector<1x16xf32>
      tpu.vector_store %arg10[%swap3A_1824, %swap3A_1825], %swap3A_1828 {strides = array<i32>} : memref<32x64xf32, #tpu.memory_space<vmem>>, vector<1x16xf32>,
      %div3A_1829 = vector.broadcast %convert_element_type3A_1799 : f32 to vector<16xf32>
      %div3A_1830 = arith.divf %while3A_1812#2, %div3A_1829 : vector<16xf32>
      %swap3A_1831 = arith.constant 30 : i32
      %swap3A_1832 = arith.index_cast %swap3A_1831 : i32 to index
      %swap3A_1833 = arith.constant 32 : index
      %swap3A_1834 = tpu.vector_load %arg10[%swap3A_1832, %swap3A_1833] {strides = array<i32>} : memref<32x64xf32, #tpu.memory_space<vmem>>, vector<1x16xf32>,
      %swap3A_1835 = vector.shape_cast %swap3A_1834 : vector<1x16xf32> to vector<16xf32>
      %swap3A_1836 = vector.shape_cast %div3A_1830 : vector<16xf32> to vector<1x16xf32>
      tpu.vector_store %arg10[%swap3A_1832, %swap3A_1833], %swap3A_1836 {strides = array<i32>} : memref<32x64xf32, #tpu.memory_space<vmem>>, vector<1x16xf32>,
      %div3A_1837 = vector.broadcast %convert_element_type3A_1799 : f32 to vector<16xf32>
      %div3A_1838 = arith.divf %while3A_1812#3, %div3A_1837 : vector<16xf32>
      %swap3A_1839 = arith.constant 30 : i32
      %swap3A_1840 = arith.index_cast %swap3A_1839 : i32 to index
      %swap3A_1841 = arith.constant 48 : index
      %swap3A_1842 = tpu.vector_load %arg10[%swap3A_1840, %swap3A_1841] {strides = array<i32>} : memref<32x64xf32, #tpu.memory_space<vmem>>, vector<1x16xf32>,
      %swap3A_1843 = vector.shape_cast %swap3A_1842 : vector<1x16xf32> to vector<16xf32>
      %swap3A_1844 = vector.shape_cast %div3A_1838 : vector<16xf32> to vector<1x16xf32>
      tpu.vector_store %arg10[%swap3A_1840, %swap3A_1841], %swap3A_1844 {strides = array<i32>} : memref<32x64xf32, #tpu.memory_space<vmem>>, vector<1x16xf32>,
      %slice3A_1845 = vector.extract_strided_slice %get3A_176 {offsets = [31], sizes = [1], strides = [1]} : vector<32xi32> to vector<1xi32>
      %squeeze3A_1846 = vector.extract %slice3A_1845[0] : i32 from vector<1xi32>
      %convert_element_type3A_1847 = arith.sitofp %squeeze3A_1846 : i32 to f32
      %broadcast_in_dim3A_1848 = arith.constant 0.000000e+00 : f32
      %broadcast_in_dim3A_1849 = vector.broadcast %broadcast_in_dim3A_1848 : f32 to vector<16xf32>
      %while3A_1850 = arith.constant 0 : i32
      %while3A_1851 = arith.subi %squeeze3A_1846, %while3A_1850 : i32
      %while3A_1852 = arith.addi %while3A_1850, %while3A_1851 : i32
      %while3A_1853 = arith.constant 1 : i32
      %while3A_1854 = arith.divsi %while3A_1851, %while3A_1853 : i32
      %while3A_1855 = arith.muli %while3A_1854, %while3A_1853 : i32
      %while3A_1856 = arith.addi %while3A_1850, %while3A_1855 : i32
      %while3A_1857 = arith.constant 1 : i32
      %while3A_1858:4 = scf.for %while3A_1913 = %while3A_1850 to %while3A_1856 step %while3A_1857 iter_args(%while3A_1914 = %broadcast_in_dim3A_1849, %while3A_1915 = %broadcast_in_dim3A_1849, %while3A_1916 = %broadcast_in_dim3A_1849, %while3A_1917 = %broadcast_in_dim3A_1849) -> (vector<16xf32>, vector<16xf32>, vector<16xf32>, vector<16xf32>)  : i32 {
        %add3A_1918 = arith.constant 1550 : i32
        %add3A_1919 = arith.addi %add3A_1918, %while3A_1913 : i32
        %get3A_1920 = arith.index_cast %add3A_1919 : i32 to index
        %get3A_1921 = arith.constant 0 : index
        %get3A_1922 = tpu.vector_load %arg8[%get3A_1920, %get3A_1921] {strides = array<i32>} : memref<1600x64xf32, #tpu.memory_space<vmem>>, vector<1x16xf32>,
        %get3A_1923 = vector.shape_cast %get3A_1922 : vector<1x16xf32> to vector<16xf32>
        %add3A_1924 = arith.addf %while3A_1914, %get3A_1923 : vector<16xf32>
        %get3A_1925 = arith.index_cast %add3A_1919 : i32 to index
        %get3A_1926 = arith.constant 16 : index
        %get3A_1927 = tpu.vector_load %arg8[%get3A_1925, %get3A_1926] {strides = array<i32>} : memref<1600x64xf32, #tpu.memory_space<vmem>>, vector<1x16xf32>,
        %get3A_1928 = vector.shape_cast %get3A_1927 : vector<1x16xf32> to vector<16xf32>
        %add3A_1929 = arith.addf %while3A_1915, %get3A_1928 : vector<16xf32>
        %get3A_1930 = arith.index_cast %add3A_1919 : i32 to index
        %get3A_1931 = arith.constant 32 : index
        %get3A_1932 = tpu.vector_load %arg8[%get3A_1930, %get3A_1931] {strides = array<i32>} : memref<1600x64xf32, #tpu.memory_space<vmem>>, vector<1x16xf32>,
        %get3A_1933 = vector.shape_cast %get3A_1932 : vector<1x16xf32> to vector<16xf32>
        %add3A_1934 = arith.addf %while3A_1916, %get3A_1933 : vector<16xf32>
        %get3A_1935 = arith.index_cast %add3A_1919 : i32 to index
        %get3A_1936 = arith.constant 48 : index
        %get3A_1937 = tpu.vector_load %arg8[%get3A_1935, %get3A_1936] {strides = array<i32>} : memref<1600x64xf32, #tpu.memory_space<vmem>>, vector<1x16xf32>,
        %get3A_1938 = vector.shape_cast %get3A_1937 : vector<1x16xf32> to vector<16xf32>
        %add3A_1939 = arith.addf %while3A_1917, %get3A_1938 : vector<16xf32>
        scf.yield %add3A_1924, %add3A_1929, %add3A_1934, %add3A_1939 : vector<16xf32>, vector<16xf32>, vector<16xf32>, vector<16xf32>
      }
      %while3A_1859 = arith.constant 1 : i32
      %while3A_1860:4 = scf.for %while3A_1913 = %while3A_1856 to %while3A_1852 step %while3A_1859 iter_args(%while3A_1914 = %while3A_1858#0, %while3A_1915 = %while3A_1858#1, %while3A_1916 = %while3A_1858#2, %while3A_1917 = %while3A_1858#3) -> (vector<16xf32>, vector<16xf32>, vector<16xf32>, vector<16xf32>)  : i32 {
        %add3A_1918 = arith.constant 1550 : i32
        %add3A_1919 = arith.addi %add3A_1918, %while3A_1913 : i32
        %get3A_1920 = arith.index_cast %add3A_1919 : i32 to index
        %get3A_1921 = arith.constant 0 : index
        %get3A_1922 = tpu.vector_load %arg8[%get3A_1920, %get3A_1921] {strides = array<i32>} : memref<1600x64xf32, #tpu.memory_space<vmem>>, vector<1x16xf32>,
        %get3A_1923 = vector.shape_cast %get3A_1922 : vector<1x16xf32> to vector<16xf32>
        %add3A_1924 = arith.addf %while3A_1914, %get3A_1923 : vector<16xf32>
        %get3A_1925 = arith.index_cast %add3A_1919 : i32 to index
        %get3A_1926 = arith.constant 16 : index
        %get3A_1927 = tpu.vector_load %arg8[%get3A_1925, %get3A_1926] {strides = array<i32>} : memref<1600x64xf32, #tpu.memory_space<vmem>>, vector<1x16xf32>,
        %get3A_1928 = vector.shape_cast %get3A_1927 : vector<1x16xf32> to vector<16xf32>
        %add3A_1929 = arith.addf %while3A_1915, %get3A_1928 : vector<16xf32>
        %get3A_1930 = arith.index_cast %add3A_1919 : i32 to index
        %get3A_1931 = arith.constant 32 : index
        %get3A_1932 = tpu.vector_load %arg8[%get3A_1930, %get3A_1931] {strides = array<i32>} : memref<1600x64xf32, #tpu.memory_space<vmem>>, vector<1x16xf32>,
        %get3A_1933 = vector.shape_cast %get3A_1932 : vector<1x16xf32> to vector<16xf32>
        %add3A_1934 = arith.addf %while3A_1916, %get3A_1933 : vector<16xf32>
        %get3A_1935 = arith.index_cast %add3A_1919 : i32 to index
        %get3A_1936 = arith.constant 48 : index
        %get3A_1937 = tpu.vector_load %arg8[%get3A_1935, %get3A_1936] {strides = array<i32>} : memref<1600x64xf32, #tpu.memory_space<vmem>>, vector<1x16xf32>,
        %get3A_1938 = vector.shape_cast %get3A_1937 : vector<1x16xf32> to vector<16xf32>
        %add3A_1939 = arith.addf %while3A_1917, %get3A_1938 : vector<16xf32>
        scf.yield %add3A_1924, %add3A_1929, %add3A_1934, %add3A_1939 : vector<16xf32>, vector<16xf32>, vector<16xf32>, vector<16xf32>
      }
      %div3A_1861 = vector.broadcast %convert_element_type3A_1847 : f32 to vector<16xf32>
      %div3A_1862 = arith.divf %while3A_1860#0, %div3A_1861 : vector<16xf32>
      %swap3A_1863 = arith.constant 31 : i32
      %swap3A_1864 = arith.index_cast %swap3A_1863 : i32 to index
      %swap3A_1865 = arith.constant 0 : index
      %swap3A_1866 = tpu.vector_load %arg10[%swap3A_1864, %swap3A_1865] {strides = array<i32>} : memref<32x64xf32, #tpu.memory_space<vmem>>, vector<1x16xf32>,
      %swap3A_1867 = vector.shape_cast %swap3A_1866 : vector<1x16xf32> to vector<16xf32>
      %swap3A_1868 = vector.shape_cast %div3A_1862 : vector<16xf32> to vector<1x16xf32>
      tpu.vector_store %arg10[%swap3A_1864, %swap3A_1865], %swap3A_1868 {strides = array<i32>} : memref<32x64xf32, #tpu.memory_space<vmem>>, vector<1x16xf32>,
      %div3A_1869 = vector.broadcast %convert_element_type3A_1847 : f32 to vector<16xf32>
      %div3A_1870 = arith.divf %while3A_1860#1, %div3A_1869 : vector<16xf32>
      %swap3A_1871 = arith.constant 31 : i32
      %swap3A_1872 = arith.index_cast %swap3A_1871 : i32 to index
      %swap3A_1873 = arith.constant 16 : index
      %swap3A_1874 = tpu.vector_load %arg10[%swap3A_1872, %swap3A_1873] {strides = array<i32>} : memref<32x64xf32, #tpu.memory_space<vmem>>, vector<1x16xf32>,
      %swap3A_1875 = vector.shape_cast %swap3A_1874 : vector<1x16xf32> to vector<16xf32>
      %swap3A_1876 = vector.shape_cast %div3A_1870 : vector<16xf32> to vector<1x16xf32>
      tpu.vector_store %arg10[%swap3A_1872, %swap3A_1873], %swap3A_1876 {strides = array<i32>} : memref<32x64xf32, #tpu.memory_space<vmem>>, vector<1x16xf32>,
      %div3A_1877 = vector.broadcast %convert_element_type3A_1847 : f32 to vector<16xf32>
      %div3A_1878 = arith.divf %while3A_1860#2, %div3A_1877 : vector<16xf32>
      %swap3A_1879 = arith.constant 31 : i32
      %swap3A_1880 = arith.index_cast %swap3A_1879 : i32 to index
      %swap3A_1881 = arith.constant 32 : index
      %swap3A_1882 = tpu.vector_load %arg10[%swap3A_1880, %swap3A_1881] {strides = array<i32>} : memref<32x64xf32, #tpu.memory_space<vmem>>, vector<1x16xf32>,
      %swap3A_1883 = vector.shape_cast %swap3A_1882 : vector<1x16xf32> to vector<16xf32>
      %swap3A_1884 = vector.shape_cast %div3A_1878 : vector<16xf32> to vector<1x16xf32>
      tpu.vector_store %arg10[%swap3A_1880, %swap3A_1881], %swap3A_1884 {strides = array<i32>} : memref<32x64xf32, #tpu.memory_space<vmem>>, vector<1x16xf32>,
      %div3A_1885 = vector.broadcast %convert_element_type3A_1847 : f32 to vector<16xf32>
      %div3A_1886 = arith.divf %while3A_1860#3, %div3A_1885 : vector<16xf32>
      %swap3A_1887 = arith.constant 31 : i32
      %swap3A_1888 = arith.index_cast %swap3A_1887 : i32 to index
      %swap3A_1889 = arith.constant 48 : index
      %swap3A_1890 = tpu.vector_load %arg10[%swap3A_1888, %swap3A_1889] {strides = array<i32>} : memref<32x64xf32, #tpu.memory_space<vmem>>, vector<1x16xf32>,
      %swap3A_1891 = vector.shape_cast %swap3A_1890 : vector<1x16xf32> to vector<16xf32>
      %swap3A_1892 = vector.shape_cast %div3A_1886 : vector<16xf32> to vector<1x16xf32>
      tpu.vector_store %arg10[%swap3A_1888, %swap3A_1889], %swap3A_1892 {strides = array<i32>} : memref<32x64xf32, #tpu.memory_space<vmem>>, vector<1x16xf32>,
      %dma_wait3A_1893 = arith.constant 0 : i32
      %dma_wait3A_1894 = arith.constant 0 : i32
      %dma_wait3A_1895 = tpu.memref_slice %arg8[%dma_wait3A_1893, %dma_wait3A_1894] : memref<1600x64xf32, #tpu.memory_space<vmem>> -> memref<800x64xf32, #tpu.memory_space<vmem>>
      %dma_wait3A_1896 = arith.constant 0 : i32
      %dma_wait3A_1897 = tpu.memref_slice %arg5[%add3A_259, %dma_wait3A_1896] : memref<819200x64xf32, #tpu.memory_space<hbm>> -> memref<800x64xf32, #tpu.memory_space<hbm>>
      %dma_wait3A_1898 = arith.constant 0 : i32
      %dma_wait3A_1899 = tpu.memref_slice %arg5[%add3A_259, %dma_wait3A_1898] : memref<819200x64xf32, #tpu.memory_space<hbm>> -> memref<800x64xf32, #tpu.memory_space<hbm>>
      %dma_wait3A_1900 = arith.constant 0 : i32
      %dma_wait3A_1901 = arith.constant 0 : i32
      %dma_wait3A_1902 = tpu.memref_slice %arg8[%dma_wait3A_1900, %dma_wait3A_1901] : memref<1600x64xf32, #tpu.memory_space<vmem>> -> memref<800x64xf32, #tpu.memory_space<vmem>>
      tpu.wait_dma2 semaphore(%arg12 : memref<!tpu.dma_semaphore, #tpu.memory_space<semaphore_mem>>) src(%dma_wait3A_1902 : memref<800x64xf32, #tpu.memory_space<vmem>>) dst(%dma_wait3A_1899 : memref<800x64xf32, #tpu.memory_space<hbm>>)
      %dma_wait3A_1903 = arith.constant 800 : i32
      %dma_wait3A_1904 = arith.constant 0 : i32
      %dma_wait3A_1905 = tpu.memref_slice %arg8[%dma_wait3A_1903, %dma_wait3A_1904] : memref<1600x64xf32, #tpu.memory_space<vmem>> -> memref<800x64xf32, #tpu.memory_space<vmem>>
      %dma_wait3A_1906 = arith.constant 0 : i32
      %dma_wait3A_1907 = tpu.memref_slice %arg5[%add3A_1114, %dma_wait3A_1906] : memref<819200x64xf32, #tpu.memory_space<hbm>> -> memref<800x64xf32, #tpu.memory_space<hbm>>
      %dma_wait3A_1908 = arith.constant 0 : i32
      %dma_wait3A_1909 = tpu.memref_slice %arg5[%add3A_1114, %dma_wait3A_1908] : memref<819200x64xf32, #tpu.memory_space<hbm>> -> memref<800x64xf32, #tpu.memory_space<hbm>>
      %dma_wait3A_1910 = arith.constant 800 : i32
      %dma_wait3A_1911 = arith.constant 0 : i32
      %dma_wait3A_1912 = tpu.memref_slice %arg8[%dma_wait3A_1910, %dma_wait3A_1911] : memref<1600x64xf32, #tpu.memory_space<vmem>> -> memref<800x64xf32, #tpu.memory_space<vmem>>
      tpu.wait_dma2 semaphore(%arg12 : memref<!tpu.dma_semaphore, #tpu.memory_space<semaphore_mem>>) src(%dma_wait3A_1912 : memref<800x64xf32, #tpu.memory_space<vmem>>) dst(%dma_wait3A_1909 : memref<800x64xf32, #tpu.memory_space<hbm>>)
      "tpu.region"() ({
        %run_scoped3A = tpu.sem_alloc : memref<!tpu.dma_semaphore, #tpu.memory_space<semaphore_mem>>
        %dma_start3A_1913 = arith.constant 0 : i32
        %dma_start3A_1914 = tpu.memref_slice %arg6[%add3A_11, %dma_start3A_1913] : memref<16384x64xf32, #tpu.memory_space<hbm>> -> memref<32x64xf32, #tpu.memory_space<hbm>>
        %dma_start3A_1915 = arith.constant 0 : i32
        %dma_start3A_1916 = tpu.memref_slice %arg6[%add3A_11, %dma_start3A_1915] : memref<16384x64xf32, #tpu.memory_space<hbm>> -> memref<32x64xf32, #tpu.memory_space<hbm>>
        tpu.enqueue_dma source(%arg10 : memref<32x64xf32, #tpu.memory_space<vmem>>) target(%dma_start3A_1916 : memref<32x64xf32, #tpu.memory_space<hbm>>) target_semaphore(%run_scoped3A : memref<!tpu.dma_semaphore, #tpu.memory_space<semaphore_mem>>)
        %dma_wait3A_1917 = arith.constant 0 : i32
        %dma_wait3A_1918 = tpu.memref_slice %arg6[%add3A_11, %dma_wait3A_1917] : memref<16384x64xf32, #tpu.memory_space<hbm>> -> memref<32x64xf32, #tpu.memory_space<hbm>>
        %dma_wait3A_1919 = arith.constant 0 : i32
        %dma_wait3A_1920 = tpu.memref_slice %arg6[%add3A_11, %dma_wait3A_1919] : memref<16384x64xf32, #tpu.memory_space<hbm>> -> memref<32x64xf32, #tpu.memory_space<hbm>>
        tpu.wait_dma2 semaphore(%run_scoped3A : memref<!tpu.dma_semaphore, #tpu.memory_space<semaphore_mem>>) src(%arg10 : memref<32x64xf32, #tpu.memory_space<vmem>>) dst(%dma_wait3A_1920 : memref<32x64xf32, #tpu.memory_space<hbm>>)
        tpu.yield
      }) : () -> ()
    }
    %scan3A_7 = arith.constant 16 : i32
    return
  }
}

</mosaic_0001>

<sc_bundles>
// kernel: kernel.3.cloned.1.call-start
scs
__scs_entry_jumppad:
0x0: {  	(pc) =	sbr.rel $0x88, $3  }
0x1: {  	(tag) =	ssettag $0x0;
	lr =	simm.s32 $0x1  }
0x2: {  	[smem:$0x3F9E] =	sst lr;
	_ =	strace $0xD0000000  }
0x3: {  	_ = 	snop  }
0x4: {  	_ = 	snop  }
0x5: {  	_ = 	snop  }
0x6: {  	_ = 	snop  }
0x7: {  	_ = 	snop  }
__scs_overlays_trampoline_lowered:
0x8: {  	[smem:$0x3FAD] =	sst s0  }
0x9: {  	[smem:$0x3FAE] =	sst s1  }
0xa: {  	[smem:$0x3FAF] =	sst s2  }
0xb: {  	[smem:$0x3FB0] =	sst s3  }
0xc: {  	[smem:$0x3FB1] =	sst s4  }
0xd: {  	[smem:$0x3FB2] =	sst s5  }
0xe: {  	[smem:$0x3FB3] =	sst s6  }
0xf: {  	[smem:$0x3FB4] =	sst s7  }
0x10: {  	[smem:$0x3FB5] =	sst s8  }
0x11: {  	[smem:$0x3FB6] =	sst s9;
	s0 =	simm.s32 @!p0 $0x0  }
0x12: {  	s1 =	sld [smem:$0x3F9C];
	s0 =	simm.s32 @p0 $0x1  }
0x13: {  	[smem:$0x3FB7] =	sst s0;
	s0 =	simm.s32 @!p1 $0x0  }
0x14: {  	s2 =	sld [smem:$0x3F9B];
	s0 =	simm.s32 @p1 $0x1  }
0x15: {  	[smem:$0x3FB8] =	sst s0;
	s0 =	simm.s32 @!p2 $0x0  }
0x16: {  	s3 =	sld [smem:$0x3FDB];
	s0 =	simm.s32 @p2 $0x1  }
0x17: {  	s4 =	simm.s32 $0x1BF5;
	[smem:$0x3FBA] =	sst s0  }
0x18: {  	s0 =	sld [smem:$0x3F9D];
	_ =	swait.ge [sflag:s4], $0x0  }
0x19: {  	s7 =	sld [smem:$0x3F9E]  }
0x1a: {  	s8 =	sadd.s32 $0xFFFFE003, lr  }
0x1b: {  	s9 =	sadd.s32 $0xFFFFFEF7, lr;
	s5 =	simm.s32 $0xFFFFFFFF;
	p2 =	slt.u32 s8, $0xFFFFF086  }
0x1c: {  	p1 =	slt.u32 s9, $0xF7A;
	s5 =	simm.s32 @!p2 $0x0  }
0x1d: {  	s5 =	simm.s32 @p1 $0x1;
	p0 =	seq.s32 s7, s2  }
0x1e: {  	s7 =	smul.u32 @!p0 $0xF7A, s2;
	p2 =	seq.s32 @!p0 s5, $0x0  }
0x1f: {  	s9 =	smul.u32 $0xF7A, s1;
	s8 =	simm.s32 @!p0 $0x1BF5;
	p2 =	por !p2, p0  }
0x20: {  	[sflag:s8] =	ssyncset.s32 @!p0 $0xFFFFF086;
	s6 =	sadd.s32 @!p0 s3, s7;
	s7 =	simm.s32 @!p0 $0x108  }
0x21: {  	s3 =	sadd.s32 s3, s9;
	s6 =	sadd.s32 @!p0 $0x88, s6;
	s7 =	simm.s32 @p2 $0x1082  }
0x22: {  	[simem:s7], [sflag:s8] =	dma.local @!p0 [hbm:s6], $0xF7A  }
0x23: {  	s9 =	sor.u32 $0xD0000000, s2;
	s6 =	simm.s32 $0x108;
	_ =	swait.ge @!p0 [sflag:s8], $0x0  }
0x24: {  	s3 =	sadd.s32 $0x88, s3;
	s6 =	simm.s32 @!p1 $0x1082;
	[sflag:s4] =	ssyncset.s32 $0xFFFFF086  }
0x25: {  	[simem:s6], [sflag:s4] =	dma.local [hbm:s3], $0xF7A  }
0x26: {  	[smem:$0x3F9E] =	sst s1;
	(tag) =	ssettag s2;
	_ =	strace s9  }
0x27: {  	s1 =	sld [smem:$0x3FAE]  }
0x28: {  	s2 =	sld [smem:$0x3FAF]  }
0x29: {  	s4 =	sld [smem:$0x3FB1]  }
0x2a: {  	p0 =	seq.s32 s5, $0x0;
	s5 =	sld [smem:$0x3FB2]  }
0x2b: {  	s6 =	sld [smem:$0x3FB3]  }
0x2c: {  	s7 =	sld [smem:$0x3FB4]  }
0x2d: {  	s3 =	simm.s32 $0x108;
	s8 =	sld [smem:$0x3FB5]  }
0x2e: {  	s3 =	simm.s32 @!p0 $0x1082;
	s9 =	sld [smem:$0x3FB6]  }
0x2f: {  	lr =	sadd.s32 s0, s3;
	s0 =	sld [smem:$0x3FAD]  }
0x30: {  	s3 =	sld [smem:$0x3FB0]  }
0x31: {  	[smem:$0x3FB9] =	sst s10  }
0x32: {  	s10 =	sld [smem:$0x3FB7];
	_ =	sdelay $0x3  }
0x33: {  	p0 =	seq.s32 s10, $0x1;
	s10 =	sld [smem:$0x3FB9];
	_ =	sdelay $0x3  }
0x34: {  	[smem:$0x3FB9] =	sst s10  }
0x35: {  	s10 =	sld [smem:$0x3FB8];
	_ =	sdelay $0x3  }
0x36: {  	p1 =	seq.s32 s10, $0x1;
	s10 =	sld [smem:$0x3FB9];
	_ =	sdelay $0x3  }
0x37: {  	[smem:$0x3FB9] =	sst s10  }
0x38: {  	s10 =	sld [smem:$0x3FBA]  }
0x39: {  	_ = 	snop;
	(pc) =	sbr.ind lr, $3  }
0x3a: {  	_ = 	snop  }
0x3b: {  	_ = 	snop  }
0x3c: {  	p2 =	seq.s32 s10, $0x1;
	s10 =	sld [smem:$0x3FB9]  }
0x3d: {  	_ =	shalt  }
0x3e: {  	_ =	shalt  }
0x3f: {  	_ =	shalt  }
0x40: {  	_ =	shalt  }
0x41: {  	_ =	shalt  }
0x42: {  	_ =	shalt  }
0x43: {  	_ =	shalt  }
0x44: {  	_ =	shalt  }
0x45: {  	_ =	shalt  }
0x46: {  	_ =	shalt  }
0x47: {  	_ =	shalt  }
0x48: {  	_ =	shalt  }
0x49: {  	_ =	shalt  }
0x4a: {  	_ =	shalt  }
0x4b: {  	_ =	shalt  }
0x4c: {  	_ =	shalt  }
0x4d: {  	_ =	shalt  }
0x4e: {  	_ =	shalt  }
0x4f: {  	_ =	shalt  }
0x50: {  	_ =	shalt  }
0x51: {  	_ =	shalt  }
0x52: {  	_ =	shalt  }
0x53: {  	_ =	shalt  }
0x54: {  	_ =	shalt  }
0x55: {  	_ =	shalt  }
0x56: {  	_ =	shalt  }
0x57: {  	_ =	shalt  }
0x58: {  	_ =	shalt  }
0x59: {  	_ =	shalt  }
0x5a: {  	_ =	shalt  }
0x5b: {  	_ =	shalt  }
0x5c: {  	_ =	shalt  }
0x5d: {  	_ =	shalt  }
0x5e: {  	_ =	shalt  }
0x5f: {  	_ =	shalt  }
0x60: {  	_ =	shalt  }
0x61: {  	_ =	shalt  }
0x62: {  	_ =	shalt  }
0x63: {  	_ =	shalt  }
0x64: {  	_ =	shalt  }
0x65: {  	_ =	shalt  }
0x66: {  	_ =	shalt  }
0x67: {  	_ =	shalt  }
0x68: {  	_ =	shalt  }
0x69: {  	_ =	shalt  }
0x6a: {  	_ =	shalt  }
0x6b: {  	_ =	shalt  }
0x6c: {  	_ =	shalt  }
0x6d: {  	_ =	shalt  }
0x6e: {  	_ =	shalt  }
0x6f: {  	_ =	shalt  }
0x70: {  	_ =	shalt  }
0x71: {  	_ =	shalt  }
0x72: {  	_ =	shalt  }
0x73: {  	_ =	shalt  }
0x74: {  	_ =	shalt  }
0x75: {  	_ =	shalt  }
0x76: {  	_ =	shalt  }
0x77: {  	_ =	shalt  }
0x78: {  	_ =	shalt  }
0x79: {  	_ =	shalt  }
0x7a: {  	_ =	shalt  }
0x7b: {  	_ =	shalt  }
0x7c: {  	_ =	shalt  }
0x7d: {  	_ =	shalt  }
0x7e: {  	_ =	shalt  }
0x7f: {  	_ =	shalt  }
0x80: {  	_ =	shalt  }
0x81: {  	_ =	shalt  }
0x82: {  	_ =	shalt  }
0x83: {  	_ =	shalt  }
0x84: {  	_ =	shalt  }
0x85: {  	_ =	shalt  }
0x86: {  	_ =	shalt  }
0x87: {  	_ =	shalt  }
.Lfunc_end0:
.L_simem_size_0:
called_computation.1_lowered:
.L_overlay_start_0:
0x88: {  	s2 =	sld [smem:$0x3FD9]  }
0x89: {  	s3 =	sld [smem:$0x3FFE];
	_ =	sdelay $0x1  }
0x8a: {  	s1 =	srdreg.scid  }
0x8b: {  	s0 =	sand.u32 $0x1, s1  }
0x8c: {  	s14 =	sshll.u32 s0, $0xA;
	s2 =	sadd.s32 s3, s2  }
0x8d: {  	s2 =	sadd.s32 s2, s14  }
0x8e: {  	[smem:$0x3FC5] =	sst s2  }
0x8f: {  	_ = 	snop  }
0x90: {  	s2 =	sld [smem:$0x3FD0];
	_ =	sdelay $0x2  }
0x91: {  	s4 =	simm.s32 $0xA;
	s5 =	simm.s32 $0x10;
	s15 =	sld [smem:$0x3FC8]  }
0x92: {  	[smem:s5], [sflag:s4] =	dma.local [hbm:s2], $0x1  }
0x93: {  	_ =	swait.eq [sflag:s4], $0x1  }
0x94: {  	[sflag:s4] =	ssyncset.done $0x0  }
0x95: {  	s16 =	sld [smem:$0x10];
	[sflag:s4] =	ssyncadd.s32 $0xFFFFFFFF  }
0x96: {  	s17 =	sld [smem:$0x11];
	(tm) =	ssettm $0x1  }
0x97: {  	s18 =	sld [smem:$0x3FFB];
	_ =	sdelay $0x3  }
0x98: {  	_ =	strace s18  }
0x99: {  	s5 =	sld [smem:$0x3FFC];
	_ =	sdelay $0x3  }
0x9a: {  	_ =	strace s5  }
0x9b: {  	s5 =	sld [smem:$0x3FFD];
	_ =	sdelay $0x3  }
0x9c: {  	_ =	strace s5  }
0x9d: {  	_ =	strace $0x8FFFFFFF  }
0x9e: {  	s19 =	sld [smem:$0x3FDB];
	_ =	sdelay $0x1  }
0x9f: {  	s6 =	simm.s32 $_scs_section_size  }
0xa0: {  	s7 =	simm.s32 $_size__tile_overlayer_lowered;
	s8 =	simm.s32 $_tile_overlayer_lowered  }
0xa1: {  	s22 =	simm.s32 $0x1BFF;
	s21 =	sshll.u32 s8, $0x1;
	s5 =	sadd.s32 s6, s19  }
0xa2: {  	s9 =	simm.s32 $0x0;
	s20 =	sshll.u32 s7, $0x1;
	s7 =	sadd.s32 s21, s5  }
0xa3: {  	[timem:s9], [sflag:s22] =	dma.local [hbm:s7], s20  }
0xa4: {  	_ =	swait.ge [sflag:s22], s20  }
0xa5: {  	s6 =	ssub.s32 $0x0, s20;
	[sflag:s22] =	ssyncset.done $0x0  }
0xa6: {  	[sflag:s22] =	ssyncadd.s32 s6;
	_ =	sdelay $0x1  }
0xa7: {  	s23 =	simm.s32 $0x1B8B  }
0xa8: {  	_ =	swait.ge [sflag:s23], $0x1  }
0xa9: {  	[sflag:s23] =	ssyncset.done $0x0  }
0xaa: {  	s25 =	simm.s32 $0x1B8E;
	s24 =	sld [smem:$0x3FFE];
	[sflag:s23] =	ssyncadd.s32 $0xFFFFFFFF  }
0xab: {  	s26 =	simm.s32 $execute0_lowered;
	[smem:$0x3FD2] =	sst s25  }
0xac: {  	s7 =	sshll.u32 s26, $0x1;
	_ =	strace $0x80000046;
	[dreg:$0x1] =	wrdreg $0xFFFFFFFF  }
0xad: {  	s28 =	simm.s32 $_size_execute0_lowered;
	s5 =	sadd.s32 s5, s7;
	[dreg:$0x0] =	wrdreg $0x0  }
0xae: {  	s7 =	sshll.u32 s28, $0x1;
	[dreg:$0x2] =	wrdreg s5  }
0xaf: {  	[dreg:$0x3] =	wrdreg s7  }
0xb0: {  	[dreg:$0x4] =	wrdreg $0xC0  }
0xb1: {  	_ =	task [dreg:s9], $0x5FFFF  }
0xb2: {  	[dreg:$0x1] =	wrdreg $0xFFFFFFFF  }
0xb3: {  	[dreg:$0x0] =	wrdreg $0x60  }
0xb4: {  	[dreg:$0x2] =	wrdreg s24  }
0xb5: {  	[dreg:$0x3] =	wrdreg s15  }
0xb6: {  	[dreg:$0x4] =	wrdreg s16  }
0xb7: {  	[dreg:$0x5] =	wrdreg s17  }
0xb8: {  	[dreg:$0x6] =	wrdreg $0x9  }
0xb9: {  	_ =	task.clear_ibuf [dreg:s9], $0x7FFFF;
	_ =	strace $0x90000046  }
0xba: {  	s29 =	simm.s32 $0x9;
	_ =	strace $0x80000048  }
0xbb: {  	_ =	swait.ge [sflag:s29], $0x1  }
0xbc: {  	[sflag:s29] =	ssyncadd.s32 $0xFFFFFFFF  }
0xbd: {  	_ =	strace $0x90000048  }
0xbe: {  	_ =	sfence  }
0xbf: {  	s30 =	sld [smem:$0x0];
	_ =	sdelay $0x2  }
0xc0: {  	s31 =	sshll.u32 s1, $0xD;
	s1 =	sshrl.u32 s1, $0x2  }
0xc1: {  	s3 =	sand.u32 $0x4000, s31;
	s1 =	sadd.s32 s1, s30  }
0xc2: {  	s0 =	sor.u32 s3, s0;
	s1 =	sshll.u32 s1, $0x11  }
0xc3: {  	s0 =	sor.u32 s1, s0  }
0xc4: {  	s0 =	sadd.s32 $0x8F2B, s0  }
0xc5: {  	[sflag:s0] =	ssyncadd.remote.s32 $0x1  }
0xc6: {  	_ =	sfence.sel $0xFFFF  }
0xc7: {  	[dreg:$0x0] =	wrdreg $0xFFFFFFFF;
	(pc) =	sbr.abs _section_cstart, $3  }
0xc8: {  	[dreg:$0x1] =	wrdreg $0xFFFFFFFF  }
0xc9: {  	_ =	task.clear_ibuf [dreg:s9], $0x2FFFF;
	_ =	strace $0x9FFFFFFF  }
0xca: {  	(tm) =	ssettm $0x7FFFFFFF  }
0xcb: {  	_ =	shalt  }
tec
execute0_lowered:
.L_overlay_start_1:
0x0: {  	(tag) =	ssettag $0x1  }
0x1: {  	s0 =	rddreg [dreg:$0x0]  }
0x2: {  	s2 =	rddreg [dreg:$0x1]  }
0x3: {  	s1 =	rddreg [dreg:$0x2]  }
0x4: {  	s4 =	simm.s32 $0x0;
	s3 =	srdreg.scid;
	s5 =	stileid.u32  }
0x5: {  	s11 =	simm.s32 $0x3;
	s12 =	simm.s32 $0x50;
	s13 =	simm.s32 $0x640  }
0x6: {  	s14 =	simm.s32 $0x410;
	s15 =	simm.s32 $0x10A40;
	s16 =	simm.s32 $0x460  }
0x7: {  	s17 =	simm.s32 $0x11E40;
	s18 =	simm.s32 $0x4B0;
	s19 =	simm.s32 $0x13240  }
0x8: {  	s20 =	simm.s32 $0x500;
	s21 =	simm.s32 $0x14640;
	s22 =	simm.s32 $0x550  }
0x9: {  	s28 =	simm.s32 $0x18240;
	s29 =	simm.s32 $0x1;
	s30 =	simm.s32 $0x2  }
0xa: {  	s31 =	simm.s32 $0x19840;
	[smem:$0x7FF] =	sst s4;
	s3 =	sand.u32 $0x1, s3  }
0xb: {  	s5 =	sshll.u32 s5, $0xA;
	s6 =	sadd.s32 $0x1000, s0;
	s7 =	ssub.s32 $0x2, s3  }
0xc: {  	s3 =	sshll.u32 s3, $0x9;
	_ =	strace $0x80000047;
	s8 =	sshrl.u32 s7, $0x1  }
.Ltmp0:
0xd: {  	s5 =	sor.u32 s3, s5;
	s3 =	simm.s32 $0x0;
	(pc) =	sbr.rel .LBB2_1-.Ltmp0, $4  }
0xe: {  	s23 =	ssub.s32 s7, s8;
	s24 =	sshrl.u32 s5, $0x3;
	s7 =	sadd.s32 $0xF43400, s0  }
0xf: {  	s25 =	sadd.s32 s2, s24;
	s26 =	smax.u32 s23, $0x1;
	s2 =	simm.s32 $0xF640  }
0x10: {  	s23 =	simm.s32 $0x15A40;
	s24 =	simm.s32 $0x5A0;
	[dreg:$0x5] =	wrdreg s25  }
0x11: {  	[dreg:$0x6] =	wrdreg s26;
	s25 =	simm.s32 $0x16E40;
	s26 =	simm.s32 $0x5F0  }
.LBB2_147:
0x12: {  	s3 =	rddreg [dreg:$0x7]  }
0x13: {  	s0 =	rddreg [dreg:$0x6];
	s3 =	sadd.s32 $0x1, s3  }
0x14: {  	p0 =	sne.s32 s3, s0  }
.Ltmp1:
0x15: {  	_ = 	snop;
	(pc) =	sbr.rel @!p0 .LBB2_148-.Ltmp1, $1  }
0x16: {  	_ =	sdelay $0x3  }
.LBB2_1:
0x17: {  	[dreg:$0x7] =	wrdreg s3  }
.Ltmp2:
0x18: {  	s0 =	rddreg [dreg:$0x5];
	s10 =	simm.s32 $0x19640;
	(pc) =	sbr.rel .LBB2_2-.Ltmp2, $4  }
0x19: {  	[tilespmem:s10], [sflag:$0x3] =	stream.linear.gather [hbm4b:s0+s4], $0x200, $0x38;
	[tilespmem:$0x1A040] =	vst v63  }
0x1a: {  	_ =	swait.ge [sflag:s11], $0x200  }
0x1b: {  	[sflag:s11] =	ssyncset.done $0x0  }
0x1c: {  	s0 =	simm.s32 $0x0;
	[sflag:s11] =	ssyncadd.s32 $0xFFFFFE00  }
.LBB2_142:
0x1d: {  	v2 =	vimm.f32 $0.0e+00;
	v3 =	vimm.f32 $0.0e+00;
	v0 =	vimm.f32 $0.0e+00  }
.LBB2_146:
0x1e: {  	s8 =	scvt.s32.f32 s10;
	_ =	sdelay $0x1  }
0x1f: {  	v4 =	vmov s8  }
0x20: {  	(erf) = vrcp.f32 v4;
	_ =	sdelay $0x8  }
0x21: {  	v4 =	vpop (erf)  }
0x22: {  	v1 =	vmul.f32 v1, v4  }
0x23: {  	v2 =	vmul.f32 v2, v4  }
0x24: {  	v63 =	vmul.f32 v3, v4;
	[tilespmem:$0x1A000] =	vst v1  }
0x25: {  	v0 =	vmul.f32 v0, v4;
	[tilespmem:$0x1A010] =	vst v2  }
0x26: {  	[tilespmem:$0x1A020] =	vst v63  }
0x27: {  	[tilespmem:$0x1A030] =	vst v0  }
0x28: {  	_ =	swait.ge [sflag:s30], $0xC800  }
0x29: {  	[sflag:s30] =	ssyncset.done $0x0  }
0x2a: {  	[sflag:s30] =	ssyncadd.s32 $0xFFFF3800  }
0x2b: {  	_ =	swait.ge [sflag:s30], $0xC800  }
0x2c: {  	[sflag:s30] =	ssyncset.done $0x0  }
0x2d: {  	s0 =	sadd.s32 $0x1, s0;
	[sflag:s30] =	ssyncadd.s32 $0xFFFF3800  }
0x2e: {  	s3 =	sshll.u32 s3, $0x3;
	p0 =	sne.s32 s0, $0x10;
	s10 =	rddreg [dreg:$0x3]  }
.Ltmp3:
0x2f: {  	s3 =	sadd.s32 s10, s3;
	(pc) =	sbr.rel @!p0 .LBB2_147-.Ltmp3, $4  }
0x30: {  	[hbm4b:s3+s4] =	stream.linear.scatter [tilespmem:s31], [sflag:$0x3], $0x800, $0x38;
	[tilespmem:$0x1A040] =	vst v63  }
0x31: {  	_ =	swait.ge [sflag:s11], $0x800  }
0x32: {  	[sflag:s11] =	ssyncset.done $0x0  }
0x33: {  	[sflag:s11] =	ssyncadd.s32 $0xFFFFF800  }
.LBB2_2:
0x34: {  	s8 =	sshll.u32 s0, $0x5  }
0x35: {  	s3 =	sor.u32 s5, s8  }
0x36: {  	s9 =	smul.u32 $0x32, s3;
	_ =	sdelay $0x1  }
0x37: {  	s9 =	sshrl.u32 s9, $0x3  }
0x38: {  	s9 =	sadd.s32 s6, s9  }
0x39: {  	[tilespmem:s4], [sflag:$0x3] =	stream.linear.gather [hbm4b:s9+s4], $0x640, $0x38;
	[tilespmem:$0x1A040] =	vst v63  }
0x3a: {  	_ =	swait.ge [sflag:s11], $0x640  }
0x3b: {  	[sflag:s11] =	ssyncset.done $0x0  }
0x3c: {  	[sflag:s11] =	ssyncadd.s32 $0xFFFFF9C0  }
0x3d: {  	[tilespmem:s13], [sflag:$0x1] =	stream.indirect.gather [hbm4b:s7+s12], $0x40, s4, s12, $0xb8;
	[tilespmem:$0x1A040] =	vst v63  }
0x3e: {  	s10 =	simm.s32 $0x1A40  }
0x3f: {  	[tilespmem:s10], [sflag:$0x1] =	stream.indirect.gather [hbm4b:s7+s12], $0x40, s12, s12, $0xb8;
	[tilespmem:$0x1A040] =	vst v63  }
0x40: {  	s9 =	simm.s32 $0xA0;
	s10 =	simm.s32 $0x2E40  }
0x41: {  	[tilespmem:s10], [sflag:$0x1] =	stream.indirect.gather [hbm4b:s7+s12], $0x40, s9, s12, $0xb8;
	[tilespmem:$0x1A040] =	vst v63  }
0x42: {  	s9 =	simm.s32 $0xF0;
	s10 =	simm.s32 $0x4240  }
0x43: {  	[tilespmem:s10], [sflag:$0x1] =	stream.indirect.gather [hbm4b:s7+s12], $0x40, s9, s12, $0xb8;
	[tilespmem:$0x1A040] =	vst v63  }
0x44: {  	s9 =	simm.s32 $0x140;
	s10 =	simm.s32 $0x5640  }
0x45: {  	[tilespmem:s10], [sflag:$0x1] =	stream.indirect.gather [hbm4b:s7+s12], $0x40, s9, s12, $0xb8;
	[tilespmem:$0x1A040] =	vst v63  }
0x46: {  	s9 =	simm.s32 $0x190;
	s10 =	simm.s32 $0x6A40  }
0x47: {  	[tilespmem:s10], [sflag:$0x1] =	stream.indirect.gather [hbm4b:s7+s12], $0x40, s9, s12, $0xb8;
	[tilespmem:$0x1A040] =	vst v63  }
0x48: {  	s9 =	simm.s32 $0x1E0;
	s10 =	simm.s32 $0x7E40  }
0x49: {  	[tilespmem:s10], [sflag:$0x1] =	stream.indirect.gather [hbm4b:s7+s12], $0x40, s9, s12, $0xb8;
	[tilespmem:$0x1A040] =	vst v63  }
0x4a: {  	s9 =	simm.s32 $0x230;
	s10 =	simm.s32 $0x9240  }
0x4b: {  	[tilespmem:s10], [sflag:$0x1] =	stream.indirect.gather [hbm4b:s7+s12], $0x40, s9, s12, $0xb8;
	[tilespmem:$0x1A040] =	vst v63  }
0x4c: {  	s9 =	simm.s32 $0x280;
	s10 =	simm.s32 $0xA640  }
0x4d: {  	[tilespmem:s10], [sflag:$0x1] =	stream.indirect.gather [hbm4b:s7+s12], $0x40, s9, s12, $0xb8;
	[tilespmem:$0x1A040] =	vst v63  }
0x4e: {  	s9 =	simm.s32 $0x2D0;
	s10 =	simm.s32 $0xBA40  }
0x4f: {  	[tilespmem:s10], [sflag:$0x1] =	stream.indirect.gather [hbm4b:s7+s12], $0x40, s9, s12, $0xb8;
	[tilespmem:$0x1A040] =	vst v63  }
0x50: {  	s9 =	simm.s32 $0x320;
	s10 =	simm.s32 $0xCE40  }
0x51: {  	[tilespmem:s10], [sflag:$0x1] =	stream.indirect.gather [hbm4b:s7+s12], $0x40, s9, s12, $0xb8;
	[tilespmem:$0x1A040] =	vst v63  }
0x52: {  	s9 =	simm.s32 $0x370;
	s10 =	simm.s32 $0xE240  }
0x53: {  	[tilespmem:s10], [sflag:$0x1] =	stream.indirect.gather [hbm4b:s7+s12], $0x40, s9, s12, $0xb8;
	[tilespmem:$0x1A040] =	vst v63  }
0x54: {  	s10 =	simm.s32 $0x3C0  }
0x55: {  	[tilespmem:s2], [sflag:$0x1] =	stream.indirect.gather [hbm4b:s7+s12], $0x40, s10, s12, $0xb8;
	[tilespmem:$0x1A040] =	vst v63  }
0x56: {  	_ = 	snop  }
0x57: {  	[tilespmem:s15], [sflag:$0x1] =	stream.indirect.gather [hbm4b:s7+s12], $0x40, s14, s12, $0xb8;
	[tilespmem:$0x1A040] =	vst v63  }
0x58: {  	_ = 	snop  }
0x59: {  	[tilespmem:s17], [sflag:$0x1] =	stream.indirect.gather [hbm4b:s7+s12], $0x40, s16, s12, $0xb8;
	[tilespmem:$0x1A040] =	vst v63  }
0x5a: {  	_ = 	snop  }
0x5b: {  	[tilespmem:s19], [sflag:$0x1] =	stream.indirect.gather [hbm4b:s7+s12], $0x40, s18, s12, $0xb8;
	[tilespmem:$0x1A040] =	vst v63  }
0x5c: {  	_ = 	snop  }
0x5d: {  	[tilespmem:s21], [sflag:$0x1] =	stream.indirect.gather [hbm4b:s7+s12], $0x40, s20, s12, $0xb8;
	[tilespmem:$0x1A040] =	vst v63  }
0x5e: {  	_ = 	snop  }
0x5f: {  	[tilespmem:s23], [sflag:$0x1] =	stream.indirect.gather [hbm4b:s7+s12], $0x40, s22, s12, $0xb8;
	[tilespmem:$0x1A040] =	vst v63  }
0x60: {  	_ = 	snop  }
0x61: {  	[tilespmem:s25], [sflag:$0x1] =	stream.indirect.gather [hbm4b:s7+s12], $0x40, s24, s12, $0xb8;
	[tilespmem:$0x1A040] =	vst v63  }
0x62: {  	_ = 	snop  }
0x63: {  	[tilespmem:s28], [sflag:$0x1] =	stream.indirect.gather [hbm4b:s7+s12], $0x40, s26, s12, $0xb8;
	[tilespmem:$0x1A040] =	vst v63  }
0x64: {  	v1 =	vld [tilespmem:s8+$0x19640]  }
0x65: {  	v0 =	vld [tilespmem:s8+$0x19650];
	_ =	swait.ge [sflag:s29], $0x1400  }
0x66: {  	[sflag:s29] =	ssyncset.done $0x0  }
0x67: {  	[sflag:s29] =	ssyncadd.s32 $0xFFFFEC00  }
0x68: {  	_ =	swait.ge [sflag:s29], $0x1400  }
0x69: {  	[sflag:s29] =	ssyncset.done $0x0  }
0x6a: {  	[sflag:s29] =	ssyncadd.s32 $0xFFFFEC00  }
0x6b: {  	_ =	swait.ge [sflag:s29], $0x1400  }
0x6c: {  	[sflag:s29] =	ssyncset.done $0x0  }
0x6d: {  	[sflag:s29] =	ssyncadd.s32 $0xFFFFEC00  }
0x6e: {  	_ =	swait.ge [sflag:s29], $0x1400  }
0x6f: {  	[sflag:s29] =	ssyncset.done $0x0  }
0x70: {  	[sflag:s29] =	ssyncadd.s32 $0xFFFFEC00  }
0x71: {  	_ =	swait.ge [sflag:s29], $0x1400  }
0x72: {  	[sflag:s29] =	ssyncset.done $0x0  }
0x73: {  	[sflag:s29] =	ssyncadd.s32 $0xFFFFEC00  }
0x74: {  	_ =	swait.ge [sflag:s29], $0x1400  }
0x75: {  	[sflag:s29] =	ssyncset.done $0x0  }
0x76: {  	[sflag:s29] =	ssyncadd.s32 $0xFFFFEC00  }
0x77: {  	_ =	swait.ge [sflag:s29], $0x1400  }
0x78: {  	[sflag:s29] =	ssyncset.done $0x0  }
0x79: {  	[sflag:s29] =	ssyncadd.s32 $0xFFFFEC00  }
0x7a: {  	_ =	swait.ge [sflag:s29], $0x1400  }
0x7b: {  	[sflag:s29] =	ssyncset.done $0x0  }
0x7c: {  	[sflag:s29] =	ssyncadd.s32 $0xFFFFEC00  }
0x7d: {  	_ =	swait.ge [sflag:s29], $0x1400  }
0x7e: {  	[sflag:s29] =	ssyncset.done $0x0  }
0x7f: {  	[sflag:s29] =	ssyncadd.s32 $0xFFFFEC00  }
0x80: {  	_ =	swait.ge [sflag:s29], $0x1400  }
0x81: {  	(v2sf) =	vpush v1, $0x0;
	_ =	sdelay $0xc  }
0x82: {  	s10 =	smul.u32 $0x190, s3;
	_ =	sdelay $0x1  }
0x83: {  	s8 =	sadd.s32 s1, s10;
	s10 =	spop (v2sf)  }
0x84: {  	p0 =	slt.s32 s10, $0x1  }
.Ltmp4:
0x85: {  	_ = 	snop;
	(pc) =	sbr.rel @p0 .LBB2_6-.Ltmp4, $4  }
0x86: {  	_ = 	snop  }
0x87: {  	[sflag:s29] =	ssyncset.done $0x0  }
0x88: {  	v2 =	vimm.f32 $0.0e+00;
	v6 =	vimm.f32 $0.0e+00;
	s9 =	simm.s32 $0x660;
	[sflag:s29] =	ssyncadd.s32 $0xFFFFEC00  }
0x89: {  	v4 =	vimm.f32 $0.0e+00;
	v5 =	vimm.f32 $0.0e+00;
	v3 =	vimm.f32 $0.0e+00;
	[hbm4b:s8+s4] =	stream.linear.scatter [tilespmem:s13], [sflag:$0x2], $0xC800, $0x38;
	[tilespmem:$0x1A040] =	vst v63  }
0x8a: {  	v3 =	vld [tilespmem:s9+$0x10];
	p0 =	sne.s32 s10, $0x1  }
.Ltmp5:
0x8b: {  	v4 =	vld [tilespmem:s9+$0xFFFFFFF0];
	(pc) =	sbr.rel @!p0 .LBB2_5-.Ltmp5, $4  }
0x8c: {  	v5 =	vld [tilespmem:s9+$0x0]  }
0x8d: {  	v6 =	vld [tilespmem:s9+$0xFFFFFFE0]  }
0x8e: {  	v7 =	vimm.f32 $0.0e+00  }
0x8f: {  	s8 =	sadd.s32 $0xFFFFFFFF, s10;
	s9 =	sadd.s32 $0x40, s9;
	v8 =	vimm.f32 $0.0e+00;
	v9 =	vimm.f32 $0.0e+00;
	v3 =	vadd.f32 v3, v2  }
.LBB2_4:
0x90: {  	v10 =	vld [tilespmem:s9+$0x10];
	p0 =	sne.s32 s8, $0x1;
	s8 =	sadd.s32 $0xFFFFFFFF, s8;
	v7 =	vadd.f32 v4, v7  }
.Ltmp6:
0x91: {  	v4 =	vld [tilespmem:s9+$0xFFFFFFF0];
	v8 =	vadd.f32 v5, v8;
	(pc) =	sbr.rel @p0 .LBB2_4-.Ltmp6, $3  }
0x92: {  	v5 =	vld [tilespmem:s9+$0x0];
	v9 =	vadd.f32 v6, v9  }
0x93: {  	v6 =	vld [tilespmem:s9+$0xFFFFFFE0];
	_ =	sdelay $0x1  }
0x94: {  	s9 =	sadd.s32 $0x40, s9;
	v3 =	vadd.f32 v10, v3  }
.LBB2_5:
0x95: {  	_ = 	snop  }
0x96: {  	v4 =	vadd.f32 v4, v7  }
0x97: {  	v5 =	vadd.f32 v5, v8;
	v6 =	vadd.f32 v6, v9  }
.LBB2_6:
0x98: {  	(v2sf) =	vpush v1, $0x1;
	_ =	sdelay $0x2  }
0x99: {  	s8 =	scvt.s32.f32 s10;
	_ =	sdelay $0x1  }
0x9a: {  	v7 =	vmov s8  }
0x9b: {  	(erf) = vrcp.f32 v7;
	_ =	sdelay $0x8  }
0x9c: {  	v7 =	vpop (erf);
	s10 =	spop (v2sf)  }
0x9d: {  	v6 =	vmul.f32 v6, v7;
	p0 =	slt.s32 s10, $0x1  }
.Ltmp7:
0x9e: {  	v4 =	vmul.f32 v4, v7;
	(pc) =	sbr.rel @p0 .LBB2_7-.Ltmp7, $4  }
0x9f: {  	v5 =	vmul.f32 v5, v7;
	[tilespmem:$0x19840] =	vst v6  }
0xa0: {  	v3 =	vmul.f32 v3, v7;
	[tilespmem:$0x19850] =	vst v4  }
0xa1: {  	[tilespmem:$0x19860] =	vst v5  }
0xa2: {  	s9 =	simm.s32 $0x12F0;
	[tilespmem:$0x19870] =	vst v3  }
0xa3: {  	v3 =	vld [tilespmem:s9+$0x0];
	p0 =	sne.s32 s10, $0x1  }
.Ltmp8:
0xa4: {  	v4 =	vld [tilespmem:s9+$0xFFFFFFE0];
	(pc) =	sbr.rel @!p0 .LBB2_10-.Ltmp8, $3  }
0xa5: {  	v5 =	vld [tilespmem:s9+$0xFFFFFFF0]  }
0xa6: {  	v6 =	vld [tilespmem:s9+$0xFFFFFFD0];
	_ =	sdelay $0x1  }
0xa7: {  	s8 =	sadd.s32 $0xFFFFFFFF, s10;
	s9 =	sadd.s32 $0x40, s9;
	v7 =	vimm.f32 $0.0e+00;
	v8 =	vimm.f32 $0.0e+00;
	v3 =	vadd.f32 v3, v2  }
.LBB2_9:
0xa8: {  	v9 =	vld [tilespmem:s9+$0x0];
	p0 =	sne.s32 s8, $0x1;
	s8 =	sadd.s32 $0xFFFFFFFF, s8;
	v2 =	vadd.f32 v4, v2  }
.Ltmp9:
0xa9: {  	v4 =	vld [tilespmem:s9+$0xFFFFFFE0];
	v7 =	vadd.f32 v5, v7;
	(pc) =	sbr.rel @p0 .LBB2_9-.Ltmp9, $3  }
0xaa: {  	v5 =	vld [tilespmem:s9+$0xFFFFFFF0];
	v8 =	vadd.f32 v6, v8  }
0xab: {  	v6 =	vld [tilespmem:s9+$0xFFFFFFD0];
	_ =	sdelay $0x1  }
0xac: {  	s9 =	sadd.s32 $0x40, s9;
	v3 =	vadd.f32 v9, v3  }
.LBB2_10:
.Ltmp10:
0xad: {  	(pc) =	sbr.rel .LBB2_11-.Ltmp10, $3  }
0xae: {  	_ =	sdelay $0x1  }
0xaf: {  	v4 =	vadd.f32 v4, v2  }
0xb0: {  	v5 =	vadd.f32 v5, v7;
	v2 =	vadd.f32 v6, v8  }
.LBB2_7:
0xb1: {  	v4 =	vimm.f32 $0.0e+00;
	v5 =	vimm.f32 $0.0e+00;
	v3 =	vimm.f32 $0.0e+00  }
.LBB2_11:
0xb2: {  	(v2sf) =	vpush v1, $0x2;
	_ =	sdelay $0x2  }
0xb3: {  	s8 =	scvt.s32.f32 s10;
	_ =	sdelay $0x1  }
0xb4: {  	v6 =	vmov s8  }
0xb5: {  	(erf) = vrcp.f32 v6;
	_ =	sdelay $0x8  }
0xb6: {  	v6 =	vpop (erf);
	s10 =	spop (v2sf)  }
0xb7: {  	v2 =	vmul.f32 v2, v6;
	p0 =	slt.s32 s10, $0x1  }
.Ltmp11:
0xb8: {  	v4 =	vmul.f32 v4, v6;
	(pc) =	sbr.rel @p0 .LBB2_15-.Ltmp11, $4  }
0xb9: {  	v3 =	vmul.f32 v3, v6;
	[tilespmem:$0x19880] =	vst v2  }
0xba: {  	v2 =	vmul.f32 v5, v6;
	[tilespmem:$0x19890] =	vst v4  }
0xbb: {  	v7 =	vimm.f32 $0.0e+00;
	v4 =	vimm.f32 $0.0e+00;
	[tilespmem:$0x198B0] =	vst v3  }
0xbc: {  	s9 =	simm.s32 $0x1F70;
	v5 =	vimm.f32 $0.0e+00;
	v3 =	vimm.f32 $0.0e+00;
	[tilespmem:$0x198A0] =	vst v2;
	v2 =	vimm.f32 $0.0e+00  }
0xbd: {  	v3 =	vld [tilespmem:s9+$0x0];
	p0 =	sne.s32 s10, $0x1  }
.Ltmp12:
0xbe: {  	v4 =	vld [tilespmem:s9+$0xFFFFFFE0];
	(pc) =	sbr.rel @!p0 .LBB2_14-.Ltmp12, $4  }
0xbf: {  	v5 =	vld [tilespmem:s9+$0xFFFFFFF0]  }
0xc0: {  	v6 =	vld [tilespmem:s9+$0xFFFFFFD0]  }
0xc1: {  	v7 =	vimm.f32 $0.0e+00  }
0xc2: {  	s8 =	sadd.s32 $0xFFFFFFFF, s10;
	s9 =	sadd.s32 $0x40, s9;
	v8 =	vimm.f32 $0.0e+00;
	v9 =	vimm.f32 $0.0e+00;
	v3 =	vadd.f32 v3, v2  }
.LBB2_13:
0xc3: {  	v10 =	vld [tilespmem:s9+$0x0];
	p0 =	sne.s32 s8, $0x1;
	s8 =	sadd.s32 $0xFFFFFFFF, s8;
	v7 =	vadd.f32 v4, v7  }
.Ltmp13:
0xc4: {  	v4 =	vld [tilespmem:s9+$0xFFFFFFE0];
	v8 =	vadd.f32 v5, v8;
	(pc) =	sbr.rel @p0 .LBB2_13-.Ltmp13, $3  }
0xc5: {  	v5 =	vld [tilespmem:s9+$0xFFFFFFF0];
	v9 =	vadd.f32 v6, v9  }
0xc6: {  	v6 =	vld [tilespmem:s9+$0xFFFFFFD0];
	_ =	sdelay $0x1  }
0xc7: {  	s9 =	sadd.s32 $0x40, s9;
	v3 =	vadd.f32 v10, v3  }
.LBB2_14:
0xc8: {  	_ = 	snop  }
0xc9: {  	v7 =	vadd.f32 v4, v7  }
0xca: {  	v5 =	vadd.f32 v5, v8;
	v4 =	vadd.f32 v6, v9  }
.LBB2_15:
0xcb: {  	(v2sf) =	vpush v1, $0x3;
	_ =	sdelay $0x2  }
0xcc: {  	s8 =	scvt.s32.f32 s10;
	_ =	sdelay $0x1  }
0xcd: {  	v6 =	vmov s8  }
0xce: {  	(erf) = vrcp.f32 v6;
	_ =	sdelay $0x8  }
0xcf: {  	v6 =	vpop (erf);
	s10 =	spop (v2sf)  }
0xd0: {  	v4 =	vmul.f32 v4, v6;
	p0 =	slt.s32 s10, $0x1  }
.Ltmp14:
0xd1: {  	v7 =	vmul.f32 v7, v6;
	(pc) =	sbr.rel @p0 .LBB2_16-.Ltmp14, $4  }
0xd2: {  	v63 =	vmul.f32 v5, v6;
	[tilespmem:$0x198C0] =	vst v4  }
0xd3: {  	v3 =	vmul.f32 v3, v6;
	[tilespmem:$0x198D0] =	vst v7  }
0xd4: {  	[tilespmem:$0x198E0] =	vst v63  }
0xd5: {  	s9 =	simm.s32 $0x2BF0;
	[tilespmem:$0x198F0] =	vst v3  }
0xd6: {  	v3 =	vld [tilespmem:s9+$0x0];
	p0 =	sne.s32 s10, $0x1  }
.Ltmp15:
0xd7: {  	v4 =	vld [tilespmem:s9+$0xFFFFFFE0];
	(pc) =	sbr.rel @!p0 .LBB2_19-.Ltmp15, $3  }
0xd8: {  	v5 =	vld [tilespmem:s9+$0xFFFFFFF0]  }
0xd9: {  	v6 =	vld [tilespmem:s9+$0xFFFFFFD0];
	_ =	sdelay $0x1  }
0xda: {  	s8 =	sadd.s32 $0xFFFFFFFF, s10;
	s9 =	sadd.s32 $0x40, s9;
	v7 =	vimm.f32 $0.0e+00;
	v8 =	vimm.f32 $0.0e+00;
	v3 =	vadd.f32 v3, v2  }
.LBB2_18:
0xdb: {  	v9 =	vld [tilespmem:s9+$0x0];
	p0 =	sne.s32 s8, $0x1;
	s8 =	sadd.s32 $0xFFFFFFFF, s8;
	v2 =	vadd.f32 v4, v2  }
.Ltmp16:
0xdc: {  	v4 =	vld [tilespmem:s9+$0xFFFFFFE0];
	v7 =	vadd.f32 v5, v7;
	(pc) =	sbr.rel @p0 .LBB2_18-.Ltmp16, $3  }
0xdd: {  	v5 =	vld [tilespmem:s9+$0xFFFFFFF0];
	v8 =	vadd.f32 v6, v8  }
0xde: {  	v6 =	vld [tilespmem:s9+$0xFFFFFFD0];
	_ =	sdelay $0x1  }
0xdf: {  	s9 =	sadd.s32 $0x40, s9;
	v3 =	vadd.f32 v9, v3  }
.LBB2_19:
.Ltmp17:
0xe0: {  	(pc) =	sbr.rel .LBB2_20-.Ltmp17, $3  }
0xe1: {  	_ =	sdelay $0x1  }
0xe2: {  	v4 =	vadd.f32 v4, v2  }
0xe3: {  	v5 =	vadd.f32 v5, v7;
	v2 =	vadd.f32 v6, v8  }
.LBB2_16:
0xe4: {  	v4 =	vimm.f32 $0.0e+00;
	v5 =	vimm.f32 $0.0e+00;
	v3 =	vimm.f32 $0.0e+00  }
.LBB2_20:
0xe5: {  	(v2sf) =	vpush v1, $0x4;
	_ =	sdelay $0x2  }
0xe6: {  	s8 =	scvt.s32.f32 s10;
	_ =	sdelay $0x1  }
0xe7: {  	v6 =	vmov s8  }
0xe8: {  	(erf) = vrcp.f32 v6;
	_ =	sdelay $0x8  }
0xe9: {  	v6 =	vpop (erf);
	s10 =	spop (v2sf)  }
0xea: {  	v2 =	vmul.f32 v2, v6;
	p0 =	slt.s32 s10, $0x1  }
.Ltmp18:
0xeb: {  	v4 =	vmul.f32 v4, v6;
	(pc) =	sbr.rel @p0 .LBB2_24-.Ltmp18, $4  }
0xec: {  	v3 =	vmul.f32 v3, v6;
	[tilespmem:$0x19900] =	vst v2  }
0xed: {  	v2 =	vmul.f32 v5, v6;
	[tilespmem:$0x19910] =	vst v4  }
0xee: {  	v7 =	vimm.f32 $0.0e+00;
	v4 =	vimm.f32 $0.0e+00;
	[tilespmem:$0x19930] =	vst v3  }
0xef: {  	s9 =	simm.s32 $0x3870;
	v5 =	vimm.f32 $0.0e+00;
	v3 =	vimm.f32 $0.0e+00;
	[tilespmem:$0x19920] =	vst v2;
	v2 =	vimm.f32 $0.0e+00  }
0xf0: {  	v3 =	vld [tilespmem:s9+$0x0];
	p0 =	sne.s32 s10, $0x1  }
.Ltmp19:
0xf1: {  	v4 =	vld [tilespmem:s9+$0xFFFFFFE0];
	(pc) =	sbr.rel @!p0 .LBB2_23-.Ltmp19, $4  }
0xf2: {  	v5 =	vld [tilespmem:s9+$0xFFFFFFF0]  }
0xf3: {  	v6 =	vld [tilespmem:s9+$0xFFFFFFD0]  }
0xf4: {  	v7 =	vimm.f32 $0.0e+00  }
0xf5: {  	s8 =	sadd.s32 $0xFFFFFFFF, s10;
	s9 =	sadd.s32 $0x40, s9;
	v8 =	vimm.f32 $0.0e+00;
	v9 =	vimm.f32 $0.0e+00;
	v3 =	vadd.f32 v3, v2  }
.LBB2_22:
0xf6: {  	v10 =	vld [tilespmem:s9+$0x0];
	p0 =	sne.s32 s8, $0x1;
	s8 =	sadd.s32 $0xFFFFFFFF, s8;
	v7 =	vadd.f32 v4, v7  }
.Ltmp20:
0xf7: {  	v4 =	vld [tilespmem:s9+$0xFFFFFFE0];
	v8 =	vadd.f32 v5, v8;
	(pc) =	sbr.rel @p0 .LBB2_22-.Ltmp20, $3  }
0xf8: {  	v5 =	vld [tilespmem:s9+$0xFFFFFFF0];
	v9 =	vadd.f32 v6, v9  }
0xf9: {  	v6 =	vld [tilespmem:s9+$0xFFFFFFD0];
	_ =	sdelay $0x1  }
0xfa: {  	s9 =	sadd.s32 $0x40, s9;
	v3 =	vadd.f32 v10, v3  }
.LBB2_23:
0xfb: {  	_ = 	snop  }
0xfc: {  	v7 =	vadd.f32 v4, v7  }
0xfd: {  	v5 =	vadd.f32 v5, v8;
	v4 =	vadd.f32 v6, v9  }
.LBB2_24:
0xfe: {  	(v2sf) =	vpush v1, $0x5;
	_ =	sdelay $0x2  }
0xff: {  	s8 =	scvt.s32.f32 s10;
	_ =	sdelay $0x1  }
0x100: {  	v6 =	vmov s8  }
0x101: {  	(erf) = vrcp.f32 v6;
	_ =	sdelay $0x8  }
0x102: {  	v6 =	vpop (erf);
	s10 =	spop (v2sf)  }
0x103: {  	v4 =	vmul.f32 v4, v6;
	p0 =	slt.s32 s10, $0x1  }
.Ltmp21:
0x104: {  	v7 =	vmul.f32 v7, v6;
	(pc) =	sbr.rel @p0 .LBB2_25-.Ltmp21, $4  }
0x105: {  	v63 =	vmul.f32 v5, v6;
	[tilespmem:$0x19940] =	vst v4  }
0x106: {  	v3 =	vmul.f32 v3, v6;
	[tilespmem:$0x19950] =	vst v7  }
0x107: {  	[tilespmem:$0x19960] =	vst v63  }
0x108: {  	s9 =	simm.s32 $0x44F0;
	[tilespmem:$0x19970] =	vst v3  }
0x109: {  	v3 =	vld [tilespmem:s9+$0x0];
	p0 =	sne.s32 s10, $0x1  }
.Ltmp22:
0x10a: {  	v4 =	vld [tilespmem:s9+$0xFFFFFFE0];
	(pc) =	sbr.rel @!p0 .LBB2_28-.Ltmp22, $3  }
0x10b: {  	v5 =	vld [tilespmem:s9+$0xFFFFFFF0]  }
0x10c: {  	v6 =	vld [tilespmem:s9+$0xFFFFFFD0];
	_ =	sdelay $0x1  }
0x10d: {  	s8 =	sadd.s32 $0xFFFFFFFF, s10;
	s9 =	sadd.s32 $0x40, s9;
	v7 =	vimm.f32 $0.0e+00;
	v8 =	vimm.f32 $0.0e+00;
	v3 =	vadd.f32 v3, v2  }
.LBB2_27:
0x10e: {  	v9 =	vld [tilespmem:s9+$0x0];
	p0 =	sne.s32 s8, $0x1;
	s8 =	sadd.s32 $0xFFFFFFFF, s8;
	v2 =	vadd.f32 v4, v2  }
.Ltmp23:
0x10f: {  	v4 =	vld [tilespmem:s9+$0xFFFFFFE0];
	v7 =	vadd.f32 v5, v7;
	(pc) =	sbr.rel @p0 .LBB2_27-.Ltmp23, $3  }
0x110: {  	v5 =	vld [tilespmem:s9+$0xFFFFFFF0];
	v8 =	vadd.f32 v6, v8  }
0x111: {  	v6 =	vld [tilespmem:s9+$0xFFFFFFD0];
	_ =	sdelay $0x1  }
0x112: {  	s9 =	sadd.s32 $0x40, s9;
	v3 =	vadd.f32 v9, v3  }
.LBB2_28:
.Ltmp24:
0x113: {  	(pc) =	sbr.rel .LBB2_29-.Ltmp24, $3  }
0x114: {  	_ =	sdelay $0x1  }
0x115: {  	v4 =	vadd.f32 v4, v2  }
0x116: {  	v5 =	vadd.f32 v5, v7;
	v2 =	vadd.f32 v6, v8  }
.LBB2_25:
0x117: {  	v4 =	vimm.f32 $0.0e+00;
	v5 =	vimm.f32 $0.0e+00;
	v3 =	vimm.f32 $0.0e+00  }
.LBB2_29:
0x118: {  	(v2sf) =	vpush v1, $0x6;
	_ =	sdelay $0x2  }
0x119: {  	s8 =	scvt.s32.f32 s10;
	_ =	sdelay $0x1  }
0x11a: {  	v6 =	vmov s8  }
0x11b: {  	(erf) = vrcp.f32 v6;
	_ =	sdelay $0x8  }
0x11c: {  	v6 =	vpop (erf);
	s10 =	spop (v2sf)  }
0x11d: {  	v2 =	vmul.f32 v2, v6;
	p0 =	slt.s32 s10, $0x1  }
.Ltmp25:
0x11e: {  	v4 =	vmul.f32 v4, v6;
	(pc) =	sbr.rel @p0 .LBB2_33-.Ltmp25, $4  }
0x11f: {  	v3 =	vmul.f32 v3, v6;
	[tilespmem:$0x19980] =	vst v2  }
0x120: {  	v2 =	vmul.f32 v5, v6;
	[tilespmem:$0x19990] =	vst v4  }
0x121: {  	v7 =	vimm.f32 $0.0e+00;
	v4 =	vimm.f32 $0.0e+00;
	[tilespmem:$0x199B0] =	vst v3  }
0x122: {  	s9 =	simm.s32 $0x5140;
	v5 =	vimm.f32 $0.0e+00;
	v3 =	vimm.f32 $0.0e+00;
	[tilespmem:$0x199A0] =	vst v2;
	v2 =	vimm.f32 $0.0e+00  }
0x123: {  	v3 =	vld [tilespmem:s9+$0x30];
	p0 =	sne.s32 s10, $0x1  }
.Ltmp26:
0x124: {  	v4 =	vld [tilespmem:s9+$0x10];
	(pc) =	sbr.rel @!p0 .LBB2_32-.Ltmp26, $4  }
0x125: {  	v5 =	vld [tilespmem:s9+$0x20]  }
0x126: {  	v6 =	vld [tilespmem:s9+$0x0]  }
0x127: {  	v7 =	vimm.f32 $0.0e+00  }
0x128: {  	s8 =	sadd.s32 $0xFFFFFFFF, s10;
	s9 =	sadd.s32 $0x40, s9;
	v8 =	vimm.f32 $0.0e+00;
	v9 =	vimm.f32 $0.0e+00;
	v3 =	vadd.f32 v3, v2  }
.LBB2_31:
0x129: {  	v10 =	vld [tilespmem:s9+$0x30];
	p0 =	sne.s32 s8, $0x1;
	s8 =	sadd.s32 $0xFFFFFFFF, s8;
	v7 =	vadd.f32 v4, v7  }
.Ltmp27:
0x12a: {  	v4 =	vld [tilespmem:s9+$0x10];
	v8 =	vadd.f32 v5, v8;
	(pc) =	sbr.rel @p0 .LBB2_31-.Ltmp27, $3  }
0x12b: {  	v5 =	vld [tilespmem:s9+$0x20];
	v9 =	vadd.f32 v6, v9  }
0x12c: {  	v6 =	vld [tilespmem:s9+$0x0];
	_ =	sdelay $0x1  }
0x12d: {  	s9 =	sadd.s32 $0x40, s9;
	v3 =	vadd.f32 v10, v3  }
.LBB2_32:
0x12e: {  	_ = 	snop  }
0x12f: {  	v7 =	vadd.f32 v4, v7  }
0x130: {  	v5 =	vadd.f32 v5, v8;
	v4 =	vadd.f32 v6, v9  }
.LBB2_33:
0x131: {  	(v2sf) =	vpush v1, $0x7;
	_ =	sdelay $0x2  }
0x132: {  	s8 =	scvt.s32.f32 s10;
	_ =	sdelay $0x1  }
0x133: {  	v6 =	vmov s8  }
0x134: {  	(erf) = vrcp.f32 v6;
	_ =	sdelay $0x8  }
0x135: {  	v6 =	vpop (erf);
	s10 =	spop (v2sf)  }
0x136: {  	v4 =	vmul.f32 v4, v6;
	p0 =	slt.s32 s10, $0x1  }
.Ltmp28:
0x137: {  	v7 =	vmul.f32 v7, v6;
	(pc) =	sbr.rel @p0 .LBB2_34-.Ltmp28, $4  }
0x138: {  	v63 =	vmul.f32 v5, v6;
	[tilespmem:$0x199C0] =	vst v4  }
0x139: {  	v3 =	vmul.f32 v3, v6;
	[tilespmem:$0x199D0] =	vst v7  }
0x13a: {  	[tilespmem:$0x199E0] =	vst v63  }
0x13b: {  	s9 =	simm.s32 $0x5DC0;
	[tilespmem:$0x199F0] =	vst v3  }
0x13c: {  	v3 =	vld [tilespmem:s9+$0x30];
	p0 =	sne.s32 s10, $0x1  }
.Ltmp29:
0x13d: {  	v4 =	vld [tilespmem:s9+$0x10];
	(pc) =	sbr.rel @!p0 .LBB2_37-.Ltmp29, $3  }
0x13e: {  	v5 =	vld [tilespmem:s9+$0x20]  }
0x13f: {  	v6 =	vld [tilespmem:s9+$0x0];
	_ =	sdelay $0x1  }
0x140: {  	s8 =	sadd.s32 $0xFFFFFFFF, s10;
	s9 =	sadd.s32 $0x40, s9;
	v7 =	vimm.f32 $0.0e+00;
	v8 =	vimm.f32 $0.0e+00;
	v3 =	vadd.f32 v3, v2  }
.LBB2_36:
0x141: {  	v9 =	vld [tilespmem:s9+$0x30];
	p0 =	sne.s32 s8, $0x1;
	s8 =	sadd.s32 $0xFFFFFFFF, s8;
	v2 =	vadd.f32 v4, v2  }
.Ltmp30:
0x142: {  	v4 =	vld [tilespmem:s9+$0x10];
	v7 =	vadd.f32 v5, v7;
	(pc) =	sbr.rel @p0 .LBB2_36-.Ltmp30, $3  }
0x143: {  	v5 =	vld [tilespmem:s9+$0x20];
	v8 =	vadd.f32 v6, v8  }
0x144: {  	v6 =	vld [tilespmem:s9+$0x0];
	_ =	sdelay $0x1  }
0x145: {  	s9 =	sadd.s32 $0x40, s9;
	v3 =	vadd.f32 v9, v3  }
.LBB2_37:
.Ltmp31:
0x146: {  	(pc) =	sbr.rel .LBB2_38-.Ltmp31, $3  }
0x147: {  	_ =	sdelay $0x1  }
0x148: {  	v4 =	vadd.f32 v4, v2  }
0x149: {  	v5 =	vadd.f32 v5, v7;
	v2 =	vadd.f32 v6, v8  }
.LBB2_34:
0x14a: {  	v4 =	vimm.f32 $0.0e+00;
	v5 =	vimm.f32 $0.0e+00;
	v3 =	vimm.f32 $0.0e+00  }
.LBB2_38:
0x14b: {  	(v2sf) =	vpush v1, $0x8;
	_ =	sdelay $0x2  }
0x14c: {  	s8 =	scvt.s32.f32 s10;
	_ =	sdelay $0x1  }
0x14d: {  	v6 =	vmov s8  }
0x14e: {  	(erf) = vrcp.f32 v6;
	_ =	sdelay $0x8  }
0x14f: {  	v6 =	vpop (erf);
	s10 =	spop (v2sf)  }
0x150: {  	v2 =	vmul.f32 v2, v6;
	p0 =	slt.s32 s10, $0x1  }
.Ltmp32:
0x151: {  	v4 =	vmul.f32 v4, v6;
	(pc) =	sbr.rel @p0 .LBB2_42-.Ltmp32, $4  }
0x152: {  	v3 =	vmul.f32 v3, v6;
	[tilespmem:$0x19A00] =	vst v2  }
0x153: {  	v2 =	vmul.f32 v5, v6;
	[tilespmem:$0x19A10] =	vst v4  }
0x154: {  	v7 =	vimm.f32 $0.0e+00;
	v4 =	vimm.f32 $0.0e+00;
	[tilespmem:$0x19A30] =	vst v3  }
0x155: {  	s9 =	simm.s32 $0x6A40;
	v5 =	vimm.f32 $0.0e+00;
	v3 =	vimm.f32 $0.0e+00;
	[tilespmem:$0x19A20] =	vst v2;
	v2 =	vimm.f32 $0.0e+00  }
0x156: {  	v3 =	vld [tilespmem:s9+$0x30];
	p0 =	sne.s32 s10, $0x1  }
.Ltmp33:
0x157: {  	v4 =	vld [tilespmem:s9+$0x10];
	(pc) =	sbr.rel @!p0 .LBB2_41-.Ltmp33, $4  }
0x158: {  	v5 =	vld [tilespmem:s9+$0x20]  }
0x159: {  	v6 =	vld [tilespmem:s9+$0x0]  }
0x15a: {  	v7 =	vimm.f32 $0.0e+00  }
0x15b: {  	s8 =	sadd.s32 $0xFFFFFFFF, s10;
	s9 =	sadd.s32 $0x40, s9;
	v8 =	vimm.f32 $0.0e+00;
	v9 =	vimm.f32 $0.0e+00;
	v3 =	vadd.f32 v3, v2  }
.LBB2_40:
0x15c: {  	v10 =	vld [tilespmem:s9+$0x30];
	p0 =	sne.s32 s8, $0x1;
	s8 =	sadd.s32 $0xFFFFFFFF, s8;
	v7 =	vadd.f32 v4, v7  }
.Ltmp34:
0x15d: {  	v4 =	vld [tilespmem:s9+$0x10];
	v8 =	vadd.f32 v5, v8;
	(pc) =	sbr.rel @p0 .LBB2_40-.Ltmp34, $3  }
0x15e: {  	v5 =	vld [tilespmem:s9+$0x20];
	v9 =	vadd.f32 v6, v9  }
0x15f: {  	v6 =	vld [tilespmem:s9+$0x0];
	_ =	sdelay $0x1  }
0x160: {  	s9 =	sadd.s32 $0x40, s9;
	v3 =	vadd.f32 v10, v3  }
.LBB2_41:
0x161: {  	_ = 	snop  }
0x162: {  	v7 =	vadd.f32 v4, v7  }
0x163: {  	v5 =	vadd.f32 v5, v8;
	v4 =	vadd.f32 v6, v9  }
.LBB2_42:
0x164: {  	(v2sf) =	vpush v1, $0x9;
	_ =	sdelay $0x2  }
0x165: {  	s8 =	scvt.s32.f32 s10;
	_ =	sdelay $0x1  }
0x166: {  	v6 =	vmov s8  }
0x167: {  	(erf) = vrcp.f32 v6;
	_ =	sdelay $0x8  }
0x168: {  	v6 =	vpop (erf);
	s10 =	spop (v2sf)  }
0x169: {  	v4 =	vmul.f32 v4, v6;
	p0 =	slt.s32 s10, $0x1  }
.Ltmp35:
0x16a: {  	v7 =	vmul.f32 v7, v6;
	(pc) =	sbr.rel @p0 .LBB2_43-.Ltmp35, $4  }
0x16b: {  	v63 =	vmul.f32 v5, v6;
	[tilespmem:$0x19A40] =	vst v4  }
0x16c: {  	v3 =	vmul.f32 v3, v6;
	[tilespmem:$0x19A50] =	vst v7  }
0x16d: {  	[tilespmem:$0x19A60] =	vst v63  }
0x16e: {  	s9 =	simm.s32 $0x76C0;
	[tilespmem:$0x19A70] =	vst v3  }
0x16f: {  	v3 =	vld [tilespmem:s9+$0x30];
	p0 =	sne.s32 s10, $0x1  }
.Ltmp36:
0x170: {  	v4 =	vld [tilespmem:s9+$0x10];
	(pc) =	sbr.rel @!p0 .LBB2_46-.Ltmp36, $3  }
0x171: {  	v5 =	vld [tilespmem:s9+$0x20]  }
0x172: {  	v6 =	vld [tilespmem:s9+$0x0];
	_ =	sdelay $0x1  }
0x173: {  	s8 =	sadd.s32 $0xFFFFFFFF, s10;
	s9 =	sadd.s32 $0x40, s9;
	v7 =	vimm.f32 $0.0e+00;
	v8 =	vimm.f32 $0.0e+00;
	v3 =	vadd.f32 v3, v2  }
.LBB2_45:
0x174: {  	v9 =	vld [tilespmem:s9+$0x30];
	p0 =	sne.s32 s8, $0x1;
	s8 =	sadd.s32 $0xFFFFFFFF, s8;
	v2 =	vadd.f32 v4, v2  }
.Ltmp37:
0x175: {  	v4 =	vld [tilespmem:s9+$0x10];
	v7 =	vadd.f32 v5, v7;
	(pc) =	sbr.rel @p0 .LBB2_45-.Ltmp37, $3  }
0x176: {  	v5 =	vld [tilespmem:s9+$0x20];
	v8 =	vadd.f32 v6, v8  }
0x177: {  	v6 =	vld [tilespmem:s9+$0x0];
	_ =	sdelay $0x1  }
0x178: {  	s9 =	sadd.s32 $0x40, s9;
	v3 =	vadd.f32 v9, v3  }
.LBB2_46:
.Ltmp38:
0x179: {  	(pc) =	sbr.rel .LBB2_47-.Ltmp38, $3  }
0x17a: {  	_ =	sdelay $0x1  }
0x17b: {  	v4 =	vadd.f32 v4, v2  }
0x17c: {  	v5 =	vadd.f32 v5, v7;
	v2 =	vadd.f32 v6, v8  }
.LBB2_43:
0x17d: {  	v4 =	vimm.f32 $0.0e+00;
	v5 =	vimm.f32 $0.0e+00;
	v3 =	vimm.f32 $0.0e+00  }
.LBB2_47:
0x17e: {  	(v2sf) =	vpush v1, $0xA;
	_ =	sdelay $0x2  }
0x17f: {  	s8 =	scvt.s32.f32 s10;
	_ =	sdelay $0x1  }
0x180: {  	v6 =	vmov s8  }
0x181: {  	(erf) = vrcp.f32 v6;
	_ =	sdelay $0x8  }
0x182: {  	v6 =	vpop (erf);
	s10 =	spop (v2sf)  }
0x183: {  	v2 =	vmul.f32 v2, v6;
	p0 =	slt.s32 s10, $0x1  }
.Ltmp39:
0x184: {  	v4 =	vmul.f32 v4, v6;
	(pc) =	sbr.rel @p0 .LBB2_51-.Ltmp39, $4  }
0x185: {  	v3 =	vmul.f32 v3, v6;
	[tilespmem:$0x19A80] =	vst v2  }
0x186: {  	v2 =	vmul.f32 v5, v6;
	[tilespmem:$0x19A90] =	vst v4  }
0x187: {  	v7 =	vimm.f32 $0.0e+00;
	v4 =	vimm.f32 $0.0e+00;
	[tilespmem:$0x19AB0] =	vst v3  }
0x188: {  	s9 =	simm.s32 $0x8340;
	v5 =	vimm.f32 $0.0e+00;
	v3 =	vimm.f32 $0.0e+00;
	[tilespmem:$0x19AA0] =	vst v2;
	v2 =	vimm.f32 $0.0e+00  }
0x189: {  	v3 =	vld [tilespmem:s9+$0x30];
	p0 =	sne.s32 s10, $0x1  }
.Ltmp40:
0x18a: {  	v4 =	vld [tilespmem:s9+$0x10];
	(pc) =	sbr.rel @!p0 .LBB2_50-.Ltmp40, $4  }
0x18b: {  	v5 =	vld [tilespmem:s9+$0x20]  }
0x18c: {  	v6 =	vld [tilespmem:s9+$0x0]  }
0x18d: {  	v7 =	vimm.f32 $0.0e+00  }
0x18e: {  	s8 =	sadd.s32 $0xFFFFFFFF, s10;
	s9 =	sadd.s32 $0x40, s9;
	v8 =	vimm.f32 $0.0e+00;
	v9 =	vimm.f32 $0.0e+00;
	v3 =	vadd.f32 v3, v2  }
.LBB2_49:
0x18f: {  	v10 =	vld [tilespmem:s9+$0x30];
	p0 =	sne.s32 s8, $0x1;
	s8 =	sadd.s32 $0xFFFFFFFF, s8;
	v7 =	vadd.f32 v4, v7  }
.Ltmp41:
0x190: {  	v4 =	vld [tilespmem:s9+$0x10];
	v8 =	vadd.f32 v5, v8;
	(pc) =	sbr.rel @p0 .LBB2_49-.Ltmp41, $3  }
0x191: {  	v5 =	vld [tilespmem:s9+$0x20];
	v9 =	vadd.f32 v6, v9  }
0x192: {  	v6 =	vld [tilespmem:s9+$0x0];
	_ =	sdelay $0x1  }
0x193: {  	s9 =	sadd.s32 $0x40, s9;
	v3 =	vadd.f32 v10, v3  }
.LBB2_50:
0x194: {  	_ = 	snop  }
0x195: {  	v7 =	vadd.f32 v4, v7  }
0x196: {  	v5 =	vadd.f32 v5, v8;
	v4 =	vadd.f32 v6, v9  }
.LBB2_51:
0x197: {  	(v2sf) =	vpush v1, $0xB;
	_ =	sdelay $0x2  }
0x198: {  	s8 =	scvt.s32.f32 s10;
	_ =	sdelay $0x1  }
0x199: {  	v6 =	vmov s8  }
0x19a: {  	(erf) = vrcp.f32 v6;
	_ =	sdelay $0x8  }
0x19b: {  	v6 =	vpop (erf);
	s10 =	spop (v2sf)  }
0x19c: {  	v4 =	vmul.f32 v4, v6;
	p0 =	slt.s32 s10, $0x1  }
.Ltmp42:
0x19d: {  	v7 =	vmul.f32 v7, v6;
	(pc) =	sbr.rel @p0 .LBB2_52-.Ltmp42, $4  }
0x19e: {  	v63 =	vmul.f32 v5, v6;
	[tilespmem:$0x19AC0] =	vst v4  }
0x19f: {  	v3 =	vmul.f32 v3, v6;
	[tilespmem:$0x19AD0] =	vst v7  }
0x1a0: {  	[tilespmem:$0x19AE0] =	vst v63  }
0x1a1: {  	s9 =	simm.s32 $0x8FC0;
	[tilespmem:$0x19AF0] =	vst v3  }
0x1a2: {  	v3 =	vld [tilespmem:s9+$0x30];
	p0 =	sne.s32 s10, $0x1  }
.Ltmp43:
0x1a3: {  	v4 =	vld [tilespmem:s9+$0x10];
	(pc) =	sbr.rel @!p0 .LBB2_55-.Ltmp43, $3  }
0x1a4: {  	v5 =	vld [tilespmem:s9+$0x20]  }
0x1a5: {  	v6 =	vld [tilespmem:s9+$0x0];
	_ =	sdelay $0x1  }
0x1a6: {  	s8 =	sadd.s32 $0xFFFFFFFF, s10;
	s9 =	sadd.s32 $0x40, s9;
	v7 =	vimm.f32 $0.0e+00;
	v8 =	vimm.f32 $0.0e+00;
	v3 =	vadd.f32 v3, v2  }
.LBB2_54:
0x1a7: {  	v9 =	vld [tilespmem:s9+$0x30];
	p0 =	sne.s32 s8, $0x1;
	s8 =	sadd.s32 $0xFFFFFFFF, s8;
	v2 =	vadd.f32 v4, v2  }
.Ltmp44:
0x1a8: {  	v4 =	vld [tilespmem:s9+$0x10];
	v7 =	vadd.f32 v5, v7;
	(pc) =	sbr.rel @p0 .LBB2_54-.Ltmp44, $3  }
0x1a9: {  	v5 =	vld [tilespmem:s9+$0x20];
	v8 =	vadd.f32 v6, v8  }
0x1aa: {  	v6 =	vld [tilespmem:s9+$0x0];
	_ =	sdelay $0x1  }
0x1ab: {  	s9 =	sadd.s32 $0x40, s9;
	v3 =	vadd.f32 v9, v3  }
.LBB2_55:
.Ltmp45:
0x1ac: {  	(pc) =	sbr.rel .LBB2_56-.Ltmp45, $3  }
0x1ad: {  	_ =	sdelay $0x1  }
0x1ae: {  	v4 =	vadd.f32 v4, v2  }
0x1af: {  	v5 =	vadd.f32 v5, v7;
	v2 =	vadd.f32 v6, v8  }
.LBB2_52:
0x1b0: {  	v4 =	vimm.f32 $0.0e+00;
	v5 =	vimm.f32 $0.0e+00;
	v3 =	vimm.f32 $0.0e+00  }
.LBB2_56:
0x1b1: {  	(v2sf) =	vpush v1, $0xC;
	_ =	sdelay $0x2  }
0x1b2: {  	s8 =	scvt.s32.f32 s10;
	_ =	sdelay $0x1  }
0x1b3: {  	v6 =	vmov s8  }
0x1b4: {  	(erf) = vrcp.f32 v6;
	_ =	sdelay $0x8  }
0x1b5: {  	v6 =	vpop (erf);
	s10 =	spop (v2sf)  }
0x1b6: {  	v2 =	vmul.f32 v2, v6;
	p0 =	slt.s32 s10, $0x1  }
.Ltmp46:
0x1b7: {  	v4 =	vmul.f32 v4, v6;
	(pc) =	sbr.rel @p0 .LBB2_60-.Ltmp46, $4  }
0x1b8: {  	v3 =	vmul.f32 v3, v6;
	[tilespmem:$0x19B00] =	vst v2  }
0x1b9: {  	v2 =	vmul.f32 v5, v6;
	[tilespmem:$0x19B10] =	vst v4  }
0x1ba: {  	v7 =	vimm.f32 $0.0e+00;
	v4 =	vimm.f32 $0.0e+00;
	[tilespmem:$0x19B30] =	vst v3  }
0x1bb: {  	s9 =	simm.s32 $0x9C40;
	v5 =	vimm.f32 $0.0e+00;
	v3 =	vimm.f32 $0.0e+00;
	[tilespmem:$0x19B20] =	vst v2;
	v2 =	vimm.f32 $0.0e+00  }
0x1bc: {  	v3 =	vld [tilespmem:s9+$0x30];
	p0 =	sne.s32 s10, $0x1  }
.Ltmp47:
0x1bd: {  	v4 =	vld [tilespmem:s9+$0x10];
	(pc) =	sbr.rel @!p0 .LBB2_59-.Ltmp47, $4  }
0x1be: {  	v5 =	vld [tilespmem:s9+$0x20]  }
0x1bf: {  	v6 =	vld [tilespmem:s9+$0x0]  }
0x1c0: {  	v7 =	vimm.f32 $0.0e+00  }
0x1c1: {  	s8 =	sadd.s32 $0xFFFFFFFF, s10;
	s9 =	sadd.s32 $0x40, s9;
	v8 =	vimm.f32 $0.0e+00;
	v9 =	vimm.f32 $0.0e+00;
	v3 =	vadd.f32 v3, v2  }
.LBB2_58:
0x1c2: {  	v10 =	vld [tilespmem:s9+$0x30];
	p0 =	sne.s32 s8, $0x1;
	s8 =	sadd.s32 $0xFFFFFFFF, s8;
	v7 =	vadd.f32 v4, v7  }
.Ltmp48:
0x1c3: {  	v4 =	vld [tilespmem:s9+$0x10];
	v8 =	vadd.f32 v5, v8;
	(pc) =	sbr.rel @p0 .LBB2_58-.Ltmp48, $3  }
0x1c4: {  	v5 =	vld [tilespmem:s9+$0x20];
	v9 =	vadd.f32 v6, v9  }
0x1c5: {  	v6 =	vld [tilespmem:s9+$0x0];
	_ =	sdelay $0x1  }
0x1c6: {  	s9 =	sadd.s32 $0x40, s9;
	v3 =	vadd.f32 v10, v3  }
.LBB2_59:
0x1c7: {  	_ = 	snop  }
0x1c8: {  	v7 =	vadd.f32 v4, v7  }
0x1c9: {  	v5 =	vadd.f32 v5, v8;
	v4 =	vadd.f32 v6, v9  }
.LBB2_60:
0x1ca: {  	(v2sf) =	vpush v1, $0xD;
	_ =	sdelay $0x2  }
0x1cb: {  	s8 =	scvt.s32.f32 s10;
	_ =	sdelay $0x1  }
0x1cc: {  	v6 =	vmov s8  }
0x1cd: {  	(erf) = vrcp.f32 v6;
	_ =	sdelay $0x8  }
0x1ce: {  	v6 =	vpop (erf);
	s10 =	spop (v2sf)  }
0x1cf: {  	v4 =	vmul.f32 v4, v6;
	p0 =	slt.s32 s10, $0x1  }
.Ltmp49:
0x1d0: {  	v7 =	vmul.f32 v7, v6;
	(pc) =	sbr.rel @p0 .LBB2_61-.Ltmp49, $4  }
0x1d1: {  	v63 =	vmul.f32 v5, v6;
	[tilespmem:$0x19B40] =	vst v4  }
0x1d2: {  	v3 =	vmul.f32 v3, v6;
	[tilespmem:$0x19B50] =	vst v7  }
0x1d3: {  	[tilespmem:$0x19B60] =	vst v63  }
0x1d4: {  	s9 =	simm.s32 $0xA8C0;
	[tilespmem:$0x19B70] =	vst v3  }
0x1d5: {  	v3 =	vld [tilespmem:s9+$0x30];
	p0 =	sne.s32 s10, $0x1  }
.Ltmp50:
0x1d6: {  	v4 =	vld [tilespmem:s9+$0x10];
	(pc) =	sbr.rel @!p0 .LBB2_64-.Ltmp50, $3  }
0x1d7: {  	v5 =	vld [tilespmem:s9+$0x20]  }
0x1d8: {  	v6 =	vld [tilespmem:s9+$0x0];
	_ =	sdelay $0x1  }
0x1d9: {  	s8 =	sadd.s32 $0xFFFFFFFF, s10;
	s9 =	sadd.s32 $0x40, s9;
	v7 =	vimm.f32 $0.0e+00;
	v8 =	vimm.f32 $0.0e+00;
	v3 =	vadd.f32 v3, v2  }
.LBB2_63:
0x1da: {  	v9 =	vld [tilespmem:s9+$0x30];
	p0 =	sne.s32 s8, $0x1;
	s8 =	sadd.s32 $0xFFFFFFFF, s8;
	v2 =	vadd.f32 v4, v2  }
.Ltmp51:
0x1db: {  	v4 =	vld [tilespmem:s9+$0x10];
	v7 =	vadd.f32 v5, v7;
	(pc) =	sbr.rel @p0 .LBB2_63-.Ltmp51, $3  }
0x1dc: {  	v5 =	vld [tilespmem:s9+$0x20];
	v8 =	vadd.f32 v6, v8  }
0x1dd: {  	v6 =	vld [tilespmem:s9+$0x0];
	_ =	sdelay $0x1  }
0x1de: {  	s9 =	sadd.s32 $0x40, s9;
	v3 =	vadd.f32 v9, v3  }
.LBB2_64:
.Ltmp52:
0x1df: {  	(pc) =	sbr.rel .LBB2_65-.Ltmp52, $3  }
0x1e0: {  	_ =	sdelay $0x1  }
0x1e1: {  	v4 =	vadd.f32 v4, v2  }
0x1e2: {  	v5 =	vadd.f32 v5, v7;
	v2 =	vadd.f32 v6, v8  }
.LBB2_61:
0x1e3: {  	v4 =	vimm.f32 $0.0e+00;
	v5 =	vimm.f32 $0.0e+00;
	v3 =	vimm.f32 $0.0e+00  }
.LBB2_65:
0x1e4: {  	(v2sf) =	vpush v1, $0xE;
	_ =	sdelay $0x2  }
0x1e5: {  	s8 =	scvt.s32.f32 s10;
	_ =	sdelay $0x1  }
0x1e6: {  	v6 =	vmov s8  }
0x1e7: {  	(erf) = vrcp.f32 v6;
	_ =	sdelay $0x8  }
0x1e8: {  	v6 =	vpop (erf);
	s10 =	spop (v2sf)  }
0x1e9: {  	v2 =	vmul.f32 v2, v6;
	p0 =	slt.s32 s10, $0x1  }
.Ltmp53:
0x1ea: {  	v4 =	vmul.f32 v4, v6;
	(pc) =	sbr.rel @p0 .LBB2_69-.Ltmp53, $4  }
0x1eb: {  	v3 =	vmul.f32 v3, v6;
	[tilespmem:$0x19B80] =	vst v2  }
0x1ec: {  	v2 =	vmul.f32 v5, v6;
	[tilespmem:$0x19B90] =	vst v4  }
0x1ed: {  	v7 =	vimm.f32 $0.0e+00;
	v4 =	vimm.f32 $0.0e+00;
	[tilespmem:$0x19BB0] =	vst v3  }
0x1ee: {  	s9 =	simm.s32 $0xB540;
	v5 =	vimm.f32 $0.0e+00;
	v3 =	vimm.f32 $0.0e+00;
	[tilespmem:$0x19BA0] =	vst v2;
	v2 =	vimm.f32 $0.0e+00  }
0x1ef: {  	v3 =	vld [tilespmem:s9+$0x30];
	p0 =	sne.s32 s10, $0x1  }
.Ltmp54:
0x1f0: {  	v4 =	vld [tilespmem:s9+$0x10];
	(pc) =	sbr.rel @!p0 .LBB2_68-.Ltmp54, $4  }
0x1f1: {  	v5 =	vld [tilespmem:s9+$0x20]  }
0x1f2: {  	v6 =	vld [tilespmem:s9+$0x0]  }
0x1f3: {  	v7 =	vimm.f32 $0.0e+00  }
0x1f4: {  	s8 =	sadd.s32 $0xFFFFFFFF, s10;
	s9 =	sadd.s32 $0x40, s9;
	v8 =	vimm.f32 $0.0e+00;
	v9 =	vimm.f32 $0.0e+00;
	v3 =	vadd.f32 v3, v2  }
.LBB2_67:
0x1f5: {  	v10 =	vld [tilespmem:s9+$0x30];
	p0 =	sne.s32 s8, $0x1;
	s8 =	sadd.s32 $0xFFFFFFFF, s8;
	v7 =	vadd.f32 v4, v7  }
.Ltmp55:
0x1f6: {  	v4 =	vld [tilespmem:s9+$0x10];
	v8 =	vadd.f32 v5, v8;
	(pc) =	sbr.rel @p0 .LBB2_67-.Ltmp55, $3  }
0x1f7: {  	v5 =	vld [tilespmem:s9+$0x20];
	v9 =	vadd.f32 v6, v9  }
0x1f8: {  	v6 =	vld [tilespmem:s9+$0x0];
	_ =	sdelay $0x1  }
0x1f9: {  	s9 =	sadd.s32 $0x40, s9;
	v3 =	vadd.f32 v10, v3  }
.LBB2_68:
0x1fa: {  	_ = 	snop  }
0x1fb: {  	v7 =	vadd.f32 v4, v7  }
0x1fc: {  	v5 =	vadd.f32 v5, v8;
	v4 =	vadd.f32 v6, v9  }
.LBB2_69:
0x1fd: {  	(v2sf) =	vpush v1, $0xF;
	_ =	sdelay $0x2  }
0x1fe: {  	s8 =	scvt.s32.f32 s10;
	_ =	sdelay $0x1  }
0x1ff: {  	v1 =	vmov s8  }
0x200: {  	(erf) = vrcp.f32 v1;
	_ =	sdelay $0x8  }
0x201: {  	v1 =	vpop (erf);
	s10 =	spop (v2sf)  }
0x202: {  	v4 =	vmul.f32 v4, v1;
	p0 =	slt.s32 s10, $0x1  }
.Ltmp56:
0x203: {  	v6 =	vmul.f32 v7, v1;
	(pc) =	sbr.rel @p0 .LBB2_70-.Ltmp56, $4  }
0x204: {  	v63 =	vmul.f32 v5, v1;
	[tilespmem:$0x19BC0] =	vst v4  }
0x205: {  	v1 =	vmul.f32 v3, v1;
	[tilespmem:$0x19BD0] =	vst v6  }
0x206: {  	[tilespmem:$0x19BE0] =	vst v63  }
0x207: {  	s9 =	simm.s32 $0xC1C0;
	[tilespmem:$0x19BF0] =	vst v1  }
0x208: {  	v1 =	vld [tilespmem:s9+$0x30];
	p0 =	sne.s32 s10, $0x1  }
.Ltmp57:
0x209: {  	v3 =	vld [tilespmem:s9+$0x10];
	(pc) =	sbr.rel @!p0 .LBB2_73-.Ltmp57, $3  }
0x20a: {  	v4 =	vld [tilespmem:s9+$0x20]  }
0x20b: {  	v5 =	vld [tilespmem:s9+$0x0];
	_ =	sdelay $0x1  }
0x20c: {  	s8 =	sadd.s32 $0xFFFFFFFF, s10;
	s9 =	sadd.s32 $0x40, s9;
	v6 =	vimm.f32 $0.0e+00;
	v7 =	vimm.f32 $0.0e+00;
	v1 =	vadd.f32 v1, v2  }
.LBB2_72:
0x20d: {  	v8 =	vld [tilespmem:s9+$0x30];
	p0 =	sne.s32 s8, $0x1;
	s8 =	sadd.s32 $0xFFFFFFFF, s8;
	v2 =	vadd.f32 v3, v2  }
.Ltmp58:
0x20e: {  	v3 =	vld [tilespmem:s9+$0x10];
	v6 =	vadd.f32 v4, v6;
	(pc) =	sbr.rel @p0 .LBB2_72-.Ltmp58, $3  }
0x20f: {  	v4 =	vld [tilespmem:s9+$0x20];
	v7 =	vadd.f32 v5, v7  }
0x210: {  	v5 =	vld [tilespmem:s9+$0x0];
	_ =	sdelay $0x1  }
0x211: {  	s9 =	sadd.s32 $0x40, s9;
	v1 =	vadd.f32 v8, v1  }
.LBB2_73:
.Ltmp59:
0x212: {  	(pc) =	sbr.rel .LBB2_74-.Ltmp59, $3  }
0x213: {  	_ =	sdelay $0x1  }
0x214: {  	v3 =	vadd.f32 v3, v2  }
0x215: {  	v4 =	vadd.f32 v4, v6;
	v2 =	vadd.f32 v5, v7  }
.LBB2_70:
0x216: {  	v3 =	vimm.f32 $0.0e+00;
	v4 =	vimm.f32 $0.0e+00;
	v1 =	vimm.f32 $0.0e+00  }
.LBB2_74:
0x217: {  	s8 =	scvt.s32.f32 s10;
	_ =	sdelay $0x1  }
0x218: {  	v5 =	vmov s8  }
0x219: {  	(erf) = vrcp.f32 v5;
	_ =	sdelay $0x8  }
0x21a: {  	v5 =	vpop (erf)  }
0x21b: {  	v2 =	vmul.f32 v2, v5  }
0x21c: {  	v3 =	vmul.f32 v3, v5  }
0x21d: {  	v1 =	vmul.f32 v1, v5;
	[tilespmem:$0x19C00] =	vst v2  }
0x21e: {  	v2 =	vmul.f32 v4, v5;
	[tilespmem:$0x19C10] =	vst v3  }
0x21f: {  	[tilespmem:$0x19C30] =	vst v1  }
0x220: {  	[tilespmem:$0x19C20] =	vst v2  }
0x221: {  	_ =	swait.ge [sflag:s29], $0x1400  }
0x222: {  	[sflag:s29] =	ssyncset.done $0x0  }
0x223: {  	[sflag:s29] =	ssyncadd.s32 $0xFFFFEC00  }
0x224: {  	_ =	swait.ge [sflag:s29], $0x1400  }
0x225: {  	[sflag:s29] =	ssyncset.done $0x0  }
0x226: {  	[sflag:s29] =	ssyncadd.s32 $0xFFFFEC00  }
0x227: {  	_ =	swait.ge [sflag:s29], $0x1400  }
0x228: {  	[sflag:s29] =	ssyncset.done $0x0  }
0x229: {  	[sflag:s29] =	ssyncadd.s32 $0xFFFFEC00  }
0x22a: {  	_ =	swait.ge [sflag:s29], $0x1400  }
0x22b: {  	[sflag:s29] =	ssyncset.done $0x0  }
0x22c: {  	[sflag:s29] =	ssyncadd.s32 $0xFFFFEC00  }
0x22d: {  	_ =	swait.ge [sflag:s29], $0x1400  }
0x22e: {  	[sflag:s29] =	ssyncset.done $0x0  }
0x22f: {  	[sflag:s29] =	ssyncadd.s32 $0xFFFFEC00  }
0x230: {  	_ =	swait.ge [sflag:s29], $0x1400  }
0x231: {  	[sflag:s29] =	ssyncset.done $0x0  }
0x232: {  	[sflag:s29] =	ssyncadd.s32 $0xFFFFEC00  }
0x233: {  	_ =	swait.ge [sflag:s29], $0x1400  }
0x234: {  	[sflag:s29] =	ssyncset.done $0x0  }
0x235: {  	[sflag:s29] =	ssyncadd.s32 $0xFFFFEC00  }
0x236: {  	_ =	swait.ge [sflag:s29], $0x1400  }
0x237: {  	[sflag:s29] =	ssyncset.done $0x0  }
0x238: {  	[sflag:s29] =	ssyncadd.s32 $0xFFFFEC00  }
0x239: {  	_ =	swait.ge [sflag:s29], $0x1400  }
0x23a: {  	[sflag:s29] =	ssyncset.done $0x0  }
0x23b: {  	[sflag:s29] =	ssyncadd.s32 $0xFFFFEC00  }
0x23c: {  	_ =	swait.ge [sflag:s29], $0x1400  }
0x23d: {  	(v2sf) =	vpush v0, $0x0;
	_ =	sdelay $0xc  }
0x23e: {  	s10 =	smul.u32 $0xC80, s3;
	_ =	sdelay $0x1  }
0x23f: {  	s8 =	sshrl.u32 s10, $0x3;
	s10 =	spop (v2sf)  }
0x240: {  	p0 =	slt.s32 s10, $0x1  }
.Ltmp60:
0x241: {  	_ = 	snop;
	(pc) =	sbr.rel @p0 .LBB2_78-.Ltmp60, $4  }
0x242: {  	_ = 	snop  }
0x243: {  	s8 =	sadd.s32 s1, s8;
	[sflag:s29] =	ssyncset.done $0x0  }
0x244: {  	s9 =	simm.s32 $0xCE40;
	s8 =	sadd.s32 $0x1900, s8;
	v1 =	vimm.f32 $0.0e+00;
	v5 =	vimm.f32 $0.0e+00;
	[sflag:s29] =	ssyncadd.s32 $0xFFFFEC00  }
0x245: {  	v3 =	vimm.f32 $0.0e+00;
	v4 =	vimm.f32 $0.0e+00;
	v2 =	vimm.f32 $0.0e+00;
	[hbm4b:s8+s4] =	stream.linear.scatter [tilespmem:s9], [sflag:$0x2], $0xC800, $0x38;
	[tilespmem:$0x1A040] =	vst v63  }
0x246: {  	v2 =	vld [tilespmem:s9+$0x30];
	p0 =	sne.s32 s10, $0x1  }
.Ltmp61:
0x247: {  	v3 =	vld [tilespmem:s9+$0x10];
	(pc) =	sbr.rel @!p0 .LBB2_77-.Ltmp61, $4  }
0x248: {  	v4 =	vld [tilespmem:s9+$0x20]  }
0x249: {  	v5 =	vld [tilespmem:s9+$0x0]  }
0x24a: {  	v6 =	vimm.f32 $0.0e+00  }
0x24b: {  	s8 =	sadd.s32 $0xFFFFFFFF, s10;
	s9 =	sadd.s32 $0x40, s9;
	v7 =	vimm.f32 $0.0e+00;
	v8 =	vimm.f32 $0.0e+00;
	v2 =	vadd.f32 v2, v1  }
.LBB2_76:
0x24c: {  	v9 =	vld [tilespmem:s9+$0x30];
	p0 =	sne.s32 s8, $0x1;
	s8 =	sadd.s32 $0xFFFFFFFF, s8;
	v6 =	vadd.f32 v3, v6  }
.Ltmp62:
0x24d: {  	v3 =	vld [tilespmem:s9+$0x10];
	v7 =	vadd.f32 v4, v7;
	(pc) =	sbr.rel @p0 .LBB2_76-.Ltmp62, $3  }
0x24e: {  	v4 =	vld [tilespmem:s9+$0x20];
	v8 =	vadd.f32 v5, v8  }
0x24f: {  	v5 =	vld [tilespmem:s9+$0x0];
	_ =	sdelay $0x1  }
0x250: {  	s9 =	sadd.s32 $0x40, s9;
	v2 =	vadd.f32 v9, v2  }
.LBB2_77:
0x251: {  	_ = 	snop  }
0x252: {  	v3 =	vadd.f32 v3, v6  }
0x253: {  	v4 =	vadd.f32 v4, v7;
	v5 =	vadd.f32 v5, v8  }
.LBB2_78:
0x254: {  	(v2sf) =	vpush v0, $0x1;
	_ =	sdelay $0x2  }
0x255: {  	s8 =	scvt.s32.f32 s10;
	_ =	sdelay $0x1  }
0x256: {  	v6 =	vmov s8  }
0x257: {  	(erf) = vrcp.f32 v6;
	_ =	sdelay $0x8  }
0x258: {  	v6 =	vpop (erf);
	s10 =	spop (v2sf)  }
0x259: {  	v5 =	vmul.f32 v5, v6;
	p0 =	slt.s32 s10, $0x1  }
.Ltmp63:
0x25a: {  	v3 =	vmul.f32 v3, v6;
	(pc) =	sbr.rel @p0 .LBB2_79-.Ltmp63, $4  }
0x25b: {  	v4 =	vmul.f32 v4, v6;
	[tilespmem:$0x19C40] =	vst v5  }
0x25c: {  	v2 =	vmul.f32 v2, v6;
	[tilespmem:$0x19C50] =	vst v3  }
0x25d: {  	[tilespmem:$0x19C60] =	vst v4  }
0x25e: {  	s9 =	simm.s32 $0xDAC0;
	[tilespmem:$0x19C70] =	vst v2  }
0x25f: {  	v2 =	vld [tilespmem:s9+$0x30];
	p0 =	sne.s32 s10, $0x1  }
.Ltmp64:
0x260: {  	v3 =	vld [tilespmem:s9+$0x10];
	(pc) =	sbr.rel @!p0 .LBB2_82-.Ltmp64, $3  }
0x261: {  	v4 =	vld [tilespmem:s9+$0x20]  }
0x262: {  	v5 =	vld [tilespmem:s9+$0x0];
	_ =	sdelay $0x1  }
0x263: {  	s8 =	sadd.s32 $0xFFFFFFFF, s10;
	s9 =	sadd.s32 $0x40, s9;
	v6 =	vimm.f32 $0.0e+00;
	v7 =	vimm.f32 $0.0e+00;
	v2 =	vadd.f32 v2, v1  }
.LBB2_81:
0x264: {  	v8 =	vld [tilespmem:s9+$0x30];
	p0 =	sne.s32 s8, $0x1;
	s8 =	sadd.s32 $0xFFFFFFFF, s8;
	v1 =	vadd.f32 v3, v1  }
.Ltmp65:
0x265: {  	v3 =	vld [tilespmem:s9+$0x10];
	v6 =	vadd.f32 v4, v6;
	(pc) =	sbr.rel @p0 .LBB2_81-.Ltmp65, $3  }
0x266: {  	v4 =	vld [tilespmem:s9+$0x20];
	v7 =	vadd.f32 v5, v7  }
0x267: {  	v5 =	vld [tilespmem:s9+$0x0];
	_ =	sdelay $0x1  }
0x268: {  	s9 =	sadd.s32 $0x40, s9;
	v2 =	vadd.f32 v8, v2  }
.LBB2_82:
.Ltmp66:
0x269: {  	(pc) =	sbr.rel .LBB2_83-.Ltmp66, $3  }
0x26a: {  	_ =	sdelay $0x1  }
0x26b: {  	v3 =	vadd.f32 v3, v1  }
0x26c: {  	v4 =	vadd.f32 v4, v6;
	v1 =	vadd.f32 v5, v7  }
.LBB2_79:
0x26d: {  	v3 =	vimm.f32 $0.0e+00;
	v4 =	vimm.f32 $0.0e+00;
	v2 =	vimm.f32 $0.0e+00  }
.LBB2_83:
0x26e: {  	(v2sf) =	vpush v0, $0x2;
	_ =	sdelay $0x2  }
0x26f: {  	s8 =	scvt.s32.f32 s10;
	_ =	sdelay $0x1  }
0x270: {  	v5 =	vmov s8  }
0x271: {  	(erf) = vrcp.f32 v5;
	_ =	sdelay $0x8  }
0x272: {  	v5 =	vpop (erf);
	s10 =	spop (v2sf)  }
0x273: {  	v1 =	vmul.f32 v1, v5;
	p0 =	slt.s32 s10, $0x1  }
.Ltmp67:
0x274: {  	v3 =	vmul.f32 v3, v5;
	(pc) =	sbr.rel @p0 .LBB2_87-.Ltmp67, $4  }
0x275: {  	v2 =	vmul.f32 v2, v5;
	[tilespmem:$0x19C80] =	vst v1  }
0x276: {  	v1 =	vmul.f32 v4, v5;
	[tilespmem:$0x19C90] =	vst v3  }
0x277: {  	v6 =	vimm.f32 $0.0e+00;
	v3 =	vimm.f32 $0.0e+00;
	[tilespmem:$0x19CB0] =	vst v2  }
0x278: {  	s9 =	simm.s32 $0xE740;
	v4 =	vimm.f32 $0.0e+00;
	v2 =	vimm.f32 $0.0e+00;
	[tilespmem:$0x19CA0] =	vst v1;
	v1 =	vimm.f32 $0.0e+00  }
0x279: {  	v2 =	vld [tilespmem:s9+$0x30];
	p0 =	sne.s32 s10, $0x1  }
.Ltmp68:
0x27a: {  	v3 =	vld [tilespmem:s9+$0x10];
	(pc) =	sbr.rel @!p0 .LBB2_86-.Ltmp68, $4  }
0x27b: {  	v4 =	vld [tilespmem:s9+$0x20]  }
0x27c: {  	v5 =	vld [tilespmem:s9+$0x0]  }
0x27d: {  	v6 =	vimm.f32 $0.0e+00  }
0x27e: {  	s8 =	sadd.s32 $0xFFFFFFFF, s10;
	s9 =	sadd.s32 $0x40, s9;
	v7 =	vimm.f32 $0.0e+00;
	v8 =	vimm.f32 $0.0e+00;
	v2 =	vadd.f32 v2, v1  }
.LBB2_85:
0x27f: {  	v9 =	vld [tilespmem:s9+$0x30];
	p0 =	sne.s32 s8, $0x1;
	s8 =	sadd.s32 $0xFFFFFFFF, s8;
	v6 =	vadd.f32 v3, v6  }
.Ltmp69:
0x280: {  	v3 =	vld [tilespmem:s9+$0x10];
	v7 =	vadd.f32 v4, v7;
	(pc) =	sbr.rel @p0 .LBB2_85-.Ltmp69, $3  }
0x281: {  	v4 =	vld [tilespmem:s9+$0x20];
	v8 =	vadd.f32 v5, v8  }
0x282: {  	v5 =	vld [tilespmem:s9+$0x0];
	_ =	sdelay $0x1  }
0x283: {  	s9 =	sadd.s32 $0x40, s9;
	v2 =	vadd.f32 v9, v2  }
.LBB2_86:
0x284: {  	_ = 	snop  }
0x285: {  	v6 =	vadd.f32 v3, v6  }
0x286: {  	v4 =	vadd.f32 v4, v7;
	v3 =	vadd.f32 v5, v8  }
.LBB2_87:
0x287: {  	(v2sf) =	vpush v0, $0x3;
	_ =	sdelay $0x2  }
0x288: {  	s8 =	scvt.s32.f32 s10;
	_ =	sdelay $0x1  }
0x289: {  	v5 =	vmov s8  }
0x28a: {  	(erf) = vrcp.f32 v5;
	_ =	sdelay $0x8  }
0x28b: {  	v5 =	vpop (erf);
	s10 =	spop (v2sf)  }
0x28c: {  	v3 =	vmul.f32 v3, v5;
	p0 =	slt.s32 s10, $0x1  }
.Ltmp70:
0x28d: {  	v6 =	vmul.f32 v6, v5;
	(pc) =	sbr.rel @p0 .LBB2_88-.Ltmp70, $4  }
0x28e: {  	v2 =	vmul.f32 v2, v5;
	[tilespmem:$0x19CC0] =	vst v3  }
0x28f: {  	v3 =	vmul.f32 v4, v5;
	[tilespmem:$0x19CD0] =	vst v6  }
0x290: {  	[tilespmem:$0x19CF0] =	vst v2  }
0x291: {  	s9 =	simm.s32 $0xF3C0;
	[tilespmem:$0x19CE0] =	vst v3  }
0x292: {  	v2 =	vld [tilespmem:s9+$0x30];
	p0 =	sne.s32 s10, $0x1  }
.Ltmp71:
0x293: {  	v3 =	vld [tilespmem:s9+$0x10];
	(pc) =	sbr.rel @!p0 .LBB2_91-.Ltmp71, $3  }
0x294: {  	v4 =	vld [tilespmem:s9+$0x20]  }
0x295: {  	v5 =	vld [tilespmem:s9+$0x0];
	_ =	sdelay $0x1  }
0x296: {  	s8 =	sadd.s32 $0xFFFFFFFF, s10;
	s9 =	sadd.s32 $0x40, s9;
	v6 =	vimm.f32 $0.0e+00;
	v7 =	vimm.f32 $0.0e+00;
	v2 =	vadd.f32 v2, v1  }
.LBB2_90:
0x297: {  	v8 =	vld [tilespmem:s9+$0x30];
	p0 =	sne.s32 s8, $0x1;
	s8 =	sadd.s32 $0xFFFFFFFF, s8;
	v1 =	vadd.f32 v3, v1  }
.Ltmp72:
0x298: {  	v3 =	vld [tilespmem:s9+$0x10];
	v6 =	vadd.f32 v4, v6;
	(pc) =	sbr.rel @p0 .LBB2_90-.Ltmp72, $3  }
0x299: {  	v4 =	vld [tilespmem:s9+$0x20];
	v7 =	vadd.f32 v5, v7  }
0x29a: {  	v5 =	vld [tilespmem:s9+$0x0];
	_ =	sdelay $0x1  }
0x29b: {  	s9 =	sadd.s32 $0x40, s9;
	v2 =	vadd.f32 v8, v2  }
.LBB2_91:
.Ltmp73:
0x29c: {  	(pc) =	sbr.rel .LBB2_92-.Ltmp73, $3  }
0x29d: {  	_ =	sdelay $0x1  }
0x29e: {  	v3 =	vadd.f32 v3, v1  }
0x29f: {  	v4 =	vadd.f32 v4, v6;
	v1 =	vadd.f32 v5, v7  }
.LBB2_88:
0x2a0: {  	v3 =	vimm.f32 $0.0e+00;
	v4 =	vimm.f32 $0.0e+00;
	v2 =	vimm.f32 $0.0e+00  }
.LBB2_92:
0x2a1: {  	(v2sf) =	vpush v0, $0x4;
	_ =	sdelay $0x2  }
0x2a2: {  	s8 =	scvt.s32.f32 s10;
	_ =	sdelay $0x1  }
0x2a3: {  	v5 =	vmov s8  }
0x2a4: {  	(erf) = vrcp.f32 v5;
	_ =	sdelay $0x8  }
0x2a5: {  	v5 =	vpop (erf);
	s10 =	spop (v2sf)  }
0x2a6: {  	v1 =	vmul.f32 v1, v5;
	p0 =	slt.s32 s10, $0x1  }
.Ltmp74:
0x2a7: {  	v3 =	vmul.f32 v3, v5;
	(pc) =	sbr.rel @p0 .LBB2_96-.Ltmp74, $4  }
0x2a8: {  	v2 =	vmul.f32 v2, v5;
	[tilespmem:$0x19D00] =	vst v1  }
0x2a9: {  	v1 =	vmul.f32 v4, v5;
	[tilespmem:$0x19D10] =	vst v3  }
0x2aa: {  	v6 =	vimm.f32 $0.0e+00;
	v3 =	vimm.f32 $0.0e+00;
	[tilespmem:$0x19D30] =	vst v2  }
0x2ab: {  	s9 =	simm.s32 $0x10040;
	v4 =	vimm.f32 $0.0e+00;
	v2 =	vimm.f32 $0.0e+00;
	[tilespmem:$0x19D20] =	vst v1;
	v1 =	vimm.f32 $0.0e+00  }
0x2ac: {  	v2 =	vld [tilespmem:s9+$0x30];
	p0 =	sne.s32 s10, $0x1  }
.Ltmp75:
0x2ad: {  	v3 =	vld [tilespmem:s9+$0x10];
	(pc) =	sbr.rel @!p0 .LBB2_95-.Ltmp75, $4  }
0x2ae: {  	v4 =	vld [tilespmem:s9+$0x20]  }
0x2af: {  	v5 =	vld [tilespmem:s9+$0x0]  }
0x2b0: {  	v6 =	vimm.f32 $0.0e+00  }
0x2b1: {  	s8 =	sadd.s32 $0xFFFFFFFF, s10;
	s9 =	sadd.s32 $0x40, s9;
	v7 =	vimm.f32 $0.0e+00;
	v8 =	vimm.f32 $0.0e+00;
	v2 =	vadd.f32 v2, v1  }
.LBB2_94:
0x2b2: {  	v9 =	vld [tilespmem:s9+$0x30];
	p0 =	sne.s32 s8, $0x1;
	s8 =	sadd.s32 $0xFFFFFFFF, s8;
	v6 =	vadd.f32 v3, v6  }
.Ltmp76:
0x2b3: {  	v3 =	vld [tilespmem:s9+$0x10];
	v7 =	vadd.f32 v4, v7;
	(pc) =	sbr.rel @p0 .LBB2_94-.Ltmp76, $3  }
0x2b4: {  	v4 =	vld [tilespmem:s9+$0x20];
	v8 =	vadd.f32 v5, v8  }
0x2b5: {  	v5 =	vld [tilespmem:s9+$0x0];
	_ =	sdelay $0x1  }
0x2b6: {  	s9 =	sadd.s32 $0x40, s9;
	v2 =	vadd.f32 v9, v2  }
.LBB2_95:
0x2b7: {  	_ = 	snop  }
0x2b8: {  	v6 =	vadd.f32 v3, v6  }
0x2b9: {  	v4 =	vadd.f32 v4, v7;
	v3 =	vadd.f32 v5, v8  }
.LBB2_96:
0x2ba: {  	(v2sf) =	vpush v0, $0x5;
	_ =	sdelay $0x2  }
0x2bb: {  	s8 =	scvt.s32.f32 s10;
	_ =	sdelay $0x1  }
0x2bc: {  	v5 =	vmov s8  }
0x2bd: {  	(erf) = vrcp.f32 v5;
	_ =	sdelay $0x8  }
0x2be: {  	v5 =	vpop (erf);
	s10 =	spop (v2sf)  }
0x2bf: {  	v3 =	vmul.f32 v3, v5;
	p0 =	slt.s32 s10, $0x1  }
.Ltmp77:
0x2c0: {  	v6 =	vmul.f32 v6, v5;
	(pc) =	sbr.rel @p0 .LBB2_97-.Ltmp77, $4  }
0x2c1: {  	v2 =	vmul.f32 v2, v5;
	[tilespmem:$0x19D40] =	vst v3  }
0x2c2: {  	v3 =	vmul.f32 v4, v5;
	[tilespmem:$0x19D50] =	vst v6  }
0x2c3: {  	[tilespmem:$0x19D70] =	vst v2  }
0x2c4: {  	s9 =	simm.s32 $0x10CC0;
	[tilespmem:$0x19D60] =	vst v3  }
0x2c5: {  	v2 =	vld [tilespmem:s9+$0x30];
	p0 =	sne.s32 s10, $0x1  }
.Ltmp78:
0x2c6: {  	v3 =	vld [tilespmem:s9+$0x10];
	(pc) =	sbr.rel @!p0 .LBB2_100-.Ltmp78, $3  }
0x2c7: {  	v4 =	vld [tilespmem:s9+$0x20]  }
0x2c8: {  	v5 =	vld [tilespmem:s9+$0x0];
	_ =	sdelay $0x1  }
0x2c9: {  	s8 =	sadd.s32 $0xFFFFFFFF, s10;
	s9 =	sadd.s32 $0x40, s9;
	v6 =	vimm.f32 $0.0e+00;
	v7 =	vimm.f32 $0.0e+00;
	v2 =	vadd.f32 v2, v1  }
.LBB2_99:
0x2ca: {  	v8 =	vld [tilespmem:s9+$0x30];
	p0 =	sne.s32 s8, $0x1;
	s8 =	sadd.s32 $0xFFFFFFFF, s8;
	v1 =	vadd.f32 v3, v1  }
.Ltmp79:
0x2cb: {  	v3 =	vld [tilespmem:s9+$0x10];
	v6 =	vadd.f32 v4, v6;
	(pc) =	sbr.rel @p0 .LBB2_99-.Ltmp79, $3  }
0x2cc: {  	v4 =	vld [tilespmem:s9+$0x20];
	v7 =	vadd.f32 v5, v7  }
0x2cd: {  	v5 =	vld [tilespmem:s9+$0x0];
	_ =	sdelay $0x1  }
0x2ce: {  	s9 =	sadd.s32 $0x40, s9;
	v2 =	vadd.f32 v8, v2  }
.LBB2_100:
.Ltmp80:
0x2cf: {  	(pc) =	sbr.rel .LBB2_101-.Ltmp80, $3  }
0x2d0: {  	_ =	sdelay $0x1  }
0x2d1: {  	v3 =	vadd.f32 v3, v1  }
0x2d2: {  	v4 =	vadd.f32 v4, v6;
	v1 =	vadd.f32 v5, v7  }
.LBB2_97:
0x2d3: {  	v3 =	vimm.f32 $0.0e+00;
	v4 =	vimm.f32 $0.0e+00;
	v2 =	vimm.f32 $0.0e+00  }
.LBB2_101:
0x2d4: {  	(v2sf) =	vpush v0, $0x6;
	_ =	sdelay $0x2  }
0x2d5: {  	s8 =	scvt.s32.f32 s10;
	_ =	sdelay $0x1  }
0x2d6: {  	v5 =	vmov s8  }
0x2d7: {  	(erf) = vrcp.f32 v5;
	_ =	sdelay $0x8  }
0x2d8: {  	v5 =	vpop (erf);
	s10 =	spop (v2sf)  }
0x2d9: {  	v1 =	vmul.f32 v1, v5;
	p0 =	slt.s32 s10, $0x1  }
.Ltmp81:
0x2da: {  	v3 =	vmul.f32 v3, v5;
	(pc) =	sbr.rel @p0 .LBB2_105-.Ltmp81, $4  }
0x2db: {  	v2 =	vmul.f32 v2, v5;
	[tilespmem:$0x19D80] =	vst v1  }
0x2dc: {  	v1 =	vmul.f32 v4, v5;
	[tilespmem:$0x19D90] =	vst v3  }
0x2dd: {  	v6 =	vimm.f32 $0.0e+00;
	v3 =	vimm.f32 $0.0e+00;
	[tilespmem:$0x19DB0] =	vst v2  }
0x2de: {  	s9 =	simm.s32 $0x11940;
	v4 =	vimm.f32 $0.0e+00;
	v2 =	vimm.f32 $0.0e+00;
	[tilespmem:$0x19DA0] =	vst v1;
	v1 =	vimm.f32 $0.0e+00  }
0x2df: {  	v2 =	vld [tilespmem:s9+$0x30];
	p0 =	sne.s32 s10, $0x1  }
.Ltmp82:
0x2e0: {  	v3 =	vld [tilespmem:s9+$0x10];
	(pc) =	sbr.rel @!p0 .LBB2_104-.Ltmp82, $4  }
0x2e1: {  	v4 =	vld [tilespmem:s9+$0x20]  }
0x2e2: {  	v5 =	vld [tilespmem:s9+$0x0]  }
0x2e3: {  	v6 =	vimm.f32 $0.0e+00  }
0x2e4: {  	s8 =	sadd.s32 $0xFFFFFFFF, s10;
	s9 =	sadd.s32 $0x40, s9;
	v7 =	vimm.f32 $0.0e+00;
	v8 =	vimm.f32 $0.0e+00;
	v2 =	vadd.f32 v2, v1  }
.LBB2_103:
0x2e5: {  	v9 =	vld [tilespmem:s9+$0x30];
	p0 =	sne.s32 s8, $0x1;
	s8 =	sadd.s32 $0xFFFFFFFF, s8;
	v6 =	vadd.f32 v3, v6  }
.Ltmp83:
0x2e6: {  	v3 =	vld [tilespmem:s9+$0x10];
	v7 =	vadd.f32 v4, v7;
	(pc) =	sbr.rel @p0 .LBB2_103-.Ltmp83, $3  }
0x2e7: {  	v4 =	vld [tilespmem:s9+$0x20];
	v8 =	vadd.f32 v5, v8  }
0x2e8: {  	v5 =	vld [tilespmem:s9+$0x0];
	_ =	sdelay $0x1  }
0x2e9: {  	s9 =	sadd.s32 $0x40, s9;
	v2 =	vadd.f32 v9, v2  }
.LBB2_104:
0x2ea: {  	_ = 	snop  }
0x2eb: {  	v6 =	vadd.f32 v3, v6  }
0x2ec: {  	v4 =	vadd.f32 v4, v7;
	v3 =	vadd.f32 v5, v8  }
.LBB2_105:
0x2ed: {  	(v2sf) =	vpush v0, $0x7;
	_ =	sdelay $0x2  }
0x2ee: {  	s8 =	scvt.s32.f32 s10;
	_ =	sdelay $0x1  }
0x2ef: {  	v5 =	vmov s8  }
0x2f0: {  	(erf) = vrcp.f32 v5;
	_ =	sdelay $0x8  }
0x2f1: {  	v5 =	vpop (erf);
	s10 =	spop (v2sf)  }
0x2f2: {  	v3 =	vmul.f32 v3, v5;
	p0 =	slt.s32 s10, $0x1  }
.Ltmp84:
0x2f3: {  	v6 =	vmul.f32 v6, v5;
	(pc) =	sbr.rel @p0 .LBB2_106-.Ltmp84, $4  }
0x2f4: {  	v2 =	vmul.f32 v2, v5;
	[tilespmem:$0x19DC0] =	vst v3  }
0x2f5: {  	v3 =	vmul.f32 v4, v5;
	[tilespmem:$0x19DD0] =	vst v6  }
0x2f6: {  	[tilespmem:$0x19DF0] =	vst v2  }
0x2f7: {  	s9 =	simm.s32 $0x125C0;
	[tilespmem:$0x19DE0] =	vst v3  }
0x2f8: {  	v2 =	vld [tilespmem:s9+$0x30];
	p0 =	sne.s32 s10, $0x1  }
.Ltmp85:
0x2f9: {  	v3 =	vld [tilespmem:s9+$0x10];
	(pc) =	sbr.rel @!p0 .LBB2_109-.Ltmp85, $3  }
0x2fa: {  	v4 =	vld [tilespmem:s9+$0x20]  }
0x2fb: {  	v5 =	vld [tilespmem:s9+$0x0];
	_ =	sdelay $0x1  }
0x2fc: {  	s8 =	sadd.s32 $0xFFFFFFFF, s10;
	s9 =	sadd.s32 $0x40, s9;
	v6 =	vimm.f32 $0.0e+00;
	v7 =	vimm.f32 $0.0e+00;
	v2 =	vadd.f32 v2, v1  }
.LBB2_108:
0x2fd: {  	v8 =	vld [tilespmem:s9+$0x30];
	p0 =	sne.s32 s8, $0x1;
	s8 =	sadd.s32 $0xFFFFFFFF, s8;
	v1 =	vadd.f32 v3, v1  }
.Ltmp86:
0x2fe: {  	v3 =	vld [tilespmem:s9+$0x10];
	v6 =	vadd.f32 v4, v6;
	(pc) =	sbr.rel @p0 .LBB2_108-.Ltmp86, $3  }
0x2ff: {  	v4 =	vld [tilespmem:s9+$0x20];
	v7 =	vadd.f32 v5, v7  }
0x300: {  	v5 =	vld [tilespmem:s9+$0x0];
	_ =	sdelay $0x1  }
0x301: {  	s9 =	sadd.s32 $0x40, s9;
	v2 =	vadd.f32 v8, v2  }
.LBB2_109:
.Ltmp87:
0x302: {  	(pc) =	sbr.rel .LBB2_110-.Ltmp87, $3  }
0x303: {  	_ =	sdelay $0x1  }
0x304: {  	v3 =	vadd.f32 v3, v1  }
0x305: {  	v4 =	vadd.f32 v4, v6;
	v1 =	vadd.f32 v5, v7  }
.LBB2_106:
0x306: {  	v3 =	vimm.f32 $0.0e+00;
	v4 =	vimm.f32 $0.0e+00;
	v2 =	vimm.f32 $0.0e+00  }
.LBB2_110:
0x307: {  	(v2sf) =	vpush v0, $0x8;
	_ =	sdelay $0x2  }
0x308: {  	s8 =	scvt.s32.f32 s10;
	_ =	sdelay $0x1  }
0x309: {  	v5 =	vmov s8  }
0x30a: {  	(erf) = vrcp.f32 v5;
	_ =	sdelay $0x8  }
0x30b: {  	v5 =	vpop (erf);
	s10 =	spop (v2sf)  }
0x30c: {  	v1 =	vmul.f32 v1, v5;
	p0 =	slt.s32 s10, $0x1  }
.Ltmp88:
0x30d: {  	v3 =	vmul.f32 v3, v5;
	(pc) =	sbr.rel @p0 .LBB2_114-.Ltmp88, $4  }
0x30e: {  	v2 =	vmul.f32 v2, v5;
	[tilespmem:$0x19E00] =	vst v1  }
0x30f: {  	v1 =	vmul.f32 v4, v5;
	[tilespmem:$0x19E10] =	vst v3  }
0x310: {  	v6 =	vimm.f32 $0.0e+00;
	v3 =	vimm.f32 $0.0e+00;
	[tilespmem:$0x19E30] =	vst v2  }
0x311: {  	s9 =	simm.s32 $0x13240;
	v4 =	vimm.f32 $0.0e+00;
	v2 =	vimm.f32 $0.0e+00;
	[tilespmem:$0x19E20] =	vst v1;
	v1 =	vimm.f32 $0.0e+00  }
0x312: {  	v2 =	vld [tilespmem:s9+$0x30];
	p0 =	sne.s32 s10, $0x1  }
.Ltmp89:
0x313: {  	v3 =	vld [tilespmem:s9+$0x10];
	(pc) =	sbr.rel @!p0 .LBB2_113-.Ltmp89, $4  }
0x314: {  	v4 =	vld [tilespmem:s9+$0x20]  }
0x315: {  	v5 =	vld [tilespmem:s9+$0x0]  }
0x316: {  	v6 =	vimm.f32 $0.0e+00  }
0x317: {  	s8 =	sadd.s32 $0xFFFFFFFF, s10;
	s9 =	sadd.s32 $0x40, s9;
	v7 =	vimm.f32 $0.0e+00;
	v8 =	vimm.f32 $0.0e+00;
	v2 =	vadd.f32 v2, v1  }
.LBB2_112:
0x318: {  	v9 =	vld [tilespmem:s9+$0x30];
	p0 =	sne.s32 s8, $0x1;
	s8 =	sadd.s32 $0xFFFFFFFF, s8;
	v6 =	vadd.f32 v3, v6  }
.Ltmp90:
0x319: {  	v3 =	vld [tilespmem:s9+$0x10];
	v7 =	vadd.f32 v4, v7;
	(pc) =	sbr.rel @p0 .LBB2_112-.Ltmp90, $3  }
0x31a: {  	v4 =	vld [tilespmem:s9+$0x20];
	v8 =	vadd.f32 v5, v8  }
0x31b: {  	v5 =	vld [tilespmem:s9+$0x0];
	_ =	sdelay $0x1  }
0x31c: {  	s9 =	sadd.s32 $0x40, s9;
	v2 =	vadd.f32 v9, v2  }
.LBB2_113:
0x31d: {  	_ = 	snop  }
0x31e: {  	v6 =	vadd.f32 v3, v6  }
0x31f: {  	v4 =	vadd.f32 v4, v7;
	v3 =	vadd.f32 v5, v8  }
.LBB2_114:
0x320: {  	(v2sf) =	vpush v0, $0x9;
	_ =	sdelay $0x2  }
0x321: {  	s8 =	scvt.s32.f32 s10;
	_ =	sdelay $0x1  }
0x322: {  	v5 =	vmov s8  }
0x323: {  	(erf) = vrcp.f32 v5;
	_ =	sdelay $0x8  }
0x324: {  	v5 =	vpop (erf);
	s10 =	spop (v2sf)  }
0x325: {  	v3 =	vmul.f32 v3, v5;
	p0 =	slt.s32 s10, $0x1  }
.Ltmp91:
0x326: {  	v6 =	vmul.f32 v6, v5;
	(pc) =	sbr.rel @p0 .LBB2_115-.Ltmp91, $4  }
0x327: {  	v2 =	vmul.f32 v2, v5;
	[tilespmem:$0x19E40] =	vst v3  }
0x328: {  	v3 =	vmul.f32 v4, v5;
	[tilespmem:$0x19E50] =	vst v6  }
0x329: {  	[tilespmem:$0x19E70] =	vst v2  }
0x32a: {  	s9 =	simm.s32 $0x13EC0;
	[tilespmem:$0x19E60] =	vst v3  }
0x32b: {  	v2 =	vld [tilespmem:s9+$0x30];
	p0 =	sne.s32 s10, $0x1  }
.Ltmp92:
0x32c: {  	v3 =	vld [tilespmem:s9+$0x10];
	(pc) =	sbr.rel @!p0 .LBB2_118-.Ltmp92, $3  }
0x32d: {  	v4 =	vld [tilespmem:s9+$0x20]  }
0x32e: {  	v5 =	vld [tilespmem:s9+$0x0];
	_ =	sdelay $0x1  }
0x32f: {  	s8 =	sadd.s32 $0xFFFFFFFF, s10;
	s9 =	sadd.s32 $0x40, s9;
	v6 =	vimm.f32 $0.0e+00;
	v7 =	vimm.f32 $0.0e+00;
	v2 =	vadd.f32 v2, v1  }
.LBB2_117:
0x330: {  	v8 =	vld [tilespmem:s9+$0x30];
	p0 =	sne.s32 s8, $0x1;
	s8 =	sadd.s32 $0xFFFFFFFF, s8;
	v1 =	vadd.f32 v3, v1  }
.Ltmp93:
0x331: {  	v3 =	vld [tilespmem:s9+$0x10];
	v6 =	vadd.f32 v4, v6;
	(pc) =	sbr.rel @p0 .LBB2_117-.Ltmp93, $3  }
0x332: {  	v4 =	vld [tilespmem:s9+$0x20];
	v7 =	vadd.f32 v5, v7  }
0x333: {  	v5 =	vld [tilespmem:s9+$0x0];
	_ =	sdelay $0x1  }
0x334: {  	s9 =	sadd.s32 $0x40, s9;
	v2 =	vadd.f32 v8, v2  }
.LBB2_118:
.Ltmp94:
0x335: {  	(pc) =	sbr.rel .LBB2_119-.Ltmp94, $3  }
0x336: {  	_ =	sdelay $0x1  }
0x337: {  	v3 =	vadd.f32 v3, v1  }
0x338: {  	v4 =	vadd.f32 v4, v6;
	v1 =	vadd.f32 v5, v7  }
.LBB2_115:
0x339: {  	v3 =	vimm.f32 $0.0e+00;
	v4 =	vimm.f32 $0.0e+00;
	v2 =	vimm.f32 $0.0e+00  }
.LBB2_119:
0x33a: {  	(v2sf) =	vpush v0, $0xA;
	_ =	sdelay $0x2  }
0x33b: {  	s8 =	scvt.s32.f32 s10;
	_ =	sdelay $0x1  }
0x33c: {  	v5 =	vmov s8  }
0x33d: {  	(erf) = vrcp.f32 v5;
	_ =	sdelay $0x8  }
0x33e: {  	v5 =	vpop (erf);
	s10 =	spop (v2sf)  }
0x33f: {  	v1 =	vmul.f32 v1, v5;
	p0 =	slt.s32 s10, $0x1  }
.Ltmp95:
0x340: {  	v3 =	vmul.f32 v3, v5;
	(pc) =	sbr.rel @p0 .LBB2_123-.Ltmp95, $4  }
0x341: {  	v2 =	vmul.f32 v2, v5;
	[tilespmem:$0x19E80] =	vst v1  }
0x342: {  	v1 =	vmul.f32 v4, v5;
	[tilespmem:$0x19E90] =	vst v3  }
0x343: {  	v6 =	vimm.f32 $0.0e+00;
	v3 =	vimm.f32 $0.0e+00;
	[tilespmem:$0x19EB0] =	vst v2  }
0x344: {  	s9 =	simm.s32 $0x14B40;
	v4 =	vimm.f32 $0.0e+00;
	v2 =	vimm.f32 $0.0e+00;
	[tilespmem:$0x19EA0] =	vst v1;
	v1 =	vimm.f32 $0.0e+00  }
0x345: {  	v2 =	vld [tilespmem:s9+$0x30];
	p0 =	sne.s32 s10, $0x1  }
.Ltmp96:
0x346: {  	v3 =	vld [tilespmem:s9+$0x10];
	(pc) =	sbr.rel @!p0 .LBB2_122-.Ltmp96, $4  }
0x347: {  	v4 =	vld [tilespmem:s9+$0x20]  }
0x348: {  	v5 =	vld [tilespmem:s9+$0x0]  }
0x349: {  	v6 =	vimm.f32 $0.0e+00  }
0x34a: {  	s8 =	sadd.s32 $0xFFFFFFFF, s10;
	s9 =	sadd.s32 $0x40, s9;
	v7 =	vimm.f32 $0.0e+00;
	v8 =	vimm.f32 $0.0e+00;
	v2 =	vadd.f32 v2, v1  }
.LBB2_121:
0x34b: {  	v9 =	vld [tilespmem:s9+$0x30];
	p0 =	sne.s32 s8, $0x1;
	s8 =	sadd.s32 $0xFFFFFFFF, s8;
	v6 =	vadd.f32 v3, v6  }
.Ltmp97:
0x34c: {  	v3 =	vld [tilespmem:s9+$0x10];
	v7 =	vadd.f32 v4, v7;
	(pc) =	sbr.rel @p0 .LBB2_121-.Ltmp97, $3  }
0x34d: {  	v4 =	vld [tilespmem:s9+$0x20];
	v8 =	vadd.f32 v5, v8  }
0x34e: {  	v5 =	vld [tilespmem:s9+$0x0];
	_ =	sdelay $0x1  }
0x34f: {  	s9 =	sadd.s32 $0x40, s9;
	v2 =	vadd.f32 v9, v2  }
.LBB2_122:
0x350: {  	_ = 	snop  }
0x351: {  	v6 =	vadd.f32 v3, v6  }
0x352: {  	v4 =	vadd.f32 v4, v7;
	v3 =	vadd.f32 v5, v8  }
.LBB2_123:
0x353: {  	(v2sf) =	vpush v0, $0xB;
	_ =	sdelay $0x2  }
0x354: {  	s8 =	scvt.s32.f32 s10;
	_ =	sdelay $0x1  }
0x355: {  	v5 =	vmov s8  }
0x356: {  	(erf) = vrcp.f32 v5;
	_ =	sdelay $0x8  }
0x357: {  	v5 =	vpop (erf);
	s10 =	spop (v2sf)  }
0x358: {  	v3 =	vmul.f32 v3, v5;
	p0 =	slt.s32 s10, $0x1  }
.Ltmp98:
0x359: {  	v6 =	vmul.f32 v6, v5;
	(pc) =	sbr.rel @p0 .LBB2_124-.Ltmp98, $4  }
0x35a: {  	v2 =	vmul.f32 v2, v5;
	[tilespmem:$0x19EC0] =	vst v3  }
0x35b: {  	v3 =	vmul.f32 v4, v5;
	[tilespmem:$0x19ED0] =	vst v6  }
0x35c: {  	[tilespmem:$0x19EF0] =	vst v2  }
0x35d: {  	s9 =	simm.s32 $0x157C0;
	[tilespmem:$0x19EE0] =	vst v3  }
0x35e: {  	v2 =	vld [tilespmem:s9+$0x30];
	p0 =	sne.s32 s10, $0x1  }
.Ltmp99:
0x35f: {  	v3 =	vld [tilespmem:s9+$0x10];
	(pc) =	sbr.rel @!p0 .LBB2_127-.Ltmp99, $3  }
0x360: {  	v4 =	vld [tilespmem:s9+$0x20]  }
0x361: {  	v5 =	vld [tilespmem:s9+$0x0];
	_ =	sdelay $0x1  }
0x362: {  	s8 =	sadd.s32 $0xFFFFFFFF, s10;
	s9 =	sadd.s32 $0x40, s9;
	v6 =	vimm.f32 $0.0e+00;
	v7 =	vimm.f32 $0.0e+00;
	v2 =	vadd.f32 v2, v1  }
.LBB2_126:
0x363: {  	v8 =	vld [tilespmem:s9+$0x30];
	p0 =	sne.s32 s8, $0x1;
	s8 =	sadd.s32 $0xFFFFFFFF, s8;
	v1 =	vadd.f32 v3, v1  }
.Ltmp100:
0x364: {  	v3 =	vld [tilespmem:s9+$0x10];
	v6 =	vadd.f32 v4, v6;
	(pc) =	sbr.rel @p0 .LBB2_126-.Ltmp100, $3  }
0x365: {  	v4 =	vld [tilespmem:s9+$0x20];
	v7 =	vadd.f32 v5, v7  }
0x366: {  	v5 =	vld [tilespmem:s9+$0x0];
	_ =	sdelay $0x1  }
0x367: {  	s9 =	sadd.s32 $0x40, s9;
	v2 =	vadd.f32 v8, v2  }
.LBB2_127:
.Ltmp101:
0x368: {  	(pc) =	sbr.rel .LBB2_128-.Ltmp101, $3  }
0x369: {  	_ =	sdelay $0x1  }
0x36a: {  	v3 =	vadd.f32 v3, v1  }
0x36b: {  	v4 =	vadd.f32 v4, v6;
	v1 =	vadd.f32 v5, v7  }
.LBB2_124:
0x36c: {  	v3 =	vimm.f32 $0.0e+00;
	v4 =	vimm.f32 $0.0e+00;
	v2 =	vimm.f32 $0.0e+00  }
.LBB2_128:
0x36d: {  	(v2sf) =	vpush v0, $0xC;
	_ =	sdelay $0x2  }
0x36e: {  	s8 =	scvt.s32.f32 s10;
	_ =	sdelay $0x1  }
0x36f: {  	v5 =	vmov s8  }
0x370: {  	(erf) = vrcp.f32 v5;
	_ =	sdelay $0x8  }
0x371: {  	v5 =	vpop (erf);
	s10 =	spop (v2sf)  }
0x372: {  	v1 =	vmul.f32 v1, v5;
	p0 =	slt.s32 s10, $0x1  }
.Ltmp102:
0x373: {  	v3 =	vmul.f32 v3, v5;
	(pc) =	sbr.rel @p0 .LBB2_132-.Ltmp102, $4  }
0x374: {  	v2 =	vmul.f32 v2, v5;
	[tilespmem:$0x19F00] =	vst v1  }
0x375: {  	v1 =	vmul.f32 v4, v5;
	[tilespmem:$0x19F10] =	vst v3  }
0x376: {  	v6 =	vimm.f32 $0.0e+00;
	v3 =	vimm.f32 $0.0e+00;
	[tilespmem:$0x19F30] =	vst v2  }
0x377: {  	s9 =	simm.s32 $0x16440;
	v4 =	vimm.f32 $0.0e+00;
	v2 =	vimm.f32 $0.0e+00;
	[tilespmem:$0x19F20] =	vst v1;
	v1 =	vimm.f32 $0.0e+00  }
0x378: {  	v2 =	vld [tilespmem:s9+$0x30];
	p0 =	sne.s32 s10, $0x1  }
.Ltmp103:
0x379: {  	v3 =	vld [tilespmem:s9+$0x10];
	(pc) =	sbr.rel @!p0 .LBB2_131-.Ltmp103, $4  }
0x37a: {  	v4 =	vld [tilespmem:s9+$0x20]  }
0x37b: {  	v5 =	vld [tilespmem:s9+$0x0]  }
0x37c: {  	v6 =	vimm.f32 $0.0e+00  }
0x37d: {  	s8 =	sadd.s32 $0xFFFFFFFF, s10;
	s9 =	sadd.s32 $0x40, s9;
	v7 =	vimm.f32 $0.0e+00;
	v8 =	vimm.f32 $0.0e+00;
	v2 =	vadd.f32 v2, v1  }
.LBB2_130:
0x37e: {  	v9 =	vld [tilespmem:s9+$0x30];
	p0 =	sne.s32 s8, $0x1;
	s8 =	sadd.s32 $0xFFFFFFFF, s8;
	v6 =	vadd.f32 v3, v6  }
.Ltmp104:
0x37f: {  	v3 =	vld [tilespmem:s9+$0x10];
	v7 =	vadd.f32 v4, v7;
	(pc) =	sbr.rel @p0 .LBB2_130-.Ltmp104, $3  }
0x380: {  	v4 =	vld [tilespmem:s9+$0x20];
	v8 =	vadd.f32 v5, v8  }
0x381: {  	v5 =	vld [tilespmem:s9+$0x0];
	_ =	sdelay $0x1  }
0x382: {  	s9 =	sadd.s32 $0x40, s9;
	v2 =	vadd.f32 v9, v2  }
.LBB2_131:
0x383: {  	_ = 	snop  }
0x384: {  	v6 =	vadd.f32 v3, v6  }
0x385: {  	v4 =	vadd.f32 v4, v7;
	v3 =	vadd.f32 v5, v8  }
.LBB2_132:
0x386: {  	(v2sf) =	vpush v0, $0xD;
	_ =	sdelay $0x2  }
0x387: {  	s8 =	scvt.s32.f32 s10;
	_ =	sdelay $0x1  }
0x388: {  	v5 =	vmov s8  }
0x389: {  	(erf) = vrcp.f32 v5;
	_ =	sdelay $0x8  }
0x38a: {  	v5 =	vpop (erf);
	s10 =	spop (v2sf)  }
0x38b: {  	v3 =	vmul.f32 v3, v5;
	p0 =	slt.s32 s10, $0x1  }
.Ltmp105:
0x38c: {  	v6 =	vmul.f32 v6, v5;
	(pc) =	sbr.rel @p0 .LBB2_133-.Ltmp105, $4  }
0x38d: {  	v2 =	vmul.f32 v2, v5;
	[tilespmem:$0x19F40] =	vst v3  }
0x38e: {  	v3 =	vmul.f32 v4, v5;
	[tilespmem:$0x19F50] =	vst v6  }
0x38f: {  	[tilespmem:$0x19F70] =	vst v2  }
0x390: {  	s9 =	simm.s32 $0x170C0;
	[tilespmem:$0x19F60] =	vst v3  }
0x391: {  	v2 =	vld [tilespmem:s9+$0x30];
	p0 =	sne.s32 s10, $0x1  }
.Ltmp106:
0x392: {  	v3 =	vld [tilespmem:s9+$0x10];
	(pc) =	sbr.rel @!p0 .LBB2_136-.Ltmp106, $3  }
0x393: {  	v4 =	vld [tilespmem:s9+$0x20]  }
0x394: {  	v5 =	vld [tilespmem:s9+$0x0];
	_ =	sdelay $0x1  }
0x395: {  	s8 =	sadd.s32 $0xFFFFFFFF, s10;
	s9 =	sadd.s32 $0x40, s9;
	v6 =	vimm.f32 $0.0e+00;
	v7 =	vimm.f32 $0.0e+00;
	v2 =	vadd.f32 v2, v1  }
.LBB2_135:
0x396: {  	v8 =	vld [tilespmem:s9+$0x30];
	p0 =	sne.s32 s8, $0x1;
	s8 =	sadd.s32 $0xFFFFFFFF, s8;
	v1 =	vadd.f32 v3, v1  }
.Ltmp107:
0x397: {  	v3 =	vld [tilespmem:s9+$0x10];
	v6 =	vadd.f32 v4, v6;
	(pc) =	sbr.rel @p0 .LBB2_135-.Ltmp107, $3  }
0x398: {  	v4 =	vld [tilespmem:s9+$0x20];
	v7 =	vadd.f32 v5, v7  }
0x399: {  	v5 =	vld [tilespmem:s9+$0x0];
	_ =	sdelay $0x1  }
0x39a: {  	s9 =	sadd.s32 $0x40, s9;
	v2 =	vadd.f32 v8, v2  }
.LBB2_136:
.Ltmp108:
0x39b: {  	(pc) =	sbr.rel .LBB2_137-.Ltmp108, $3  }
0x39c: {  	_ =	sdelay $0x1  }
0x39d: {  	v3 =	vadd.f32 v3, v1  }
0x39e: {  	v4 =	vadd.f32 v4, v6;
	v1 =	vadd.f32 v5, v7  }
.LBB2_133:
0x39f: {  	v3 =	vimm.f32 $0.0e+00;
	v4 =	vimm.f32 $0.0e+00;
	v2 =	vimm.f32 $0.0e+00  }
.LBB2_137:
0x3a0: {  	(v2sf) =	vpush v0, $0xE;
	_ =	sdelay $0x2  }
0x3a1: {  	s8 =	scvt.s32.f32 s10;
	_ =	sdelay $0x1  }
0x3a2: {  	v5 =	vmov s8  }
0x3a3: {  	(erf) = vrcp.f32 v5;
	_ =	sdelay $0x8  }
0x3a4: {  	v5 =	vpop (erf);
	s10 =	spop (v2sf)  }
0x3a5: {  	v1 =	vmul.f32 v1, v5;
	p0 =	slt.s32 s10, $0x1  }
.Ltmp109:
0x3a6: {  	v3 =	vmul.f32 v3, v5;
	(pc) =	sbr.rel @p0 .LBB2_141-.Ltmp109, $4  }
0x3a7: {  	v2 =	vmul.f32 v2, v5;
	[tilespmem:$0x19F80] =	vst v1  }
0x3a8: {  	v1 =	vmul.f32 v4, v5;
	[tilespmem:$0x19F90] =	vst v3  }
0x3a9: {  	v6 =	vimm.f32 $0.0e+00;
	v3 =	vimm.f32 $0.0e+00;
	[tilespmem:$0x19FB0] =	vst v2  }
0x3aa: {  	s9 =	simm.s32 $0x17D40;
	v4 =	vimm.f32 $0.0e+00;
	v2 =	vimm.f32 $0.0e+00;
	[tilespmem:$0x19FA0] =	vst v1;
	v1 =	vimm.f32 $0.0e+00  }
0x3ab: {  	v2 =	vld [tilespmem:s9+$0x30];
	p0 =	sne.s32 s10, $0x1  }
.Ltmp110:
0x3ac: {  	v3 =	vld [tilespmem:s9+$0x10];
	(pc) =	sbr.rel @!p0 .LBB2_140-.Ltmp110, $4  }
0x3ad: {  	v4 =	vld [tilespmem:s9+$0x20]  }
0x3ae: {  	v5 =	vld [tilespmem:s9+$0x0]  }
0x3af: {  	v6 =	vimm.f32 $0.0e+00  }
0x3b0: {  	s8 =	sadd.s32 $0xFFFFFFFF, s10;
	s9 =	sadd.s32 $0x40, s9;
	v7 =	vimm.f32 $0.0e+00;
	v8 =	vimm.f32 $0.0e+00;
	v2 =	vadd.f32 v2, v1  }
.LBB2_139:
0x3b1: {  	v9 =	vld [tilespmem:s9+$0x30];
	p0 =	sne.s32 s8, $0x1;
	s8 =	sadd.s32 $0xFFFFFFFF, s8;
	v6 =	vadd.f32 v3, v6  }
.Ltmp111:
0x3b2: {  	v3 =	vld [tilespmem:s9+$0x10];
	v7 =	vadd.f32 v4, v7;
	(pc) =	sbr.rel @p0 .LBB2_139-.Ltmp111, $3  }
0x3b3: {  	v4 =	vld [tilespmem:s9+$0x20];
	v8 =	vadd.f32 v5, v8  }
0x3b4: {  	v5 =	vld [tilespmem:s9+$0x0];
	_ =	sdelay $0x1  }
0x3b5: {  	s9 =	sadd.s32 $0x40, s9;
	v2 =	vadd.f32 v9, v2  }
.LBB2_140:
0x3b6: {  	_ = 	snop  }
0x3b7: {  	v6 =	vadd.f32 v3, v6  }
0x3b8: {  	v4 =	vadd.f32 v4, v7;
	v3 =	vadd.f32 v5, v8  }
.LBB2_141:
0x3b9: {  	(v2sf) =	vpush v0, $0xF;
	_ =	sdelay $0x2  }
0x3ba: {  	s8 =	scvt.s32.f32 s10;
	_ =	sdelay $0x1  }
0x3bb: {  	v0 =	vmov s8  }
0x3bc: {  	(erf) = vrcp.f32 v0;
	_ =	sdelay $0x8  }
0x3bd: {  	v0 =	vpop (erf);
	s10 =	spop (v2sf)  }
0x3be: {  	v3 =	vmul.f32 v3, v0;
	p0 =	slt.s32 s10, $0x1  }
.Ltmp112:
0x3bf: {  	v5 =	vmul.f32 v6, v0;
	(pc) =	sbr.rel @p0 .LBB2_142-.Ltmp112, $4  }
0x3c0: {  	[tilespmem:$0x19FC0] =	vst v3;
	v3 =	vmul.f32 v4, v0  }
0x3c1: {  	[tilespmem:$0x19FD0] =	vst v5;
	v0 =	vmul.f32 v2, v0  }
0x3c2: {  	[tilespmem:$0x19FE0] =	vst v3  }
0x3c3: {  	s9 =	simm.s32 $0x189C0;
	[tilespmem:$0x19FF0] =	vst v0  }
0x3c4: {  	v0 =	vld [tilespmem:s9+$0x30];
	p0 =	sne.s32 s10, $0x1  }
.Ltmp113:
0x3c5: {  	v2 =	vld [tilespmem:s9+$0x10];
	(pc) =	sbr.rel @!p0 .LBB2_145-.Ltmp113, $3  }
0x3c6: {  	v3 =	vld [tilespmem:s9+$0x20]  }
0x3c7: {  	v4 =	vld [tilespmem:s9+$0x0];
	_ =	sdelay $0x1  }
0x3c8: {  	s8 =	sadd.s32 $0xFFFFFFFF, s10;
	s9 =	sadd.s32 $0x40, s9;
	v5 =	vimm.f32 $0.0e+00;
	v6 =	vimm.f32 $0.0e+00;
	v0 =	vadd.f32 v0, v1  }
.LBB2_144:
0x3c9: {  	v7 =	vld [tilespmem:s9+$0x30];
	p0 =	sne.s32 s8, $0x1;
	s8 =	sadd.s32 $0xFFFFFFFF, s8;
	v1 =	vadd.f32 v2, v1  }
.Ltmp114:
0x3ca: {  	v2 =	vld [tilespmem:s9+$0x10];
	v5 =	vadd.f32 v3, v5;
	(pc) =	sbr.rel @p0 .LBB2_144-.Ltmp114, $3  }
0x3cb: {  	v3 =	vld [tilespmem:s9+$0x20];
	v6 =	vadd.f32 v4, v6  }
0x3cc: {  	v4 =	vld [tilespmem:s9+$0x0];
	_ =	sdelay $0x1  }
0x3cd: {  	s9 =	sadd.s32 $0x40, s9;
	v0 =	vadd.f32 v7, v0  }
.LBB2_145:
.Ltmp115:
0x3ce: {  	(pc) =	sbr.rel .LBB2_146-.Ltmp115, $3  }
0x3cf: {  	_ =	sdelay $0x1  }
0x3d0: {  	v2 =	vadd.f32 v2, v1  }
0x3d1: {  	v3 =	vadd.f32 v3, v5;
	v1 =	vadd.f32 v4, v6  }
.LBB2_148:
0x3d2: {  	_ =	sfence.sel $0x180000  }
0x3d3: {  	[bflag:$0x0] =	sbarrier.arrive $0xFFFF  }
0x3d4: {  	_ =	strace $0x90000047  }
0x3d5: {  	s0 =	stileid.u32;
	[bflag:$0x2] =	sbarrier.arrive $0xFFFF  }
0x3d6: {  	p0 =	sne.s32 s0, $0x0;
	s0 =	rddreg [dreg:$0x4]  }
0x3d7: {  	s0 =	sadd.s32 @!p0 $0x100000, s0  }
0x3d8: {  	[sflag:s0] =	ssyncadd.tile.s32 @!p0 $0x1;
	_ =	shalt  }
.Lfunc_end2:
_tile_overlayer_lowered:
.L_overlay_start_2:
0x3d9: {  	(tag) =	ssettag $0x2  }
0x3da: {  	s0 =	rddreg [dreg:$0x0];
	s2 =	stileid.u32  }
0x3db: {  	s1 =	rddreg [dreg:$0x1];
	p0 =	sne.s32 s2, $0x0  }
0x3dc: {  	s3 =	rddreg [dreg:$0x2];
	[bflag:$0x3] =	sbarrier.arrive $0xFFFF;
	s2 =	simm.s32 @!p0 $0x1C03  }
0x3dd: {  	[timem:s3], [sflag:s2] =	dma.local @!p0 [hbm:s0], s1  }
0x3de: {  	s0 =	simm.s32 @!p0 $0x3  }
0x3df: {  	_ =	swait.ge @!p0 [sflag:s0], s1  }
0x3e0: {  	s1 =	ssub.s32 @!p0 $0x0, s1;
	[sflag:s0] =	ssyncset.done @!p0 $0x0  }
0x3e1: {  	[sflag:s0] =	ssyncadd.s32 @!p0 s1  }
0x3e2: {  	[bflag:$0x3] =	sbarrier.arrive $0xFFFF  }
0x3e3: {  	_ =	shalt  }

// kernel: sparse-core-data-format-call.cloned.1.call-start
scs
called_computation_lowered:
.L_overlay_start_0:
0x0: {  	s2 =	sld [smem:$0x3FD9]  }
0x1: {  	s3 =	sld [smem:$0x3FFE];
	_ =	sdelay $0x1  }
0x2: {  	s1 =	srdreg.scid  }
0x3: {  	s0 =	sand.u32 $0x1, s1  }
0x4: {  	s15 =	sshll.u32 s0, $0xA;
	s2 =	sadd.s32 s3, s2  }
0x5: {  	s2 =	sadd.s32 s2, s15  }
0x6: {  	[smem:$0x3FC5] =	sst s2  }
0x7: {  	_ = 	snop  }
0x8: {  	s2 =	sld [smem:$0x3FD0];
	_ =	sdelay $0x2  }
0x9: {  	s16 =	simm.s32 $0xA;
	s4 =	simm.s32 $0x10  }
0xa: {  	[smem:s4], [sflag:s16] =	dma.local [hbm:s2], $0x1  }
0xb: {  	_ =	swait.eq [sflag:s16], $0x1  }
0xc: {  	[sflag:s16] =	ssyncset.done $0x0  }
0xd: {  	[sflag:s16] =	ssyncadd.s32 $0xFFFFFFFF  }
0xe: {  	s17 =	sld [smem:$0x10];
	(tm) =	ssettm $0x1  }
0xf: {  	s18 =	sld [smem:$0x3FFB];
	_ =	sdelay $0x3  }
0x10: {  	_ =	strace s18  }
0x11: {  	s3 =	sld [smem:$0x3FFC];
	_ =	sdelay $0x3  }
0x12: {  	_ =	strace s3  }
0x13: {  	s3 =	sld [smem:$0x3FFD];
	_ =	sdelay $0x3  }
0x14: {  	_ =	strace s3  }
0x15: {  	_ =	strace $0x8FFFFFFF  }
0x16: {  	s19 =	sld [smem:$0x3FDB];
	_ =	sdelay $0x1  }
0x17: {  	s20 =	simm.s32 $_scs_section_size  }
0x18: {  	s5 =	simm.s32 $_size__tile_overlayer_lowered;
	s6 =	simm.s32 $_tile_overlayer_lowered  }
0x19: {  	s23 =	simm.s32 $0x1BFF;
	s22 =	sshll.u32 s6, $0x1;
	s3 =	sadd.s32 s20, s19  }
0x1a: {  	s7 =	simm.s32 $0x0;
	s21 =	sshll.u32 s5, $0x1;
	s5 =	sadd.s32 s22, s3  }
0x1b: {  	[timem:s7], [sflag:s23] =	dma.local [hbm:s5], s21  }
0x1c: {  	_ =	swait.ge [sflag:s23], s21  }
0x1d: {  	s4 =	ssub.s32 $0x0, s21;
	[sflag:s23] =	ssyncset.done $0x0  }
0x1e: {  	[sflag:s23] =	ssyncadd.s32 s4;
	_ =	sdelay $0x1  }
0x1f: {  	s24 =	simm.s32 $0x1B8B  }
0x20: {  	_ =	swait.ge [sflag:s24], $0x1  }
0x21: {  	[sflag:s24] =	ssyncset.done $0x0  }
0x22: {  	s26 =	simm.s32 $0x1B8E;
	s25 =	sld [smem:$0x3FFE];
	[sflag:s24] =	ssyncadd.s32 $0xFFFFFFFF  }
0x23: {  	s27 =	simm.s32 $execute0_lowered;
	[smem:$0x3FD2] =	sst s26  }
0x24: {  	s5 =	sshll.u32 s27, $0x1;
	_ =	strace $0x80000049;
	[dreg:$0x1] =	wrdreg $0xFFFFFFFF  }
0x25: {  	s28 =	simm.s32 $_size_execute0_lowered;
	s3 =	sadd.s32 s3, s5;
	[dreg:$0x0] =	wrdreg $0x0  }
0x26: {  	s5 =	sshll.u32 s28, $0x1;
	[dreg:$0x2] =	wrdreg s3  }
0x27: {  	[dreg:$0x3] =	wrdreg s5  }
0x28: {  	[dreg:$0x4] =	wrdreg $0xC0  }
0x29: {  	_ =	task [dreg:s7], $0x5FFFF  }
0x2a: {  	[dreg:$0x1] =	wrdreg $0xFFFFFFFF  }
0x2b: {  	[dreg:$0x0] =	wrdreg $0x60  }
0x2c: {  	[dreg:$0x2] =	wrdreg s25  }
0x2d: {  	[dreg:$0x3] =	wrdreg s17  }
0x2e: {  	[dreg:$0x4] =	wrdreg $0x9  }
0x2f: {  	_ =	task.clear_ibuf [dreg:s7], $0x5FFFF;
	_ =	strace $0x90000049  }
0x30: {  	s29 =	simm.s32 $0x9;
	_ =	strace $0x8000004B  }
0x31: {  	_ =	swait.ge [sflag:s29], $0x1  }
0x32: {  	[sflag:s29] =	ssyncadd.s32 $0xFFFFFFFF  }
0x33: {  	_ =	strace $0x9000004B  }
0x34: {  	_ =	sfence  }
0x35: {  	s30 =	sld [smem:$0x0];
	_ =	sdelay $0x2  }
0x36: {  	s31 =	sshll.u32 s1, $0xD;
	s1 =	sshrl.u32 s1, $0x2  }
0x37: {  	s3 =	sand.u32 $0x4000, s31;
	s1 =	sadd.s32 s1, s30  }
0x38: {  	s0 =	sor.u32 s3, s0;
	s1 =	sshll.u32 s1, $0x11  }
0x39: {  	s0 =	sor.u32 s1, s0  }
0x3a: {  	s0 =	sadd.s32 $0x8F2B, s0  }
0x3b: {  	[sflag:s0] =	ssyncadd.remote.s32 $0x1  }
0x3c: {  	_ =	sfence.sel $0xFFFF  }
0x3d: {  	[dreg:$0x0] =	wrdreg $0xFFFFFFFF;
	(pc) =	sbr.abs _section_cstart, $3  }
0x3e: {  	[dreg:$0x1] =	wrdreg $0xFFFFFFFF  }
0x3f: {  	_ =	task.clear_ibuf [dreg:s7], $0x2FFFF;
	_ =	strace $0x9FFFFFFF  }
0x40: {  	(tm) =	ssettm $0x7FFFFFFF  }
0x41: {  	_ =	shalt  }
tec
execute0_lowered:
.L_overlay_start_1:
0x0: {  	(tag) =	ssettag $0x1  }
0x1: {  	s0 =	srdreg.scid  }
0x2: {  	s1 =	sshll.u32 s0, $0x4  }
0x3: {  	s0 =	stileid.u32;
	s1 =	sand.u32 $0x10, s1  }
0x4: {  	s1 =	sor.u32 s0, s1  }
0x5: {  	s6 =	rddreg [dreg:$0x0];
	s4 =	simm.s32 $0x1;
	s2 =	sshll.u32 s1, $0x7  }
0x6: {  	s7 =	simm.s32 $0x2;
	s12 =	simm.s32 $0x0;
	s1 =	ssub.s32 $0x4000, s2  }
0x7: {  	s8 =	simm.s32 $0x20000;
	s13 =	simm.s32 $0x0;
	s3 =	sand.u32 $0xF80, s1  }
0x8: {  	s9 =	simm.s32 $0x0;
	s5 =	sshrl.u32 s1, $0xC;
	p0 =	sne.s32 s3, $0x0  }
.Ltmp0:
0x9: {  	s1 =	rddreg [dreg:$0x2];
	s4 =	simm.s32 @!p0 $0x0;
	(pc) =	sbr.rel .LBB1_1-.Ltmp0, $4  }
0xa: {  	s11 =	simm.s32 $0x0;
	s3 =	rddreg [dreg:$0x1];
	s5 =	sadd.s32 s4, s5  }
0xb: {  	_ =	strace $0x8000004A;
	s4 =	simm.s32 $0x1;
	s5 =	smul.u32 $0x32, s5  }
0xc: {  	s6 =	sadd.s32 $0x1000, s6;
	s10 =	smov.u32 s2;
	[sflag:s4] =	ssyncpa.u1 $0x0  }
0xd: {  	p0 =	por $0x0, $0x0;
	[sflag:s7] =	ssyncpa.u1 $0x0;
	s7 =	sor.u32 $0x1, s5  }
.LBB1_4:
0xe: {  	s16 =	sshll.u32 s13, $0x3;
	s17 =	sand.u32 $0x78, s13  }
0xf: {  	s30 =	sand.u32 $0x1F800, s13;
	s12 =	sshll.u32 s12, $0x11;
	s16 =	sand.u32 $0x3C00, s16  }
0x10: {  	[tilespmem:s15+$0x810 ss:$0x81] =	vst.msk $0xffff, v2;
	s31 =	sand.u32 $0x7, s13;
	s16 =	sor.u32 s17, s16;
	s17 =	sadd.s32 s3, s30  }
0x11: {  	[tilespmem:s15+$0x1020 ss:$0x81] =	vst.msk $0xffff, v0;
	s13 =	sshll.u32 s31, $0x12;
	s12 =	sadd.s32 s12, s17;
	s16 =	sshrl.u32 s16, $0x3  }
0x12: {  	[tilespmem:s15+$0x0 ss:$0x81] =	vst.msk $0xffff, v1;
	s13 =	sor.u32 $0x400, s13;
	s12 =	sadd.s32 s16, s12  }
0x13: {  	[hbm4b:s12+s13] =	stream.strided.scatter [tilespmem:s14], [sflag:$0x2], $0x2000, s8, s13, $0x20;
	[tilespmem:$0x8080] =	vst v63  }
.LBB1_5:
0x14: {  	s14 =	sadd.s32 $0x1, s9  }
0x15: {  	s12 =	sadd.s32 $0x1000, s10;
	s16 =	smov.u32 s10;
	p2 =	sgt.s32 s14, $0x31  }
0x16: {  	s16 =	smov.u32 @p2 s12  }
0x17: {  	s14 =	simm.s32 @p2 $0x0;
	p2 =	sgt.s32 s16, $0x3FFF  }
0x18: {  	s16 =	smov.u32 @p2 s2;
	p2 =	sne.s32 s11, s7  }
.Ltmp1:
0x19: {  	p1 =	slt.u32 s11, $0x2;
	(pc) =	sbr.rel @!p2 .LBB1_6-.Ltmp1, $4  }
0x1a: {  	s15 =	simm.s32 @!p1 $0x2  }
0x1b: {  	s13 =	smov.u32 s10;
	p0 =	por !p0, !p0;
	_ =	swait.ge @!p1 [sflag:s15], $0x2000  }
0x1c: {  	s12 =	smov.u32 s9;
	[sflag:s15] =	ssyncset.done @!p1 $0x0;
	s9 =	smov.u32 s14  }
0x1d: {  	s11 =	sadd.s32 $0x1, s11;
	[sflag:s15] =	ssyncadd.s32 @!p1 $0xFFFFE000;
	s10 =	smov.u32 s16  }
.LBB1_1:
0x1e: {  	p1 =	sge.u32 s11, s5  }
0x1f: {  	s14 =	sand.u32 @!p1 $0x1FFFFFF, s9  }
0x20: {  	s15 =	smulhi.u32 @!p1 $0x4924925, s14;
	_ =	sdelay $0x1  }
0x21: {  	s15 =	smul.u32 @!p1 $0x38, s15  }
0x22: {  	s16 =	sxor.u32 @!p1 $0xFFFFFFFF, s11;
	s17 =	smul.u32 @!p1 $0x380, s10  }
0x23: {  	s31 =	sadd.s32 $0xFFFFFFFF, s11;
	s16 =	sshll.u32 @!p1 s16, $0xD;
	s14 =	ssub.s32 @!p1 s14, s15  }
0x24: {  	s15 =	sand.u32 @!p1 $0x2000, s16;
	s16 =	sadd.s32 @!p1 s6, s17;
	s14 =	sshll.u32 @!p1 s14, $0x4  }
0x25: {  	s17 =	simm.s32 @!p1 $0x1C00;
	s14 =	sadd.s32 @!p1 s14, s16;
	s16 =	simm.s32 @!p1 $0x40  }
0x26: {  	[tilespmem:s15], [sflag:$0x1] =	stream.strided.gather @!p1 [hbm4b:s14+s16], $0x2000, s17, s16, $0x38;
	[tilespmem:$0x8080] =	vst v63  }
0x27: {  	p1 =	sge.u32 s31, s5  }
.Ltmp2:
0x28: {  	_ = 	snop;
	(pc) =	sbr.rel @p1 .LBB1_5-.Ltmp2, $1  }
0x29: {  	_ =	sdelay $0x3  }
0x2a: {  	s14 =	simm.s32 $0x1  }
0x2b: {  	_ =	swait.ge [sflag:s4], $0x2000;
	s14 =	simm.s32 @!p0 $0x0  }
0x2c: {  	[sflag:s4] =	ssyncset.done $0x0;
	s15 =	sshll.u32 s14, $0xD  }
0x2d: {  	[sflag:s4] =	ssyncadd.s32 $0xFFFFE000;
	s18 =	sor.u32 $0x20, s15  }
0x2e: {  	s14 =	smul.u32 $0x8100, s14;
	v3 =	vld [tilespmem:s18+$0x10]  }
0x2f: {  	s30 =	sand.u32 $0x1, s11;
	v2 =	vld [tilespmem:s18+$0xFFFFFFF0]  }
0x30: {  	s15 =	smul.u32 $0x8100, s30;
	s14 =	sshrl.u32 s14, $0x2;
	v0 =	vld [tilespmem:s18+$0x0]  }
0x31: {  	v1 =	vld [tilespmem:s18+$0xFFFFFFE0];
	s16 =	sor.u32 $0x4000, s14  }
0x32: {  	s31 =	sshrl.u32 s15, $0x2;
	s15 =	sadd.s32 $0x0, s16  }
0x33: {  	s17 =	simm.s32 $0x4;
	s18 =	sadd.s32 $0x40, s18;
	s14 =	sor.u32 $0x4000, s31;
	[tilespmem:s15+$0x1830 ss:$0x81] =	vst.msk $0xffff, v3  }
.LBB1_3:
0x34: {  	v3 =	vld [tilespmem:s18+$0x10];
	p1 =	sne.s32 s17, $0x1FC;
	[tilespmem:s15+$0x810 ss:$0x81] =	vst.msk $0xffff, v2;
	s19 =	smov.u32 s17;
	s17 =	sadd.s32 $0x4, s17  }
.Ltmp3:
0x35: {  	v2 =	vld [tilespmem:s18+$0xFFFFFFF0];
	[tilespmem:s15+$0x1020 ss:$0x81] =	vst.msk $0xffff, v0;
	(pc) =	sbr.rel @p1 .LBB1_3-.Ltmp3, $4  }
0x36: {  	v0 =	vld [tilespmem:s18+$0x0];
	[tilespmem:s15+$0x0 ss:$0x81] =	vst.msk $0xffff, v1  }
0x37: {  	s15 =	sshra.s32 s19, $0x2;
	v1 =	vld [tilespmem:s18+$0xFFFFFFE0]  }
0x38: {  	s15 =	sadd.s32 s15, s16  }
0x39: {  	s18 =	sadd.s32 $0x40, s18;
	[tilespmem:s15+$0x1830 ss:$0x81] =	vst.msk $0xffff, v3  }
.Ltmp4:
0x3a: {  	_ = 	snop;
	(pc) =	sbr.rel .LBB1_4-.Ltmp4, $1  }
0x3b: {  	_ =	sdelay $0x3  }
.LBB1_6:
0x3c: {  	_ =	sfence.sel $0x180000  }
0x3d: {  	s2 =	simm.s32 $0x1;
	[bflag:$0x0] =	sbarrier.arrive $0xFFFF  }
0x3e: {  	s31 =	simm.s32 $0x2;
	[sflag:s2] =	ssyncpa.u1 $0x1  }
0x3f: {  	[sflag:s31] =	ssyncpa.u1 $0x1  }
0x40: {  	p0 =	sne.s32 s0, $0x0;
	_ =	strace $0x9000004A  }
0x41: {  	s0 =	sadd.s32 @!p0 $0x100000, s1;
	[bflag:$0x2] =	sbarrier.arrive $0xFFFF  }
0x42: {  	[sflag:s0] =	ssyncadd.tile.s32 @!p0 $0x1;
	_ =	shalt  }
.Lfunc_end1:
_tile_overlayer_lowered:
.L_overlay_start_2:
0x43: {  	(tag) =	ssettag $0x2  }
0x44: {  	s0 =	rddreg [dreg:$0x0];
	s2 =	stileid.u32  }
0x45: {  	s1 =	rddreg [dreg:$0x1];
	p0 =	sne.s32 s2, $0x0  }
0x46: {  	s3 =	rddreg [dreg:$0x2];
	[bflag:$0x3] =	sbarrier.arrive $0xFFFF;
	s2 =	simm.s32 @!p0 $0x1C01  }
0x47: {  	[timem:s3], [sflag:s2] =	dma.local @!p0 [hbm:s0], s1  }
0x48: {  	s0 =	simm.s32 @!p0 $0x1  }
0x49: {  	_ =	swait.ge @!p0 [sflag:s0], s1  }
0x4a: {  	s1 =	ssub.s32 @!p0 $0x0, s1;
	[sflag:s0] =	ssyncset.done @!p0 $0x0  }
0x4b: {  	[sflag:s0] =	ssyncadd.s32 @!p0 s1  }
0x4c: {  	[bflag:$0x3] =	sbarrier.arrive $0xFFFF  }
0x4d: {  	_ =	shalt  }

</sc_bundles>
